<compile_context>
chip_gen: v7x
topology: tpu7x:2x2x1
jax: 0.10.2.dev20260603
libtpu: 0.0.44.dev20260713+nightly
codegen_flags: <defaults>
</compile_context>

<pallas_src>
import functools

import jax
import jax.numpy as jnp
from jax import lax
from jax.experimental import pallas as pl
from jax.experimental.pallas import tpu as pltpu
from jax.experimental.pallas import tpu_sc as plsc

B = 16384
D = 32
EPS = 1e-5

NC = 2
NS = 16
NW = NC * NS
BPW = B // NW
WIN = 16
HALF = BPW // 2


def _sc_gather_body(ci_hbm, pi_hbm, emb_c_hbm, emb_p_hbm, ce_out, pe_out,
                    idx_c, idx_p, buf_c, buf_p, sem):
    wid = lax.axis_index("s") * NC + lax.axis_index("c")
    base = wid * BPW

    pltpu.sync_copy(ci_hbm.at[pl.ds(base, BPW)], idx_c)
    pltpu.sync_copy(pi_hbm.at[pl.ds(base, BPW)], idx_p)

    def wait_chunk():
        for _ in range(WIN):
            pltpu.make_async_copy(emb_c_hbm.at[0], buf_c.at[0], sem).wait()
            pltpu.make_async_copy(emb_p_hbm.at[0], buf_p.at[0], sem).wait()

    for half in range(2):
        def body(j, carry):
            cvec = idx_c[pl.ds(half * HALF + j * WIN, WIN)]
            pvec = idx_p[pl.ds(half * HALF + j * WIN, WIN)]
            for l in range(WIN):
                pltpu.async_copy(emb_c_hbm.at[cvec[l]], buf_c.at[j * WIN + l],
                                 sem)
                pltpu.async_copy(emb_p_hbm.at[pvec[l]], buf_p.at[j * WIN + l],
                                 sem)

            @pl.when(j >= 1)
            def _():
                wait_chunk()

            return carry

        lax.fori_loop(0, HALF // WIN, body, 0, unroll=False)
        wait_chunk()
        dst = pl.ds(base + half * HALF, HALF)
        pltpu.sync_copy(buf_c, ce_out.at[dst])
        pltpu.sync_copy(buf_p, pe_out.at[dst])


@functools.cache
def _sc_gather():
    mesh = plsc.VectorSubcoreMesh(
        core_axis_name="c", subcore_axis_name="s", num_cores=NC, num_subcores=NS
    )
    return pl.kernel(
        _sc_gather_body,
        out_type=(
            jax.ShapeDtypeStruct((B, D), jnp.float32),
            jax.ShapeDtypeStruct((B, D), jnp.float32),
        ),
        mesh=mesh,
        scratch_types=[
            pltpu.VMEM((BPW,), jnp.int32),
            pltpu.VMEM((BPW,), jnp.int32),
            pltpu.VMEM((HALF, D), jnp.float32),
            pltpu.VMEM((HALF, D), jnp.float32),
            pltpu.SemaphoreType.DMA,
        ],
    )


MLP_BLK = 2048


def _mlp_body(ce_ref, pe_ref, a1c_ref, a1p_ref, c1_ref, a2_ref, c2_ref,
              w3_ref, b3_ref, out_ref):
    ce = ce_ref[...]
    pe = pe_ref[...]
    h1 = jnp.dot(ce, a1c_ref[...], preferred_element_type=jnp.float32)
    h1 = h1 + jnp.dot(pe, a1p_ref[...], preferred_element_type=jnp.float32)
    h1 = jnp.maximum(h1 + c1_ref[...], 0.0)
    h2 = jnp.dot(h1, a2_ref[...], preferred_element_type=jnp.float32)
    h2 = jnp.maximum(h2 + c2_ref[...], 0.0)
    o = jnp.sum(h2 * w3_ref[...], axis=1) + b3_ref[0, 0]
    out_ref[...] = 1.0 / (1.0 + jnp.exp(-o))


def _mlp(ce, pe, a1c_t, a1p_t, c1, a2_t, c2, w3, b3):
    grid = (B // MLP_BLK,)
    full = lambda shape: pl.BlockSpec(shape, lambda i: (0, 0))
    return pl.pallas_call(
        _mlp_body,
        grid=grid,
        in_specs=[
            pl.BlockSpec((MLP_BLK, D), lambda i: (i, 0)),
            pl.BlockSpec((MLP_BLK, D), lambda i: (i, 0)),
            full((D, 128)),
            full((D, 128)),
            full((1, 128)),
            full((128, 64)),
            full((1, 64)),
            full((1, 64)),
            full((1, 1)),
        ],
        out_specs=pl.BlockSpec((MLP_BLK,), lambda i: (i,)),
        out_shape=jax.ShapeDtypeStruct((B,), jnp.float32),
    )(ce, pe, a1c_t, a1p_t, c1, a2_t, c2, w3, b3)


def kernel(cliente, producto, emb_c, emb_p, W1, b1, g1, be1, W2, b2, g2, be2,
           W3, b3):
    s1 = g1 * (1.0 / jnp.sqrt(1.0 + EPS))
    a1 = W1 * s1[:, None]
    a1c_t = a1[:, :D].T
    a1p_t = a1[:, D:].T
    c1 = (b1 * s1 + be1).reshape(1, 128)
    s2 = g2 * (1.0 / jnp.sqrt(1.0 + EPS))
    a2_t = (W2 * s2[:, None]).T
    c2 = (b2 * s2 + be2).reshape(1, 64)
    w3 = W3.reshape(1, 64)
    b3v = b3.reshape(1, 1)

    ci = cliente.astype(jnp.int32)
    pi = producto.astype(jnp.int32)
    ect = jax.lax.optimization_barrier(emb_c.T)
    ept = jax.lax.optimization_barrier(emb_p.T)
    ce, pe = _sc_gather()(ci, pi, ect.T, ept.T)
    return _mlp(ce, pe, a1c_t, a1p_t, c1, a2_t, c2, w3, b3v)

# --- scband reference (transcript-rebuilt; emitter-appended) ---
"""Pipeline reference for scband-recomendacion-model-18554258719067 (READ-ONLY COPY).

The authoritative reference and input builder live on the scoring server;
editing this copy changes nothing except your own understanding.
"""

import jax, jax.numpy as jnp
import numpy as np

B = 16384
VC = 1000000
VP = 100000
D = 32
EPS = 1e-5


def setup_inputs(seed: int = 0) -> dict:
    key = jax.random.key(seed)
    ks = jax.random.split(key, 12)
    cliente = jax.random.randint(ks[0], (B,), 0, VC)
    producto = jax.random.randint(ks[1], (B,), 0, VP)
    emb_c = jax.random.normal(ks[2], (VC, D), dtype=jnp.float32) * 0.05
    emb_p = jax.random.normal(ks[3], (VP, D), dtype=jnp.float32) * 0.05
    W1 = jax.random.normal(ks[4], (128, 2 * D), dtype=jnp.float32) * (1.0 / np.sqrt(2 * D))
    b1 = jnp.zeros((128,), dtype=jnp.float32)
    g1 = jnp.ones((128,), dtype=jnp.float32)
    be1 = jnp.zeros((128,), dtype=jnp.float32)
    W2 = jax.random.normal(ks[5], (64, 128), dtype=jnp.float32) * (1.0 / np.sqrt(128))
    b2 = jnp.zeros((64,), dtype=jnp.float32)
    g2 = jnp.ones((64,), dtype=jnp.float32)
    be2 = jnp.zeros((64,), dtype=jnp.float32)
    W3 = jax.random.normal(ks[6], (1, 64), dtype=jnp.float32) * (1.0 / np.sqrt(64))
    b3 = jnp.zeros((1,), dtype=jnp.float32)
    return {"cliente": cliente, "producto": producto, "emb_c": emb_c, "emb_p": emb_p,
            "W1": W1, "b1": b1, "g1": g1, "be1": be1,
            "W2": W2, "b2": b2, "g2": g2, "be2": be2,
            "W3": W3, "b3": b3}


def _bn_eval(x, gamma, beta):
    # BatchNorm1d in eval mode with running_mean=0, running_var=1
    return x / jnp.sqrt(1.0 + EPS) * gamma + beta


def reference(cliente, producto, emb_c, emb_p, W1, b1, g1, be1, W2, b2, g2, be2, W3, b3):
    ce = jnp.take(emb_c, cliente, axis=0)
    pe = jnp.take(emb_p, producto, axis=0)
    x = jnp.concatenate([ce, pe], axis=1)
    x = x @ W1.T + b1
    x = _bn_eval(x, g1, be1)
    x = jax.nn.relu(x)
    # dropout is identity in eval mode
    x = x @ W2.T + b2
    x = _bn_eval(x, g2, be2)
    x = jax.nn.relu(x)
    x = x @ W3.T + b3
    x = jax.nn.sigmoid(x)
    return jnp.squeeze(x, axis=-1)

if __name__ == "__main__":
    import jax
    _d = setup_inputs()
    print(jax.jit(kernel)(*tuple(_d.values())))

</pallas_src>

<mosaic_0001>
#map = affine_map<(d0, d1) -> (0)>
#map1 = affine_map<(d0, d1) -> (0, 0)>
module attributes {stable_mosaic.version = 14 : i64} {
  func.func @_sc_gather_body(%arg0: i32, %arg1: i32, %arg2: memref<16384xi32, #tpu.memory_space<hbm>>, %arg3: memref<16384xi32, #tpu.memory_space<hbm>>, %arg4: memref<1000000x32xf32, #tpu.memory_space<hbm>>, %arg5: memref<100000x32xf32, #tpu.memory_space<hbm>>, %arg6: memref<16384x32xf32, #tpu.memory_space<hbm>>, %arg7: memref<16384x32xf32, #tpu.memory_space<hbm>>, %arg8: memref<512xi32, #tpu.memory_space<vmem>>, %arg9: memref<512xi32, #tpu.memory_space<vmem>>, %arg10: memref<256x32xf32, #tpu.memory_space<vmem>>, %arg11: memref<256x32xf32, #tpu.memory_space<vmem>>, %arg12: memref<!tpu.dma_semaphore, #tpu.memory_space<semaphore_mem>>) attributes {dimension_semantics = [#tpu.dimension_semantics<core_parallel>, #tpu.dimension_semantics<subcore_parallel>], iteration_bounds = array<i64: 2, 16>, scalar_prefetch = 0 : i64, scratch_operands = 5 : i64, tpu.core_type = #tpu.core_type<sc_vector_subcore>, window_params = [{transform_indices = #map}, {transform_indices = #map}, {transform_indices = #map1}, {transform_indices = #map1}, {transform_indices = #map1}, {transform_indices = #map1}]} {
    %mul3A = arith.constant 2 : i32
    %mul3A_0 = arith.muli %arg1, %mul3A : i32
    %add3A = arith.addi %mul3A_0, %arg0 : i32
    %mul3A_1 = arith.constant 512 : i32
    %mul3A_2 = arith.muli %add3A, %mul3A_1 : i32
    "tpu.region"() ({
      %run_scoped3A = tpu.sem_alloc : memref<!tpu.dma_semaphore, #tpu.memory_space<semaphore_mem>>
      %dma_start3A = tpu.memref_slice %arg2[%mul3A_2] : memref<16384xi32, #tpu.memory_space<hbm>> -> memref<512xi32, #tpu.memory_space<hbm>>
      %dma_start3A_913 = tpu.memref_slice %arg2[%mul3A_2] : memref<16384xi32, #tpu.memory_space<hbm>> -> memref<512xi32, #tpu.memory_space<hbm>>
      tpu.enqueue_dma source(%dma_start3A_913 : memref<512xi32, #tpu.memory_space<hbm>>) target(%arg8 : memref<512xi32, #tpu.memory_space<vmem>>) target_semaphore(%run_scoped3A : memref<!tpu.dma_semaphore, #tpu.memory_space<semaphore_mem>>)
      %dma_wait3A_914 = tpu.memref_slice %arg2[%mul3A_2] : memref<16384xi32, #tpu.memory_space<hbm>> -> memref<512xi32, #tpu.memory_space<hbm>>
      %dma_wait3A_915 = tpu.memref_slice %arg2[%mul3A_2] : memref<16384xi32, #tpu.memory_space<hbm>> -> memref<512xi32, #tpu.memory_space<hbm>>
      tpu.wait_dma2 semaphore(%run_scoped3A : memref<!tpu.dma_semaphore, #tpu.memory_space<semaphore_mem>>) src(%dma_wait3A_915 : memref<512xi32, #tpu.memory_space<hbm>>) dst(%arg8 : memref<512xi32, #tpu.memory_space<vmem>>)
      tpu.yield
    }) : () -> ()
    "tpu.region"() ({
      %run_scoped3A = tpu.sem_alloc : memref<!tpu.dma_semaphore, #tpu.memory_space<semaphore_mem>>
      %dma_start3A = tpu.memref_slice %arg3[%mul3A_2] : memref<16384xi32, #tpu.memory_space<hbm>> -> memref<512xi32, #tpu.memory_space<hbm>>
      %dma_start3A_913 = tpu.memref_slice %arg3[%mul3A_2] : memref<16384xi32, #tpu.memory_space<hbm>> -> memref<512xi32, #tpu.memory_space<hbm>>
      tpu.enqueue_dma source(%dma_start3A_913 : memref<512xi32, #tpu.memory_space<hbm>>) target(%arg9 : memref<512xi32, #tpu.memory_space<vmem>>) target_semaphore(%run_scoped3A : memref<!tpu.dma_semaphore, #tpu.memory_space<semaphore_mem>>)
      %dma_wait3A_914 = tpu.memref_slice %arg3[%mul3A_2] : memref<16384xi32, #tpu.memory_space<hbm>> -> memref<512xi32, #tpu.memory_space<hbm>>
      %dma_wait3A_915 = tpu.memref_slice %arg3[%mul3A_2] : memref<16384xi32, #tpu.memory_space<hbm>> -> memref<512xi32, #tpu.memory_space<hbm>>
      tpu.wait_dma2 semaphore(%run_scoped3A : memref<!tpu.dma_semaphore, #tpu.memory_space<semaphore_mem>>) src(%dma_wait3A_915 : memref<512xi32, #tpu.memory_space<hbm>>) dst(%arg9 : memref<512xi32, #tpu.memory_space<vmem>>)
      tpu.yield
    }) : () -> ()
    %scan3A = arith.constant 0 : i32
    %scan3A_3 = arith.constant 0 : i32
    %scan3A_4 = arith.constant 16 : i32
    %scan3A_5 = arith.addi %scan3A_3, %scan3A_4 : i32
    %scan3A_6 = arith.constant 1 : i32
    scf.for %scan3A_913 = %scan3A_3 to %scan3A_5 step %scan3A_6  : i32 {
      %mul3A_914 = arith.constant 16 : i32
      %mul3A_915 = arith.muli %scan3A_913, %mul3A_914 : i32
      %add3A_916 = arith.constant 0 : i32
      %add3A_917 = arith.addi %add3A_916, %mul3A_915 : i32
      %get3A = arith.index_cast %add3A_917 : i32 to index
      %get3A_918 = tpu.vector_load %arg8[%get3A] {strides = array<i32>} : memref<512xi32, #tpu.memory_space<vmem>>, vector<16xi32>,
      %get3A_919 = vector.shape_cast %get3A_918 : vector<16xi32> to vector<16xi32>
      %mul3A_920 = arith.constant 16 : i32
      %mul3A_921 = arith.muli %scan3A_913, %mul3A_920 : i32
      %add3A_922 = arith.constant 0 : i32
      %add3A_923 = arith.addi %add3A_922, %mul3A_921 : i32
      %get3A_924 = arith.index_cast %add3A_923 : i32 to index
      %get3A_925 = tpu.vector_load %arg9[%get3A_924] {strides = array<i32>} : memref<512xi32, #tpu.memory_space<vmem>>, vector<16xi32>,
      %get3A_926 = vector.shape_cast %get3A_925 : vector<16xi32> to vector<16xi32>
      %slice3A = vector.extract_strided_slice %get3A_919 {offsets = [0], sizes = [1], strides = [1]} : vector<16xi32> to vector<1xi32>
      %squeeze3A = vector.extract %slice3A[0] : i32 from vector<1xi32>
      %mul3A_927 = arith.constant 16 : i32
      %mul3A_928 = arith.muli %scan3A_913, %mul3A_927 : i32
      %add3A_929 = arith.constant 0 : i32
      %add3A_930 = arith.addi %mul3A_928, %add3A_929 : i32
      %dma_start3A = arith.constant 0 : i32
      %dma_start3A_931 = tpu.memref_slice %arg10[%add3A_930, %dma_start3A] : memref<256x32xf32, #tpu.memory_space<vmem>> -> memref<1x32xf32, #tpu.memory_space<vmem>>
      %dma_start3A_932 = tpu.memref_squeeze %dma_start3A_931 : memref<1x32xf32, #tpu.memory_space<vmem>> -> memref<32xf32, #tpu.memory_space<vmem>>
      %dma_start3A_933 = arith.constant 0 : i32
      %dma_start3A_934 = tpu.memref_slice %arg4[%squeeze3A, %dma_start3A_933] : memref<1000000x32xf32, #tpu.memory_space<hbm>> -> memref<1x32xf32, #tpu.memory_space<hbm>>
      %dma_start3A_935 = tpu.memref_squeeze %dma_start3A_934 : memref<1x32xf32, #tpu.memory_space<hbm>> -> memref<32xf32, #tpu.memory_space<hbm>>
      %dma_start3A_936 = arith.constant 0 : i32
      %dma_start3A_937 = tpu.memref_slice %arg10[%add3A_930, %dma_start3A_936] : memref<256x32xf32, #tpu.memory_space<vmem>> -> memref<1x32xf32, #tpu.memory_space<vmem>>
      %dma_start3A_938 = tpu.memref_squeeze %dma_start3A_937 : memref<1x32xf32, #tpu.memory_space<vmem>> -> memref<32xf32, #tpu.memory_space<vmem>>
      %dma_start3A_939 = arith.constant 0 : i32
      %dma_start3A_940 = tpu.memref_slice %arg4[%squeeze3A, %dma_start3A_939] : memref<1000000x32xf32, #tpu.memory_space<hbm>> -> memref<1x32xf32, #tpu.memory_space<hbm>>
      %dma_start3A_941 = tpu.memref_squeeze %dma_start3A_940 : memref<1x32xf32, #tpu.memory_space<hbm>> -> memref<32xf32, #tpu.memory_space<hbm>>
      tpu.enqueue_dma source(%dma_start3A_941 : memref<32xf32, #tpu.memory_space<hbm>>) target(%dma_start3A_938 : memref<32xf32, #tpu.memory_space<vmem>>) target_semaphore(%arg12 : memref<!tpu.dma_semaphore, #tpu.memory_space<semaphore_mem>>)
      %slice3A_942 = vector.extract_strided_slice %get3A_926 {offsets = [0], sizes = [1], strides = [1]} : vector<16xi32> to vector<1xi32>
      %squeeze3A_943 = vector.extract %slice3A_942[0] : i32 from vector<1xi32>
      %mul3A_944 = arith.constant 16 : i32
      %mul3A_945 = arith.muli %scan3A_913, %mul3A_944 : i32
      %add3A_946 = arith.constant 0 : i32
      %add3A_947 = arith.addi %mul3A_945, %add3A_946 : i32
      %dma_start3A_948 = arith.constant 0 : i32
      %dma_start3A_949 = tpu.memref_slice %arg11[%add3A_947, %dma_start3A_948] : memref<256x32xf32, #tpu.memory_space<vmem>> -> memref<1x32xf32, #tpu.memory_space<vmem>>
      %dma_start3A_950 = tpu.memref_squeeze %dma_start3A_949 : memref<1x32xf32, #tpu.memory_space<vmem>> -> memref<32xf32, #tpu.memory_space<vmem>>
      %dma_start3A_951 = arith.constant 0 : i32
      %dma_start3A_952 = tpu.memref_slice %arg5[%squeeze3A_943, %dma_start3A_951] : memref<100000x32xf32, #tpu.memory_space<hbm>> -> memref<1x32xf32, #tpu.memory_space<hbm>>
      %dma_start3A_953 = tpu.memref_squeeze %dma_start3A_952 : memref<1x32xf32, #tpu.memory_space<hbm>> -> memref<32xf32, #tpu.memory_space<hbm>>
      %dma_start3A_954 = arith.constant 0 : i32
      %dma_start3A_955 = tpu.memref_slice %arg11[%add3A_947, %dma_start3A_954] : memref<256x32xf32, #tpu.memory_space<vmem>> -> memref<1x32xf32, #tpu.memory_space<vmem>>
      %dma_start3A_956 = tpu.memref_squeeze %dma_start3A_955 : memref<1x32xf32, #tpu.memory_space<vmem>> -> memref<32xf32, #tpu.memory_space<vmem>>
      %dma_start3A_957 = arith.constant 0 : i32
      %dma_start3A_958 = tpu.memref_slice %arg5[%squeeze3A_943, %dma_start3A_957] : memref<100000x32xf32, #tpu.memory_space<hbm>> -> memref<1x32xf32, #tpu.memory_space<hbm>>
      %dma_start3A_959 = tpu.memref_squeeze %dma_start3A_958 : memref<1x32xf32, #tpu.memory_space<hbm>> -> memref<32xf32, #tpu.memory_space<hbm>>
      tpu.enqueue_dma source(%dma_start3A_959 : memref<32xf32, #tpu.memory_space<hbm>>) target(%dma_start3A_956 : memref<32xf32, #tpu.memory_space<vmem>>) target_semaphore(%arg12 : memref<!tpu.dma_semaphore, #tpu.memory_space<semaphore_mem>>)
      %slice3A_960 = vector.extract_strided_slice %get3A_919 {offsets = [1], sizes = [1], strides = [1]} : vector<16xi32> to vector<1xi32>
      %squeeze3A_961 = vector.extract %slice3A_960[0] : i32 from vector<1xi32>
      %mul3A_962 = arith.constant 16 : i32
      %mul3A_963 = arith.muli %scan3A_913, %mul3A_962 : i32
      %add3A_964 = arith.constant 1 : i32
      %add3A_965 = arith.addi %mul3A_963, %add3A_964 : i32
      %dma_start3A_966 = arith.constant 0 : i32
      %dma_start3A_967 = tpu.memref_slice %arg10[%add3A_965, %dma_start3A_966] : memref<256x32xf32, #tpu.memory_space<vmem>> -> memref<1x32xf32, #tpu.memory_space<vmem>>
      %dma_start3A_968 = tpu.memref_squeeze %dma_start3A_967 : memref<1x32xf32, #tpu.memory_space<vmem>> -> memref<32xf32, #tpu.memory_space<vmem>>
      %dma_start3A_969 = arith.constant 0 : i32
      %dma_start3A_970 = tpu.memref_slice %arg4[%squeeze3A_961, %dma_start3A_969] : memref<1000000x32xf32, #tpu.memory_space<hbm>> -> memref<1x32xf32, #tpu.memory_space<hbm>>
      %dma_start3A_971 = tpu.memref_squeeze %dma_start3A_970 : memref<1x32xf32, #tpu.memory_space<hbm>> -> memref<32xf32, #tpu.memory_space<hbm>>
      %dma_start3A_972 = arith.constant 0 : i32
      %dma_start3A_973 = tpu.memref_slice %arg10[%add3A_965, %dma_start3A_972] : memref<256x32xf32, #tpu.memory_space<vmem>> -> memref<1x32xf32, #tpu.memory_space<vmem>>
      %dma_start3A_974 = tpu.memref_squeeze %dma_start3A_973 : memref<1x32xf32, #tpu.memory_space<vmem>> -> memref<32xf32, #tpu.memory_space<vmem>>
      %dma_start3A_975 = arith.constant 0 : i32
      %dma_start3A_976 = tpu.memref_slice %arg4[%squeeze3A_961, %dma_start3A_975] : memref<1000000x32xf32, #tpu.memory_space<hbm>> -> memref<1x32xf32, #tpu.memory_space<hbm>>
      %dma_start3A_977 = tpu.memref_squeeze %dma_start3A_976 : memref<1x32xf32, #tpu.memory_space<hbm>> -> memref<32xf32, #tpu.memory_space<hbm>>
      tpu.enqueue_dma source(%dma_start3A_977 : memref<32xf32, #tpu.memory_space<hbm>>) target(%dma_start3A_974 : memref<32xf32, #tpu.memory_space<vmem>>) target_semaphore(%arg12 : memref<!tpu.dma_semaphore, #tpu.memory_space<semaphore_mem>>)
      %slice3A_978 = vector.extract_strided_slice %get3A_926 {offsets = [1], sizes = [1], strides = [1]} : vector<16xi32> to vector<1xi32>
      %squeeze3A_979 = vector.extract %slice3A_978[0] : i32 from vector<1xi32>
      %mul3A_980 = arith.constant 16 : i32
      %mul3A_981 = arith.muli %scan3A_913, %mul3A_980 : i32
      %add3A_982 = arith.constant 1 : i32
      %add3A_983 = arith.addi %mul3A_981, %add3A_982 : i32
      %dma_start3A_984 = arith.constant 0 : i32
      %dma_start3A_985 = tpu.memref_slice %arg11[%add3A_983, %dma_start3A_984] : memref<256x32xf32, #tpu.memory_space<vmem>> -> memref<1x32xf32, #tpu.memory_space<vmem>>
      %dma_start3A_986 = tpu.memref_squeeze %dma_start3A_985 : memref<1x32xf32, #tpu.memory_space<vmem>> -> memref<32xf32, #tpu.memory_space<vmem>>
      %dma_start3A_987 = arith.constant 0 : i32
      %dma_start3A_988 = tpu.memref_slice %arg5[%squeeze3A_979, %dma_start3A_987] : memref<100000x32xf32, #tpu.memory_space<hbm>> -> memref<1x32xf32, #tpu.memory_space<hbm>>
      %dma_start3A_989 = tpu.memref_squeeze %dma_start3A_988 : memref<1x32xf32, #tpu.memory_space<hbm>> -> memref<32xf32, #tpu.memory_space<hbm>>
      %dma_start3A_990 = arith.constant 0 : i32
      %dma_start3A_991 = tpu.memref_slice %arg11[%add3A_983, %dma_start3A_990] : memref<256x32xf32, #tpu.memory_space<vmem>> -> memref<1x32xf32, #tpu.memory_space<vmem>>
      %dma_start3A_992 = tpu.memref_squeeze %dma_start3A_991 : memref<1x32xf32, #tpu.memory_space<vmem>> -> memref<32xf32, #tpu.memory_space<vmem>>
      %dma_start3A_993 = arith.constant 0 : i32
      %dma_start3A_994 = tpu.memref_slice %arg5[%squeeze3A_979, %dma_start3A_993] : memref<100000x32xf32, #tpu.memory_space<hbm>> -> memref<1x32xf32, #tpu.memory_space<hbm>>
      %dma_start3A_995 = tpu.memref_squeeze %dma_start3A_994 : memref<1x32xf32, #tpu.memory_space<hbm>> -> memref<32xf32, #tpu.memory_space<hbm>>
      tpu.enqueue_dma source(%dma_start3A_995 : memref<32xf32, #tpu.memory_space<hbm>>) target(%dma_start3A_992 : memref<32xf32, #tpu.memory_space<vmem>>) target_semaphore(%arg12 : memref<!tpu.dma_semaphore, #tpu.memory_space<semaphore_mem>>)
      %slice3A_996 = vector.extract_strided_slice %get3A_919 {offsets = [2], sizes = [1], strides = [1]} : vector<16xi32> to vector<1xi32>
      %squeeze3A_997 = vector.extract %slice3A_996[0] : i32 from vector<1xi32>
      %mul3A_998 = arith.constant 16 : i32
      %mul3A_999 = arith.muli %scan3A_913, %mul3A_998 : i32
      %add3A_1000 = arith.constant 2 : i32
      %add3A_1001 = arith.addi %mul3A_999, %add3A_1000 : i32
      %dma_start3A_1002 = arith.constant 0 : i32
      %dma_start3A_1003 = tpu.memref_slice %arg10[%add3A_1001, %dma_start3A_1002] : memref<256x32xf32, #tpu.memory_space<vmem>> -> memref<1x32xf32, #tpu.memory_space<vmem>>
      %dma_start3A_1004 = tpu.memref_squeeze %dma_start3A_1003 : memref<1x32xf32, #tpu.memory_space<vmem>> -> memref<32xf32, #tpu.memory_space<vmem>>
      %dma_start3A_1005 = arith.constant 0 : i32
      %dma_start3A_1006 = tpu.memref_slice %arg4[%squeeze3A_997, %dma_start3A_1005] : memref<1000000x32xf32, #tpu.memory_space<hbm>> -> memref<1x32xf32, #tpu.memory_space<hbm>>
      %dma_start3A_1007 = tpu.memref_squeeze %dma_start3A_1006 : memref<1x32xf32, #tpu.memory_space<hbm>> -> memref<32xf32, #tpu.memory_space<hbm>>
      %dma_start3A_1008 = arith.constant 0 : i32
      %dma_start3A_1009 = tpu.memref_slice %arg10[%add3A_1001, %dma_start3A_1008] : memref<256x32xf32, #tpu.memory_space<vmem>> -> memref<1x32xf32, #tpu.memory_space<vmem>>
      %dma_start3A_1010 = tpu.memref_squeeze %dma_start3A_1009 : memref<1x32xf32, #tpu.memory_space<vmem>> -> memref<32xf32, #tpu.memory_space<vmem>>
      %dma_start3A_1011 = arith.constant 0 : i32
      %dma_start3A_1012 = tpu.memref_slice %arg4[%squeeze3A_997, %dma_start3A_1011] : memref<1000000x32xf32, #tpu.memory_space<hbm>> -> memref<1x32xf32, #tpu.memory_space<hbm>>
      %dma_start3A_1013 = tpu.memref_squeeze %dma_start3A_1012 : memref<1x32xf32, #tpu.memory_space<hbm>> -> memref<32xf32, #tpu.memory_space<hbm>>
      tpu.enqueue_dma source(%dma_start3A_1013 : memref<32xf32, #tpu.memory_space<hbm>>) target(%dma_start3A_1010 : memref<32xf32, #tpu.memory_space<vmem>>) target_semaphore(%arg12 : memref<!tpu.dma_semaphore, #tpu.memory_space<semaphore_mem>>)
      %slice3A_1014 = vector.extract_strided_slice %get3A_926 {offsets = [2], sizes = [1], strides = [1]} : vector<16xi32> to vector<1xi32>
      %squeeze3A_1015 = vector.extract %slice3A_1014[0] : i32 from vector<1xi32>
      %mul3A_1016 = arith.constant 16 : i32
      %mul3A_1017 = arith.muli %scan3A_913, %mul3A_1016 : i32
      %add3A_1018 = arith.constant 2 : i32
      %add3A_1019 = arith.addi %mul3A_1017, %add3A_1018 : i32
      %dma_start3A_1020 = arith.constant 0 : i32
      %dma_start3A_1021 = tpu.memref_slice %arg11[%add3A_1019, %dma_start3A_1020] : memref<256x32xf32, #tpu.memory_space<vmem>> -> memref<1x32xf32, #tpu.memory_space<vmem>>
      %dma_start3A_1022 = tpu.memref_squeeze %dma_start3A_1021 : memref<1x32xf32, #tpu.memory_space<vmem>> -> memref<32xf32, #tpu.memory_space<vmem>>
      %dma_start3A_1023 = arith.constant 0 : i32
      %dma_start3A_1024 = tpu.memref_slice %arg5[%squeeze3A_1015, %dma_start3A_1023] : memref<100000x32xf32, #tpu.memory_space<hbm>> -> memref<1x32xf32, #tpu.memory_space<hbm>>
      %dma_start3A_1025 = tpu.memref_squeeze %dma_start3A_1024 : memref<1x32xf32, #tpu.memory_space<hbm>> -> memref<32xf32, #tpu.memory_space<hbm>>
      %dma_start3A_1026 = arith.constant 0 : i32
      %dma_start3A_1027 = tpu.memref_slice %arg11[%add3A_1019, %dma_start3A_1026] : memref<256x32xf32, #tpu.memory_space<vmem>> -> memref<1x32xf32, #tpu.memory_space<vmem>>
      %dma_start3A_1028 = tpu.memref_squeeze %dma_start3A_1027 : memref<1x32xf32, #tpu.memory_space<vmem>> -> memref<32xf32, #tpu.memory_space<vmem>>
      %dma_start3A_1029 = arith.constant 0 : i32
      %dma_start3A_1030 = tpu.memref_slice %arg5[%squeeze3A_1015, %dma_start3A_1029] : memref<100000x32xf32, #tpu.memory_space<hbm>> -> memref<1x32xf32, #tpu.memory_space<hbm>>
      %dma_start3A_1031 = tpu.memref_squeeze %dma_start3A_1030 : memref<1x32xf32, #tpu.memory_space<hbm>> -> memref<32xf32, #tpu.memory_space<hbm>>
      tpu.enqueue_dma source(%dma_start3A_1031 : memref<32xf32, #tpu.memory_space<hbm>>) target(%dma_start3A_1028 : memref<32xf32, #tpu.memory_space<vmem>>) target_semaphore(%arg12 : memref<!tpu.dma_semaphore, #tpu.memory_space<semaphore_mem>>)
      %slice3A_1032 = vector.extract_strided_slice %get3A_919 {offsets = [3], sizes = [1], strides = [1]} : vector<16xi32> to vector<1xi32>
      %squeeze3A_1033 = vector.extract %slice3A_1032[0] : i32 from vector<1xi32>
      %mul3A_1034 = arith.constant 16 : i32
      %mul3A_1035 = arith.muli %scan3A_913, %mul3A_1034 : i32
      %add3A_1036 = arith.constant 3 : i32
      %add3A_1037 = arith.addi %mul3A_1035, %add3A_1036 : i32
      %dma_start3A_1038 = arith.constant 0 : i32
      %dma_start3A_1039 = tpu.memref_slice %arg10[%add3A_1037, %dma_start3A_1038] : memref<256x32xf32, #tpu.memory_space<vmem>> -> memref<1x32xf32, #tpu.memory_space<vmem>>
      %dma_start3A_1040 = tpu.memref_squeeze %dma_start3A_1039 : memref<1x32xf32, #tpu.memory_space<vmem>> -> memref<32xf32, #tpu.memory_space<vmem>>
      %dma_start3A_1041 = arith.constant 0 : i32
      %dma_start3A_1042 = tpu.memref_slice %arg4[%squeeze3A_1033, %dma_start3A_1041] : memref<1000000x32xf32, #tpu.memory_space<hbm>> -> memref<1x32xf32, #tpu.memory_space<hbm>>
      %dma_start3A_1043 = tpu.memref_squeeze %dma_start3A_1042 : memref<1x32xf32, #tpu.memory_space<hbm>> -> memref<32xf32, #tpu.memory_space<hbm>>
      %dma_start3A_1044 = arith.constant 0 : i32
      %dma_start3A_1045 = tpu.memref_slice %arg10[%add3A_1037, %dma_start3A_1044] : memref<256x32xf32, #tpu.memory_space<vmem>> -> memref<1x32xf32, #tpu.memory_space<vmem>>
      %dma_start3A_1046 = tpu.memref_squeeze %dma_start3A_1045 : memref<1x32xf32, #tpu.memory_space<vmem>> -> memref<32xf32, #tpu.memory_space<vmem>>
      %dma_start3A_1047 = arith.constant 0 : i32
      %dma_start3A_1048 = tpu.memref_slice %arg4[%squeeze3A_1033, %dma_start3A_1047] : memref<1000000x32xf32, #tpu.memory_space<hbm>> -> memref<1x32xf32, #tpu.memory_space<hbm>>
      %dma_start3A_1049 = tpu.memref_squeeze %dma_start3A_1048 : memref<1x32xf32, #tpu.memory_space<hbm>> -> memref<32xf32, #tpu.memory_space<hbm>>
      tpu.enqueue_dma source(%dma_start3A_1049 : memref<32xf32, #tpu.memory_space<hbm>>) target(%dma_start3A_1046 : memref<32xf32, #tpu.memory_space<vmem>>) target_semaphore(%arg12 : memref<!tpu.dma_semaphore, #tpu.memory_space<semaphore_mem>>)
      %slice3A_1050 = vector.extract_strided_slice %get3A_926 {offsets = [3], sizes = [1], strides = [1]} : vector<16xi32> to vector<1xi32>
      %squeeze3A_1051 = vector.extract %slice3A_1050[0] : i32 from vector<1xi32>
      %mul3A_1052 = arith.constant 16 : i32
      %mul3A_1053 = arith.muli %scan3A_913, %mul3A_1052 : i32
      %add3A_1054 = arith.constant 3 : i32
      %add3A_1055 = arith.addi %mul3A_1053, %add3A_1054 : i32
      %dma_start3A_1056 = arith.constant 0 : i32
      %dma_start3A_1057 = tpu.memref_slice %arg11[%add3A_1055, %dma_start3A_1056] : memref<256x32xf32, #tpu.memory_space<vmem>> -> memref<1x32xf32, #tpu.memory_space<vmem>>
      %dma_start3A_1058 = tpu.memref_squeeze %dma_start3A_1057 : memref<1x32xf32, #tpu.memory_space<vmem>> -> memref<32xf32, #tpu.memory_space<vmem>>
      %dma_start3A_1059 = arith.constant 0 : i32
      %dma_start3A_1060 = tpu.memref_slice %arg5[%squeeze3A_1051, %dma_start3A_1059] : memref<100000x32xf32, #tpu.memory_space<hbm>> -> memref<1x32xf32, #tpu.memory_space<hbm>>
      %dma_start3A_1061 = tpu.memref_squeeze %dma_start3A_1060 : memref<1x32xf32, #tpu.memory_space<hbm>> -> memref<32xf32, #tpu.memory_space<hbm>>
      %dma_start3A_1062 = arith.constant 0 : i32
      %dma_start3A_1063 = tpu.memref_slice %arg11[%add3A_1055, %dma_start3A_1062] : memref<256x32xf32, #tpu.memory_space<vmem>> -> memref<1x32xf32, #tpu.memory_space<vmem>>
      %dma_start3A_1064 = tpu.memref_squeeze %dma_start3A_1063 : memref<1x32xf32, #tpu.memory_space<vmem>> -> memref<32xf32, #tpu.memory_space<vmem>>
      %dma_start3A_1065 = arith.constant 0 : i32
      %dma_start3A_1066 = tpu.memref_slice %arg5[%squeeze3A_1051, %dma_start3A_1065] : memref<100000x32xf32, #tpu.memory_space<hbm>> -> memref<1x32xf32, #tpu.memory_space<hbm>>
      %dma_start3A_1067 = tpu.memref_squeeze %dma_start3A_1066 : memref<1x32xf32, #tpu.memory_space<hbm>> -> memref<32xf32, #tpu.memory_space<hbm>>
      tpu.enqueue_dma source(%dma_start3A_1067 : memref<32xf32, #tpu.memory_space<hbm>>) target(%dma_start3A_1064 : memref<32xf32, #tpu.memory_space<vmem>>) target_semaphore(%arg12 : memref<!tpu.dma_semaphore, #tpu.memory_space<semaphore_mem>>)
      %slice3A_1068 = vector.extract_strided_slice %get3A_919 {offsets = [4], sizes = [1], strides = [1]} : vector<16xi32> to vector<1xi32>
      %squeeze3A_1069 = vector.extract %slice3A_1068[0] : i32 from vector<1xi32>
      %mul3A_1070 = arith.constant 16 : i32
      %mul3A_1071 = arith.muli %scan3A_913, %mul3A_1070 : i32
      %add3A_1072 = arith.constant 4 : i32
      %add3A_1073 = arith.addi %mul3A_1071, %add3A_1072 : i32
      %dma_start3A_1074 = arith.constant 0 : i32
      %dma_start3A_1075 = tpu.memref_slice %arg10[%add3A_1073, %dma_start3A_1074] : memref<256x32xf32, #tpu.memory_space<vmem>> -> memref<1x32xf32, #tpu.memory_space<vmem>>
      %dma_start3A_1076 = tpu.memref_squeeze %dma_start3A_1075 : memref<1x32xf32, #tpu.memory_space<vmem>> -> memref<32xf32, #tpu.memory_space<vmem>>
      %dma_start3A_1077 = arith.constant 0 : i32
      %dma_start3A_1078 = tpu.memref_slice %arg4[%squeeze3A_1069, %dma_start3A_1077] : memref<1000000x32xf32, #tpu.memory_space<hbm>> -> memref<1x32xf32, #tpu.memory_space<hbm>>
      %dma_start3A_1079 = tpu.memref_squeeze %dma_start3A_1078 : memref<1x32xf32, #tpu.memory_space<hbm>> -> memref<32xf32, #tpu.memory_space<hbm>>
      %dma_start3A_1080 = arith.constant 0 : i32
      %dma_start3A_1081 = tpu.memref_slice %arg10[%add3A_1073, %dma_start3A_1080] : memref<256x32xf32, #tpu.memory_space<vmem>> -> memref<1x32xf32, #tpu.memory_space<vmem>>
      %dma_start3A_1082 = tpu.memref_squeeze %dma_start3A_1081 : memref<1x32xf32, #tpu.memory_space<vmem>> -> memref<32xf32, #tpu.memory_space<vmem>>
      %dma_start3A_1083 = arith.constant 0 : i32
      %dma_start3A_1084 = tpu.memref_slice %arg4[%squeeze3A_1069, %dma_start3A_1083] : memref<1000000x32xf32, #tpu.memory_space<hbm>> -> memref<1x32xf32, #tpu.memory_space<hbm>>
      %dma_start3A_1085 = tpu.memref_squeeze %dma_start3A_1084 : memref<1x32xf32, #tpu.memory_space<hbm>> -> memref<32xf32, #tpu.memory_space<hbm>>
      tpu.enqueue_dma source(%dma_start3A_1085 : memref<32xf32, #tpu.memory_space<hbm>>) target(%dma_start3A_1082 : memref<32xf32, #tpu.memory_space<vmem>>) target_semaphore(%arg12 : memref<!tpu.dma_semaphore, #tpu.memory_space<semaphore_mem>>)
      %slice3A_1086 = vector.extract_strided_slice %get3A_926 {offsets = [4], sizes = [1], strides = [1]} : vector<16xi32> to vector<1xi32>
      %squeeze3A_1087 = vector.extract %slice3A_1086[0] : i32 from vector<1xi32>
      %mul3A_1088 = arith.constant 16 : i32
      %mul3A_1089 = arith.muli %scan3A_913, %mul3A_1088 : i32
      %add3A_1090 = arith.constant 4 : i32
      %add3A_1091 = arith.addi %mul3A_1089, %add3A_1090 : i32
      %dma_start3A_1092 = arith.constant 0 : i32
      %dma_start3A_1093 = tpu.memref_slice %arg11[%add3A_1091, %dma_start3A_1092] : memref<256x32xf32, #tpu.memory_space<vmem>> -> memref<1x32xf32, #tpu.memory_space<vmem>>
      %dma_start3A_1094 = tpu.memref_squeeze %dma_start3A_1093 : memref<1x32xf32, #tpu.memory_space<vmem>> -> memref<32xf32, #tpu.memory_space<vmem>>
      %dma_start3A_1095 = arith.constant 0 : i32
      %dma_start3A_1096 = tpu.memref_slice %arg5[%squeeze3A_1087, %dma_start3A_1095] : memref<100000x32xf32, #tpu.memory_space<hbm>> -> memref<1x32xf32, #tpu.memory_space<hbm>>
      %dma_start3A_1097 = tpu.memref_squeeze %dma_start3A_1096 : memref<1x32xf32, #tpu.memory_space<hbm>> -> memref<32xf32, #tpu.memory_space<hbm>>
      %dma_start3A_1098 = arith.constant 0 : i32
      %dma_start3A_1099 = tpu.memref_slice %arg11[%add3A_1091, %dma_start3A_1098] : memref<256x32xf32, #tpu.memory_space<vmem>> -> memref<1x32xf32, #tpu.memory_space<vmem>>
      %dma_start3A_1100 = tpu.memref_squeeze %dma_start3A_1099 : memref<1x32xf32, #tpu.memory_space<vmem>> -> memref<32xf32, #tpu.memory_space<vmem>>
      %dma_start3A_1101 = arith.constant 0 : i32
      %dma_start3A_1102 = tpu.memref_slice %arg5[%squeeze3A_1087, %dma_start3A_1101] : memref<100000x32xf32, #tpu.memory_space<hbm>> -> memref<1x32xf32, #tpu.memory_space<hbm>>
      %dma_start3A_1103 = tpu.memref_squeeze %dma_start3A_1102 : memref<1x32xf32, #tpu.memory_space<hbm>> -> memref<32xf32, #tpu.memory_space<hbm>>
      tpu.enqueue_dma source(%dma_start3A_1103 : memref<32xf32, #tpu.memory_space<hbm>>) target(%dma_start3A_1100 : memref<32xf32, #tpu.memory_space<vmem>>) target_semaphore(%arg12 : memref<!tpu.dma_semaphore, #tpu.memory_space<semaphore_mem>>)
      %slice3A_1104 = vector.extract_strided_slice %get3A_919 {offsets = [5], sizes = [1], strides = [1]} : vector<16xi32> to vector<1xi32>
      %squeeze3A_1105 = vector.extract %slice3A_1104[0] : i32 from vector<1xi32>
      %mul3A_1106 = arith.constant 16 : i32
      %mul3A_1107 = arith.muli %scan3A_913, %mul3A_1106 : i32
      %add3A_1108 = arith.constant 5 : i32
      %add3A_1109 = arith.addi %mul3A_1107, %add3A_1108 : i32
      %dma_start3A_1110 = arith.constant 0 : i32
      %dma_start3A_1111 = tpu.memref_slice %arg10[%add3A_1109, %dma_start3A_1110] : memref<256x32xf32, #tpu.memory_space<vmem>> -> memref<1x32xf32, #tpu.memory_space<vmem>>
      %dma_start3A_1112 = tpu.memref_squeeze %dma_start3A_1111 : memref<1x32xf32, #tpu.memory_space<vmem>> -> memref<32xf32, #tpu.memory_space<vmem>>
      %dma_start3A_1113 = arith.constant 0 : i32
      %dma_start3A_1114 = tpu.memref_slice %arg4[%squeeze3A_1105, %dma_start3A_1113] : memref<1000000x32xf32, #tpu.memory_space<hbm>> -> memref<1x32xf32, #tpu.memory_space<hbm>>
      %dma_start3A_1115 = tpu.memref_squeeze %dma_start3A_1114 : memref<1x32xf32, #tpu.memory_space<hbm>> -> memref<32xf32, #tpu.memory_space<hbm>>
      %dma_start3A_1116 = arith.constant 0 : i32
      %dma_start3A_1117 = tpu.memref_slice %arg10[%add3A_1109, %dma_start3A_1116] : memref<256x32xf32, #tpu.memory_space<vmem>> -> memref<1x32xf32, #tpu.memory_space<vmem>>
      %dma_start3A_1118 = tpu.memref_squeeze %dma_start3A_1117 : memref<1x32xf32, #tpu.memory_space<vmem>> -> memref<32xf32, #tpu.memory_space<vmem>>
      %dma_start3A_1119 = arith.constant 0 : i32
      %dma_start3A_1120 = tpu.memref_slice %arg4[%squeeze3A_1105, %dma_start3A_1119] : memref<1000000x32xf32, #tpu.memory_space<hbm>> -> memref<1x32xf32, #tpu.memory_space<hbm>>
      %dma_start3A_1121 = tpu.memref_squeeze %dma_start3A_1120 : memref<1x32xf32, #tpu.memory_space<hbm>> -> memref<32xf32, #tpu.memory_space<hbm>>
      tpu.enqueue_dma source(%dma_start3A_1121 : memref<32xf32, #tpu.memory_space<hbm>>) target(%dma_start3A_1118 : memref<32xf32, #tpu.memory_space<vmem>>) target_semaphore(%arg12 : memref<!tpu.dma_semaphore, #tpu.memory_space<semaphore_mem>>)
      %slice3A_1122 = vector.extract_strided_slice %get3A_926 {offsets = [5], sizes = [1], strides = [1]} : vector<16xi32> to vector<1xi32>
      %squeeze3A_1123 = vector.extract %slice3A_1122[0] : i32 from vector<1xi32>
      %mul3A_1124 = arith.constant 16 : i32
      %mul3A_1125 = arith.muli %scan3A_913, %mul3A_1124 : i32
      %add3A_1126 = arith.constant 5 : i32
      %add3A_1127 = arith.addi %mul3A_1125, %add3A_1126 : i32
      %dma_start3A_1128 = arith.constant 0 : i32
      %dma_start3A_1129 = tpu.memref_slice %arg11[%add3A_1127, %dma_start3A_1128] : memref<256x32xf32, #tpu.memory_space<vmem>> -> memref<1x32xf32, #tpu.memory_space<vmem>>
      %dma_start3A_1130 = tpu.memref_squeeze %dma_start3A_1129 : memref<1x32xf32, #tpu.memory_space<vmem>> -> memref<32xf32, #tpu.memory_space<vmem>>
      %dma_start3A_1131 = arith.constant 0 : i32
      %dma_start3A_1132 = tpu.memref_slice %arg5[%squeeze3A_1123, %dma_start3A_1131] : memref<100000x32xf32, #tpu.memory_space<hbm>> -> memref<1x32xf32, #tpu.memory_space<hbm>>
      %dma_start3A_1133 = tpu.memref_squeeze %dma_start3A_1132 : memref<1x32xf32, #tpu.memory_space<hbm>> -> memref<32xf32, #tpu.memory_space<hbm>>
      %dma_start3A_1134 = arith.constant 0 : i32
      %dma_start3A_1135 = tpu.memref_slice %arg11[%add3A_1127, %dma_start3A_1134] : memref<256x32xf32, #tpu.memory_space<vmem>> -> memref<1x32xf32, #tpu.memory_space<vmem>>
      %dma_start3A_1136 = tpu.memref_squeeze %dma_start3A_1135 : memref<1x32xf32, #tpu.memory_space<vmem>> -> memref<32xf32, #tpu.memory_space<vmem>>
      %dma_start3A_1137 = arith.constant 0 : i32
      %dma_start3A_1138 = tpu.memref_slice %arg5[%squeeze3A_1123, %dma_start3A_1137] : memref<100000x32xf32, #tpu.memory_space<hbm>> -> memref<1x32xf32, #tpu.memory_space<hbm>>
      %dma_start3A_1139 = tpu.memref_squeeze %dma_start3A_1138 : memref<1x32xf32, #tpu.memory_space<hbm>> -> memref<32xf32, #tpu.memory_space<hbm>>
      tpu.enqueue_dma source(%dma_start3A_1139 : memref<32xf32, #tpu.memory_space<hbm>>) target(%dma_start3A_1136 : memref<32xf32, #tpu.memory_space<vmem>>) target_semaphore(%arg12 : memref<!tpu.dma_semaphore, #tpu.memory_space<semaphore_mem>>)
      %slice3A_1140 = vector.extract_strided_slice %get3A_919 {offsets = [6], sizes = [1], strides = [1]} : vector<16xi32> to vector<1xi32>
      %squeeze3A_1141 = vector.extract %slice3A_1140[0] : i32 from vector<1xi32>
      %mul3A_1142 = arith.constant 16 : i32
      %mul3A_1143 = arith.muli %scan3A_913, %mul3A_1142 : i32
      %add3A_1144 = arith.constant 6 : i32
      %add3A_1145 = arith.addi %mul3A_1143, %add3A_1144 : i32
      %dma_start3A_1146 = arith.constant 0 : i32
      %dma_start3A_1147 = tpu.memref_slice %arg10[%add3A_1145, %dma_start3A_1146] : memref<256x32xf32, #tpu.memory_space<vmem>> -> memref<1x32xf32, #tpu.memory_space<vmem>>
      %dma_start3A_1148 = tpu.memref_squeeze %dma_start3A_1147 : memref<1x32xf32, #tpu.memory_space<vmem>> -> memref<32xf32, #tpu.memory_space<vmem>>
      %dma_start3A_1149 = arith.constant 0 : i32
      %dma_start3A_1150 = tpu.memref_slice %arg4[%squeeze3A_1141, %dma_start3A_1149] : memref<1000000x32xf32, #tpu.memory_space<hbm>> -> memref<1x32xf32, #tpu.memory_space<hbm>>
      %dma_start3A_1151 = tpu.memref_squeeze %dma_start3A_1150 : memref<1x32xf32, #tpu.memory_space<hbm>> -> memref<32xf32, #tpu.memory_space<hbm>>
      %dma_start3A_1152 = arith.constant 0 : i32
      %dma_start3A_1153 = tpu.memref_slice %arg10[%add3A_1145, %dma_start3A_1152] : memref<256x32xf32, #tpu.memory_space<vmem>> -> memref<1x32xf32, #tpu.memory_space<vmem>>
      %dma_start3A_1154 = tpu.memref_squeeze %dma_start3A_1153 : memref<1x32xf32, #tpu.memory_space<vmem>> -> memref<32xf32, #tpu.memory_space<vmem>>
      %dma_start3A_1155 = arith.constant 0 : i32
      %dma_start3A_1156 = tpu.memref_slice %arg4[%squeeze3A_1141, %dma_start3A_1155] : memref<1000000x32xf32, #tpu.memory_space<hbm>> -> memref<1x32xf32, #tpu.memory_space<hbm>>
      %dma_start3A_1157 = tpu.memref_squeeze %dma_start3A_1156 : memref<1x32xf32, #tpu.memory_space<hbm>> -> memref<32xf32, #tpu.memory_space<hbm>>
      tpu.enqueue_dma source(%dma_start3A_1157 : memref<32xf32, #tpu.memory_space<hbm>>) target(%dma_start3A_1154 : memref<32xf32, #tpu.memory_space<vmem>>) target_semaphore(%arg12 : memref<!tpu.dma_semaphore, #tpu.memory_space<semaphore_mem>>)
      %slice3A_1158 = vector.extract_strided_slice %get3A_926 {offsets = [6], sizes = [1], strides = [1]} : vector<16xi32> to vector<1xi32>
      %squeeze3A_1159 = vector.extract %slice3A_1158[0] : i32 from vector<1xi32>
      %mul3A_1160 = arith.constant 16 : i32
      %mul3A_1161 = arith.muli %scan3A_913, %mul3A_1160 : i32
      %add3A_1162 = arith.constant 6 : i32
      %add3A_1163 = arith.addi %mul3A_1161, %add3A_1162 : i32
      %dma_start3A_1164 = arith.constant 0 : i32
      %dma_start3A_1165 = tpu.memref_slice %arg11[%add3A_1163, %dma_start3A_1164] : memref<256x32xf32, #tpu.memory_space<vmem>> -> memref<1x32xf32, #tpu.memory_space<vmem>>
      %dma_start3A_1166 = tpu.memref_squeeze %dma_start3A_1165 : memref<1x32xf32, #tpu.memory_space<vmem>> -> memref<32xf32, #tpu.memory_space<vmem>>
      %dma_start3A_1167 = arith.constant 0 : i32
      %dma_start3A_1168 = tpu.memref_slice %arg5[%squeeze3A_1159, %dma_start3A_1167] : memref<100000x32xf32, #tpu.memory_space<hbm>> -> memref<1x32xf32, #tpu.memory_space<hbm>>
      %dma_start3A_1169 = tpu.memref_squeeze %dma_start3A_1168 : memref<1x32xf32, #tpu.memory_space<hbm>> -> memref<32xf32, #tpu.memory_space<hbm>>
      %dma_start3A_1170 = arith.constant 0 : i32
      %dma_start3A_1171 = tpu.memref_slice %arg11[%add3A_1163, %dma_start3A_1170] : memref<256x32xf32, #tpu.memory_space<vmem>> -> memref<1x32xf32, #tpu.memory_space<vmem>>
      %dma_start3A_1172 = tpu.memref_squeeze %dma_start3A_1171 : memref<1x32xf32, #tpu.memory_space<vmem>> -> memref<32xf32, #tpu.memory_space<vmem>>
      %dma_start3A_1173 = arith.constant 0 : i32
      %dma_start3A_1174 = tpu.memref_slice %arg5[%squeeze3A_1159, %dma_start3A_1173] : memref<100000x32xf32, #tpu.memory_space<hbm>> -> memref<1x32xf32, #tpu.memory_space<hbm>>
      %dma_start3A_1175 = tpu.memref_squeeze %dma_start3A_1174 : memref<1x32xf32, #tpu.memory_space<hbm>> -> memref<32xf32, #tpu.memory_space<hbm>>
      tpu.enqueue_dma source(%dma_start3A_1175 : memref<32xf32, #tpu.memory_space<hbm>>) target(%dma_start3A_1172 : memref<32xf32, #tpu.memory_space<vmem>>) target_semaphore(%arg12 : memref<!tpu.dma_semaphore, #tpu.memory_space<semaphore_mem>>)
      %slice3A_1176 = vector.extract_strided_slice %get3A_919 {offsets = [7], sizes = [1], strides = [1]} : vector<16xi32> to vector<1xi32>
      %squeeze3A_1177 = vector.extract %slice3A_1176[0] : i32 from vector<1xi32>
      %mul3A_1178 = arith.constant 16 : i32
      %mul3A_1179 = arith.muli %scan3A_913, %mul3A_1178 : i32
      %add3A_1180 = arith.constant 7 : i32
      %add3A_1181 = arith.addi %mul3A_1179, %add3A_1180 : i32
      %dma_start3A_1182 = arith.constant 0 : i32
      %dma_start3A_1183 = tpu.memref_slice %arg10[%add3A_1181, %dma_start3A_1182] : memref<256x32xf32, #tpu.memory_space<vmem>> -> memref<1x32xf32, #tpu.memory_space<vmem>>
      %dma_start3A_1184 = tpu.memref_squeeze %dma_start3A_1183 : memref<1x32xf32, #tpu.memory_space<vmem>> -> memref<32xf32, #tpu.memory_space<vmem>>
      %dma_start3A_1185 = arith.constant 0 : i32
      %dma_start3A_1186 = tpu.memref_slice %arg4[%squeeze3A_1177, %dma_start3A_1185] : memref<1000000x32xf32, #tpu.memory_space<hbm>> -> memref<1x32xf32, #tpu.memory_space<hbm>>
      %dma_start3A_1187 = tpu.memref_squeeze %dma_start3A_1186 : memref<1x32xf32, #tpu.memory_space<hbm>> -> memref<32xf32, #tpu.memory_space<hbm>>
      %dma_start3A_1188 = arith.constant 0 : i32
      %dma_start3A_1189 = tpu.memref_slice %arg10[%add3A_1181, %dma_start3A_1188] : memref<256x32xf32, #tpu.memory_space<vmem>> -> memref<1x32xf32, #tpu.memory_space<vmem>>
      %dma_start3A_1190 = tpu.memref_squeeze %dma_start3A_1189 : memref<1x32xf32, #tpu.memory_space<vmem>> -> memref<32xf32, #tpu.memory_space<vmem>>
      %dma_start3A_1191 = arith.constant 0 : i32
      %dma_start3A_1192 = tpu.memref_slice %arg4[%squeeze3A_1177, %dma_start3A_1191] : memref<1000000x32xf32, #tpu.memory_space<hbm>> -> memref<1x32xf32, #tpu.memory_space<hbm>>
      %dma_start3A_1193 = tpu.memref_squeeze %dma_start3A_1192 : memref<1x32xf32, #tpu.memory_space<hbm>> -> memref<32xf32, #tpu.memory_space<hbm>>
      tpu.enqueue_dma source(%dma_start3A_1193 : memref<32xf32, #tpu.memory_space<hbm>>) target(%dma_start3A_1190 : memref<32xf32, #tpu.memory_space<vmem>>) target_semaphore(%arg12 : memref<!tpu.dma_semaphore, #tpu.memory_space<semaphore_mem>>)
      %slice3A_1194 = vector.extract_strided_slice %get3A_926 {offsets = [7], sizes = [1], strides = [1]} : vector<16xi32> to vector<1xi32>
      %squeeze3A_1195 = vector.extract %slice3A_1194[0] : i32 from vector<1xi32>
      %mul3A_1196 = arith.constant 16 : i32
      %mul3A_1197 = arith.muli %scan3A_913, %mul3A_1196 : i32
      %add3A_1198 = arith.constant 7 : i32
      %add3A_1199 = arith.addi %mul3A_1197, %add3A_1198 : i32
      %dma_start3A_1200 = arith.constant 0 : i32
      %dma_start3A_1201 = tpu.memref_slice %arg11[%add3A_1199, %dma_start3A_1200] : memref<256x32xf32, #tpu.memory_space<vmem>> -> memref<1x32xf32, #tpu.memory_space<vmem>>
      %dma_start3A_1202 = tpu.memref_squeeze %dma_start3A_1201 : memref<1x32xf32, #tpu.memory_space<vmem>> -> memref<32xf32, #tpu.memory_space<vmem>>
      %dma_start3A_1203 = arith.constant 0 : i32
      %dma_start3A_1204 = tpu.memref_slice %arg5[%squeeze3A_1195, %dma_start3A_1203] : memref<100000x32xf32, #tpu.memory_space<hbm>> -> memref<1x32xf32, #tpu.memory_space<hbm>>
      %dma_start3A_1205 = tpu.memref_squeeze %dma_start3A_1204 : memref<1x32xf32, #tpu.memory_space<hbm>> -> memref<32xf32, #tpu.memory_space<hbm>>
      %dma_start3A_1206 = arith.constant 0 : i32
      %dma_start3A_1207 = tpu.memref_slice %arg11[%add3A_1199, %dma_start3A_1206] : memref<256x32xf32, #tpu.memory_space<vmem>> -> memref<1x32xf32, #tpu.memory_space<vmem>>
      %dma_start3A_1208 = tpu.memref_squeeze %dma_start3A_1207 : memref<1x32xf32, #tpu.memory_space<vmem>> -> memref<32xf32, #tpu.memory_space<vmem>>
      %dma_start3A_1209 = arith.constant 0 : i32
      %dma_start3A_1210 = tpu.memref_slice %arg5[%squeeze3A_1195, %dma_start3A_1209] : memref<100000x32xf32, #tpu.memory_space<hbm>> -> memref<1x32xf32, #tpu.memory_space<hbm>>
      %dma_start3A_1211 = tpu.memref_squeeze %dma_start3A_1210 : memref<1x32xf32, #tpu.memory_space<hbm>> -> memref<32xf32, #tpu.memory_space<hbm>>
      tpu.enqueue_dma source(%dma_start3A_1211 : memref<32xf32, #tpu.memory_space<hbm>>) target(%dma_start3A_1208 : memref<32xf32, #tpu.memory_space<vmem>>) target_semaphore(%arg12 : memref<!tpu.dma_semaphore, #tpu.memory_space<semaphore_mem>>)
      %slice3A_1212 = vector.extract_strided_slice %get3A_919 {offsets = [8], sizes = [1], strides = [1]} : vector<16xi32> to vector<1xi32>
      %squeeze3A_1213 = vector.extract %slice3A_1212[0] : i32 from vector<1xi32>
      %mul3A_1214 = arith.constant 16 : i32
      %mul3A_1215 = arith.muli %scan3A_913, %mul3A_1214 : i32
      %add3A_1216 = arith.constant 8 : i32
      %add3A_1217 = arith.addi %mul3A_1215, %add3A_1216 : i32
      %dma_start3A_1218 = arith.constant 0 : i32
      %dma_start3A_1219 = tpu.memref_slice %arg10[%add3A_1217, %dma_start3A_1218] : memref<256x32xf32, #tpu.memory_space<vmem>> -> memref<1x32xf32, #tpu.memory_space<vmem>>
      %dma_start3A_1220 = tpu.memref_squeeze %dma_start3A_1219 : memref<1x32xf32, #tpu.memory_space<vmem>> -> memref<32xf32, #tpu.memory_space<vmem>>
      %dma_start3A_1221 = arith.constant 0 : i32
      %dma_start3A_1222 = tpu.memref_slice %arg4[%squeeze3A_1213, %dma_start3A_1221] : memref<1000000x32xf32, #tpu.memory_space<hbm>> -> memref<1x32xf32, #tpu.memory_space<hbm>>
      %dma_start3A_1223 = tpu.memref_squeeze %dma_start3A_1222 : memref<1x32xf32, #tpu.memory_space<hbm>> -> memref<32xf32, #tpu.memory_space<hbm>>
      %dma_start3A_1224 = arith.constant 0 : i32
      %dma_start3A_1225 = tpu.memref_slice %arg10[%add3A_1217, %dma_start3A_1224] : memref<256x32xf32, #tpu.memory_space<vmem>> -> memref<1x32xf32, #tpu.memory_space<vmem>>
      %dma_start3A_1226 = tpu.memref_squeeze %dma_start3A_1225 : memref<1x32xf32, #tpu.memory_space<vmem>> -> memref<32xf32, #tpu.memory_space<vmem>>
      %dma_start3A_1227 = arith.constant 0 : i32
      %dma_start3A_1228 = tpu.memref_slice %arg4[%squeeze3A_1213, %dma_start3A_1227] : memref<1000000x32xf32, #tpu.memory_space<hbm>> -> memref<1x32xf32, #tpu.memory_space<hbm>>
      %dma_start3A_1229 = tpu.memref_squeeze %dma_start3A_1228 : memref<1x32xf32, #tpu.memory_space<hbm>> -> memref<32xf32, #tpu.memory_space<hbm>>
      tpu.enqueue_dma source(%dma_start3A_1229 : memref<32xf32, #tpu.memory_space<hbm>>) target(%dma_start3A_1226 : memref<32xf32, #tpu.memory_space<vmem>>) target_semaphore(%arg12 : memref<!tpu.dma_semaphore, #tpu.memory_space<semaphore_mem>>)
      %slice3A_1230 = vector.extract_strided_slice %get3A_926 {offsets = [8], sizes = [1], strides = [1]} : vector<16xi32> to vector<1xi32>
      %squeeze3A_1231 = vector.extract %slice3A_1230[0] : i32 from vector<1xi32>
      %mul3A_1232 = arith.constant 16 : i32
      %mul3A_1233 = arith.muli %scan3A_913, %mul3A_1232 : i32
      %add3A_1234 = arith.constant 8 : i32
      %add3A_1235 = arith.addi %mul3A_1233, %add3A_1234 : i32
      %dma_start3A_1236 = arith.constant 0 : i32
      %dma_start3A_1237 = tpu.memref_slice %arg11[%add3A_1235, %dma_start3A_1236] : memref<256x32xf32, #tpu.memory_space<vmem>> -> memref<1x32xf32, #tpu.memory_space<vmem>>
      %dma_start3A_1238 = tpu.memref_squeeze %dma_start3A_1237 : memref<1x32xf32, #tpu.memory_space<vmem>> -> memref<32xf32, #tpu.memory_space<vmem>>
      %dma_start3A_1239 = arith.constant 0 : i32
      %dma_start3A_1240 = tpu.memref_slice %arg5[%squeeze3A_1231, %dma_start3A_1239] : memref<100000x32xf32, #tpu.memory_space<hbm>> -> memref<1x32xf32, #tpu.memory_space<hbm>>
      %dma_start3A_1241 = tpu.memref_squeeze %dma_start3A_1240 : memref<1x32xf32, #tpu.memory_space<hbm>> -> memref<32xf32, #tpu.memory_space<hbm>>
      %dma_start3A_1242 = arith.constant 0 : i32
      %dma_start3A_1243 = tpu.memref_slice %arg11[%add3A_1235, %dma_start3A_1242] : memref<256x32xf32, #tpu.memory_space<vmem>> -> memref<1x32xf32, #tpu.memory_space<vmem>>
      %dma_start3A_1244 = tpu.memref_squeeze %dma_start3A_1243 : memref<1x32xf32, #tpu.memory_space<vmem>> -> memref<32xf32, #tpu.memory_space<vmem>>
      %dma_start3A_1245 = arith.constant 0 : i32
      %dma_start3A_1246 = tpu.memref_slice %arg5[%squeeze3A_1231, %dma_start3A_1245] : memref<100000x32xf32, #tpu.memory_space<hbm>> -> memref<1x32xf32, #tpu.memory_space<hbm>>
      %dma_start3A_1247 = tpu.memref_squeeze %dma_start3A_1246 : memref<1x32xf32, #tpu.memory_space<hbm>> -> memref<32xf32, #tpu.memory_space<hbm>>
      tpu.enqueue_dma source(%dma_start3A_1247 : memref<32xf32, #tpu.memory_space<hbm>>) target(%dma_start3A_1244 : memref<32xf32, #tpu.memory_space<vmem>>) target_semaphore(%arg12 : memref<!tpu.dma_semaphore, #tpu.memory_space<semaphore_mem>>)
      %slice3A_1248 = vector.extract_strided_slice %get3A_919 {offsets = [9], sizes = [1], strides = [1]} : vector<16xi32> to vector<1xi32>
      %squeeze3A_1249 = vector.extract %slice3A_1248[0] : i32 from vector<1xi32>
      %mul3A_1250 = arith.constant 16 : i32
      %mul3A_1251 = arith.muli %scan3A_913, %mul3A_1250 : i32
      %add3A_1252 = arith.constant 9 : i32
      %add3A_1253 = arith.addi %mul3A_1251, %add3A_1252 : i32
      %dma_start3A_1254 = arith.constant 0 : i32
      %dma_start3A_1255 = tpu.memref_slice %arg10[%add3A_1253, %dma_start3A_1254] : memref<256x32xf32, #tpu.memory_space<vmem>> -> memref<1x32xf32, #tpu.memory_space<vmem>>
      %dma_start3A_1256 = tpu.memref_squeeze %dma_start3A_1255 : memref<1x32xf32, #tpu.memory_space<vmem>> -> memref<32xf32, #tpu.memory_space<vmem>>
      %dma_start3A_1257 = arith.constant 0 : i32
      %dma_start3A_1258 = tpu.memref_slice %arg4[%squeeze3A_1249, %dma_start3A_1257] : memref<1000000x32xf32, #tpu.memory_space<hbm>> -> memref<1x32xf32, #tpu.memory_space<hbm>>
      %dma_start3A_1259 = tpu.memref_squeeze %dma_start3A_1258 : memref<1x32xf32, #tpu.memory_space<hbm>> -> memref<32xf32, #tpu.memory_space<hbm>>
      %dma_start3A_1260 = arith.constant 0 : i32
      %dma_start3A_1261 = tpu.memref_slice %arg10[%add3A_1253, %dma_start3A_1260] : memref<256x32xf32, #tpu.memory_space<vmem>> -> memref<1x32xf32, #tpu.memory_space<vmem>>
      %dma_start3A_1262 = tpu.memref_squeeze %dma_start3A_1261 : memref<1x32xf32, #tpu.memory_space<vmem>> -> memref<32xf32, #tpu.memory_space<vmem>>
      %dma_start3A_1263 = arith.constant 0 : i32
      %dma_start3A_1264 = tpu.memref_slice %arg4[%squeeze3A_1249, %dma_start3A_1263] : memref<1000000x32xf32, #tpu.memory_space<hbm>> -> memref<1x32xf32, #tpu.memory_space<hbm>>
      %dma_start3A_1265 = tpu.memref_squeeze %dma_start3A_1264 : memref<1x32xf32, #tpu.memory_space<hbm>> -> memref<32xf32, #tpu.memory_space<hbm>>
      tpu.enqueue_dma source(%dma_start3A_1265 : memref<32xf32, #tpu.memory_space<hbm>>) target(%dma_start3A_1262 : memref<32xf32, #tpu.memory_space<vmem>>) target_semaphore(%arg12 : memref<!tpu.dma_semaphore, #tpu.memory_space<semaphore_mem>>)
      %slice3A_1266 = vector.extract_strided_slice %get3A_926 {offsets = [9], sizes = [1], strides = [1]} : vector<16xi32> to vector<1xi32>
      %squeeze3A_1267 = vector.extract %slice3A_1266[0] : i32 from vector<1xi32>
      %mul3A_1268 = arith.constant 16 : i32
      %mul3A_1269 = arith.muli %scan3A_913, %mul3A_1268 : i32
      %add3A_1270 = arith.constant 9 : i32
      %add3A_1271 = arith.addi %mul3A_1269, %add3A_1270 : i32
      %dma_start3A_1272 = arith.constant 0 : i32
      %dma_start3A_1273 = tpu.memref_slice %arg11[%add3A_1271, %dma_start3A_1272] : memref<256x32xf32, #tpu.memory_space<vmem>> -> memref<1x32xf32, #tpu.memory_space<vmem>>
      %dma_start3A_1274 = tpu.memref_squeeze %dma_start3A_1273 : memref<1x32xf32, #tpu.memory_space<vmem>> -> memref<32xf32, #tpu.memory_space<vmem>>
      %dma_start3A_1275 = arith.constant 0 : i32
      %dma_start3A_1276 = tpu.memref_slice %arg5[%squeeze3A_1267, %dma_start3A_1275] : memref<100000x32xf32, #tpu.memory_space<hbm>> -> memref<1x32xf32, #tpu.memory_space<hbm>>
      %dma_start3A_1277 = tpu.memref_squeeze %dma_start3A_1276 : memref<1x32xf32, #tpu.memory_space<hbm>> -> memref<32xf32, #tpu.memory_space<hbm>>
      %dma_start3A_1278 = arith.constant 0 : i32
      %dma_start3A_1279 = tpu.memref_slice %arg11[%add3A_1271, %dma_start3A_1278] : memref<256x32xf32, #tpu.memory_space<vmem>> -> memref<1x32xf32, #tpu.memory_space<vmem>>
      %dma_start3A_1280 = tpu.memref_squeeze %dma_start3A_1279 : memref<1x32xf32, #tpu.memory_space<vmem>> -> memref<32xf32, #tpu.memory_space<vmem>>
      %dma_start3A_1281 = arith.constant 0 : i32
      %dma_start3A_1282 = tpu.memref_slice %arg5[%squeeze3A_1267, %dma_start3A_1281] : memref<100000x32xf32, #tpu.memory_space<hbm>> -> memref<1x32xf32, #tpu.memory_space<hbm>>
      %dma_start3A_1283 = tpu.memref_squeeze %dma_start3A_1282 : memref<1x32xf32, #tpu.memory_space<hbm>> -> memref<32xf32, #tpu.memory_space<hbm>>
      tpu.enqueue_dma source(%dma_start3A_1283 : memref<32xf32, #tpu.memory_space<hbm>>) target(%dma_start3A_1280 : memref<32xf32, #tpu.memory_space<vmem>>) target_semaphore(%arg12 : memref<!tpu.dma_semaphore, #tpu.memory_space<semaphore_mem>>)
      %slice3A_1284 = vector.extract_strided_slice %get3A_919 {offsets = [10], sizes = [1], strides = [1]} : vector<16xi32> to vector<1xi32>
      %squeeze3A_1285 = vector.extract %slice3A_1284[0] : i32 from vector<1xi32>
      %mul3A_1286 = arith.constant 16 : i32
      %mul3A_1287 = arith.muli %scan3A_913, %mul3A_1286 : i32
      %add3A_1288 = arith.constant 10 : i32
      %add3A_1289 = arith.addi %mul3A_1287, %add3A_1288 : i32
      %dma_start3A_1290 = arith.constant 0 : i32
      %dma_start3A_1291 = tpu.memref_slice %arg10[%add3A_1289, %dma_start3A_1290] : memref<256x32xf32, #tpu.memory_space<vmem>> -> memref<1x32xf32, #tpu.memory_space<vmem>>
      %dma_start3A_1292 = tpu.memref_squeeze %dma_start3A_1291 : memref<1x32xf32, #tpu.memory_space<vmem>> -> memref<32xf32, #tpu.memory_space<vmem>>
      %dma_start3A_1293 = arith.constant 0 : i32
      %dma_start3A_1294 = tpu.memref_slice %arg4[%squeeze3A_1285, %dma_start3A_1293] : memref<1000000x32xf32, #tpu.memory_space<hbm>> -> memref<1x32xf32, #tpu.memory_space<hbm>>
      %dma_start3A_1295 = tpu.memref_squeeze %dma_start3A_1294 : memref<1x32xf32, #tpu.memory_space<hbm>> -> memref<32xf32, #tpu.memory_space<hbm>>
      %dma_start3A_1296 = arith.constant 0 : i32
      %dma_start3A_1297 = tpu.memref_slice %arg10[%add3A_1289, %dma_start3A_1296] : memref<256x32xf32, #tpu.memory_space<vmem>> -> memref<1x32xf32, #tpu.memory_space<vmem>>
      %dma_start3A_1298 = tpu.memref_squeeze %dma_start3A_1297 : memref<1x32xf32, #tpu.memory_space<vmem>> -> memref<32xf32, #tpu.memory_space<vmem>>
      %dma_start3A_1299 = arith.constant 0 : i32
      %dma_start3A_1300 = tpu.memref_slice %arg4[%squeeze3A_1285, %dma_start3A_1299] : memref<1000000x32xf32, #tpu.memory_space<hbm>> -> memref<1x32xf32, #tpu.memory_space<hbm>>
      %dma_start3A_1301 = tpu.memref_squeeze %dma_start3A_1300 : memref<1x32xf32, #tpu.memory_space<hbm>> -> memref<32xf32, #tpu.memory_space<hbm>>
      tpu.enqueue_dma source(%dma_start3A_1301 : memref<32xf32, #tpu.memory_space<hbm>>) target(%dma_start3A_1298 : memref<32xf32, #tpu.memory_space<vmem>>) target_semaphore(%arg12 : memref<!tpu.dma_semaphore, #tpu.memory_space<semaphore_mem>>)
      %slice3A_1302 = vector.extract_strided_slice %get3A_926 {offsets = [10], sizes = [1], strides = [1]} : vector<16xi32> to vector<1xi32>
      %squeeze3A_1303 = vector.extract %slice3A_1302[0] : i32 from vector<1xi32>
      %mul3A_1304 = arith.constant 16 : i32
      %mul3A_1305 = arith.muli %scan3A_913, %mul3A_1304 : i32
      %add3A_1306 = arith.constant 10 : i32
      %add3A_1307 = arith.addi %mul3A_1305, %add3A_1306 : i32
      %dma_start3A_1308 = arith.constant 0 : i32
      %dma_start3A_1309 = tpu.memref_slice %arg11[%add3A_1307, %dma_start3A_1308] : memref<256x32xf32, #tpu.memory_space<vmem>> -> memref<1x32xf32, #tpu.memory_space<vmem>>
      %dma_start3A_1310 = tpu.memref_squeeze %dma_start3A_1309 : memref<1x32xf32, #tpu.memory_space<vmem>> -> memref<32xf32, #tpu.memory_space<vmem>>
      %dma_start3A_1311 = arith.constant 0 : i32
      %dma_start3A_1312 = tpu.memref_slice %arg5[%squeeze3A_1303, %dma_start3A_1311] : memref<100000x32xf32, #tpu.memory_space<hbm>> -> memref<1x32xf32, #tpu.memory_space<hbm>>
      %dma_start3A_1313 = tpu.memref_squeeze %dma_start3A_1312 : memref<1x32xf32, #tpu.memory_space<hbm>> -> memref<32xf32, #tpu.memory_space<hbm>>
      %dma_start3A_1314 = arith.constant 0 : i32
      %dma_start3A_1315 = tpu.memref_slice %arg11[%add3A_1307, %dma_start3A_1314] : memref<256x32xf32, #tpu.memory_space<vmem>> -> memref<1x32xf32, #tpu.memory_space<vmem>>
      %dma_start3A_1316 = tpu.memref_squeeze %dma_start3A_1315 : memref<1x32xf32, #tpu.memory_space<vmem>> -> memref<32xf32, #tpu.memory_space<vmem>>
      %dma_start3A_1317 = arith.constant 0 : i32
      %dma_start3A_1318 = tpu.memref_slice %arg5[%squeeze3A_1303, %dma_start3A_1317] : memref<100000x32xf32, #tpu.memory_space<hbm>> -> memref<1x32xf32, #tpu.memory_space<hbm>>
      %dma_start3A_1319 = tpu.memref_squeeze %dma_start3A_1318 : memref<1x32xf32, #tpu.memory_space<hbm>> -> memref<32xf32, #tpu.memory_space<hbm>>
      tpu.enqueue_dma source(%dma_start3A_1319 : memref<32xf32, #tpu.memory_space<hbm>>) target(%dma_start3A_1316 : memref<32xf32, #tpu.memory_space<vmem>>) target_semaphore(%arg12 : memref<!tpu.dma_semaphore, #tpu.memory_space<semaphore_mem>>)
      %slice3A_1320 = vector.extract_strided_slice %get3A_919 {offsets = [11], sizes = [1], strides = [1]} : vector<16xi32> to vector<1xi32>
      %squeeze3A_1321 = vector.extract %slice3A_1320[0] : i32 from vector<1xi32>
      %mul3A_1322 = arith.constant 16 : i32
      %mul3A_1323 = arith.muli %scan3A_913, %mul3A_1322 : i32
      %add3A_1324 = arith.constant 11 : i32
      %add3A_1325 = arith.addi %mul3A_1323, %add3A_1324 : i32
      %dma_start3A_1326 = arith.constant 0 : i32
      %dma_start3A_1327 = tpu.memref_slice %arg10[%add3A_1325, %dma_start3A_1326] : memref<256x32xf32, #tpu.memory_space<vmem>> -> memref<1x32xf32, #tpu.memory_space<vmem>>
      %dma_start3A_1328 = tpu.memref_squeeze %dma_start3A_1327 : memref<1x32xf32, #tpu.memory_space<vmem>> -> memref<32xf32, #tpu.memory_space<vmem>>
      %dma_start3A_1329 = arith.constant 0 : i32
      %dma_start3A_1330 = tpu.memref_slice %arg4[%squeeze3A_1321, %dma_start3A_1329] : memref<1000000x32xf32, #tpu.memory_space<hbm>> -> memref<1x32xf32, #tpu.memory_space<hbm>>
      %dma_start3A_1331 = tpu.memref_squeeze %dma_start3A_1330 : memref<1x32xf32, #tpu.memory_space<hbm>> -> memref<32xf32, #tpu.memory_space<hbm>>
      %dma_start3A_1332 = arith.constant 0 : i32
      %dma_start3A_1333 = tpu.memref_slice %arg10[%add3A_1325, %dma_start3A_1332] : memref<256x32xf32, #tpu.memory_space<vmem>> -> memref<1x32xf32, #tpu.memory_space<vmem>>
      %dma_start3A_1334 = tpu.memref_squeeze %dma_start3A_1333 : memref<1x32xf32, #tpu.memory_space<vmem>> -> memref<32xf32, #tpu.memory_space<vmem>>
      %dma_start3A_1335 = arith.constant 0 : i32
      %dma_start3A_1336 = tpu.memref_slice %arg4[%squeeze3A_1321, %dma_start3A_1335] : memref<1000000x32xf32, #tpu.memory_space<hbm>> -> memref<1x32xf32, #tpu.memory_space<hbm>>
      %dma_start3A_1337 = tpu.memref_squeeze %dma_start3A_1336 : memref<1x32xf32, #tpu.memory_space<hbm>> -> memref<32xf32, #tpu.memory_space<hbm>>
      tpu.enqueue_dma source(%dma_start3A_1337 : memref<32xf32, #tpu.memory_space<hbm>>) target(%dma_start3A_1334 : memref<32xf32, #tpu.memory_space<vmem>>) target_semaphore(%arg12 : memref<!tpu.dma_semaphore, #tpu.memory_space<semaphore_mem>>)
      %slice3A_1338 = vector.extract_strided_slice %get3A_926 {offsets = [11], sizes = [1], strides = [1]} : vector<16xi32> to vector<1xi32>
      %squeeze3A_1339 = vector.extract %slice3A_1338[0] : i32 from vector<1xi32>
      %mul3A_1340 = arith.constant 16 : i32
      %mul3A_1341 = arith.muli %scan3A_913, %mul3A_1340 : i32
      %add3A_1342 = arith.constant 11 : i32
      %add3A_1343 = arith.addi %mul3A_1341, %add3A_1342 : i32
      %dma_start3A_1344 = arith.constant 0 : i32
      %dma_start3A_1345 = tpu.memref_slice %arg11[%add3A_1343, %dma_start3A_1344] : memref<256x32xf32, #tpu.memory_space<vmem>> -> memref<1x32xf32, #tpu.memory_space<vmem>>
      %dma_start3A_1346 = tpu.memref_squeeze %dma_start3A_1345 : memref<1x32xf32, #tpu.memory_space<vmem>> -> memref<32xf32, #tpu.memory_space<vmem>>
      %dma_start3A_1347 = arith.constant 0 : i32
      %dma_start3A_1348 = tpu.memref_slice %arg5[%squeeze3A_1339, %dma_start3A_1347] : memref<100000x32xf32, #tpu.memory_space<hbm>> -> memref<1x32xf32, #tpu.memory_space<hbm>>
      %dma_start3A_1349 = tpu.memref_squeeze %dma_start3A_1348 : memref<1x32xf32, #tpu.memory_space<hbm>> -> memref<32xf32, #tpu.memory_space<hbm>>
      %dma_start3A_1350 = arith.constant 0 : i32
      %dma_start3A_1351 = tpu.memref_slice %arg11[%add3A_1343, %dma_start3A_1350] : memref<256x32xf32, #tpu.memory_space<vmem>> -> memref<1x32xf32, #tpu.memory_space<vmem>>
      %dma_start3A_1352 = tpu.memref_squeeze %dma_start3A_1351 : memref<1x32xf32, #tpu.memory_space<vmem>> -> memref<32xf32, #tpu.memory_space<vmem>>
      %dma_start3A_1353 = arith.constant 0 : i32
      %dma_start3A_1354 = tpu.memref_slice %arg5[%squeeze3A_1339, %dma_start3A_1353] : memref<100000x32xf32, #tpu.memory_space<hbm>> -> memref<1x32xf32, #tpu.memory_space<hbm>>
      %dma_start3A_1355 = tpu.memref_squeeze %dma_start3A_1354 : memref<1x32xf32, #tpu.memory_space<hbm>> -> memref<32xf32, #tpu.memory_space<hbm>>
      tpu.enqueue_dma source(%dma_start3A_1355 : memref<32xf32, #tpu.memory_space<hbm>>) target(%dma_start3A_1352 : memref<32xf32, #tpu.memory_space<vmem>>) target_semaphore(%arg12 : memref<!tpu.dma_semaphore, #tpu.memory_space<semaphore_mem>>)
      %slice3A_1356 = vector.extract_strided_slice %get3A_919 {offsets = [12], sizes = [1], strides = [1]} : vector<16xi32> to vector<1xi32>
      %squeeze3A_1357 = vector.extract %slice3A_1356[0] : i32 from vector<1xi32>
      %mul3A_1358 = arith.constant 16 : i32
      %mul3A_1359 = arith.muli %scan3A_913, %mul3A_1358 : i32
      %add3A_1360 = arith.constant 12 : i32
      %add3A_1361 = arith.addi %mul3A_1359, %add3A_1360 : i32
      %dma_start3A_1362 = arith.constant 0 : i32
      %dma_start3A_1363 = tpu.memref_slice %arg10[%add3A_1361, %dma_start3A_1362] : memref<256x32xf32, #tpu.memory_space<vmem>> -> memref<1x32xf32, #tpu.memory_space<vmem>>
      %dma_start3A_1364 = tpu.memref_squeeze %dma_start3A_1363 : memref<1x32xf32, #tpu.memory_space<vmem>> -> memref<32xf32, #tpu.memory_space<vmem>>
      %dma_start3A_1365 = arith.constant 0 : i32
      %dma_start3A_1366 = tpu.memref_slice %arg4[%squeeze3A_1357, %dma_start3A_1365] : memref<1000000x32xf32, #tpu.memory_space<hbm>> -> memref<1x32xf32, #tpu.memory_space<hbm>>
      %dma_start3A_1367 = tpu.memref_squeeze %dma_start3A_1366 : memref<1x32xf32, #tpu.memory_space<hbm>> -> memref<32xf32, #tpu.memory_space<hbm>>
      %dma_start3A_1368 = arith.constant 0 : i32
      %dma_start3A_1369 = tpu.memref_slice %arg10[%add3A_1361, %dma_start3A_1368] : memref<256x32xf32, #tpu.memory_space<vmem>> -> memref<1x32xf32, #tpu.memory_space<vmem>>
      %dma_start3A_1370 = tpu.memref_squeeze %dma_start3A_1369 : memref<1x32xf32, #tpu.memory_space<vmem>> -> memref<32xf32, #tpu.memory_space<vmem>>
      %dma_start3A_1371 = arith.constant 0 : i32
      %dma_start3A_1372 = tpu.memref_slice %arg4[%squeeze3A_1357, %dma_start3A_1371] : memref<1000000x32xf32, #tpu.memory_space<hbm>> -> memref<1x32xf32, #tpu.memory_space<hbm>>
      %dma_start3A_1373 = tpu.memref_squeeze %dma_start3A_1372 : memref<1x32xf32, #tpu.memory_space<hbm>> -> memref<32xf32, #tpu.memory_space<hbm>>
      tpu.enqueue_dma source(%dma_start3A_1373 : memref<32xf32, #tpu.memory_space<hbm>>) target(%dma_start3A_1370 : memref<32xf32, #tpu.memory_space<vmem>>) target_semaphore(%arg12 : memref<!tpu.dma_semaphore, #tpu.memory_space<semaphore_mem>>)
      %slice3A_1374 = vector.extract_strided_slice %get3A_926 {offsets = [12], sizes = [1], strides = [1]} : vector<16xi32> to vector<1xi32>
      %squeeze3A_1375 = vector.extract %slice3A_1374[0] : i32 from vector<1xi32>
      %mul3A_1376 = arith.constant 16 : i32
      %mul3A_1377 = arith.muli %scan3A_913, %mul3A_1376 : i32
      %add3A_1378 = arith.constant 12 : i32
      %add3A_1379 = arith.addi %mul3A_1377, %add3A_1378 : i32
      %dma_start3A_1380 = arith.constant 0 : i32
      %dma_start3A_1381 = tpu.memref_slice %arg11[%add3A_1379, %dma_start3A_1380] : memref<256x32xf32, #tpu.memory_space<vmem>> -> memref<1x32xf32, #tpu.memory_space<vmem>>
      %dma_start3A_1382 = tpu.memref_squeeze %dma_start3A_1381 : memref<1x32xf32, #tpu.memory_space<vmem>> -> memref<32xf32, #tpu.memory_space<vmem>>
      %dma_start3A_1383 = arith.constant 0 : i32
      %dma_start3A_1384 = tpu.memref_slice %arg5[%squeeze3A_1375, %dma_start3A_1383] : memref<100000x32xf32, #tpu.memory_space<hbm>> -> memref<1x32xf32, #tpu.memory_space<hbm>>
      %dma_start3A_1385 = tpu.memref_squeeze %dma_start3A_1384 : memref<1x32xf32, #tpu.memory_space<hbm>> -> memref<32xf32, #tpu.memory_space<hbm>>
      %dma_start3A_1386 = arith.constant 0 : i32
      %dma_start3A_1387 = tpu.memref_slice %arg11[%add3A_1379, %dma_start3A_1386] : memref<256x32xf32, #tpu.memory_space<vmem>> -> memref<1x32xf32, #tpu.memory_space<vmem>>
      %dma_start3A_1388 = tpu.memref_squeeze %dma_start3A_1387 : memref<1x32xf32, #tpu.memory_space<vmem>> -> memref<32xf32, #tpu.memory_space<vmem>>
      %dma_start3A_1389 = arith.constant 0 : i32
      %dma_start3A_1390 = tpu.memref_slice %arg5[%squeeze3A_1375, %dma_start3A_1389] : memref<100000x32xf32, #tpu.memory_space<hbm>> -> memref<1x32xf32, #tpu.memory_space<hbm>>
      %dma_start3A_1391 = tpu.memref_squeeze %dma_start3A_1390 : memref<1x32xf32, #tpu.memory_space<hbm>> -> memref<32xf32, #tpu.memory_space<hbm>>
      tpu.enqueue_dma source(%dma_start3A_1391 : memref<32xf32, #tpu.memory_space<hbm>>) target(%dma_start3A_1388 : memref<32xf32, #tpu.memory_space<vmem>>) target_semaphore(%arg12 : memref<!tpu.dma_semaphore, #tpu.memory_space<semaphore_mem>>)
      %slice3A_1392 = vector.extract_strided_slice %get3A_919 {offsets = [13], sizes = [1], strides = [1]} : vector<16xi32> to vector<1xi32>
      %squeeze3A_1393 = vector.extract %slice3A_1392[0] : i32 from vector<1xi32>
      %mul3A_1394 = arith.constant 16 : i32
      %mul3A_1395 = arith.muli %scan3A_913, %mul3A_1394 : i32
      %add3A_1396 = arith.constant 13 : i32
      %add3A_1397 = arith.addi %mul3A_1395, %add3A_1396 : i32
      %dma_start3A_1398 = arith.constant 0 : i32
      %dma_start3A_1399 = tpu.memref_slice %arg10[%add3A_1397, %dma_start3A_1398] : memref<256x32xf32, #tpu.memory_space<vmem>> -> memref<1x32xf32, #tpu.memory_space<vmem>>
      %dma_start3A_1400 = tpu.memref_squeeze %dma_start3A_1399 : memref<1x32xf32, #tpu.memory_space<vmem>> -> memref<32xf32, #tpu.memory_space<vmem>>
      %dma_start3A_1401 = arith.constant 0 : i32
      %dma_start3A_1402 = tpu.memref_slice %arg4[%squeeze3A_1393, %dma_start3A_1401] : memref<1000000x32xf32, #tpu.memory_space<hbm>> -> memref<1x32xf32, #tpu.memory_space<hbm>>
      %dma_start3A_1403 = tpu.memref_squeeze %dma_start3A_1402 : memref<1x32xf32, #tpu.memory_space<hbm>> -> memref<32xf32, #tpu.memory_space<hbm>>
      %dma_start3A_1404 = arith.constant 0 : i32
      %dma_start3A_1405 = tpu.memref_slice %arg10[%add3A_1397, %dma_start3A_1404] : memref<256x32xf32, #tpu.memory_space<vmem>> -> memref<1x32xf32, #tpu.memory_space<vmem>>
      %dma_start3A_1406 = tpu.memref_squeeze %dma_start3A_1405 : memref<1x32xf32, #tpu.memory_space<vmem>> -> memref<32xf32, #tpu.memory_space<vmem>>
      %dma_start3A_1407 = arith.constant 0 : i32
      %dma_start3A_1408 = tpu.memref_slice %arg4[%squeeze3A_1393, %dma_start3A_1407] : memref<1000000x32xf32, #tpu.memory_space<hbm>> -> memref<1x32xf32, #tpu.memory_space<hbm>>
      %dma_start3A_1409 = tpu.memref_squeeze %dma_start3A_1408 : memref<1x32xf32, #tpu.memory_space<hbm>> -> memref<32xf32, #tpu.memory_space<hbm>>
      tpu.enqueue_dma source(%dma_start3A_1409 : memref<32xf32, #tpu.memory_space<hbm>>) target(%dma_start3A_1406 : memref<32xf32, #tpu.memory_space<vmem>>) target_semaphore(%arg12 : memref<!tpu.dma_semaphore, #tpu.memory_space<semaphore_mem>>)
      %slice3A_1410 = vector.extract_strided_slice %get3A_926 {offsets = [13], sizes = [1], strides = [1]} : vector<16xi32> to vector<1xi32>
      %squeeze3A_1411 = vector.extract %slice3A_1410[0] : i32 from vector<1xi32>
      %mul3A_1412 = arith.constant 16 : i32
      %mul3A_1413 = arith.muli %scan3A_913, %mul3A_1412 : i32
      %add3A_1414 = arith.constant 13 : i32
      %add3A_1415 = arith.addi %mul3A_1413, %add3A_1414 : i32
      %dma_start3A_1416 = arith.constant 0 : i32
      %dma_start3A_1417 = tpu.memref_slice %arg11[%add3A_1415, %dma_start3A_1416] : memref<256x32xf32, #tpu.memory_space<vmem>> -> memref<1x32xf32, #tpu.memory_space<vmem>>
      %dma_start3A_1418 = tpu.memref_squeeze %dma_start3A_1417 : memref<1x32xf32, #tpu.memory_space<vmem>> -> memref<32xf32, #tpu.memory_space<vmem>>
      %dma_start3A_1419 = arith.constant 0 : i32
      %dma_start3A_1420 = tpu.memref_slice %arg5[%squeeze3A_1411, %dma_start3A_1419] : memref<100000x32xf32, #tpu.memory_space<hbm>> -> memref<1x32xf32, #tpu.memory_space<hbm>>
      %dma_start3A_1421 = tpu.memref_squeeze %dma_start3A_1420 : memref<1x32xf32, #tpu.memory_space<hbm>> -> memref<32xf32, #tpu.memory_space<hbm>>
      %dma_start3A_1422 = arith.constant 0 : i32
      %dma_start3A_1423 = tpu.memref_slice %arg11[%add3A_1415, %dma_start3A_1422] : memref<256x32xf32, #tpu.memory_space<vmem>> -> memref<1x32xf32, #tpu.memory_space<vmem>>
      %dma_start3A_1424 = tpu.memref_squeeze %dma_start3A_1423 : memref<1x32xf32, #tpu.memory_space<vmem>> -> memref<32xf32, #tpu.memory_space<vmem>>
      %dma_start3A_1425 = arith.constant 0 : i32
      %dma_start3A_1426 = tpu.memref_slice %arg5[%squeeze3A_1411, %dma_start3A_1425] : memref<100000x32xf32, #tpu.memory_space<hbm>> -> memref<1x32xf32, #tpu.memory_space<hbm>>
      %dma_start3A_1427 = tpu.memref_squeeze %dma_start3A_1426 : memref<1x32xf32, #tpu.memory_space<hbm>> -> memref<32xf32, #tpu.memory_space<hbm>>
      tpu.enqueue_dma source(%dma_start3A_1427 : memref<32xf32, #tpu.memory_space<hbm>>) target(%dma_start3A_1424 : memref<32xf32, #tpu.memory_space<vmem>>) target_semaphore(%arg12 : memref<!tpu.dma_semaphore, #tpu.memory_space<semaphore_mem>>)
      %slice3A_1428 = vector.extract_strided_slice %get3A_919 {offsets = [14], sizes = [1], strides = [1]} : vector<16xi32> to vector<1xi32>
      %squeeze3A_1429 = vector.extract %slice3A_1428[0] : i32 from vector<1xi32>
      %mul3A_1430 = arith.constant 16 : i32
      %mul3A_1431 = arith.muli %scan3A_913, %mul3A_1430 : i32
      %add3A_1432 = arith.constant 14 : i32
      %add3A_1433 = arith.addi %mul3A_1431, %add3A_1432 : i32
      %dma_start3A_1434 = arith.constant 0 : i32
      %dma_start3A_1435 = tpu.memref_slice %arg10[%add3A_1433, %dma_start3A_1434] : memref<256x32xf32, #tpu.memory_space<vmem>> -> memref<1x32xf32, #tpu.memory_space<vmem>>
      %dma_start3A_1436 = tpu.memref_squeeze %dma_start3A_1435 : memref<1x32xf32, #tpu.memory_space<vmem>> -> memref<32xf32, #tpu.memory_space<vmem>>
      %dma_start3A_1437 = arith.constant 0 : i32
      %dma_start3A_1438 = tpu.memref_slice %arg4[%squeeze3A_1429, %dma_start3A_1437] : memref<1000000x32xf32, #tpu.memory_space<hbm>> -> memref<1x32xf32, #tpu.memory_space<hbm>>
      %dma_start3A_1439 = tpu.memref_squeeze %dma_start3A_1438 : memref<1x32xf32, #tpu.memory_space<hbm>> -> memref<32xf32, #tpu.memory_space<hbm>>
      %dma_start3A_1440 = arith.constant 0 : i32
      %dma_start3A_1441 = tpu.memref_slice %arg10[%add3A_1433, %dma_start3A_1440] : memref<256x32xf32, #tpu.memory_space<vmem>> -> memref<1x32xf32, #tpu.memory_space<vmem>>
      %dma_start3A_1442 = tpu.memref_squeeze %dma_start3A_1441 : memref<1x32xf32, #tpu.memory_space<vmem>> -> memref<32xf32, #tpu.memory_space<vmem>>
      %dma_start3A_1443 = arith.constant 0 : i32
      %dma_start3A_1444 = tpu.memref_slice %arg4[%squeeze3A_1429, %dma_start3A_1443] : memref<1000000x32xf32, #tpu.memory_space<hbm>> -> memref<1x32xf32, #tpu.memory_space<hbm>>
      %dma_start3A_1445 = tpu.memref_squeeze %dma_start3A_1444 : memref<1x32xf32, #tpu.memory_space<hbm>> -> memref<32xf32, #tpu.memory_space<hbm>>
      tpu.enqueue_dma source(%dma_start3A_1445 : memref<32xf32, #tpu.memory_space<hbm>>) target(%dma_start3A_1442 : memref<32xf32, #tpu.memory_space<vmem>>) target_semaphore(%arg12 : memref<!tpu.dma_semaphore, #tpu.memory_space<semaphore_mem>>)
      %slice3A_1446 = vector.extract_strided_slice %get3A_926 {offsets = [14], sizes = [1], strides = [1]} : vector<16xi32> to vector<1xi32>
      %squeeze3A_1447 = vector.extract %slice3A_1446[0] : i32 from vector<1xi32>
      %mul3A_1448 = arith.constant 16 : i32
      %mul3A_1449 = arith.muli %scan3A_913, %mul3A_1448 : i32
      %add3A_1450 = arith.constant 14 : i32
      %add3A_1451 = arith.addi %mul3A_1449, %add3A_1450 : i32
      %dma_start3A_1452 = arith.constant 0 : i32
      %dma_start3A_1453 = tpu.memref_slice %arg11[%add3A_1451, %dma_start3A_1452] : memref<256x32xf32, #tpu.memory_space<vmem>> -> memref<1x32xf32, #tpu.memory_space<vmem>>
      %dma_start3A_1454 = tpu.memref_squeeze %dma_start3A_1453 : memref<1x32xf32, #tpu.memory_space<vmem>> -> memref<32xf32, #tpu.memory_space<vmem>>
      %dma_start3A_1455 = arith.constant 0 : i32
      %dma_start3A_1456 = tpu.memref_slice %arg5[%squeeze3A_1447, %dma_start3A_1455] : memref<100000x32xf32, #tpu.memory_space<hbm>> -> memref<1x32xf32, #tpu.memory_space<hbm>>
      %dma_start3A_1457 = tpu.memref_squeeze %dma_start3A_1456 : memref<1x32xf32, #tpu.memory_space<hbm>> -> memref<32xf32, #tpu.memory_space<hbm>>
      %dma_start3A_1458 = arith.constant 0 : i32
      %dma_start3A_1459 = tpu.memref_slice %arg11[%add3A_1451, %dma_start3A_1458] : memref<256x32xf32, #tpu.memory_space<vmem>> -> memref<1x32xf32, #tpu.memory_space<vmem>>
      %dma_start3A_1460 = tpu.memref_squeeze %dma_start3A_1459 : memref<1x32xf32, #tpu.memory_space<vmem>> -> memref<32xf32, #tpu.memory_space<vmem>>
      %dma_start3A_1461 = arith.constant 0 : i32
      %dma_start3A_1462 = tpu.memref_slice %arg5[%squeeze3A_1447, %dma_start3A_1461] : memref<100000x32xf32, #tpu.memory_space<hbm>> -> memref<1x32xf32, #tpu.memory_space<hbm>>
      %dma_start3A_1463 = tpu.memref_squeeze %dma_start3A_1462 : memref<1x32xf32, #tpu.memory_space<hbm>> -> memref<32xf32, #tpu.memory_space<hbm>>
      tpu.enqueue_dma source(%dma_start3A_1463 : memref<32xf32, #tpu.memory_space<hbm>>) target(%dma_start3A_1460 : memref<32xf32, #tpu.memory_space<vmem>>) target_semaphore(%arg12 : memref<!tpu.dma_semaphore, #tpu.memory_space<semaphore_mem>>)
      %slice3A_1464 = vector.extract_strided_slice %get3A_919 {offsets = [15], sizes = [1], strides = [1]} : vector<16xi32> to vector<1xi32>
      %squeeze3A_1465 = vector.extract %slice3A_1464[0] : i32 from vector<1xi32>
      %mul3A_1466 = arith.constant 16 : i32
      %mul3A_1467 = arith.muli %scan3A_913, %mul3A_1466 : i32
      %add3A_1468 = arith.constant 15 : i32
      %add3A_1469 = arith.addi %mul3A_1467, %add3A_1468 : i32
      %dma_start3A_1470 = arith.constant 0 : i32
      %dma_start3A_1471 = tpu.memref_slice %arg10[%add3A_1469, %dma_start3A_1470] : memref<256x32xf32, #tpu.memory_space<vmem>> -> memref<1x32xf32, #tpu.memory_space<vmem>>
      %dma_start3A_1472 = tpu.memref_squeeze %dma_start3A_1471 : memref<1x32xf32, #tpu.memory_space<vmem>> -> memref<32xf32, #tpu.memory_space<vmem>>
      %dma_start3A_1473 = arith.constant 0 : i32
      %dma_start3A_1474 = tpu.memref_slice %arg4[%squeeze3A_1465, %dma_start3A_1473] : memref<1000000x32xf32, #tpu.memory_space<hbm>> -> memref<1x32xf32, #tpu.memory_space<hbm>>
      %dma_start3A_1475 = tpu.memref_squeeze %dma_start3A_1474 : memref<1x32xf32, #tpu.memory_space<hbm>> -> memref<32xf32, #tpu.memory_space<hbm>>
      %dma_start3A_1476 = arith.constant 0 : i32
      %dma_start3A_1477 = tpu.memref_slice %arg10[%add3A_1469, %dma_start3A_1476] : memref<256x32xf32, #tpu.memory_space<vmem>> -> memref<1x32xf32, #tpu.memory_space<vmem>>
      %dma_start3A_1478 = tpu.memref_squeeze %dma_start3A_1477 : memref<1x32xf32, #tpu.memory_space<vmem>> -> memref<32xf32, #tpu.memory_space<vmem>>
      %dma_start3A_1479 = arith.constant 0 : i32
      %dma_start3A_1480 = tpu.memref_slice %arg4[%squeeze3A_1465, %dma_start3A_1479] : memref<1000000x32xf32, #tpu.memory_space<hbm>> -> memref<1x32xf32, #tpu.memory_space<hbm>>
      %dma_start3A_1481 = tpu.memref_squeeze %dma_start3A_1480 : memref<1x32xf32, #tpu.memory_space<hbm>> -> memref<32xf32, #tpu.memory_space<hbm>>
      tpu.enqueue_dma source(%dma_start3A_1481 : memref<32xf32, #tpu.memory_space<hbm>>) target(%dma_start3A_1478 : memref<32xf32, #tpu.memory_space<vmem>>) target_semaphore(%arg12 : memref<!tpu.dma_semaphore, #tpu.memory_space<semaphore_mem>>)
      %slice3A_1482 = vector.extract_strided_slice %get3A_926 {offsets = [15], sizes = [1], strides = [1]} : vector<16xi32> to vector<1xi32>
      %squeeze3A_1483 = vector.extract %slice3A_1482[0] : i32 from vector<1xi32>
      %mul3A_1484 = arith.constant 16 : i32
      %mul3A_1485 = arith.muli %scan3A_913, %mul3A_1484 : i32
      %add3A_1486 = arith.constant 15 : i32
      %add3A_1487 = arith.addi %mul3A_1485, %add3A_1486 : i32
      %dma_start3A_1488 = arith.constant 0 : i32
      %dma_start3A_1489 = tpu.memref_slice %arg11[%add3A_1487, %dma_start3A_1488] : memref<256x32xf32, #tpu.memory_space<vmem>> -> memref<1x32xf32, #tpu.memory_space<vmem>>
      %dma_start3A_1490 = tpu.memref_squeeze %dma_start3A_1489 : memref<1x32xf32, #tpu.memory_space<vmem>> -> memref<32xf32, #tpu.memory_space<vmem>>
      %dma_start3A_1491 = arith.constant 0 : i32
      %dma_start3A_1492 = tpu.memref_slice %arg5[%squeeze3A_1483, %dma_start3A_1491] : memref<100000x32xf32, #tpu.memory_space<hbm>> -> memref<1x32xf32, #tpu.memory_space<hbm>>
      %dma_start3A_1493 = tpu.memref_squeeze %dma_start3A_1492 : memref<1x32xf32, #tpu.memory_space<hbm>> -> memref<32xf32, #tpu.memory_space<hbm>>
      %dma_start3A_1494 = arith.constant 0 : i32
      %dma_start3A_1495 = tpu.memref_slice %arg11[%add3A_1487, %dma_start3A_1494] : memref<256x32xf32, #tpu.memory_space<vmem>> -> memref<1x32xf32, #tpu.memory_space<vmem>>
      %dma_start3A_1496 = tpu.memref_squeeze %dma_start3A_1495 : memref<1x32xf32, #tpu.memory_space<vmem>> -> memref<32xf32, #tpu.memory_space<vmem>>
      %dma_start3A_1497 = arith.constant 0 : i32
      %dma_start3A_1498 = tpu.memref_slice %arg5[%squeeze3A_1483, %dma_start3A_1497] : memref<100000x32xf32, #tpu.memory_space<hbm>> -> memref<1x32xf32, #tpu.memory_space<hbm>>
      %dma_start3A_1499 = tpu.memref_squeeze %dma_start3A_1498 : memref<1x32xf32, #tpu.memory_space<hbm>> -> memref<32xf32, #tpu.memory_space<hbm>>
      tpu.enqueue_dma source(%dma_start3A_1499 : memref<32xf32, #tpu.memory_space<hbm>>) target(%dma_start3A_1496 : memref<32xf32, #tpu.memory_space<vmem>>) target_semaphore(%arg12 : memref<!tpu.dma_semaphore, #tpu.memory_space<semaphore_mem>>)
      %ge3A = arith.constant 1 : i32
      %ge3A_1500 = arith.cmpi sge, %scan3A_913, %ge3A : i32
      %convert_element_type3A = arith.extui %ge3A_1500 : i1 to i32
      %cond3A = arith.constant 0 : i32
      %cond3A_1501 = arith.cmpi ne, %convert_element_type3A, %cond3A : i32
      scf.if %cond3A_1501 {
        %dma_wait3A_1502 = arith.constant 0 : i32
        %dma_wait3A_1503 = arith.constant 0 : i32
        %dma_wait3A_1504 = arith.constant 0 : i32
        %dma_wait3A_1505 = tpu.memref_slice %arg10[%dma_wait3A_1503, %dma_wait3A_1504] : memref<256x32xf32, #tpu.memory_space<vmem>> -> memref<1x32xf32, #tpu.memory_space<vmem>>
        %dma_wait3A_1506 = tpu.memref_squeeze %dma_wait3A_1505 : memref<1x32xf32, #tpu.memory_space<vmem>> -> memref<32xf32, #tpu.memory_space<vmem>>
        %dma_wait3A_1507 = arith.constant 0 : i32
        %dma_wait3A_1508 = tpu.memref_slice %arg4[%dma_wait3A_1502, %dma_wait3A_1507] : memref<1000000x32xf32, #tpu.memory_space<hbm>> -> memref<1x32xf32, #tpu.memory_space<hbm>>
        %dma_wait3A_1509 = tpu.memref_squeeze %dma_wait3A_1508 : memref<1x32xf32, #tpu.memory_space<hbm>> -> memref<32xf32, #tpu.memory_space<hbm>>
        %dma_wait3A_1510 = arith.constant 0 : i32
        %dma_wait3A_1511 = tpu.memref_slice %arg10[%dma_wait3A_1503, %dma_wait3A_1510] : memref<256x32xf32, #tpu.memory_space<vmem>> -> memref<1x32xf32, #tpu.memory_space<vmem>>
        %dma_wait3A_1512 = tpu.memref_squeeze %dma_wait3A_1511 : memref<1x32xf32, #tpu.memory_space<vmem>> -> memref<32xf32, #tpu.memory_space<vmem>>
        %dma_wait3A_1513 = arith.constant 0 : i32
        %dma_wait3A_1514 = tpu.memref_slice %arg4[%dma_wait3A_1502, %dma_wait3A_1513] : memref<1000000x32xf32, #tpu.memory_space<hbm>> -> memref<1x32xf32, #tpu.memory_space<hbm>>
        %dma_wait3A_1515 = tpu.memref_squeeze %dma_wait3A_1514 : memref<1x32xf32, #tpu.memory_space<hbm>> -> memref<32xf32, #tpu.memory_space<hbm>>
        tpu.wait_dma2 semaphore(%arg12 : memref<!tpu.dma_semaphore, #tpu.memory_space<semaphore_mem>>) src(%dma_wait3A_1515 : memref<32xf32, #tpu.memory_space<hbm>>) dst(%dma_wait3A_1512 : memref<32xf32, #tpu.memory_space<vmem>>)
        %dma_wait3A_1516 = arith.constant 0 : i32
        %dma_wait3A_1517 = arith.constant 0 : i32
        %dma_wait3A_1518 = arith.constant 0 : i32
        %dma_wait3A_1519 = tpu.memref_slice %arg11[%dma_wait3A_1517, %dma_wait3A_1518] : memref<256x32xf32, #tpu.memory_space<vmem>> -> memref<1x32xf32, #tpu.memory_space<vmem>>
        %dma_wait3A_1520 = tpu.memref_squeeze %dma_wait3A_1519 : memref<1x32xf32, #tpu.memory_space<vmem>> -> memref<32xf32, #tpu.memory_space<vmem>>
        %dma_wait3A_1521 = arith.constant 0 : i32
        %dma_wait3A_1522 = tpu.memref_slice %arg5[%dma_wait3A_1516, %dma_wait3A_1521] : memref<100000x32xf32, #tpu.memory_space<hbm>> -> memref<1x32xf32, #tpu.memory_space<hbm>>
        %dma_wait3A_1523 = tpu.memref_squeeze %dma_wait3A_1522 : memref<1x32xf32, #tpu.memory_space<hbm>> -> memref<32xf32, #tpu.memory_space<hbm>>
        %dma_wait3A_1524 = arith.constant 0 : i32
        %dma_wait3A_1525 = tpu.memref_slice %arg11[%dma_wait3A_1517, %dma_wait3A_1524] : memref<256x32xf32, #tpu.memory_space<vmem>> -> memref<1x32xf32, #tpu.memory_space<vmem>>
        %dma_wait3A_1526 = tpu.memref_squeeze %dma_wait3A_1525 : memref<1x32xf32, #tpu.memory_space<vmem>> -> memref<32xf32, #tpu.memory_space<vmem>>
        %dma_wait3A_1527 = arith.constant 0 : i32
        %dma_wait3A_1528 = tpu.memref_slice %arg5[%dma_wait3A_1516, %dma_wait3A_1527] : memref<100000x32xf32, #tpu.memory_space<hbm>> -> memref<1x32xf32, #tpu.memory_space<hbm>>
        %dma_wait3A_1529 = tpu.memref_squeeze %dma_wait3A_1528 : memref<1x32xf32, #tpu.memory_space<hbm>> -> memref<32xf32, #tpu.memory_space<hbm>>
        tpu.wait_dma2 semaphore(%arg12 : memref<!tpu.dma_semaphore, #tpu.memory_space<semaphore_mem>>) src(%dma_wait3A_1529 : memref<32xf32, #tpu.memory_space<hbm>>) dst(%dma_wait3A_1526 : memref<32xf32, #tpu.memory_space<vmem>>)
        %dma_wait3A_1530 = arith.constant 0 : i32
        %dma_wait3A_1531 = arith.constant 0 : i32
        %dma_wait3A_1532 = arith.constant 0 : i32
        %dma_wait3A_1533 = tpu.memref_slice %arg10[%dma_wait3A_1531, %dma_wait3A_1532] : memref<256x32xf32, #tpu.memory_space<vmem>> -> memref<1x32xf32, #tpu.memory_space<vmem>>
        %dma_wait3A_1534 = tpu.memref_squeeze %dma_wait3A_1533 : memref<1x32xf32, #tpu.memory_space<vmem>> -> memref<32xf32, #tpu.memory_space<vmem>>
        %dma_wait3A_1535 = arith.constant 0 : i32
        %dma_wait3A_1536 = tpu.memref_slice %arg4[%dma_wait3A_1530, %dma_wait3A_1535] : memref<1000000x32xf32, #tpu.memory_space<hbm>> -> memref<1x32xf32, #tpu.memory_space<hbm>>
        %dma_wait3A_1537 = tpu.memref_squeeze %dma_wait3A_1536 : memref<1x32xf32, #tpu.memory_space<hbm>> -> memref<32xf32, #tpu.memory_space<hbm>>
        %dma_wait3A_1538 = arith.constant 0 : i32
        %dma_wait3A_1539 = tpu.memref_slice %arg10[%dma_wait3A_1531, %dma_wait3A_1538] : memref<256x32xf32, #tpu.memory_space<vmem>> -> memref<1x32xf32, #tpu.memory_space<vmem>>
        %dma_wait3A_1540 = tpu.memref_squeeze %dma_wait3A_1539 : memref<1x32xf32, #tpu.memory_space<vmem>> -> memref<32xf32, #tpu.memory_space<vmem>>
        %dma_wait3A_1541 = arith.constant 0 : i32
        %dma_wait3A_1542 = tpu.memref_slice %arg4[%dma_wait3A_1530, %dma_wait3A_1541] : memref<1000000x32xf32, #tpu.memory_space<hbm>> -> memref<1x32xf32, #tpu.memory_space<hbm>>
        %dma_wait3A_1543 = tpu.memref_squeeze %dma_wait3A_1542 : memref<1x32xf32, #tpu.memory_space<hbm>> -> memref<32xf32, #tpu.memory_space<hbm>>
        tpu.wait_dma2 semaphore(%arg12 : memref<!tpu.dma_semaphore, #tpu.memory_space<semaphore_mem>>) src(%dma_wait3A_1543 : memref<32xf32, #tpu.memory_space<hbm>>) dst(%dma_wait3A_1540 : memref<32xf32, #tpu.memory_space<vmem>>)
        %dma_wait3A_1544 = arith.constant 0 : i32
        %dma_wait3A_1545 = arith.constant 0 : i32
        %dma_wait3A_1546 = arith.constant 0 : i32
        %dma_wait3A_1547 = tpu.memref_slice %arg11[%dma_wait3A_1545, %dma_wait3A_1546] : memref<256x32xf32, #tpu.memory_space<vmem>> -> memref<1x32xf32, #tpu.memory_space<vmem>>
        %dma_wait3A_1548 = tpu.memref_squeeze %dma_wait3A_1547 : memref<1x32xf32, #tpu.memory_space<vmem>> -> memref<32xf32, #tpu.memory_space<vmem>>
        %dma_wait3A_1549 = arith.constant 0 : i32
        %dma_wait3A_1550 = tpu.memref_slice %arg5[%dma_wait3A_1544, %dma_wait3A_1549] : memref<100000x32xf32, #tpu.memory_space<hbm>> -> memref<1x32xf32, #tpu.memory_space<hbm>>
        %dma_wait3A_1551 = tpu.memref_squeeze %dma_wait3A_1550 : memref<1x32xf32, #tpu.memory_space<hbm>> -> memref<32xf32, #tpu.memory_space<hbm>>
        %dma_wait3A_1552 = arith.constant 0 : i32
        %dma_wait3A_1553 = tpu.memref_slice %arg11[%dma_wait3A_1545, %dma_wait3A_1552] : memref<256x32xf32, #tpu.memory_space<vmem>> -> memref<1x32xf32, #tpu.memory_space<vmem>>
        %dma_wait3A_1554 = tpu.memref_squeeze %dma_wait3A_1553 : memref<1x32xf32, #tpu.memory_space<vmem>> -> memref<32xf32, #tpu.memory_space<vmem>>
        %dma_wait3A_1555 = arith.constant 0 : i32
        %dma_wait3A_1556 = tpu.memref_slice %arg5[%dma_wait3A_1544, %dma_wait3A_1555] : memref<100000x32xf32, #tpu.memory_space<hbm>> -> memref<1x32xf32, #tpu.memory_space<hbm>>
        %dma_wait3A_1557 = tpu.memref_squeeze %dma_wait3A_1556 : memref<1x32xf32, #tpu.memory_space<hbm>> -> memref<32xf32, #tpu.memory_space<hbm>>
        tpu.wait_dma2 semaphore(%arg12 : memref<!tpu.dma_semaphore, #tpu.memory_space<semaphore_mem>>) src(%dma_wait3A_1557 : memref<32xf32, #tpu.memory_space<hbm>>) dst(%dma_wait3A_1554 : memref<32xf32, #tpu.memory_space<vmem>>)
        %dma_wait3A_1558 = arith.constant 0 : i32
        %dma_wait3A_1559 = arith.constant 0 : i32
        %dma_wait3A_1560 = arith.constant 0 : i32
        %dma_wait3A_1561 = tpu.memref_slice %arg10[%dma_wait3A_1559, %dma_wait3A_1560] : memref<256x32xf32, #tpu.memory_space<vmem>> -> memref<1x32xf32, #tpu.memory_space<vmem>>
        %dma_wait3A_1562 = tpu.memref_squeeze %dma_wait3A_1561 : memref<1x32xf32, #tpu.memory_space<vmem>> -> memref<32xf32, #tpu.memory_space<vmem>>
        %dma_wait3A_1563 = arith.constant 0 : i32
        %dma_wait3A_1564 = tpu.memref_slice %arg4[%dma_wait3A_1558, %dma_wait3A_1563] : memref<1000000x32xf32, #tpu.memory_space<hbm>> -> memref<1x32xf32, #tpu.memory_space<hbm>>
        %dma_wait3A_1565 = tpu.memref_squeeze %dma_wait3A_1564 : memref<1x32xf32, #tpu.memory_space<hbm>> -> memref<32xf32, #tpu.memory_space<hbm>>
        %dma_wait3A_1566 = arith.constant 0 : i32
        %dma_wait3A_1567 = tpu.memref_slice %arg10[%dma_wait3A_1559, %dma_wait3A_1566] : memref<256x32xf32, #tpu.memory_space<vmem>> -> memref<1x32xf32, #tpu.memory_space<vmem>>
        %dma_wait3A_1568 = tpu.memref_squeeze %dma_wait3A_1567 : memref<1x32xf32, #tpu.memory_space<vmem>> -> memref<32xf32, #tpu.memory_space<vmem>>
        %dma_wait3A_1569 = arith.constant 0 : i32
        %dma_wait3A_1570 = tpu.memref_slice %arg4[%dma_wait3A_1558, %dma_wait3A_1569] : memref<1000000x32xf32, #tpu.memory_space<hbm>> -> memref<1x32xf32, #tpu.memory_space<hbm>>
        %dma_wait3A_1571 = tpu.memref_squeeze %dma_wait3A_1570 : memref<1x32xf32, #tpu.memory_space<hbm>> -> memref<32xf32, #tpu.memory_space<hbm>>
        tpu.wait_dma2 semaphore(%arg12 : memref<!tpu.dma_semaphore, #tpu.memory_space<semaphore_mem>>) src(%dma_wait3A_1571 : memref<32xf32, #tpu.memory_space<hbm>>) dst(%dma_wait3A_1568 : memref<32xf32, #tpu.memory_space<vmem>>)
        %dma_wait3A_1572 = arith.constant 0 : i32
        %dma_wait3A_1573 = arith.constant 0 : i32
        %dma_wait3A_1574 = arith.constant 0 : i32
        %dma_wait3A_1575 = tpu.memref_slice %arg11[%dma_wait3A_1573, %dma_wait3A_1574] : memref<256x32xf32, #tpu.memory_space<vmem>> -> memref<1x32xf32, #tpu.memory_space<vmem>>
        %dma_wait3A_1576 = tpu.memref_squeeze %dma_wait3A_1575 : memref<1x32xf32, #tpu.memory_space<vmem>> -> memref<32xf32, #tpu.memory_space<vmem>>
        %dma_wait3A_1577 = arith.constant 0 : i32
        %dma_wait3A_1578 = tpu.memref_slice %arg5[%dma_wait3A_1572, %dma_wait3A_1577] : memref<100000x32xf32, #tpu.memory_space<hbm>> -> memref<1x32xf32, #tpu.memory_space<hbm>>
        %dma_wait3A_1579 = tpu.memref_squeeze %dma_wait3A_1578 : memref<1x32xf32, #tpu.memory_space<hbm>> -> memref<32xf32, #tpu.memory_space<hbm>>
        %dma_wait3A_1580 = arith.constant 0 : i32
        %dma_wait3A_1581 = tpu.memref_slice %arg11[%dma_wait3A_1573, %dma_wait3A_1580] : memref<256x32xf32, #tpu.memory_space<vmem>> -> memref<1x32xf32, #tpu.memory_space<vmem>>
        %dma_wait3A_1582 = tpu.memref_squeeze %dma_wait3A_1581 : memref<1x32xf32, #tpu.memory_space<vmem>> -> memref<32xf32, #tpu.memory_space<vmem>>
        %dma_wait3A_1583 = arith.constant 0 : i32
        %dma_wait3A_1584 = tpu.memref_slice %arg5[%dma_wait3A_1572, %dma_wait3A_1583] : memref<100000x32xf32, #tpu.memory_space<hbm>> -> memref<1x32xf32, #tpu.memory_space<hbm>>
        %dma_wait3A_1585 = tpu.memref_squeeze %dma_wait3A_1584 : memref<1x32xf32, #tpu.memory_space<hbm>> -> memref<32xf32, #tpu.memory_space<hbm>>
        tpu.wait_dma2 semaphore(%arg12 : memref<!tpu.dma_semaphore, #tpu.memory_space<semaphore_mem>>) src(%dma_wait3A_1585 : memref<32xf32, #tpu.memory_space<hbm>>) dst(%dma_wait3A_1582 : memref<32xf32, #tpu.memory_space<vmem>>)
        %dma_wait3A_1586 = arith.constant 0 : i32
        %dma_wait3A_1587 = arith.constant 0 : i32
        %dma_wait3A_1588 = arith.constant 0 : i32
        %dma_wait3A_1589 = tpu.memref_slice %arg10[%dma_wait3A_1587, %dma_wait3A_1588] : memref<256x32xf32, #tpu.memory_space<vmem>> -> memref<1x32xf32, #tpu.memory_space<vmem>>
        %dma_wait3A_1590 = tpu.memref_squeeze %dma_wait3A_1589 : memref<1x32xf32, #tpu.memory_space<vmem>> -> memref<32xf32, #tpu.memory_space<vmem>>
        %dma_wait3A_1591 = arith.constant 0 : i32
        %dma_wait3A_1592 = tpu.memref_slice %arg4[%dma_wait3A_1586, %dma_wait3A_1591] : memref<1000000x32xf32, #tpu.memory_space<hbm>> -> memref<1x32xf32, #tpu.memory_space<hbm>>
        %dma_wait3A_1593 = tpu.memref_squeeze %dma_wait3A_1592 : memref<1x32xf32, #tpu.memory_space<hbm>> -> memref<32xf32, #tpu.memory_space<hbm>>
        %dma_wait3A_1594 = arith.constant 0 : i32
        %dma_wait3A_1595 = tpu.memref_slice %arg10[%dma_wait3A_1587, %dma_wait3A_1594] : memref<256x32xf32, #tpu.memory_space<vmem>> -> memref<1x32xf32, #tpu.memory_space<vmem>>
        %dma_wait3A_1596 = tpu.memref_squeeze %dma_wait3A_1595 : memref<1x32xf32, #tpu.memory_space<vmem>> -> memref<32xf32, #tpu.memory_space<vmem>>
        %dma_wait3A_1597 = arith.constant 0 : i32
        %dma_wait3A_1598 = tpu.memref_slice %arg4[%dma_wait3A_1586, %dma_wait3A_1597] : memref<1000000x32xf32, #tpu.memory_space<hbm>> -> memref<1x32xf32, #tpu.memory_space<hbm>>
        %dma_wait3A_1599 = tpu.memref_squeeze %dma_wait3A_1598 : memref<1x32xf32, #tpu.memory_space<hbm>> -> memref<32xf32, #tpu.memory_space<hbm>>
        tpu.wait_dma2 semaphore(%arg12 : memref<!tpu.dma_semaphore, #tpu.memory_space<semaphore_mem>>) src(%dma_wait3A_1599 : memref<32xf32, #tpu.memory_space<hbm>>) dst(%dma_wait3A_1596 : memref<32xf32, #tpu.memory_space<vmem>>)
        %dma_wait3A_1600 = arith.constant 0 : i32
        %dma_wait3A_1601 = arith.constant 0 : i32
        %dma_wait3A_1602 = arith.constant 0 : i32
        %dma_wait3A_1603 = tpu.memref_slice %arg11[%dma_wait3A_1601, %dma_wait3A_1602] : memref<256x32xf32, #tpu.memory_space<vmem>> -> memref<1x32xf32, #tpu.memory_space<vmem>>
        %dma_wait3A_1604 = tpu.memref_squeeze %dma_wait3A_1603 : memref<1x32xf32, #tpu.memory_space<vmem>> -> memref<32xf32, #tpu.memory_space<vmem>>
        %dma_wait3A_1605 = arith.constant 0 : i32
        %dma_wait3A_1606 = tpu.memref_slice %arg5[%dma_wait3A_1600, %dma_wait3A_1605] : memref<100000x32xf32, #tpu.memory_space<hbm>> -> memref<1x32xf32, #tpu.memory_space<hbm>>
        %dma_wait3A_1607 = tpu.memref_squeeze %dma_wait3A_1606 : memref<1x32xf32, #tpu.memory_space<hbm>> -> memref<32xf32, #tpu.memory_space<hbm>>
        %dma_wait3A_1608 = arith.constant 0 : i32
        %dma_wait3A_1609 = tpu.memref_slice %arg11[%dma_wait3A_1601, %dma_wait3A_1608] : memref<256x32xf32, #tpu.memory_space<vmem>> -> memref<1x32xf32, #tpu.memory_space<vmem>>
        %dma_wait3A_1610 = tpu.memref_squeeze %dma_wait3A_1609 : memref<1x32xf32, #tpu.memory_space<vmem>> -> memref<32xf32, #tpu.memory_space<vmem>>
        %dma_wait3A_1611 = arith.constant 0 : i32
        %dma_wait3A_1612 = tpu.memref_slice %arg5[%dma_wait3A_1600, %dma_wait3A_1611] : memref<100000x32xf32, #tpu.memory_space<hbm>> -> memref<1x32xf32, #tpu.memory_space<hbm>>
        %dma_wait3A_1613 = tpu.memref_squeeze %dma_wait3A_1612 : memref<1x32xf32, #tpu.memory_space<hbm>> -> memref<32xf32, #tpu.memory_space<hbm>>
        tpu.wait_dma2 semaphore(%arg12 : memref<!tpu.dma_semaphore, #tpu.memory_space<semaphore_mem>>) src(%dma_wait3A_1613 : memref<32xf32, #tpu.memory_space<hbm>>) dst(%dma_wait3A_1610 : memref<32xf32, #tpu.memory_space<vmem>>)
        %dma_wait3A_1614 = arith.constant 0 : i32
        %dma_wait3A_1615 = arith.constant 0 : i32
        %dma_wait3A_1616 = arith.constant 0 : i32
        %dma_wait3A_1617 = tpu.memref_slice %arg10[%dma_wait3A_1615, %dma_wait3A_1616] : memref<256x32xf32, #tpu.memory_space<vmem>> -> memref<1x32xf32, #tpu.memory_space<vmem>>
        %dma_wait3A_1618 = tpu.memref_squeeze %dma_wait3A_1617 : memref<1x32xf32, #tpu.memory_space<vmem>> -> memref<32xf32, #tpu.memory_space<vmem>>
        %dma_wait3A_1619 = arith.constant 0 : i32
        %dma_wait3A_1620 = tpu.memref_slice %arg4[%dma_wait3A_1614, %dma_wait3A_1619] : memref<1000000x32xf32, #tpu.memory_space<hbm>> -> memref<1x32xf32, #tpu.memory_space<hbm>>
        %dma_wait3A_1621 = tpu.memref_squeeze %dma_wait3A_1620 : memref<1x32xf32, #tpu.memory_space<hbm>> -> memref<32xf32, #tpu.memory_space<hbm>>
        %dma_wait3A_1622 = arith.constant 0 : i32
        %dma_wait3A_1623 = tpu.memref_slice %arg10[%dma_wait3A_1615, %dma_wait3A_1622] : memref<256x32xf32, #tpu.memory_space<vmem>> -> memref<1x32xf32, #tpu.memory_space<vmem>>
        %dma_wait3A_1624 = tpu.memref_squeeze %dma_wait3A_1623 : memref<1x32xf32, #tpu.memory_space<vmem>> -> memref<32xf32, #tpu.memory_space<vmem>>
        %dma_wait3A_1625 = arith.constant 0 : i32
        %dma_wait3A_1626 = tpu.memref_slice %arg4[%dma_wait3A_1614, %dma_wait3A_1625] : memref<1000000x32xf32, #tpu.memory_space<hbm>> -> memref<1x32xf32, #tpu.memory_space<hbm>>
        %dma_wait3A_1627 = tpu.memref_squeeze %dma_wait3A_1626 : memref<1x32xf32, #tpu.memory_space<hbm>> -> memref<32xf32, #tpu.memory_space<hbm>>
        tpu.wait_dma2 semaphore(%arg12 : memref<!tpu.dma_semaphore, #tpu.memory_space<semaphore_mem>>) src(%dma_wait3A_1627 : memref<32xf32, #tpu.memory_space<hbm>>) dst(%dma_wait3A_1624 : memref<32xf32, #tpu.memory_space<vmem>>)
        %dma_wait3A_1628 = arith.constant 0 : i32
        %dma_wait3A_1629 = arith.constant 0 : i32
        %dma_wait3A_1630 = arith.constant 0 : i32
        %dma_wait3A_1631 = tpu.memref_slice %arg11[%dma_wait3A_1629, %dma_wait3A_1630] : memref<256x32xf32, #tpu.memory_space<vmem>> -> memref<1x32xf32, #tpu.memory_space<vmem>>
        %dma_wait3A_1632 = tpu.memref_squeeze %dma_wait3A_1631 : memref<1x32xf32, #tpu.memory_space<vmem>> -> memref<32xf32, #tpu.memory_space<vmem>>
        %dma_wait3A_1633 = arith.constant 0 : i32
        %dma_wait3A_1634 = tpu.memref_slice %arg5[%dma_wait3A_1628, %dma_wait3A_1633] : memref<100000x32xf32, #tpu.memory_space<hbm>> -> memref<1x32xf32, #tpu.memory_space<hbm>>
        %dma_wait3A_1635 = tpu.memref_squeeze %dma_wait3A_1634 : memref<1x32xf32, #tpu.memory_space<hbm>> -> memref<32xf32, #tpu.memory_space<hbm>>
        %dma_wait3A_1636 = arith.constant 0 : i32
        %dma_wait3A_1637 = tpu.memref_slice %arg11[%dma_wait3A_1629, %dma_wait3A_1636] : memref<256x32xf32, #tpu.memory_space<vmem>> -> memref<1x32xf32, #tpu.memory_space<vmem>>
        %dma_wait3A_1638 = tpu.memref_squeeze %dma_wait3A_1637 : memref<1x32xf32, #tpu.memory_space<vmem>> -> memref<32xf32, #tpu.memory_space<vmem>>
        %dma_wait3A_1639 = arith.constant 0 : i32
        %dma_wait3A_1640 = tpu.memref_slice %arg5[%dma_wait3A_1628, %dma_wait3A_1639] : memref<100000x32xf32, #tpu.memory_space<hbm>> -> memref<1x32xf32, #tpu.memory_space<hbm>>
        %dma_wait3A_1641 = tpu.memref_squeeze %dma_wait3A_1640 : memref<1x32xf32, #tpu.memory_space<hbm>> -> memref<32xf32, #tpu.memory_space<hbm>>
        tpu.wait_dma2 semaphore(%arg12 : memref<!tpu.dma_semaphore, #tpu.memory_space<semaphore_mem>>) src(%dma_wait3A_1641 : memref<32xf32, #tpu.memory_space<hbm>>) dst(%dma_wait3A_1638 : memref<32xf32, #tpu.memory_space<vmem>>)
        %dma_wait3A_1642 = arith.constant 0 : i32
        %dma_wait3A_1643 = arith.constant 0 : i32
        %dma_wait3A_1644 = arith.constant 0 : i32
        %dma_wait3A_1645 = tpu.memref_slice %arg10[%dma_wait3A_1643, %dma_wait3A_1644] : memref<256x32xf32, #tpu.memory_space<vmem>> -> memref<1x32xf32, #tpu.memory_space<vmem>>
        %dma_wait3A_1646 = tpu.memref_squeeze %dma_wait3A_1645 : memref<1x32xf32, #tpu.memory_space<vmem>> -> memref<32xf32, #tpu.memory_space<vmem>>
        %dma_wait3A_1647 = arith.constant 0 : i32
        %dma_wait3A_1648 = tpu.memref_slice %arg4[%dma_wait3A_1642, %dma_wait3A_1647] : memref<1000000x32xf32, #tpu.memory_space<hbm>> -> memref<1x32xf32, #tpu.memory_space<hbm>>
        %dma_wait3A_1649 = tpu.memref_squeeze %dma_wait3A_1648 : memref<1x32xf32, #tpu.memory_space<hbm>> -> memref<32xf32, #tpu.memory_space<hbm>>
        %dma_wait3A_1650 = arith.constant 0 : i32
        %dma_wait3A_1651 = tpu.memref_slice %arg10[%dma_wait3A_1643, %dma_wait3A_1650] : memref<256x32xf32, #tpu.memory_space<vmem>> -> memref<1x32xf32, #tpu.memory_space<vmem>>
        %dma_wait3A_1652 = tpu.memref_squeeze %dma_wait3A_1651 : memref<1x32xf32, #tpu.memory_space<vmem>> -> memref<32xf32, #tpu.memory_space<vmem>>
        %dma_wait3A_1653 = arith.constant 0 : i32
        %dma_wait3A_1654 = tpu.memref_slice %arg4[%dma_wait3A_1642, %dma_wait3A_1653] : memref<1000000x32xf32, #tpu.memory_space<hbm>> -> memref<1x32xf32, #tpu.memory_space<hbm>>
        %dma_wait3A_1655 = tpu.memref_squeeze %dma_wait3A_1654 : memref<1x32xf32, #tpu.memory_space<hbm>> -> memref<32xf32, #tpu.memory_space<hbm>>
        tpu.wait_dma2 semaphore(%arg12 : memref<!tpu.dma_semaphore, #tpu.memory_space<semaphore_mem>>) src(%dma_wait3A_1655 : memref<32xf32, #tpu.memory_space<hbm>>) dst(%dma_wait3A_1652 : memref<32xf32, #tpu.memory_space<vmem>>)
        %dma_wait3A_1656 = arith.constant 0 : i32
        %dma_wait3A_1657 = arith.constant 0 : i32
        %dma_wait3A_1658 = arith.constant 0 : i32
        %dma_wait3A_1659 = tpu.memref_slice %arg11[%dma_wait3A_1657, %dma_wait3A_1658] : memref<256x32xf32, #tpu.memory_space<vmem>> -> memref<1x32xf32, #tpu.memory_space<vmem>>
        %dma_wait3A_1660 = tpu.memref_squeeze %dma_wait3A_1659 : memref<1x32xf32, #tpu.memory_space<vmem>> -> memref<32xf32, #tpu.memory_space<vmem>>
        %dma_wait3A_1661 = arith.constant 0 : i32
        %dma_wait3A_1662 = tpu.memref_slice %arg5[%dma_wait3A_1656, %dma_wait3A_1661] : memref<100000x32xf32, #tpu.memory_space<hbm>> -> memref<1x32xf32, #tpu.memory_space<hbm>>
        %dma_wait3A_1663 = tpu.memref_squeeze %dma_wait3A_1662 : memref<1x32xf32, #tpu.memory_space<hbm>> -> memref<32xf32, #tpu.memory_space<hbm>>
        %dma_wait3A_1664 = arith.constant 0 : i32
        %dma_wait3A_1665 = tpu.memref_slice %arg11[%dma_wait3A_1657, %dma_wait3A_1664] : memref<256x32xf32, #tpu.memory_space<vmem>> -> memref<1x32xf32, #tpu.memory_space<vmem>>
        %dma_wait3A_1666 = tpu.memref_squeeze %dma_wait3A_1665 : memref<1x32xf32, #tpu.memory_space<vmem>> -> memref<32xf32, #tpu.memory_space<vmem>>
        %dma_wait3A_1667 = arith.constant 0 : i32
        %dma_wait3A_1668 = tpu.memref_slice %arg5[%dma_wait3A_1656, %dma_wait3A_1667] : memref<100000x32xf32, #tpu.memory_space<hbm>> -> memref<1x32xf32, #tpu.memory_space<hbm>>
        %dma_wait3A_1669 = tpu.memref_squeeze %dma_wait3A_1668 : memref<1x32xf32, #tpu.memory_space<hbm>> -> memref<32xf32, #tpu.memory_space<hbm>>
        tpu.wait_dma2 semaphore(%arg12 : memref<!tpu.dma_semaphore, #tpu.memory_space<semaphore_mem>>) src(%dma_wait3A_1669 : memref<32xf32, #tpu.memory_space<hbm>>) dst(%dma_wait3A_1666 : memref<32xf32, #tpu.memory_space<vmem>>)
        %dma_wait3A_1670 = arith.constant 0 : i32
        %dma_wait3A_1671 = arith.constant 0 : i32
        %dma_wait3A_1672 = arith.constant 0 : i32
        %dma_wait3A_1673 = tpu.memref_slice %arg10[%dma_wait3A_1671, %dma_wait3A_1672] : memref<256x32xf32, #tpu.memory_space<vmem>> -> memref<1x32xf32, #tpu.memory_space<vmem>>
        %dma_wait3A_1674 = tpu.memref_squeeze %dma_wait3A_1673 : memref<1x32xf32, #tpu.memory_space<vmem>> -> memref<32xf32, #tpu.memory_space<vmem>>
        %dma_wait3A_1675 = arith.constant 0 : i32
        %dma_wait3A_1676 = tpu.memref_slice %arg4[%dma_wait3A_1670, %dma_wait3A_1675] : memref<1000000x32xf32, #tpu.memory_space<hbm>> -> memref<1x32xf32, #tpu.memory_space<hbm>>
        %dma_wait3A_1677 = tpu.memref_squeeze %dma_wait3A_1676 : memref<1x32xf32, #tpu.memory_space<hbm>> -> memref<32xf32, #tpu.memory_space<hbm>>
        %dma_wait3A_1678 = arith.constant 0 : i32
        %dma_wait3A_1679 = tpu.memref_slice %arg10[%dma_wait3A_1671, %dma_wait3A_1678] : memref<256x32xf32, #tpu.memory_space<vmem>> -> memref<1x32xf32, #tpu.memory_space<vmem>>
        %dma_wait3A_1680 = tpu.memref_squeeze %dma_wait3A_1679 : memref<1x32xf32, #tpu.memory_space<vmem>> -> memref<32xf32, #tpu.memory_space<vmem>>
        %dma_wait3A_1681 = arith.constant 0 : i32
        %dma_wait3A_1682 = tpu.memref_slice %arg4[%dma_wait3A_1670, %dma_wait3A_1681] : memref<1000000x32xf32, #tpu.memory_space<hbm>> -> memref<1x32xf32, #tpu.memory_space<hbm>>
        %dma_wait3A_1683 = tpu.memref_squeeze %dma_wait3A_1682 : memref<1x32xf32, #tpu.memory_space<hbm>> -> memref<32xf32, #tpu.memory_space<hbm>>
        tpu.wait_dma2 semaphore(%arg12 : memref<!tpu.dma_semaphore, #tpu.memory_space<semaphore_mem>>) src(%dma_wait3A_1683 : memref<32xf32, #tpu.memory_space<hbm>>) dst(%dma_wait3A_1680 : memref<32xf32, #tpu.memory_space<vmem>>)
        %dma_wait3A_1684 = arith.constant 0 : i32
        %dma_wait3A_1685 = arith.constant 0 : i32
        %dma_wait3A_1686 = arith.constant 0 : i32
        %dma_wait3A_1687 = tpu.memref_slice %arg11[%dma_wait3A_1685, %dma_wait3A_1686] : memref<256x32xf32, #tpu.memory_space<vmem>> -> memref<1x32xf32, #tpu.memory_space<vmem>>
        %dma_wait3A_1688 = tpu.memref_squeeze %dma_wait3A_1687 : memref<1x32xf32, #tpu.memory_space<vmem>> -> memref<32xf32, #tpu.memory_space<vmem>>
        %dma_wait3A_1689 = arith.constant 0 : i32
        %dma_wait3A_1690 = tpu.memref_slice %arg5[%dma_wait3A_1684, %dma_wait3A_1689] : memref<100000x32xf32, #tpu.memory_space<hbm>> -> memref<1x32xf32, #tpu.memory_space<hbm>>
        %dma_wait3A_1691 = tpu.memref_squeeze %dma_wait3A_1690 : memref<1x32xf32, #tpu.memory_space<hbm>> -> memref<32xf32, #tpu.memory_space<hbm>>
        %dma_wait3A_1692 = arith.constant 0 : i32
        %dma_wait3A_1693 = tpu.memref_slice %arg11[%dma_wait3A_1685, %dma_wait3A_1692] : memref<256x32xf32, #tpu.memory_space<vmem>> -> memref<1x32xf32, #tpu.memory_space<vmem>>
        %dma_wait3A_1694 = tpu.memref_squeeze %dma_wait3A_1693 : memref<1x32xf32, #tpu.memory_space<vmem>> -> memref<32xf32, #tpu.memory_space<vmem>>
        %dma_wait3A_1695 = arith.constant 0 : i32
        %dma_wait3A_1696 = tpu.memref_slice %arg5[%dma_wait3A_1684, %dma_wait3A_1695] : memref<100000x32xf32, #tpu.memory_space<hbm>> -> memref<1x32xf32, #tpu.memory_space<hbm>>
        %dma_wait3A_1697 = tpu.memref_squeeze %dma_wait3A_1696 : memref<1x32xf32, #tpu.memory_space<hbm>> -> memref<32xf32, #tpu.memory_space<hbm>>
        tpu.wait_dma2 semaphore(%arg12 : memref<!tpu.dma_semaphore, #tpu.memory_space<semaphore_mem>>) src(%dma_wait3A_1697 : memref<32xf32, #tpu.memory_space<hbm>>) dst(%dma_wait3A_1694 : memref<32xf32, #tpu.memory_space<vmem>>)
        %dma_wait3A_1698 = arith.constant 0 : i32
        %dma_wait3A_1699 = arith.constant 0 : i32
        %dma_wait3A_1700 = arith.constant 0 : i32
        %dma_wait3A_1701 = tpu.memref_slice %arg10[%dma_wait3A_1699, %dma_wait3A_1700] : memref<256x32xf32, #tpu.memory_space<vmem>> -> memref<1x32xf32, #tpu.memory_space<vmem>>
        %dma_wait3A_1702 = tpu.memref_squeeze %dma_wait3A_1701 : memref<1x32xf32, #tpu.memory_space<vmem>> -> memref<32xf32, #tpu.memory_space<vmem>>
        %dma_wait3A_1703 = arith.constant 0 : i32
        %dma_wait3A_1704 = tpu.memref_slice %arg4[%dma_wait3A_1698, %dma_wait3A_1703] : memref<1000000x32xf32, #tpu.memory_space<hbm>> -> memref<1x32xf32, #tpu.memory_space<hbm>>
        %dma_wait3A_1705 = tpu.memref_squeeze %dma_wait3A_1704 : memref<1x32xf32, #tpu.memory_space<hbm>> -> memref<32xf32, #tpu.memory_space<hbm>>
        %dma_wait3A_1706 = arith.constant 0 : i32
        %dma_wait3A_1707 = tpu.memref_slice %arg10[%dma_wait3A_1699, %dma_wait3A_1706] : memref<256x32xf32, #tpu.memory_space<vmem>> -> memref<1x32xf32, #tpu.memory_space<vmem>>
        %dma_wait3A_1708 = tpu.memref_squeeze %dma_wait3A_1707 : memref<1x32xf32, #tpu.memory_space<vmem>> -> memref<32xf32, #tpu.memory_space<vmem>>
        %dma_wait3A_1709 = arith.constant 0 : i32
        %dma_wait3A_1710 = tpu.memref_slice %arg4[%dma_wait3A_1698, %dma_wait3A_1709] : memref<1000000x32xf32, #tpu.memory_space<hbm>> -> memref<1x32xf32, #tpu.memory_space<hbm>>
        %dma_wait3A_1711 = tpu.memref_squeeze %dma_wait3A_1710 : memref<1x32xf32, #tpu.memory_space<hbm>> -> memref<32xf32, #tpu.memory_space<hbm>>
        tpu.wait_dma2 semaphore(%arg12 : memref<!tpu.dma_semaphore, #tpu.memory_space<semaphore_mem>>) src(%dma_wait3A_1711 : memref<32xf32, #tpu.memory_space<hbm>>) dst(%dma_wait3A_1708 : memref<32xf32, #tpu.memory_space<vmem>>)
        %dma_wait3A_1712 = arith.constant 0 : i32
        %dma_wait3A_1713 = arith.constant 0 : i32
        %dma_wait3A_1714 = arith.constant 0 : i32
        %dma_wait3A_1715 = tpu.memref_slice %arg11[%dma_wait3A_1713, %dma_wait3A_1714] : memref<256x32xf32, #tpu.memory_space<vmem>> -> memref<1x32xf32, #tpu.memory_space<vmem>>
        %dma_wait3A_1716 = tpu.memref_squeeze %dma_wait3A_1715 : memref<1x32xf32, #tpu.memory_space<vmem>> -> memref<32xf32, #tpu.memory_space<vmem>>
        %dma_wait3A_1717 = arith.constant 0 : i32
        %dma_wait3A_1718 = tpu.memref_slice %arg5[%dma_wait3A_1712, %dma_wait3A_1717] : memref<100000x32xf32, #tpu.memory_space<hbm>> -> memref<1x32xf32, #tpu.memory_space<hbm>>
        %dma_wait3A_1719 = tpu.memref_squeeze %dma_wait3A_1718 : memref<1x32xf32, #tpu.memory_space<hbm>> -> memref<32xf32, #tpu.memory_space<hbm>>
        %dma_wait3A_1720 = arith.constant 0 : i32
        %dma_wait3A_1721 = tpu.memref_slice %arg11[%dma_wait3A_1713, %dma_wait3A_1720] : memref<256x32xf32, #tpu.memory_space<vmem>> -> memref<1x32xf32, #tpu.memory_space<vmem>>
        %dma_wait3A_1722 = tpu.memref_squeeze %dma_wait3A_1721 : memref<1x32xf32, #tpu.memory_space<vmem>> -> memref<32xf32, #tpu.memory_space<vmem>>
        %dma_wait3A_1723 = arith.constant 0 : i32
        %dma_wait3A_1724 = tpu.memref_slice %arg5[%dma_wait3A_1712, %dma_wait3A_1723] : memref<100000x32xf32, #tpu.memory_space<hbm>> -> memref<1x32xf32, #tpu.memory_space<hbm>>
        %dma_wait3A_1725 = tpu.memref_squeeze %dma_wait3A_1724 : memref<1x32xf32, #tpu.memory_space<hbm>> -> memref<32xf32, #tpu.memory_space<hbm>>
        tpu.wait_dma2 semaphore(%arg12 : memref<!tpu.dma_semaphore, #tpu.memory_space<semaphore_mem>>) src(%dma_wait3A_1725 : memref<32xf32, #tpu.memory_space<hbm>>) dst(%dma_wait3A_1722 : memref<32xf32, #tpu.memory_space<vmem>>)
        %dma_wait3A_1726 = arith.constant 0 : i32
        %dma_wait3A_1727 = arith.constant 0 : i32
        %dma_wait3A_1728 = arith.constant 0 : i32
        %dma_wait3A_1729 = tpu.memref_slice %arg10[%dma_wait3A_1727, %dma_wait3A_1728] : memref<256x32xf32, #tpu.memory_space<vmem>> -> memref<1x32xf32, #tpu.memory_space<vmem>>
        %dma_wait3A_1730 = tpu.memref_squeeze %dma_wait3A_1729 : memref<1x32xf32, #tpu.memory_space<vmem>> -> memref<32xf32, #tpu.memory_space<vmem>>
        %dma_wait3A_1731 = arith.constant 0 : i32
        %dma_wait3A_1732 = tpu.memref_slice %arg4[%dma_wait3A_1726, %dma_wait3A_1731] : memref<1000000x32xf32, #tpu.memory_space<hbm>> -> memref<1x32xf32, #tpu.memory_space<hbm>>
        %dma_wait3A_1733 = tpu.memref_squeeze %dma_wait3A_1732 : memref<1x32xf32, #tpu.memory_space<hbm>> -> memref<32xf32, #tpu.memory_space<hbm>>
        %dma_wait3A_1734 = arith.constant 0 : i32
        %dma_wait3A_1735 = tpu.memref_slice %arg10[%dma_wait3A_1727, %dma_wait3A_1734] : memref<256x32xf32, #tpu.memory_space<vmem>> -> memref<1x32xf32, #tpu.memory_space<vmem>>
        %dma_wait3A_1736 = tpu.memref_squeeze %dma_wait3A_1735 : memref<1x32xf32, #tpu.memory_space<vmem>> -> memref<32xf32, #tpu.memory_space<vmem>>
        %dma_wait3A_1737 = arith.constant 0 : i32
        %dma_wait3A_1738 = tpu.memref_slice %arg4[%dma_wait3A_1726, %dma_wait3A_1737] : memref<1000000x32xf32, #tpu.memory_space<hbm>> -> memref<1x32xf32, #tpu.memory_space<hbm>>
        %dma_wait3A_1739 = tpu.memref_squeeze %dma_wait3A_1738 : memref<1x32xf32, #tpu.memory_space<hbm>> -> memref<32xf32, #tpu.memory_space<hbm>>
        tpu.wait_dma2 semaphore(%arg12 : memref<!tpu.dma_semaphore, #tpu.memory_space<semaphore_mem>>) src(%dma_wait3A_1739 : memref<32xf32, #tpu.memory_space<hbm>>) dst(%dma_wait3A_1736 : memref<32xf32, #tpu.memory_space<vmem>>)
        %dma_wait3A_1740 = arith.constant 0 : i32
        %dma_wait3A_1741 = arith.constant 0 : i32
        %dma_wait3A_1742 = arith.constant 0 : i32
        %dma_wait3A_1743 = tpu.memref_slice %arg11[%dma_wait3A_1741, %dma_wait3A_1742] : memref<256x32xf32, #tpu.memory_space<vmem>> -> memref<1x32xf32, #tpu.memory_space<vmem>>
        %dma_wait3A_1744 = tpu.memref_squeeze %dma_wait3A_1743 : memref<1x32xf32, #tpu.memory_space<vmem>> -> memref<32xf32, #tpu.memory_space<vmem>>
        %dma_wait3A_1745 = arith.constant 0 : i32
        %dma_wait3A_1746 = tpu.memref_slice %arg5[%dma_wait3A_1740, %dma_wait3A_1745] : memref<100000x32xf32, #tpu.memory_space<hbm>> -> memref<1x32xf32, #tpu.memory_space<hbm>>
        %dma_wait3A_1747 = tpu.memref_squeeze %dma_wait3A_1746 : memref<1x32xf32, #tpu.memory_space<hbm>> -> memref<32xf32, #tpu.memory_space<hbm>>
        %dma_wait3A_1748 = arith.constant 0 : i32
        %dma_wait3A_1749 = tpu.memref_slice %arg11[%dma_wait3A_1741, %dma_wait3A_1748] : memref<256x32xf32, #tpu.memory_space<vmem>> -> memref<1x32xf32, #tpu.memory_space<vmem>>
        %dma_wait3A_1750 = tpu.memref_squeeze %dma_wait3A_1749 : memref<1x32xf32, #tpu.memory_space<vmem>> -> memref<32xf32, #tpu.memory_space<vmem>>
        %dma_wait3A_1751 = arith.constant 0 : i32
        %dma_wait3A_1752 = tpu.memref_slice %arg5[%dma_wait3A_1740, %dma_wait3A_1751] : memref<100000x32xf32, #tpu.memory_space<hbm>> -> memref<1x32xf32, #tpu.memory_space<hbm>>
        %dma_wait3A_1753 = tpu.memref_squeeze %dma_wait3A_1752 : memref<1x32xf32, #tpu.memory_space<hbm>> -> memref<32xf32, #tpu.memory_space<hbm>>
        tpu.wait_dma2 semaphore(%arg12 : memref<!tpu.dma_semaphore, #tpu.memory_space<semaphore_mem>>) src(%dma_wait3A_1753 : memref<32xf32, #tpu.memory_space<hbm>>) dst(%dma_wait3A_1750 : memref<32xf32, #tpu.memory_space<vmem>>)
        %dma_wait3A_1754 = arith.constant 0 : i32
        %dma_wait3A_1755 = arith.constant 0 : i32
        %dma_wait3A_1756 = arith.constant 0 : i32
        %dma_wait3A_1757 = tpu.memref_slice %arg10[%dma_wait3A_1755, %dma_wait3A_1756] : memref<256x32xf32, #tpu.memory_space<vmem>> -> memref<1x32xf32, #tpu.memory_space<vmem>>
        %dma_wait3A_1758 = tpu.memref_squeeze %dma_wait3A_1757 : memref<1x32xf32, #tpu.memory_space<vmem>> -> memref<32xf32, #tpu.memory_space<vmem>>
        %dma_wait3A_1759 = arith.constant 0 : i32
        %dma_wait3A_1760 = tpu.memref_slice %arg4[%dma_wait3A_1754, %dma_wait3A_1759] : memref<1000000x32xf32, #tpu.memory_space<hbm>> -> memref<1x32xf32, #tpu.memory_space<hbm>>
        %dma_wait3A_1761 = tpu.memref_squeeze %dma_wait3A_1760 : memref<1x32xf32, #tpu.memory_space<hbm>> -> memref<32xf32, #tpu.memory_space<hbm>>
        %dma_wait3A_1762 = arith.constant 0 : i32
        %dma_wait3A_1763 = tpu.memref_slice %arg10[%dma_wait3A_1755, %dma_wait3A_1762] : memref<256x32xf32, #tpu.memory_space<vmem>> -> memref<1x32xf32, #tpu.memory_space<vmem>>
        %dma_wait3A_1764 = tpu.memref_squeeze %dma_wait3A_1763 : memref<1x32xf32, #tpu.memory_space<vmem>> -> memref<32xf32, #tpu.memory_space<vmem>>
        %dma_wait3A_1765 = arith.constant 0 : i32
        %dma_wait3A_1766 = tpu.memref_slice %arg4[%dma_wait3A_1754, %dma_wait3A_1765] : memref<1000000x32xf32, #tpu.memory_space<hbm>> -> memref<1x32xf32, #tpu.memory_space<hbm>>
        %dma_wait3A_1767 = tpu.memref_squeeze %dma_wait3A_1766 : memref<1x32xf32, #tpu.memory_space<hbm>> -> memref<32xf32, #tpu.memory_space<hbm>>
        tpu.wait_dma2 semaphore(%arg12 : memref<!tpu.dma_semaphore, #tpu.memory_space<semaphore_mem>>) src(%dma_wait3A_1767 : memref<32xf32, #tpu.memory_space<hbm>>) dst(%dma_wait3A_1764 : memref<32xf32, #tpu.memory_space<vmem>>)
        %dma_wait3A_1768 = arith.constant 0 : i32
        %dma_wait3A_1769 = arith.constant 0 : i32
        %dma_wait3A_1770 = arith.constant 0 : i32
        %dma_wait3A_1771 = tpu.memref_slice %arg11[%dma_wait3A_1769, %dma_wait3A_1770] : memref<256x32xf32, #tpu.memory_space<vmem>> -> memref<1x32xf32, #tpu.memory_space<vmem>>
        %dma_wait3A_1772 = tpu.memref_squeeze %dma_wait3A_1771 : memref<1x32xf32, #tpu.memory_space<vmem>> -> memref<32xf32, #tpu.memory_space<vmem>>
        %dma_wait3A_1773 = arith.constant 0 : i32
        %dma_wait3A_1774 = tpu.memref_slice %arg5[%dma_wait3A_1768, %dma_wait3A_1773] : memref<100000x32xf32, #tpu.memory_space<hbm>> -> memref<1x32xf32, #tpu.memory_space<hbm>>
        %dma_wait3A_1775 = tpu.memref_squeeze %dma_wait3A_1774 : memref<1x32xf32, #tpu.memory_space<hbm>> -> memref<32xf32, #tpu.memory_space<hbm>>
        %dma_wait3A_1776 = arith.constant 0 : i32
        %dma_wait3A_1777 = tpu.memref_slice %arg11[%dma_wait3A_1769, %dma_wait3A_1776] : memref<256x32xf32, #tpu.memory_space<vmem>> -> memref<1x32xf32, #tpu.memory_space<vmem>>
        %dma_wait3A_1778 = tpu.memref_squeeze %dma_wait3A_1777 : memref<1x32xf32, #tpu.memory_space<vmem>> -> memref<32xf32, #tpu.memory_space<vmem>>
        %dma_wait3A_1779 = arith.constant 0 : i32
        %dma_wait3A_1780 = tpu.memref_slice %arg5[%dma_wait3A_1768, %dma_wait3A_1779] : memref<100000x32xf32, #tpu.memory_space<hbm>> -> memref<1x32xf32, #tpu.memory_space<hbm>>
        %dma_wait3A_1781 = tpu.memref_squeeze %dma_wait3A_1780 : memref<1x32xf32, #tpu.memory_space<hbm>> -> memref<32xf32, #tpu.memory_space<hbm>>
        tpu.wait_dma2 semaphore(%arg12 : memref<!tpu.dma_semaphore, #tpu.memory_space<semaphore_mem>>) src(%dma_wait3A_1781 : memref<32xf32, #tpu.memory_space<hbm>>) dst(%dma_wait3A_1778 : memref<32xf32, #tpu.memory_space<vmem>>)
        %dma_wait3A_1782 = arith.constant 0 : i32
        %dma_wait3A_1783 = arith.constant 0 : i32
        %dma_wait3A_1784 = arith.constant 0 : i32
        %dma_wait3A_1785 = tpu.memref_slice %arg10[%dma_wait3A_1783, %dma_wait3A_1784] : memref<256x32xf32, #tpu.memory_space<vmem>> -> memref<1x32xf32, #tpu.memory_space<vmem>>
        %dma_wait3A_1786 = tpu.memref_squeeze %dma_wait3A_1785 : memref<1x32xf32, #tpu.memory_space<vmem>> -> memref<32xf32, #tpu.memory_space<vmem>>
        %dma_wait3A_1787 = arith.constant 0 : i32
        %dma_wait3A_1788 = tpu.memref_slice %arg4[%dma_wait3A_1782, %dma_wait3A_1787] : memref<1000000x32xf32, #tpu.memory_space<hbm>> -> memref<1x32xf32, #tpu.memory_space<hbm>>
        %dma_wait3A_1789 = tpu.memref_squeeze %dma_wait3A_1788 : memref<1x32xf32, #tpu.memory_space<hbm>> -> memref<32xf32, #tpu.memory_space<hbm>>
        %dma_wait3A_1790 = arith.constant 0 : i32
        %dma_wait3A_1791 = tpu.memref_slice %arg10[%dma_wait3A_1783, %dma_wait3A_1790] : memref<256x32xf32, #tpu.memory_space<vmem>> -> memref<1x32xf32, #tpu.memory_space<vmem>>
        %dma_wait3A_1792 = tpu.memref_squeeze %dma_wait3A_1791 : memref<1x32xf32, #tpu.memory_space<vmem>> -> memref<32xf32, #tpu.memory_space<vmem>>
        %dma_wait3A_1793 = arith.constant 0 : i32
        %dma_wait3A_1794 = tpu.memref_slice %arg4[%dma_wait3A_1782, %dma_wait3A_1793] : memref<1000000x32xf32, #tpu.memory_space<hbm>> -> memref<1x32xf32, #tpu.memory_space<hbm>>
        %dma_wait3A_1795 = tpu.memref_squeeze %dma_wait3A_1794 : memref<1x32xf32, #tpu.memory_space<hbm>> -> memref<32xf32, #tpu.memory_space<hbm>>
        tpu.wait_dma2 semaphore(%arg12 : memref<!tpu.dma_semaphore, #tpu.memory_space<semaphore_mem>>) src(%dma_wait3A_1795 : memref<32xf32, #tpu.memory_space<hbm>>) dst(%dma_wait3A_1792 : memref<32xf32, #tpu.memory_space<vmem>>)
        %dma_wait3A_1796 = arith.constant 0 : i32
        %dma_wait3A_1797 = arith.constant 0 : i32
        %dma_wait3A_1798 = arith.constant 0 : i32
        %dma_wait3A_1799 = tpu.memref_slice %arg11[%dma_wait3A_1797, %dma_wait3A_1798] : memref<256x32xf32, #tpu.memory_space<vmem>> -> memref<1x32xf32, #tpu.memory_space<vmem>>
        %dma_wait3A_1800 = tpu.memref_squeeze %dma_wait3A_1799 : memref<1x32xf32, #tpu.memory_space<vmem>> -> memref<32xf32, #tpu.memory_space<vmem>>
        %dma_wait3A_1801 = arith.constant 0 : i32
        %dma_wait3A_1802 = tpu.memref_slice %arg5[%dma_wait3A_1796, %dma_wait3A_1801] : memref<100000x32xf32, #tpu.memory_space<hbm>> -> memref<1x32xf32, #tpu.memory_space<hbm>>
        %dma_wait3A_1803 = tpu.memref_squeeze %dma_wait3A_1802 : memref<1x32xf32, #tpu.memory_space<hbm>> -> memref<32xf32, #tpu.memory_space<hbm>>
        %dma_wait3A_1804 = arith.constant 0 : i32
        %dma_wait3A_1805 = tpu.memref_slice %arg11[%dma_wait3A_1797, %dma_wait3A_1804] : memref<256x32xf32, #tpu.memory_space<vmem>> -> memref<1x32xf32, #tpu.memory_space<vmem>>
        %dma_wait3A_1806 = tpu.memref_squeeze %dma_wait3A_1805 : memref<1x32xf32, #tpu.memory_space<vmem>> -> memref<32xf32, #tpu.memory_space<vmem>>
        %dma_wait3A_1807 = arith.constant 0 : i32
        %dma_wait3A_1808 = tpu.memref_slice %arg5[%dma_wait3A_1796, %dma_wait3A_1807] : memref<100000x32xf32, #tpu.memory_space<hbm>> -> memref<1x32xf32, #tpu.memory_space<hbm>>
        %dma_wait3A_1809 = tpu.memref_squeeze %dma_wait3A_1808 : memref<1x32xf32, #tpu.memory_space<hbm>> -> memref<32xf32, #tpu.memory_space<hbm>>
        tpu.wait_dma2 semaphore(%arg12 : memref<!tpu.dma_semaphore, #tpu.memory_space<semaphore_mem>>) src(%dma_wait3A_1809 : memref<32xf32, #tpu.memory_space<hbm>>) dst(%dma_wait3A_1806 : memref<32xf32, #tpu.memory_space<vmem>>)
        %dma_wait3A_1810 = arith.constant 0 : i32
        %dma_wait3A_1811 = arith.constant 0 : i32
        %dma_wait3A_1812 = arith.constant 0 : i32
        %dma_wait3A_1813 = tpu.memref_slice %arg10[%dma_wait3A_1811, %dma_wait3A_1812] : memref<256x32xf32, #tpu.memory_space<vmem>> -> memref<1x32xf32, #tpu.memory_space<vmem>>
        %dma_wait3A_1814 = tpu.memref_squeeze %dma_wait3A_1813 : memref<1x32xf32, #tpu.memory_space<vmem>> -> memref<32xf32, #tpu.memory_space<vmem>>
        %dma_wait3A_1815 = arith.constant 0 : i32
        %dma_wait3A_1816 = tpu.memref_slice %arg4[%dma_wait3A_1810, %dma_wait3A_1815] : memref<1000000x32xf32, #tpu.memory_space<hbm>> -> memref<1x32xf32, #tpu.memory_space<hbm>>
        %dma_wait3A_1817 = tpu.memref_squeeze %dma_wait3A_1816 : memref<1x32xf32, #tpu.memory_space<hbm>> -> memref<32xf32, #tpu.memory_space<hbm>>
        %dma_wait3A_1818 = arith.constant 0 : i32
        %dma_wait3A_1819 = tpu.memref_slice %arg10[%dma_wait3A_1811, %dma_wait3A_1818] : memref<256x32xf32, #tpu.memory_space<vmem>> -> memref<1x32xf32, #tpu.memory_space<vmem>>
        %dma_wait3A_1820 = tpu.memref_squeeze %dma_wait3A_1819 : memref<1x32xf32, #tpu.memory_space<vmem>> -> memref<32xf32, #tpu.memory_space<vmem>>
        %dma_wait3A_1821 = arith.constant 0 : i32
        %dma_wait3A_1822 = tpu.memref_slice %arg4[%dma_wait3A_1810, %dma_wait3A_1821] : memref<1000000x32xf32, #tpu.memory_space<hbm>> -> memref<1x32xf32, #tpu.memory_space<hbm>>
        %dma_wait3A_1823 = tpu.memref_squeeze %dma_wait3A_1822 : memref<1x32xf32, #tpu.memory_space<hbm>> -> memref<32xf32, #tpu.memory_space<hbm>>
        tpu.wait_dma2 semaphore(%arg12 : memref<!tpu.dma_semaphore, #tpu.memory_space<semaphore_mem>>) src(%dma_wait3A_1823 : memref<32xf32, #tpu.memory_space<hbm>>) dst(%dma_wait3A_1820 : memref<32xf32, #tpu.memory_space<vmem>>)
        %dma_wait3A_1824 = arith.constant 0 : i32
        %dma_wait3A_1825 = arith.constant 0 : i32
        %dma_wait3A_1826 = arith.constant 0 : i32
        %dma_wait3A_1827 = tpu.memref_slice %arg11[%dma_wait3A_1825, %dma_wait3A_1826] : memref<256x32xf32, #tpu.memory_space<vmem>> -> memref<1x32xf32, #tpu.memory_space<vmem>>
        %dma_wait3A_1828 = tpu.memref_squeeze %dma_wait3A_1827 : memref<1x32xf32, #tpu.memory_space<vmem>> -> memref<32xf32, #tpu.memory_space<vmem>>
        %dma_wait3A_1829 = arith.constant 0 : i32
        %dma_wait3A_1830 = tpu.memref_slice %arg5[%dma_wait3A_1824, %dma_wait3A_1829] : memref<100000x32xf32, #tpu.memory_space<hbm>> -> memref<1x32xf32, #tpu.memory_space<hbm>>
        %dma_wait3A_1831 = tpu.memref_squeeze %dma_wait3A_1830 : memref<1x32xf32, #tpu.memory_space<hbm>> -> memref<32xf32, #tpu.memory_space<hbm>>
        %dma_wait3A_1832 = arith.constant 0 : i32
        %dma_wait3A_1833 = tpu.memref_slice %arg11[%dma_wait3A_1825, %dma_wait3A_1832] : memref<256x32xf32, #tpu.memory_space<vmem>> -> memref<1x32xf32, #tpu.memory_space<vmem>>
        %dma_wait3A_1834 = tpu.memref_squeeze %dma_wait3A_1833 : memref<1x32xf32, #tpu.memory_space<vmem>> -> memref<32xf32, #tpu.memory_space<vmem>>
        %dma_wait3A_1835 = arith.constant 0 : i32
        %dma_wait3A_1836 = tpu.memref_slice %arg5[%dma_wait3A_1824, %dma_wait3A_1835] : memref<100000x32xf32, #tpu.memory_space<hbm>> -> memref<1x32xf32, #tpu.memory_space<hbm>>
        %dma_wait3A_1837 = tpu.memref_squeeze %dma_wait3A_1836 : memref<1x32xf32, #tpu.memory_space<hbm>> -> memref<32xf32, #tpu.memory_space<hbm>>
        tpu.wait_dma2 semaphore(%arg12 : memref<!tpu.dma_semaphore, #tpu.memory_space<semaphore_mem>>) src(%dma_wait3A_1837 : memref<32xf32, #tpu.memory_space<hbm>>) dst(%dma_wait3A_1834 : memref<32xf32, #tpu.memory_space<vmem>>)
        %dma_wait3A_1838 = arith.constant 0 : i32
        %dma_wait3A_1839 = arith.constant 0 : i32
        %dma_wait3A_1840 = arith.constant 0 : i32
        %dma_wait3A_1841 = tpu.memref_slice %arg10[%dma_wait3A_1839, %dma_wait3A_1840] : memref<256x32xf32, #tpu.memory_space<vmem>> -> memref<1x32xf32, #tpu.memory_space<vmem>>
        %dma_wait3A_1842 = tpu.memref_squeeze %dma_wait3A_1841 : memref<1x32xf32, #tpu.memory_space<vmem>> -> memref<32xf32, #tpu.memory_space<vmem>>
        %dma_wait3A_1843 = arith.constant 0 : i32
        %dma_wait3A_1844 = tpu.memref_slice %arg4[%dma_wait3A_1838, %dma_wait3A_1843] : memref<1000000x32xf32, #tpu.memory_space<hbm>> -> memref<1x32xf32, #tpu.memory_space<hbm>>
        %dma_wait3A_1845 = tpu.memref_squeeze %dma_wait3A_1844 : memref<1x32xf32, #tpu.memory_space<hbm>> -> memref<32xf32, #tpu.memory_space<hbm>>
        %dma_wait3A_1846 = arith.constant 0 : i32
        %dma_wait3A_1847 = tpu.memref_slice %arg10[%dma_wait3A_1839, %dma_wait3A_1846] : memref<256x32xf32, #tpu.memory_space<vmem>> -> memref<1x32xf32, #tpu.memory_space<vmem>>
        %dma_wait3A_1848 = tpu.memref_squeeze %dma_wait3A_1847 : memref<1x32xf32, #tpu.memory_space<vmem>> -> memref<32xf32, #tpu.memory_space<vmem>>
        %dma_wait3A_1849 = arith.constant 0 : i32
        %dma_wait3A_1850 = tpu.memref_slice %arg4[%dma_wait3A_1838, %dma_wait3A_1849] : memref<1000000x32xf32, #tpu.memory_space<hbm>> -> memref<1x32xf32, #tpu.memory_space<hbm>>
        %dma_wait3A_1851 = tpu.memref_squeeze %dma_wait3A_1850 : memref<1x32xf32, #tpu.memory_space<hbm>> -> memref<32xf32, #tpu.memory_space<hbm>>
        tpu.wait_dma2 semaphore(%arg12 : memref<!tpu.dma_semaphore, #tpu.memory_space<semaphore_mem>>) src(%dma_wait3A_1851 : memref<32xf32, #tpu.memory_space<hbm>>) dst(%dma_wait3A_1848 : memref<32xf32, #tpu.memory_space<vmem>>)
        %dma_wait3A_1852 = arith.constant 0 : i32
        %dma_wait3A_1853 = arith.constant 0 : i32
        %dma_wait3A_1854 = arith.constant 0 : i32
        %dma_wait3A_1855 = tpu.memref_slice %arg11[%dma_wait3A_1853, %dma_wait3A_1854] : memref<256x32xf32, #tpu.memory_space<vmem>> -> memref<1x32xf32, #tpu.memory_space<vmem>>
        %dma_wait3A_1856 = tpu.memref_squeeze %dma_wait3A_1855 : memref<1x32xf32, #tpu.memory_space<vmem>> -> memref<32xf32, #tpu.memory_space<vmem>>
        %dma_wait3A_1857 = arith.constant 0 : i32
        %dma_wait3A_1858 = tpu.memref_slice %arg5[%dma_wait3A_1852, %dma_wait3A_1857] : memref<100000x32xf32, #tpu.memory_space<hbm>> -> memref<1x32xf32, #tpu.memory_space<hbm>>
        %dma_wait3A_1859 = tpu.memref_squeeze %dma_wait3A_1858 : memref<1x32xf32, #tpu.memory_space<hbm>> -> memref<32xf32, #tpu.memory_space<hbm>>
        %dma_wait3A_1860 = arith.constant 0 : i32
        %dma_wait3A_1861 = tpu.memref_slice %arg11[%dma_wait3A_1853, %dma_wait3A_1860] : memref<256x32xf32, #tpu.memory_space<vmem>> -> memref<1x32xf32, #tpu.memory_space<vmem>>
        %dma_wait3A_1862 = tpu.memref_squeeze %dma_wait3A_1861 : memref<1x32xf32, #tpu.memory_space<vmem>> -> memref<32xf32, #tpu.memory_space<vmem>>
        %dma_wait3A_1863 = arith.constant 0 : i32
        %dma_wait3A_1864 = tpu.memref_slice %arg5[%dma_wait3A_1852, %dma_wait3A_1863] : memref<100000x32xf32, #tpu.memory_space<hbm>> -> memref<1x32xf32, #tpu.memory_space<hbm>>
        %dma_wait3A_1865 = tpu.memref_squeeze %dma_wait3A_1864 : memref<1x32xf32, #tpu.memory_space<hbm>> -> memref<32xf32, #tpu.memory_space<hbm>>
        tpu.wait_dma2 semaphore(%arg12 : memref<!tpu.dma_semaphore, #tpu.memory_space<semaphore_mem>>) src(%dma_wait3A_1865 : memref<32xf32, #tpu.memory_space<hbm>>) dst(%dma_wait3A_1862 : memref<32xf32, #tpu.memory_space<vmem>>)
        %dma_wait3A_1866 = arith.constant 0 : i32
        %dma_wait3A_1867 = arith.constant 0 : i32
        %dma_wait3A_1868 = arith.constant 0 : i32
        %dma_wait3A_1869 = tpu.memref_slice %arg10[%dma_wait3A_1867, %dma_wait3A_1868] : memref<256x32xf32, #tpu.memory_space<vmem>> -> memref<1x32xf32, #tpu.memory_space<vmem>>
        %dma_wait3A_1870 = tpu.memref_squeeze %dma_wait3A_1869 : memref<1x32xf32, #tpu.memory_space<vmem>> -> memref<32xf32, #tpu.memory_space<vmem>>
        %dma_wait3A_1871 = arith.constant 0 : i32
        %dma_wait3A_1872 = tpu.memref_slice %arg4[%dma_wait3A_1866, %dma_wait3A_1871] : memref<1000000x32xf32, #tpu.memory_space<hbm>> -> memref<1x32xf32, #tpu.memory_space<hbm>>
        %dma_wait3A_1873 = tpu.memref_squeeze %dma_wait3A_1872 : memref<1x32xf32, #tpu.memory_space<hbm>> -> memref<32xf32, #tpu.memory_space<hbm>>
        %dma_wait3A_1874 = arith.constant 0 : i32
        %dma_wait3A_1875 = tpu.memref_slice %arg10[%dma_wait3A_1867, %dma_wait3A_1874] : memref<256x32xf32, #tpu.memory_space<vmem>> -> memref<1x32xf32, #tpu.memory_space<vmem>>
        %dma_wait3A_1876 = tpu.memref_squeeze %dma_wait3A_1875 : memref<1x32xf32, #tpu.memory_space<vmem>> -> memref<32xf32, #tpu.memory_space<vmem>>
        %dma_wait3A_1877 = arith.constant 0 : i32
        %dma_wait3A_1878 = tpu.memref_slice %arg4[%dma_wait3A_1866, %dma_wait3A_1877] : memref<1000000x32xf32, #tpu.memory_space<hbm>> -> memref<1x32xf32, #tpu.memory_space<hbm>>
        %dma_wait3A_1879 = tpu.memref_squeeze %dma_wait3A_1878 : memref<1x32xf32, #tpu.memory_space<hbm>> -> memref<32xf32, #tpu.memory_space<hbm>>
        tpu.wait_dma2 semaphore(%arg12 : memref<!tpu.dma_semaphore, #tpu.memory_space<semaphore_mem>>) src(%dma_wait3A_1879 : memref<32xf32, #tpu.memory_space<hbm>>) dst(%dma_wait3A_1876 : memref<32xf32, #tpu.memory_space<vmem>>)
        %dma_wait3A_1880 = arith.constant 0 : i32
        %dma_wait3A_1881 = arith.constant 0 : i32
        %dma_wait3A_1882 = arith.constant 0 : i32
        %dma_wait3A_1883 = tpu.memref_slice %arg11[%dma_wait3A_1881, %dma_wait3A_1882] : memref<256x32xf32, #tpu.memory_space<vmem>> -> memref<1x32xf32, #tpu.memory_space<vmem>>
        %dma_wait3A_1884 = tpu.memref_squeeze %dma_wait3A_1883 : memref<1x32xf32, #tpu.memory_space<vmem>> -> memref<32xf32, #tpu.memory_space<vmem>>
        %dma_wait3A_1885 = arith.constant 0 : i32
        %dma_wait3A_1886 = tpu.memref_slice %arg5[%dma_wait3A_1880, %dma_wait3A_1885] : memref<100000x32xf32, #tpu.memory_space<hbm>> -> memref<1x32xf32, #tpu.memory_space<hbm>>
        %dma_wait3A_1887 = tpu.memref_squeeze %dma_wait3A_1886 : memref<1x32xf32, #tpu.memory_space<hbm>> -> memref<32xf32, #tpu.memory_space<hbm>>
        %dma_wait3A_1888 = arith.constant 0 : i32
        %dma_wait3A_1889 = tpu.memref_slice %arg11[%dma_wait3A_1881, %dma_wait3A_1888] : memref<256x32xf32, #tpu.memory_space<vmem>> -> memref<1x32xf32, #tpu.memory_space<vmem>>
        %dma_wait3A_1890 = tpu.memref_squeeze %dma_wait3A_1889 : memref<1x32xf32, #tpu.memory_space<vmem>> -> memref<32xf32, #tpu.memory_space<vmem>>
        %dma_wait3A_1891 = arith.constant 0 : i32
        %dma_wait3A_1892 = tpu.memref_slice %arg5[%dma_wait3A_1880, %dma_wait3A_1891] : memref<100000x32xf32, #tpu.memory_space<hbm>> -> memref<1x32xf32, #tpu.memory_space<hbm>>
        %dma_wait3A_1893 = tpu.memref_squeeze %dma_wait3A_1892 : memref<1x32xf32, #tpu.memory_space<hbm>> -> memref<32xf32, #tpu.memory_space<hbm>>
        tpu.wait_dma2 semaphore(%arg12 : memref<!tpu.dma_semaphore, #tpu.memory_space<semaphore_mem>>) src(%dma_wait3A_1893 : memref<32xf32, #tpu.memory_space<hbm>>) dst(%dma_wait3A_1890 : memref<32xf32, #tpu.memory_space<vmem>>)
        %dma_wait3A_1894 = arith.constant 0 : i32
        %dma_wait3A_1895 = arith.constant 0 : i32
        %dma_wait3A_1896 = arith.constant 0 : i32
        %dma_wait3A_1897 = tpu.memref_slice %arg10[%dma_wait3A_1895, %dma_wait3A_1896] : memref<256x32xf32, #tpu.memory_space<vmem>> -> memref<1x32xf32, #tpu.memory_space<vmem>>
        %dma_wait3A_1898 = tpu.memref_squeeze %dma_wait3A_1897 : memref<1x32xf32, #tpu.memory_space<vmem>> -> memref<32xf32, #tpu.memory_space<vmem>>
        %dma_wait3A_1899 = arith.constant 0 : i32
        %dma_wait3A_1900 = tpu.memref_slice %arg4[%dma_wait3A_1894, %dma_wait3A_1899] : memref<1000000x32xf32, #tpu.memory_space<hbm>> -> memref<1x32xf32, #tpu.memory_space<hbm>>
        %dma_wait3A_1901 = tpu.memref_squeeze %dma_wait3A_1900 : memref<1x32xf32, #tpu.memory_space<hbm>> -> memref<32xf32, #tpu.memory_space<hbm>>
        %dma_wait3A_1902 = arith.constant 0 : i32
        %dma_wait3A_1903 = tpu.memref_slice %arg10[%dma_wait3A_1895, %dma_wait3A_1902] : memref<256x32xf32, #tpu.memory_space<vmem>> -> memref<1x32xf32, #tpu.memory_space<vmem>>
        %dma_wait3A_1904 = tpu.memref_squeeze %dma_wait3A_1903 : memref<1x32xf32, #tpu.memory_space<vmem>> -> memref<32xf32, #tpu.memory_space<vmem>>
        %dma_wait3A_1905 = arith.constant 0 : i32
        %dma_wait3A_1906 = tpu.memref_slice %arg4[%dma_wait3A_1894, %dma_wait3A_1905] : memref<1000000x32xf32, #tpu.memory_space<hbm>> -> memref<1x32xf32, #tpu.memory_space<hbm>>
        %dma_wait3A_1907 = tpu.memref_squeeze %dma_wait3A_1906 : memref<1x32xf32, #tpu.memory_space<hbm>> -> memref<32xf32, #tpu.memory_space<hbm>>
        tpu.wait_dma2 semaphore(%arg12 : memref<!tpu.dma_semaphore, #tpu.memory_space<semaphore_mem>>) src(%dma_wait3A_1907 : memref<32xf32, #tpu.memory_space<hbm>>) dst(%dma_wait3A_1904 : memref<32xf32, #tpu.memory_space<vmem>>)
        %dma_wait3A_1908 = arith.constant 0 : i32
        %dma_wait3A_1909 = arith.constant 0 : i32
        %dma_wait3A_1910 = arith.constant 0 : i32
        %dma_wait3A_1911 = tpu.memref_slice %arg11[%dma_wait3A_1909, %dma_wait3A_1910] : memref<256x32xf32, #tpu.memory_space<vmem>> -> memref<1x32xf32, #tpu.memory_space<vmem>>
        %dma_wait3A_1912 = tpu.memref_squeeze %dma_wait3A_1911 : memref<1x32xf32, #tpu.memory_space<vmem>> -> memref<32xf32, #tpu.memory_space<vmem>>
        %dma_wait3A_1913 = arith.constant 0 : i32
        %dma_wait3A_1914 = tpu.memref_slice %arg5[%dma_wait3A_1908, %dma_wait3A_1913] : memref<100000x32xf32, #tpu.memory_space<hbm>> -> memref<1x32xf32, #tpu.memory_space<hbm>>
        %dma_wait3A_1915 = tpu.memref_squeeze %dma_wait3A_1914 : memref<1x32xf32, #tpu.memory_space<hbm>> -> memref<32xf32, #tpu.memory_space<hbm>>
        %dma_wait3A_1916 = arith.constant 0 : i32
        %dma_wait3A_1917 = tpu.memref_slice %arg11[%dma_wait3A_1909, %dma_wait3A_1916] : memref<256x32xf32, #tpu.memory_space<vmem>> -> memref<1x32xf32, #tpu.memory_space<vmem>>
        %dma_wait3A_1918 = tpu.memref_squeeze %dma_wait3A_1917 : memref<1x32xf32, #tpu.memory_space<vmem>> -> memref<32xf32, #tpu.memory_space<vmem>>
        %dma_wait3A_1919 = arith.constant 0 : i32
        %dma_wait3A_1920 = tpu.memref_slice %arg5[%dma_wait3A_1908, %dma_wait3A_1919] : memref<100000x32xf32, #tpu.memory_space<hbm>> -> memref<1x32xf32, #tpu.memory_space<hbm>>
        %dma_wait3A_1921 = tpu.memref_squeeze %dma_wait3A_1920 : memref<1x32xf32, #tpu.memory_space<hbm>> -> memref<32xf32, #tpu.memory_space<hbm>>
        tpu.wait_dma2 semaphore(%arg12 : memref<!tpu.dma_semaphore, #tpu.memory_space<semaphore_mem>>) src(%dma_wait3A_1921 : memref<32xf32, #tpu.memory_space<hbm>>) dst(%dma_wait3A_1918 : memref<32xf32, #tpu.memory_space<vmem>>)
        %dma_wait3A_1922 = arith.constant 0 : i32
        %dma_wait3A_1923 = arith.constant 0 : i32
        %dma_wait3A_1924 = arith.constant 0 : i32
        %dma_wait3A_1925 = tpu.memref_slice %arg10[%dma_wait3A_1923, %dma_wait3A_1924] : memref<256x32xf32, #tpu.memory_space<vmem>> -> memref<1x32xf32, #tpu.memory_space<vmem>>
        %dma_wait3A_1926 = tpu.memref_squeeze %dma_wait3A_1925 : memref<1x32xf32, #tpu.memory_space<vmem>> -> memref<32xf32, #tpu.memory_space<vmem>>
        %dma_wait3A_1927 = arith.constant 0 : i32
        %dma_wait3A_1928 = tpu.memref_slice %arg4[%dma_wait3A_1922, %dma_wait3A_1927] : memref<1000000x32xf32, #tpu.memory_space<hbm>> -> memref<1x32xf32, #tpu.memory_space<hbm>>
        %dma_wait3A_1929 = tpu.memref_squeeze %dma_wait3A_1928 : memref<1x32xf32, #tpu.memory_space<hbm>> -> memref<32xf32, #tpu.memory_space<hbm>>
        %dma_wait3A_1930 = arith.constant 0 : i32
        %dma_wait3A_1931 = tpu.memref_slice %arg10[%dma_wait3A_1923, %dma_wait3A_1930] : memref<256x32xf32, #tpu.memory_space<vmem>> -> memref<1x32xf32, #tpu.memory_space<vmem>>
        %dma_wait3A_1932 = tpu.memref_squeeze %dma_wait3A_1931 : memref<1x32xf32, #tpu.memory_space<vmem>> -> memref<32xf32, #tpu.memory_space<vmem>>
        %dma_wait3A_1933 = arith.constant 0 : i32
        %dma_wait3A_1934 = tpu.memref_slice %arg4[%dma_wait3A_1922, %dma_wait3A_1933] : memref<1000000x32xf32, #tpu.memory_space<hbm>> -> memref<1x32xf32, #tpu.memory_space<hbm>>
        %dma_wait3A_1935 = tpu.memref_squeeze %dma_wait3A_1934 : memref<1x32xf32, #tpu.memory_space<hbm>> -> memref<32xf32, #tpu.memory_space<hbm>>
        tpu.wait_dma2 semaphore(%arg12 : memref<!tpu.dma_semaphore, #tpu.memory_space<semaphore_mem>>) src(%dma_wait3A_1935 : memref<32xf32, #tpu.memory_space<hbm>>) dst(%dma_wait3A_1932 : memref<32xf32, #tpu.memory_space<vmem>>)
        %dma_wait3A_1936 = arith.constant 0 : i32
        %dma_wait3A_1937 = arith.constant 0 : i32
        %dma_wait3A_1938 = arith.constant 0 : i32
        %dma_wait3A_1939 = tpu.memref_slice %arg11[%dma_wait3A_1937, %dma_wait3A_1938] : memref<256x32xf32, #tpu.memory_space<vmem>> -> memref<1x32xf32, #tpu.memory_space<vmem>>
        %dma_wait3A_1940 = tpu.memref_squeeze %dma_wait3A_1939 : memref<1x32xf32, #tpu.memory_space<vmem>> -> memref<32xf32, #tpu.memory_space<vmem>>
        %dma_wait3A_1941 = arith.constant 0 : i32
        %dma_wait3A_1942 = tpu.memref_slice %arg5[%dma_wait3A_1936, %dma_wait3A_1941] : memref<100000x32xf32, #tpu.memory_space<hbm>> -> memref<1x32xf32, #tpu.memory_space<hbm>>
        %dma_wait3A_1943 = tpu.memref_squeeze %dma_wait3A_1942 : memref<1x32xf32, #tpu.memory_space<hbm>> -> memref<32xf32, #tpu.memory_space<hbm>>
        %dma_wait3A_1944 = arith.constant 0 : i32
        %dma_wait3A_1945 = tpu.memref_slice %arg11[%dma_wait3A_1937, %dma_wait3A_1944] : memref<256x32xf32, #tpu.memory_space<vmem>> -> memref<1x32xf32, #tpu.memory_space<vmem>>
        %dma_wait3A_1946 = tpu.memref_squeeze %dma_wait3A_1945 : memref<1x32xf32, #tpu.memory_space<vmem>> -> memref<32xf32, #tpu.memory_space<vmem>>
        %dma_wait3A_1947 = arith.constant 0 : i32
        %dma_wait3A_1948 = tpu.memref_slice %arg5[%dma_wait3A_1936, %dma_wait3A_1947] : memref<100000x32xf32, #tpu.memory_space<hbm>> -> memref<1x32xf32, #tpu.memory_space<hbm>>
        %dma_wait3A_1949 = tpu.memref_squeeze %dma_wait3A_1948 : memref<1x32xf32, #tpu.memory_space<hbm>> -> memref<32xf32, #tpu.memory_space<hbm>>
        tpu.wait_dma2 semaphore(%arg12 : memref<!tpu.dma_semaphore, #tpu.memory_space<semaphore_mem>>) src(%dma_wait3A_1949 : memref<32xf32, #tpu.memory_space<hbm>>) dst(%dma_wait3A_1946 : memref<32xf32, #tpu.memory_space<vmem>>)
      } else {
      }
    }
    %scan3A_7 = arith.constant 16 : i32
    %dma_wait3A = arith.constant 0 : i32
    %dma_wait3A_8 = arith.constant 0 : i32
    %dma_wait3A_9 = arith.constant 0 : i32
    %dma_wait3A_10 = tpu.memref_slice %arg10[%dma_wait3A_8, %dma_wait3A_9] : memref<256x32xf32, #tpu.memory_space<vmem>> -> memref<1x32xf32, #tpu.memory_space<vmem>>
    %dma_wait3A_11 = tpu.memref_squeeze %dma_wait3A_10 : memref<1x32xf32, #tpu.memory_space<vmem>> -> memref<32xf32, #tpu.memory_space<vmem>>
    %dma_wait3A_12 = arith.constant 0 : i32
    %dma_wait3A_13 = tpu.memref_slice %arg4[%dma_wait3A, %dma_wait3A_12] : memref<1000000x32xf32, #tpu.memory_space<hbm>> -> memref<1x32xf32, #tpu.memory_space<hbm>>
    %dma_wait3A_14 = tpu.memref_squeeze %dma_wait3A_13 : memref<1x32xf32, #tpu.memory_space<hbm>> -> memref<32xf32, #tpu.memory_space<hbm>>
    %dma_wait3A_15 = arith.constant 0 : i32
    %dma_wait3A_16 = tpu.memref_slice %arg10[%dma_wait3A_8, %dma_wait3A_15] : memref<256x32xf32, #tpu.memory_space<vmem>> -> memref<1x32xf32, #tpu.memory_space<vmem>>
    %dma_wait3A_17 = tpu.memref_squeeze %dma_wait3A_16 : memref<1x32xf32, #tpu.memory_space<vmem>> -> memref<32xf32, #tpu.memory_space<vmem>>
    %dma_wait3A_18 = arith.constant 0 : i32
    %dma_wait3A_19 = tpu.memref_slice %arg4[%dma_wait3A, %dma_wait3A_18] : memref<1000000x32xf32, #tpu.memory_space<hbm>> -> memref<1x32xf32, #tpu.memory_space<hbm>>
    %dma_wait3A_20 = tpu.memref_squeeze %dma_wait3A_19 : memref<1x32xf32, #tpu.memory_space<hbm>> -> memref<32xf32, #tpu.memory_space<hbm>>
    tpu.wait_dma2 semaphore(%arg12 : memref<!tpu.dma_semaphore, #tpu.memory_space<semaphore_mem>>) src(%dma_wait3A_20 : memref<32xf32, #tpu.memory_space<hbm>>) dst(%dma_wait3A_17 : memref<32xf32, #tpu.memory_space<vmem>>)
    %dma_wait3A_21 = arith.constant 0 : i32
    %dma_wait3A_22 = arith.constant 0 : i32
    %dma_wait3A_23 = arith.constant 0 : i32
    %dma_wait3A_24 = tpu.memref_slice %arg11[%dma_wait3A_22, %dma_wait3A_23] : memref<256x32xf32, #tpu.memory_space<vmem>> -> memref<1x32xf32, #tpu.memory_space<vmem>>
    %dma_wait3A_25 = tpu.memref_squeeze %dma_wait3A_24 : memref<1x32xf32, #tpu.memory_space<vmem>> -> memref<32xf32, #tpu.memory_space<vmem>>
    %dma_wait3A_26 = arith.constant 0 : i32
    %dma_wait3A_27 = tpu.memref_slice %arg5[%dma_wait3A_21, %dma_wait3A_26] : memref<100000x32xf32, #tpu.memory_space<hbm>> -> memref<1x32xf32, #tpu.memory_space<hbm>>
    %dma_wait3A_28 = tpu.memref_squeeze %dma_wait3A_27 : memref<1x32xf32, #tpu.memory_space<hbm>> -> memref<32xf32, #tpu.memory_space<hbm>>
    %dma_wait3A_29 = arith.constant 0 : i32
    %dma_wait3A_30 = tpu.memref_slice %arg11[%dma_wait3A_22, %dma_wait3A_29] : memref<256x32xf32, #tpu.memory_space<vmem>> -> memref<1x32xf32, #tpu.memory_space<vmem>>
    %dma_wait3A_31 = tpu.memref_squeeze %dma_wait3A_30 : memref<1x32xf32, #tpu.memory_space<vmem>> -> memref<32xf32, #tpu.memory_space<vmem>>
    %dma_wait3A_32 = arith.constant 0 : i32
    %dma_wait3A_33 = tpu.memref_slice %arg5[%dma_wait3A_21, %dma_wait3A_32] : memref<100000x32xf32, #tpu.memory_space<hbm>> -> memref<1x32xf32, #tpu.memory_space<hbm>>
    %dma_wait3A_34 = tpu.memref_squeeze %dma_wait3A_33 : memref<1x32xf32, #tpu.memory_space<hbm>> -> memref<32xf32, #tpu.memory_space<hbm>>
    tpu.wait_dma2 semaphore(%arg12 : memref<!tpu.dma_semaphore, #tpu.memory_space<semaphore_mem>>) src(%dma_wait3A_34 : memref<32xf32, #tpu.memory_space<hbm>>) dst(%dma_wait3A_31 : memref<32xf32, #tpu.memory_space<vmem>>)
    %dma_wait3A_35 = arith.constant 0 : i32
    %dma_wait3A_36 = arith.constant 0 : i32
    %dma_wait3A_37 = arith.constant 0 : i32
    %dma_wait3A_38 = tpu.memref_slice %arg10[%dma_wait3A_36, %dma_wait3A_37] : memref<256x32xf32, #tpu.memory_space<vmem>> -> memref<1x32xf32, #tpu.memory_space<vmem>>
    %dma_wait3A_39 = tpu.memref_squeeze %dma_wait3A_38 : memref<1x32xf32, #tpu.memory_space<vmem>> -> memref<32xf32, #tpu.memory_space<vmem>>
    %dma_wait3A_40 = arith.constant 0 : i32
    %dma_wait3A_41 = tpu.memref_slice %arg4[%dma_wait3A_35, %dma_wait3A_40] : memref<1000000x32xf32, #tpu.memory_space<hbm>> -> memref<1x32xf32, #tpu.memory_space<hbm>>
    %dma_wait3A_42 = tpu.memref_squeeze %dma_wait3A_41 : memref<1x32xf32, #tpu.memory_space<hbm>> -> memref<32xf32, #tpu.memory_space<hbm>>
    %dma_wait3A_43 = arith.constant 0 : i32
    %dma_wait3A_44 = tpu.memref_slice %arg10[%dma_wait3A_36, %dma_wait3A_43] : memref<256x32xf32, #tpu.memory_space<vmem>> -> memref<1x32xf32, #tpu.memory_space<vmem>>
    %dma_wait3A_45 = tpu.memref_squeeze %dma_wait3A_44 : memref<1x32xf32, #tpu.memory_space<vmem>> -> memref<32xf32, #tpu.memory_space<vmem>>
    %dma_wait3A_46 = arith.constant 0 : i32
    %dma_wait3A_47 = tpu.memref_slice %arg4[%dma_wait3A_35, %dma_wait3A_46] : memref<1000000x32xf32, #tpu.memory_space<hbm>> -> memref<1x32xf32, #tpu.memory_space<hbm>>
    %dma_wait3A_48 = tpu.memref_squeeze %dma_wait3A_47 : memref<1x32xf32, #tpu.memory_space<hbm>> -> memref<32xf32, #tpu.memory_space<hbm>>
    tpu.wait_dma2 semaphore(%arg12 : memref<!tpu.dma_semaphore, #tpu.memory_space<semaphore_mem>>) src(%dma_wait3A_48 : memref<32xf32, #tpu.memory_space<hbm>>) dst(%dma_wait3A_45 : memref<32xf32, #tpu.memory_space<vmem>>)
    %dma_wait3A_49 = arith.constant 0 : i32
    %dma_wait3A_50 = arith.constant 0 : i32
    %dma_wait3A_51 = arith.constant 0 : i32
    %dma_wait3A_52 = tpu.memref_slice %arg11[%dma_wait3A_50, %dma_wait3A_51] : memref<256x32xf32, #tpu.memory_space<vmem>> -> memref<1x32xf32, #tpu.memory_space<vmem>>
    %dma_wait3A_53 = tpu.memref_squeeze %dma_wait3A_52 : memref<1x32xf32, #tpu.memory_space<vmem>> -> memref<32xf32, #tpu.memory_space<vmem>>
    %dma_wait3A_54 = arith.constant 0 : i32
    %dma_wait3A_55 = tpu.memref_slice %arg5[%dma_wait3A_49, %dma_wait3A_54] : memref<100000x32xf32, #tpu.memory_space<hbm>> -> memref<1x32xf32, #tpu.memory_space<hbm>>
    %dma_wait3A_56 = tpu.memref_squeeze %dma_wait3A_55 : memref<1x32xf32, #tpu.memory_space<hbm>> -> memref<32xf32, #tpu.memory_space<hbm>>
    %dma_wait3A_57 = arith.constant 0 : i32
    %dma_wait3A_58 = tpu.memref_slice %arg11[%dma_wait3A_50, %dma_wait3A_57] : memref<256x32xf32, #tpu.memory_space<vmem>> -> memref<1x32xf32, #tpu.memory_space<vmem>>
    %dma_wait3A_59 = tpu.memref_squeeze %dma_wait3A_58 : memref<1x32xf32, #tpu.memory_space<vmem>> -> memref<32xf32, #tpu.memory_space<vmem>>
    %dma_wait3A_60 = arith.constant 0 : i32
    %dma_wait3A_61 = tpu.memref_slice %arg5[%dma_wait3A_49, %dma_wait3A_60] : memref<100000x32xf32, #tpu.memory_space<hbm>> -> memref<1x32xf32, #tpu.memory_space<hbm>>
    %dma_wait3A_62 = tpu.memref_squeeze %dma_wait3A_61 : memref<1x32xf32, #tpu.memory_space<hbm>> -> memref<32xf32, #tpu.memory_space<hbm>>
    tpu.wait_dma2 semaphore(%arg12 : memref<!tpu.dma_semaphore, #tpu.memory_space<semaphore_mem>>) src(%dma_wait3A_62 : memref<32xf32, #tpu.memory_space<hbm>>) dst(%dma_wait3A_59 : memref<32xf32, #tpu.memory_space<vmem>>)
    %dma_wait3A_63 = arith.constant 0 : i32
    %dma_wait3A_64 = arith.constant 0 : i32
    %dma_wait3A_65 = arith.constant 0 : i32
    %dma_wait3A_66 = tpu.memref_slice %arg10[%dma_wait3A_64, %dma_wait3A_65] : memref<256x32xf32, #tpu.memory_space<vmem>> -> memref<1x32xf32, #tpu.memory_space<vmem>>
    %dma_wait3A_67 = tpu.memref_squeeze %dma_wait3A_66 : memref<1x32xf32, #tpu.memory_space<vmem>> -> memref<32xf32, #tpu.memory_space<vmem>>
    %dma_wait3A_68 = arith.constant 0 : i32
    %dma_wait3A_69 = tpu.memref_slice %arg4[%dma_wait3A_63, %dma_wait3A_68] : memref<1000000x32xf32, #tpu.memory_space<hbm>> -> memref<1x32xf32, #tpu.memory_space<hbm>>
    %dma_wait3A_70 = tpu.memref_squeeze %dma_wait3A_69 : memref<1x32xf32, #tpu.memory_space<hbm>> -> memref<32xf32, #tpu.memory_space<hbm>>
    %dma_wait3A_71 = arith.constant 0 : i32
    %dma_wait3A_72 = tpu.memref_slice %arg10[%dma_wait3A_64, %dma_wait3A_71] : memref<256x32xf32, #tpu.memory_space<vmem>> -> memref<1x32xf32, #tpu.memory_space<vmem>>
    %dma_wait3A_73 = tpu.memref_squeeze %dma_wait3A_72 : memref<1x32xf32, #tpu.memory_space<vmem>> -> memref<32xf32, #tpu.memory_space<vmem>>
    %dma_wait3A_74 = arith.constant 0 : i32
    %dma_wait3A_75 = tpu.memref_slice %arg4[%dma_wait3A_63, %dma_wait3A_74] : memref<1000000x32xf32, #tpu.memory_space<hbm>> -> memref<1x32xf32, #tpu.memory_space<hbm>>
    %dma_wait3A_76 = tpu.memref_squeeze %dma_wait3A_75 : memref<1x32xf32, #tpu.memory_space<hbm>> -> memref<32xf32, #tpu.memory_space<hbm>>
    tpu.wait_dma2 semaphore(%arg12 : memref<!tpu.dma_semaphore, #tpu.memory_space<semaphore_mem>>) src(%dma_wait3A_76 : memref<32xf32, #tpu.memory_space<hbm>>) dst(%dma_wait3A_73 : memref<32xf32, #tpu.memory_space<vmem>>)
    %dma_wait3A_77 = arith.constant 0 : i32
    %dma_wait3A_78 = arith.constant 0 : i32
    %dma_wait3A_79 = arith.constant 0 : i32
    %dma_wait3A_80 = tpu.memref_slice %arg11[%dma_wait3A_78, %dma_wait3A_79] : memref<256x32xf32, #tpu.memory_space<vmem>> -> memref<1x32xf32, #tpu.memory_space<vmem>>
    %dma_wait3A_81 = tpu.memref_squeeze %dma_wait3A_80 : memref<1x32xf32, #tpu.memory_space<vmem>> -> memref<32xf32, #tpu.memory_space<vmem>>
    %dma_wait3A_82 = arith.constant 0 : i32
    %dma_wait3A_83 = tpu.memref_slice %arg5[%dma_wait3A_77, %dma_wait3A_82] : memref<100000x32xf32, #tpu.memory_space<hbm>> -> memref<1x32xf32, #tpu.memory_space<hbm>>
    %dma_wait3A_84 = tpu.memref_squeeze %dma_wait3A_83 : memref<1x32xf32, #tpu.memory_space<hbm>> -> memref<32xf32, #tpu.memory_space<hbm>>
    %dma_wait3A_85 = arith.constant 0 : i32
    %dma_wait3A_86 = tpu.memref_slice %arg11[%dma_wait3A_78, %dma_wait3A_85] : memref<256x32xf32, #tpu.memory_space<vmem>> -> memref<1x32xf32, #tpu.memory_space<vmem>>
    %dma_wait3A_87 = tpu.memref_squeeze %dma_wait3A_86 : memref<1x32xf32, #tpu.memory_space<vmem>> -> memref<32xf32, #tpu.memory_space<vmem>>
    %dma_wait3A_88 = arith.constant 0 : i32
    %dma_wait3A_89 = tpu.memref_slice %arg5[%dma_wait3A_77, %dma_wait3A_88] : memref<100000x32xf32, #tpu.memory_space<hbm>> -> memref<1x32xf32, #tpu.memory_space<hbm>>
    %dma_wait3A_90 = tpu.memref_squeeze %dma_wait3A_89 : memref<1x32xf32, #tpu.memory_space<hbm>> -> memref<32xf32, #tpu.memory_space<hbm>>
    tpu.wait_dma2 semaphore(%arg12 : memref<!tpu.dma_semaphore, #tpu.memory_space<semaphore_mem>>) src(%dma_wait3A_90 : memref<32xf32, #tpu.memory_space<hbm>>) dst(%dma_wait3A_87 : memref<32xf32, #tpu.memory_space<vmem>>)
    %dma_wait3A_91 = arith.constant 0 : i32
    %dma_wait3A_92 = arith.constant 0 : i32
    %dma_wait3A_93 = arith.constant 0 : i32
    %dma_wait3A_94 = tpu.memref_slice %arg10[%dma_wait3A_92, %dma_wait3A_93] : memref<256x32xf32, #tpu.memory_space<vmem>> -> memref<1x32xf32, #tpu.memory_space<vmem>>
    %dma_wait3A_95 = tpu.memref_squeeze %dma_wait3A_94 : memref<1x32xf32, #tpu.memory_space<vmem>> -> memref<32xf32, #tpu.memory_space<vmem>>
    %dma_wait3A_96 = arith.constant 0 : i32
    %dma_wait3A_97 = tpu.memref_slice %arg4[%dma_wait3A_91, %dma_wait3A_96] : memref<1000000x32xf32, #tpu.memory_space<hbm>> -> memref<1x32xf32, #tpu.memory_space<hbm>>
    %dma_wait3A_98 = tpu.memref_squeeze %dma_wait3A_97 : memref<1x32xf32, #tpu.memory_space<hbm>> -> memref<32xf32, #tpu.memory_space<hbm>>
    %dma_wait3A_99 = arith.constant 0 : i32
    %dma_wait3A_100 = tpu.memref_slice %arg10[%dma_wait3A_92, %dma_wait3A_99] : memref<256x32xf32, #tpu.memory_space<vmem>> -> memref<1x32xf32, #tpu.memory_space<vmem>>
    %dma_wait3A_101 = tpu.memref_squeeze %dma_wait3A_100 : memref<1x32xf32, #tpu.memory_space<vmem>> -> memref<32xf32, #tpu.memory_space<vmem>>
    %dma_wait3A_102 = arith.constant 0 : i32
    %dma_wait3A_103 = tpu.memref_slice %arg4[%dma_wait3A_91, %dma_wait3A_102] : memref<1000000x32xf32, #tpu.memory_space<hbm>> -> memref<1x32xf32, #tpu.memory_space<hbm>>
    %dma_wait3A_104 = tpu.memref_squeeze %dma_wait3A_103 : memref<1x32xf32, #tpu.memory_space<hbm>> -> memref<32xf32, #tpu.memory_space<hbm>>
    tpu.wait_dma2 semaphore(%arg12 : memref<!tpu.dma_semaphore, #tpu.memory_space<semaphore_mem>>) src(%dma_wait3A_104 : memref<32xf32, #tpu.memory_space<hbm>>) dst(%dma_wait3A_101 : memref<32xf32, #tpu.memory_space<vmem>>)
    %dma_wait3A_105 = arith.constant 0 : i32
    %dma_wait3A_106 = arith.constant 0 : i32
    %dma_wait3A_107 = arith.constant 0 : i32
    %dma_wait3A_108 = tpu.memref_slice %arg11[%dma_wait3A_106, %dma_wait3A_107] : memref<256x32xf32, #tpu.memory_space<vmem>> -> memref<1x32xf32, #tpu.memory_space<vmem>>
    %dma_wait3A_109 = tpu.memref_squeeze %dma_wait3A_108 : memref<1x32xf32, #tpu.memory_space<vmem>> -> memref<32xf32, #tpu.memory_space<vmem>>
    %dma_wait3A_110 = arith.constant 0 : i32
    %dma_wait3A_111 = tpu.memref_slice %arg5[%dma_wait3A_105, %dma_wait3A_110] : memref<100000x32xf32, #tpu.memory_space<hbm>> -> memref<1x32xf32, #tpu.memory_space<hbm>>
    %dma_wait3A_112 = tpu.memref_squeeze %dma_wait3A_111 : memref<1x32xf32, #tpu.memory_space<hbm>> -> memref<32xf32, #tpu.memory_space<hbm>>
    %dma_wait3A_113 = arith.constant 0 : i32
    %dma_wait3A_114 = tpu.memref_slice %arg11[%dma_wait3A_106, %dma_wait3A_113] : memref<256x32xf32, #tpu.memory_space<vmem>> -> memref<1x32xf32, #tpu.memory_space<vmem>>
    %dma_wait3A_115 = tpu.memref_squeeze %dma_wait3A_114 : memref<1x32xf32, #tpu.memory_space<vmem>> -> memref<32xf32, #tpu.memory_space<vmem>>
    %dma_wait3A_116 = arith.constant 0 : i32
    %dma_wait3A_117 = tpu.memref_slice %arg5[%dma_wait3A_105, %dma_wait3A_116] : memref<100000x32xf32, #tpu.memory_space<hbm>> -> memref<1x32xf32, #tpu.memory_space<hbm>>
    %dma_wait3A_118 = tpu.memref_squeeze %dma_wait3A_117 : memref<1x32xf32, #tpu.memory_space<hbm>> -> memref<32xf32, #tpu.memory_space<hbm>>
    tpu.wait_dma2 semaphore(%arg12 : memref<!tpu.dma_semaphore, #tpu.memory_space<semaphore_mem>>) src(%dma_wait3A_118 : memref<32xf32, #tpu.memory_space<hbm>>) dst(%dma_wait3A_115 : memref<32xf32, #tpu.memory_space<vmem>>)
    %dma_wait3A_119 = arith.constant 0 : i32
    %dma_wait3A_120 = arith.constant 0 : i32
    %dma_wait3A_121 = arith.constant 0 : i32
    %dma_wait3A_122 = tpu.memref_slice %arg10[%dma_wait3A_120, %dma_wait3A_121] : memref<256x32xf32, #tpu.memory_space<vmem>> -> memref<1x32xf32, #tpu.memory_space<vmem>>
    %dma_wait3A_123 = tpu.memref_squeeze %dma_wait3A_122 : memref<1x32xf32, #tpu.memory_space<vmem>> -> memref<32xf32, #tpu.memory_space<vmem>>
    %dma_wait3A_124 = arith.constant 0 : i32
    %dma_wait3A_125 = tpu.memref_slice %arg4[%dma_wait3A_119, %dma_wait3A_124] : memref<1000000x32xf32, #tpu.memory_space<hbm>> -> memref<1x32xf32, #tpu.memory_space<hbm>>
    %dma_wait3A_126 = tpu.memref_squeeze %dma_wait3A_125 : memref<1x32xf32, #tpu.memory_space<hbm>> -> memref<32xf32, #tpu.memory_space<hbm>>
    %dma_wait3A_127 = arith.constant 0 : i32
    %dma_wait3A_128 = tpu.memref_slice %arg10[%dma_wait3A_120, %dma_wait3A_127] : memref<256x32xf32, #tpu.memory_space<vmem>> -> memref<1x32xf32, #tpu.memory_space<vmem>>
    %dma_wait3A_129 = tpu.memref_squeeze %dma_wait3A_128 : memref<1x32xf32, #tpu.memory_space<vmem>> -> memref<32xf32, #tpu.memory_space<vmem>>
    %dma_wait3A_130 = arith.constant 0 : i32
    %dma_wait3A_131 = tpu.memref_slice %arg4[%dma_wait3A_119, %dma_wait3A_130] : memref<1000000x32xf32, #tpu.memory_space<hbm>> -> memref<1x32xf32, #tpu.memory_space<hbm>>
    %dma_wait3A_132 = tpu.memref_squeeze %dma_wait3A_131 : memref<1x32xf32, #tpu.memory_space<hbm>> -> memref<32xf32, #tpu.memory_space<hbm>>
    tpu.wait_dma2 semaphore(%arg12 : memref<!tpu.dma_semaphore, #tpu.memory_space<semaphore_mem>>) src(%dma_wait3A_132 : memref<32xf32, #tpu.memory_space<hbm>>) dst(%dma_wait3A_129 : memref<32xf32, #tpu.memory_space<vmem>>)
    %dma_wait3A_133 = arith.constant 0 : i32
    %dma_wait3A_134 = arith.constant 0 : i32
    %dma_wait3A_135 = arith.constant 0 : i32
    %dma_wait3A_136 = tpu.memref_slice %arg11[%dma_wait3A_134, %dma_wait3A_135] : memref<256x32xf32, #tpu.memory_space<vmem>> -> memref<1x32xf32, #tpu.memory_space<vmem>>
    %dma_wait3A_137 = tpu.memref_squeeze %dma_wait3A_136 : memref<1x32xf32, #tpu.memory_space<vmem>> -> memref<32xf32, #tpu.memory_space<vmem>>
    %dma_wait3A_138 = arith.constant 0 : i32
    %dma_wait3A_139 = tpu.memref_slice %arg5[%dma_wait3A_133, %dma_wait3A_138] : memref<100000x32xf32, #tpu.memory_space<hbm>> -> memref<1x32xf32, #tpu.memory_space<hbm>>
    %dma_wait3A_140 = tpu.memref_squeeze %dma_wait3A_139 : memref<1x32xf32, #tpu.memory_space<hbm>> -> memref<32xf32, #tpu.memory_space<hbm>>
    %dma_wait3A_141 = arith.constant 0 : i32
    %dma_wait3A_142 = tpu.memref_slice %arg11[%dma_wait3A_134, %dma_wait3A_141] : memref<256x32xf32, #tpu.memory_space<vmem>> -> memref<1x32xf32, #tpu.memory_space<vmem>>
    %dma_wait3A_143 = tpu.memref_squeeze %dma_wait3A_142 : memref<1x32xf32, #tpu.memory_space<vmem>> -> memref<32xf32, #tpu.memory_space<vmem>>
    %dma_wait3A_144 = arith.constant 0 : i32
    %dma_wait3A_145 = tpu.memref_slice %arg5[%dma_wait3A_133, %dma_wait3A_144] : memref<100000x32xf32, #tpu.memory_space<hbm>> -> memref<1x32xf32, #tpu.memory_space<hbm>>
    %dma_wait3A_146 = tpu.memref_squeeze %dma_wait3A_145 : memref<1x32xf32, #tpu.memory_space<hbm>> -> memref<32xf32, #tpu.memory_space<hbm>>
    tpu.wait_dma2 semaphore(%arg12 : memref<!tpu.dma_semaphore, #tpu.memory_space<semaphore_mem>>) src(%dma_wait3A_146 : memref<32xf32, #tpu.memory_space<hbm>>) dst(%dma_wait3A_143 : memref<32xf32, #tpu.memory_space<vmem>>)
    %dma_wait3A_147 = arith.constant 0 : i32
    %dma_wait3A_148 = arith.constant 0 : i32
    %dma_wait3A_149 = arith.constant 0 : i32
    %dma_wait3A_150 = tpu.memref_slice %arg10[%dma_wait3A_148, %dma_wait3A_149] : memref<256x32xf32, #tpu.memory_space<vmem>> -> memref<1x32xf32, #tpu.memory_space<vmem>>
    %dma_wait3A_151 = tpu.memref_squeeze %dma_wait3A_150 : memref<1x32xf32, #tpu.memory_space<vmem>> -> memref<32xf32, #tpu.memory_space<vmem>>
    %dma_wait3A_152 = arith.constant 0 : i32
    %dma_wait3A_153 = tpu.memref_slice %arg4[%dma_wait3A_147, %dma_wait3A_152] : memref<1000000x32xf32, #tpu.memory_space<hbm>> -> memref<1x32xf32, #tpu.memory_space<hbm>>
    %dma_wait3A_154 = tpu.memref_squeeze %dma_wait3A_153 : memref<1x32xf32, #tpu.memory_space<hbm>> -> memref<32xf32, #tpu.memory_space<hbm>>
    %dma_wait3A_155 = arith.constant 0 : i32
    %dma_wait3A_156 = tpu.memref_slice %arg10[%dma_wait3A_148, %dma_wait3A_155] : memref<256x32xf32, #tpu.memory_space<vmem>> -> memref<1x32xf32, #tpu.memory_space<vmem>>
    %dma_wait3A_157 = tpu.memref_squeeze %dma_wait3A_156 : memref<1x32xf32, #tpu.memory_space<vmem>> -> memref<32xf32, #tpu.memory_space<vmem>>
    %dma_wait3A_158 = arith.constant 0 : i32
    %dma_wait3A_159 = tpu.memref_slice %arg4[%dma_wait3A_147, %dma_wait3A_158] : memref<1000000x32xf32, #tpu.memory_space<hbm>> -> memref<1x32xf32, #tpu.memory_space<hbm>>
    %dma_wait3A_160 = tpu.memref_squeeze %dma_wait3A_159 : memref<1x32xf32, #tpu.memory_space<hbm>> -> memref<32xf32, #tpu.memory_space<hbm>>
    tpu.wait_dma2 semaphore(%arg12 : memref<!tpu.dma_semaphore, #tpu.memory_space<semaphore_mem>>) src(%dma_wait3A_160 : memref<32xf32, #tpu.memory_space<hbm>>) dst(%dma_wait3A_157 : memref<32xf32, #tpu.memory_space<vmem>>)
    %dma_wait3A_161 = arith.constant 0 : i32
    %dma_wait3A_162 = arith.constant 0 : i32
    %dma_wait3A_163 = arith.constant 0 : i32
    %dma_wait3A_164 = tpu.memref_slice %arg11[%dma_wait3A_162, %dma_wait3A_163] : memref<256x32xf32, #tpu.memory_space<vmem>> -> memref<1x32xf32, #tpu.memory_space<vmem>>
    %dma_wait3A_165 = tpu.memref_squeeze %dma_wait3A_164 : memref<1x32xf32, #tpu.memory_space<vmem>> -> memref<32xf32, #tpu.memory_space<vmem>>
    %dma_wait3A_166 = arith.constant 0 : i32
    %dma_wait3A_167 = tpu.memref_slice %arg5[%dma_wait3A_161, %dma_wait3A_166] : memref<100000x32xf32, #tpu.memory_space<hbm>> -> memref<1x32xf32, #tpu.memory_space<hbm>>
    %dma_wait3A_168 = tpu.memref_squeeze %dma_wait3A_167 : memref<1x32xf32, #tpu.memory_space<hbm>> -> memref<32xf32, #tpu.memory_space<hbm>>
    %dma_wait3A_169 = arith.constant 0 : i32
    %dma_wait3A_170 = tpu.memref_slice %arg11[%dma_wait3A_162, %dma_wait3A_169] : memref<256x32xf32, #tpu.memory_space<vmem>> -> memref<1x32xf32, #tpu.memory_space<vmem>>
    %dma_wait3A_171 = tpu.memref_squeeze %dma_wait3A_170 : memref<1x32xf32, #tpu.memory_space<vmem>> -> memref<32xf32, #tpu.memory_space<vmem>>
    %dma_wait3A_172 = arith.constant 0 : i32
    %dma_wait3A_173 = tpu.memref_slice %arg5[%dma_wait3A_161, %dma_wait3A_172] : memref<100000x32xf32, #tpu.memory_space<hbm>> -> memref<1x32xf32, #tpu.memory_space<hbm>>
    %dma_wait3A_174 = tpu.memref_squeeze %dma_wait3A_173 : memref<1x32xf32, #tpu.memory_space<hbm>> -> memref<32xf32, #tpu.memory_space<hbm>>
    tpu.wait_dma2 semaphore(%arg12 : memref<!tpu.dma_semaphore, #tpu.memory_space<semaphore_mem>>) src(%dma_wait3A_174 : memref<32xf32, #tpu.memory_space<hbm>>) dst(%dma_wait3A_171 : memref<32xf32, #tpu.memory_space<vmem>>)
    %dma_wait3A_175 = arith.constant 0 : i32
    %dma_wait3A_176 = arith.constant 0 : i32
    %dma_wait3A_177 = arith.constant 0 : i32
    %dma_wait3A_178 = tpu.memref_slice %arg10[%dma_wait3A_176, %dma_wait3A_177] : memref<256x32xf32, #tpu.memory_space<vmem>> -> memref<1x32xf32, #tpu.memory_space<vmem>>
    %dma_wait3A_179 = tpu.memref_squeeze %dma_wait3A_178 : memref<1x32xf32, #tpu.memory_space<vmem>> -> memref<32xf32, #tpu.memory_space<vmem>>
    %dma_wait3A_180 = arith.constant 0 : i32
    %dma_wait3A_181 = tpu.memref_slice %arg4[%dma_wait3A_175, %dma_wait3A_180] : memref<1000000x32xf32, #tpu.memory_space<hbm>> -> memref<1x32xf32, #tpu.memory_space<hbm>>
    %dma_wait3A_182 = tpu.memref_squeeze %dma_wait3A_181 : memref<1x32xf32, #tpu.memory_space<hbm>> -> memref<32xf32, #tpu.memory_space<hbm>>
    %dma_wait3A_183 = arith.constant 0 : i32
    %dma_wait3A_184 = tpu.memref_slice %arg10[%dma_wait3A_176, %dma_wait3A_183] : memref<256x32xf32, #tpu.memory_space<vmem>> -> memref<1x32xf32, #tpu.memory_space<vmem>>
    %dma_wait3A_185 = tpu.memref_squeeze %dma_wait3A_184 : memref<1x32xf32, #tpu.memory_space<vmem>> -> memref<32xf32, #tpu.memory_space<vmem>>
    %dma_wait3A_186 = arith.constant 0 : i32
    %dma_wait3A_187 = tpu.memref_slice %arg4[%dma_wait3A_175, %dma_wait3A_186] : memref<1000000x32xf32, #tpu.memory_space<hbm>> -> memref<1x32xf32, #tpu.memory_space<hbm>>
    %dma_wait3A_188 = tpu.memref_squeeze %dma_wait3A_187 : memref<1x32xf32, #tpu.memory_space<hbm>> -> memref<32xf32, #tpu.memory_space<hbm>>
    tpu.wait_dma2 semaphore(%arg12 : memref<!tpu.dma_semaphore, #tpu.memory_space<semaphore_mem>>) src(%dma_wait3A_188 : memref<32xf32, #tpu.memory_space<hbm>>) dst(%dma_wait3A_185 : memref<32xf32, #tpu.memory_space<vmem>>)
    %dma_wait3A_189 = arith.constant 0 : i32
    %dma_wait3A_190 = arith.constant 0 : i32
    %dma_wait3A_191 = arith.constant 0 : i32
    %dma_wait3A_192 = tpu.memref_slice %arg11[%dma_wait3A_190, %dma_wait3A_191] : memref<256x32xf32, #tpu.memory_space<vmem>> -> memref<1x32xf32, #tpu.memory_space<vmem>>
    %dma_wait3A_193 = tpu.memref_squeeze %dma_wait3A_192 : memref<1x32xf32, #tpu.memory_space<vmem>> -> memref<32xf32, #tpu.memory_space<vmem>>
    %dma_wait3A_194 = arith.constant 0 : i32
    %dma_wait3A_195 = tpu.memref_slice %arg5[%dma_wait3A_189, %dma_wait3A_194] : memref<100000x32xf32, #tpu.memory_space<hbm>> -> memref<1x32xf32, #tpu.memory_space<hbm>>
    %dma_wait3A_196 = tpu.memref_squeeze %dma_wait3A_195 : memref<1x32xf32, #tpu.memory_space<hbm>> -> memref<32xf32, #tpu.memory_space<hbm>>
    %dma_wait3A_197 = arith.constant 0 : i32
    %dma_wait3A_198 = tpu.memref_slice %arg11[%dma_wait3A_190, %dma_wait3A_197] : memref<256x32xf32, #tpu.memory_space<vmem>> -> memref<1x32xf32, #tpu.memory_space<vmem>>
    %dma_wait3A_199 = tpu.memref_squeeze %dma_wait3A_198 : memref<1x32xf32, #tpu.memory_space<vmem>> -> memref<32xf32, #tpu.memory_space<vmem>>
    %dma_wait3A_200 = arith.constant 0 : i32
    %dma_wait3A_201 = tpu.memref_slice %arg5[%dma_wait3A_189, %dma_wait3A_200] : memref<100000x32xf32, #tpu.memory_space<hbm>> -> memref<1x32xf32, #tpu.memory_space<hbm>>
    %dma_wait3A_202 = tpu.memref_squeeze %dma_wait3A_201 : memref<1x32xf32, #tpu.memory_space<hbm>> -> memref<32xf32, #tpu.memory_space<hbm>>
    tpu.wait_dma2 semaphore(%arg12 : memref<!tpu.dma_semaphore, #tpu.memory_space<semaphore_mem>>) src(%dma_wait3A_202 : memref<32xf32, #tpu.memory_space<hbm>>) dst(%dma_wait3A_199 : memref<32xf32, #tpu.memory_space<vmem>>)
    %dma_wait3A_203 = arith.constant 0 : i32
    %dma_wait3A_204 = arith.constant 0 : i32
    %dma_wait3A_205 = arith.constant 0 : i32
    %dma_wait3A_206 = tpu.memref_slice %arg10[%dma_wait3A_204, %dma_wait3A_205] : memref<256x32xf32, #tpu.memory_space<vmem>> -> memref<1x32xf32, #tpu.memory_space<vmem>>
    %dma_wait3A_207 = tpu.memref_squeeze %dma_wait3A_206 : memref<1x32xf32, #tpu.memory_space<vmem>> -> memref<32xf32, #tpu.memory_space<vmem>>
    %dma_wait3A_208 = arith.constant 0 : i32
    %dma_wait3A_209 = tpu.memref_slice %arg4[%dma_wait3A_203, %dma_wait3A_208] : memref<1000000x32xf32, #tpu.memory_space<hbm>> -> memref<1x32xf32, #tpu.memory_space<hbm>>
    %dma_wait3A_210 = tpu.memref_squeeze %dma_wait3A_209 : memref<1x32xf32, #tpu.memory_space<hbm>> -> memref<32xf32, #tpu.memory_space<hbm>>
    %dma_wait3A_211 = arith.constant 0 : i32
    %dma_wait3A_212 = tpu.memref_slice %arg10[%dma_wait3A_204, %dma_wait3A_211] : memref<256x32xf32, #tpu.memory_space<vmem>> -> memref<1x32xf32, #tpu.memory_space<vmem>>
    %dma_wait3A_213 = tpu.memref_squeeze %dma_wait3A_212 : memref<1x32xf32, #tpu.memory_space<vmem>> -> memref<32xf32, #tpu.memory_space<vmem>>
    %dma_wait3A_214 = arith.constant 0 : i32
    %dma_wait3A_215 = tpu.memref_slice %arg4[%dma_wait3A_203, %dma_wait3A_214] : memref<1000000x32xf32, #tpu.memory_space<hbm>> -> memref<1x32xf32, #tpu.memory_space<hbm>>
    %dma_wait3A_216 = tpu.memref_squeeze %dma_wait3A_215 : memref<1x32xf32, #tpu.memory_space<hbm>> -> memref<32xf32, #tpu.memory_space<hbm>>
    tpu.wait_dma2 semaphore(%arg12 : memref<!tpu.dma_semaphore, #tpu.memory_space<semaphore_mem>>) src(%dma_wait3A_216 : memref<32xf32, #tpu.memory_space<hbm>>) dst(%dma_wait3A_213 : memref<32xf32, #tpu.memory_space<vmem>>)
    %dma_wait3A_217 = arith.constant 0 : i32
    %dma_wait3A_218 = arith.constant 0 : i32
    %dma_wait3A_219 = arith.constant 0 : i32
    %dma_wait3A_220 = tpu.memref_slice %arg11[%dma_wait3A_218, %dma_wait3A_219] : memref<256x32xf32, #tpu.memory_space<vmem>> -> memref<1x32xf32, #tpu.memory_space<vmem>>
    %dma_wait3A_221 = tpu.memref_squeeze %dma_wait3A_220 : memref<1x32xf32, #tpu.memory_space<vmem>> -> memref<32xf32, #tpu.memory_space<vmem>>
    %dma_wait3A_222 = arith.constant 0 : i32
    %dma_wait3A_223 = tpu.memref_slice %arg5[%dma_wait3A_217, %dma_wait3A_222] : memref<100000x32xf32, #tpu.memory_space<hbm>> -> memref<1x32xf32, #tpu.memory_space<hbm>>
    %dma_wait3A_224 = tpu.memref_squeeze %dma_wait3A_223 : memref<1x32xf32, #tpu.memory_space<hbm>> -> memref<32xf32, #tpu.memory_space<hbm>>
    %dma_wait3A_225 = arith.constant 0 : i32
    %dma_wait3A_226 = tpu.memref_slice %arg11[%dma_wait3A_218, %dma_wait3A_225] : memref<256x32xf32, #tpu.memory_space<vmem>> -> memref<1x32xf32, #tpu.memory_space<vmem>>
    %dma_wait3A_227 = tpu.memref_squeeze %dma_wait3A_226 : memref<1x32xf32, #tpu.memory_space<vmem>> -> memref<32xf32, #tpu.memory_space<vmem>>
    %dma_wait3A_228 = arith.constant 0 : i32
    %dma_wait3A_229 = tpu.memref_slice %arg5[%dma_wait3A_217, %dma_wait3A_228] : memref<100000x32xf32, #tpu.memory_space<hbm>> -> memref<1x32xf32, #tpu.memory_space<hbm>>
    %dma_wait3A_230 = tpu.memref_squeeze %dma_wait3A_229 : memref<1x32xf32, #tpu.memory_space<hbm>> -> memref<32xf32, #tpu.memory_space<hbm>>
    tpu.wait_dma2 semaphore(%arg12 : memref<!tpu.dma_semaphore, #tpu.memory_space<semaphore_mem>>) src(%dma_wait3A_230 : memref<32xf32, #tpu.memory_space<hbm>>) dst(%dma_wait3A_227 : memref<32xf32, #tpu.memory_space<vmem>>)
    %dma_wait3A_231 = arith.constant 0 : i32
    %dma_wait3A_232 = arith.constant 0 : i32
    %dma_wait3A_233 = arith.constant 0 : i32
    %dma_wait3A_234 = tpu.memref_slice %arg10[%dma_wait3A_232, %dma_wait3A_233] : memref<256x32xf32, #tpu.memory_space<vmem>> -> memref<1x32xf32, #tpu.memory_space<vmem>>
    %dma_wait3A_235 = tpu.memref_squeeze %dma_wait3A_234 : memref<1x32xf32, #tpu.memory_space<vmem>> -> memref<32xf32, #tpu.memory_space<vmem>>
    %dma_wait3A_236 = arith.constant 0 : i32
    %dma_wait3A_237 = tpu.memref_slice %arg4[%dma_wait3A_231, %dma_wait3A_236] : memref<1000000x32xf32, #tpu.memory_space<hbm>> -> memref<1x32xf32, #tpu.memory_space<hbm>>
    %dma_wait3A_238 = tpu.memref_squeeze %dma_wait3A_237 : memref<1x32xf32, #tpu.memory_space<hbm>> -> memref<32xf32, #tpu.memory_space<hbm>>
    %dma_wait3A_239 = arith.constant 0 : i32
    %dma_wait3A_240 = tpu.memref_slice %arg10[%dma_wait3A_232, %dma_wait3A_239] : memref<256x32xf32, #tpu.memory_space<vmem>> -> memref<1x32xf32, #tpu.memory_space<vmem>>
    %dma_wait3A_241 = tpu.memref_squeeze %dma_wait3A_240 : memref<1x32xf32, #tpu.memory_space<vmem>> -> memref<32xf32, #tpu.memory_space<vmem>>
    %dma_wait3A_242 = arith.constant 0 : i32
    %dma_wait3A_243 = tpu.memref_slice %arg4[%dma_wait3A_231, %dma_wait3A_242] : memref<1000000x32xf32, #tpu.memory_space<hbm>> -> memref<1x32xf32, #tpu.memory_space<hbm>>
    %dma_wait3A_244 = tpu.memref_squeeze %dma_wait3A_243 : memref<1x32xf32, #tpu.memory_space<hbm>> -> memref<32xf32, #tpu.memory_space<hbm>>
    tpu.wait_dma2 semaphore(%arg12 : memref<!tpu.dma_semaphore, #tpu.memory_space<semaphore_mem>>) src(%dma_wait3A_244 : memref<32xf32, #tpu.memory_space<hbm>>) dst(%dma_wait3A_241 : memref<32xf32, #tpu.memory_space<vmem>>)
    %dma_wait3A_245 = arith.constant 0 : i32
    %dma_wait3A_246 = arith.constant 0 : i32
    %dma_wait3A_247 = arith.constant 0 : i32
    %dma_wait3A_248 = tpu.memref_slice %arg11[%dma_wait3A_246, %dma_wait3A_247] : memref<256x32xf32, #tpu.memory_space<vmem>> -> memref<1x32xf32, #tpu.memory_space<vmem>>
    %dma_wait3A_249 = tpu.memref_squeeze %dma_wait3A_248 : memref<1x32xf32, #tpu.memory_space<vmem>> -> memref<32xf32, #tpu.memory_space<vmem>>
    %dma_wait3A_250 = arith.constant 0 : i32
    %dma_wait3A_251 = tpu.memref_slice %arg5[%dma_wait3A_245, %dma_wait3A_250] : memref<100000x32xf32, #tpu.memory_space<hbm>> -> memref<1x32xf32, #tpu.memory_space<hbm>>
    %dma_wait3A_252 = tpu.memref_squeeze %dma_wait3A_251 : memref<1x32xf32, #tpu.memory_space<hbm>> -> memref<32xf32, #tpu.memory_space<hbm>>
    %dma_wait3A_253 = arith.constant 0 : i32
    %dma_wait3A_254 = tpu.memref_slice %arg11[%dma_wait3A_246, %dma_wait3A_253] : memref<256x32xf32, #tpu.memory_space<vmem>> -> memref<1x32xf32, #tpu.memory_space<vmem>>
    %dma_wait3A_255 = tpu.memref_squeeze %dma_wait3A_254 : memref<1x32xf32, #tpu.memory_space<vmem>> -> memref<32xf32, #tpu.memory_space<vmem>>
    %dma_wait3A_256 = arith.constant 0 : i32
    %dma_wait3A_257 = tpu.memref_slice %arg5[%dma_wait3A_245, %dma_wait3A_256] : memref<100000x32xf32, #tpu.memory_space<hbm>> -> memref<1x32xf32, #tpu.memory_space<hbm>>
    %dma_wait3A_258 = tpu.memref_squeeze %dma_wait3A_257 : memref<1x32xf32, #tpu.memory_space<hbm>> -> memref<32xf32, #tpu.memory_space<hbm>>
    tpu.wait_dma2 semaphore(%arg12 : memref<!tpu.dma_semaphore, #tpu.memory_space<semaphore_mem>>) src(%dma_wait3A_258 : memref<32xf32, #tpu.memory_space<hbm>>) dst(%dma_wait3A_255 : memref<32xf32, #tpu.memory_space<vmem>>)
    %dma_wait3A_259 = arith.constant 0 : i32
    %dma_wait3A_260 = arith.constant 0 : i32
    %dma_wait3A_261 = arith.constant 0 : i32
    %dma_wait3A_262 = tpu.memref_slice %arg10[%dma_wait3A_260, %dma_wait3A_261] : memref<256x32xf32, #tpu.memory_space<vmem>> -> memref<1x32xf32, #tpu.memory_space<vmem>>
    %dma_wait3A_263 = tpu.memref_squeeze %dma_wait3A_262 : memref<1x32xf32, #tpu.memory_space<vmem>> -> memref<32xf32, #tpu.memory_space<vmem>>
    %dma_wait3A_264 = arith.constant 0 : i32
    %dma_wait3A_265 = tpu.memref_slice %arg4[%dma_wait3A_259, %dma_wait3A_264] : memref<1000000x32xf32, #tpu.memory_space<hbm>> -> memref<1x32xf32, #tpu.memory_space<hbm>>
    %dma_wait3A_266 = tpu.memref_squeeze %dma_wait3A_265 : memref<1x32xf32, #tpu.memory_space<hbm>> -> memref<32xf32, #tpu.memory_space<hbm>>
    %dma_wait3A_267 = arith.constant 0 : i32
    %dma_wait3A_268 = tpu.memref_slice %arg10[%dma_wait3A_260, %dma_wait3A_267] : memref<256x32xf32, #tpu.memory_space<vmem>> -> memref<1x32xf32, #tpu.memory_space<vmem>>
    %dma_wait3A_269 = tpu.memref_squeeze %dma_wait3A_268 : memref<1x32xf32, #tpu.memory_space<vmem>> -> memref<32xf32, #tpu.memory_space<vmem>>
    %dma_wait3A_270 = arith.constant 0 : i32
    %dma_wait3A_271 = tpu.memref_slice %arg4[%dma_wait3A_259, %dma_wait3A_270] : memref<1000000x32xf32, #tpu.memory_space<hbm>> -> memref<1x32xf32, #tpu.memory_space<hbm>>
    %dma_wait3A_272 = tpu.memref_squeeze %dma_wait3A_271 : memref<1x32xf32, #tpu.memory_space<hbm>> -> memref<32xf32, #tpu.memory_space<hbm>>
    tpu.wait_dma2 semaphore(%arg12 : memref<!tpu.dma_semaphore, #tpu.memory_space<semaphore_mem>>) src(%dma_wait3A_272 : memref<32xf32, #tpu.memory_space<hbm>>) dst(%dma_wait3A_269 : memref<32xf32, #tpu.memory_space<vmem>>)
    %dma_wait3A_273 = arith.constant 0 : i32
    %dma_wait3A_274 = arith.constant 0 : i32
    %dma_wait3A_275 = arith.constant 0 : i32
    %dma_wait3A_276 = tpu.memref_slice %arg11[%dma_wait3A_274, %dma_wait3A_275] : memref<256x32xf32, #tpu.memory_space<vmem>> -> memref<1x32xf32, #tpu.memory_space<vmem>>
    %dma_wait3A_277 = tpu.memref_squeeze %dma_wait3A_276 : memref<1x32xf32, #tpu.memory_space<vmem>> -> memref<32xf32, #tpu.memory_space<vmem>>
    %dma_wait3A_278 = arith.constant 0 : i32
    %dma_wait3A_279 = tpu.memref_slice %arg5[%dma_wait3A_273, %dma_wait3A_278] : memref<100000x32xf32, #tpu.memory_space<hbm>> -> memref<1x32xf32, #tpu.memory_space<hbm>>
    %dma_wait3A_280 = tpu.memref_squeeze %dma_wait3A_279 : memref<1x32xf32, #tpu.memory_space<hbm>> -> memref<32xf32, #tpu.memory_space<hbm>>
    %dma_wait3A_281 = arith.constant 0 : i32
    %dma_wait3A_282 = tpu.memref_slice %arg11[%dma_wait3A_274, %dma_wait3A_281] : memref<256x32xf32, #tpu.memory_space<vmem>> -> memref<1x32xf32, #tpu.memory_space<vmem>>
    %dma_wait3A_283 = tpu.memref_squeeze %dma_wait3A_282 : memref<1x32xf32, #tpu.memory_space<vmem>> -> memref<32xf32, #tpu.memory_space<vmem>>
    %dma_wait3A_284 = arith.constant 0 : i32
    %dma_wait3A_285 = tpu.memref_slice %arg5[%dma_wait3A_273, %dma_wait3A_284] : memref<100000x32xf32, #tpu.memory_space<hbm>> -> memref<1x32xf32, #tpu.memory_space<hbm>>
    %dma_wait3A_286 = tpu.memref_squeeze %dma_wait3A_285 : memref<1x32xf32, #tpu.memory_space<hbm>> -> memref<32xf32, #tpu.memory_space<hbm>>
    tpu.wait_dma2 semaphore(%arg12 : memref<!tpu.dma_semaphore, #tpu.memory_space<semaphore_mem>>) src(%dma_wait3A_286 : memref<32xf32, #tpu.memory_space<hbm>>) dst(%dma_wait3A_283 : memref<32xf32, #tpu.memory_space<vmem>>)
    %dma_wait3A_287 = arith.constant 0 : i32
    %dma_wait3A_288 = arith.constant 0 : i32
    %dma_wait3A_289 = arith.constant 0 : i32
    %dma_wait3A_290 = tpu.memref_slice %arg10[%dma_wait3A_288, %dma_wait3A_289] : memref<256x32xf32, #tpu.memory_space<vmem>> -> memref<1x32xf32, #tpu.memory_space<vmem>>
    %dma_wait3A_291 = tpu.memref_squeeze %dma_wait3A_290 : memref<1x32xf32, #tpu.memory_space<vmem>> -> memref<32xf32, #tpu.memory_space<vmem>>
    %dma_wait3A_292 = arith.constant 0 : i32
    %dma_wait3A_293 = tpu.memref_slice %arg4[%dma_wait3A_287, %dma_wait3A_292] : memref<1000000x32xf32, #tpu.memory_space<hbm>> -> memref<1x32xf32, #tpu.memory_space<hbm>>
    %dma_wait3A_294 = tpu.memref_squeeze %dma_wait3A_293 : memref<1x32xf32, #tpu.memory_space<hbm>> -> memref<32xf32, #tpu.memory_space<hbm>>
    %dma_wait3A_295 = arith.constant 0 : i32
    %dma_wait3A_296 = tpu.memref_slice %arg10[%dma_wait3A_288, %dma_wait3A_295] : memref<256x32xf32, #tpu.memory_space<vmem>> -> memref<1x32xf32, #tpu.memory_space<vmem>>
    %dma_wait3A_297 = tpu.memref_squeeze %dma_wait3A_296 : memref<1x32xf32, #tpu.memory_space<vmem>> -> memref<32xf32, #tpu.memory_space<vmem>>
    %dma_wait3A_298 = arith.constant 0 : i32
    %dma_wait3A_299 = tpu.memref_slice %arg4[%dma_wait3A_287, %dma_wait3A_298] : memref<1000000x32xf32, #tpu.memory_space<hbm>> -> memref<1x32xf32, #tpu.memory_space<hbm>>
    %dma_wait3A_300 = tpu.memref_squeeze %dma_wait3A_299 : memref<1x32xf32, #tpu.memory_space<hbm>> -> memref<32xf32, #tpu.memory_space<hbm>>
    tpu.wait_dma2 semaphore(%arg12 : memref<!tpu.dma_semaphore, #tpu.memory_space<semaphore_mem>>) src(%dma_wait3A_300 : memref<32xf32, #tpu.memory_space<hbm>>) dst(%dma_wait3A_297 : memref<32xf32, #tpu.memory_space<vmem>>)
    %dma_wait3A_301 = arith.constant 0 : i32
    %dma_wait3A_302 = arith.constant 0 : i32
    %dma_wait3A_303 = arith.constant 0 : i32
    %dma_wait3A_304 = tpu.memref_slice %arg11[%dma_wait3A_302, %dma_wait3A_303] : memref<256x32xf32, #tpu.memory_space<vmem>> -> memref<1x32xf32, #tpu.memory_space<vmem>>
    %dma_wait3A_305 = tpu.memref_squeeze %dma_wait3A_304 : memref<1x32xf32, #tpu.memory_space<vmem>> -> memref<32xf32, #tpu.memory_space<vmem>>
    %dma_wait3A_306 = arith.constant 0 : i32
    %dma_wait3A_307 = tpu.memref_slice %arg5[%dma_wait3A_301, %dma_wait3A_306] : memref<100000x32xf32, #tpu.memory_space<hbm>> -> memref<1x32xf32, #tpu.memory_space<hbm>>
    %dma_wait3A_308 = tpu.memref_squeeze %dma_wait3A_307 : memref<1x32xf32, #tpu.memory_space<hbm>> -> memref<32xf32, #tpu.memory_space<hbm>>
    %dma_wait3A_309 = arith.constant 0 : i32
    %dma_wait3A_310 = tpu.memref_slice %arg11[%dma_wait3A_302, %dma_wait3A_309] : memref<256x32xf32, #tpu.memory_space<vmem>> -> memref<1x32xf32, #tpu.memory_space<vmem>>
    %dma_wait3A_311 = tpu.memref_squeeze %dma_wait3A_310 : memref<1x32xf32, #tpu.memory_space<vmem>> -> memref<32xf32, #tpu.memory_space<vmem>>
    %dma_wait3A_312 = arith.constant 0 : i32
    %dma_wait3A_313 = tpu.memref_slice %arg5[%dma_wait3A_301, %dma_wait3A_312] : memref<100000x32xf32, #tpu.memory_space<hbm>> -> memref<1x32xf32, #tpu.memory_space<hbm>>
    %dma_wait3A_314 = tpu.memref_squeeze %dma_wait3A_313 : memref<1x32xf32, #tpu.memory_space<hbm>> -> memref<32xf32, #tpu.memory_space<hbm>>
    tpu.wait_dma2 semaphore(%arg12 : memref<!tpu.dma_semaphore, #tpu.memory_space<semaphore_mem>>) src(%dma_wait3A_314 : memref<32xf32, #tpu.memory_space<hbm>>) dst(%dma_wait3A_311 : memref<32xf32, #tpu.memory_space<vmem>>)
    %dma_wait3A_315 = arith.constant 0 : i32
    %dma_wait3A_316 = arith.constant 0 : i32
    %dma_wait3A_317 = arith.constant 0 : i32
    %dma_wait3A_318 = tpu.memref_slice %arg10[%dma_wait3A_316, %dma_wait3A_317] : memref<256x32xf32, #tpu.memory_space<vmem>> -> memref<1x32xf32, #tpu.memory_space<vmem>>
    %dma_wait3A_319 = tpu.memref_squeeze %dma_wait3A_318 : memref<1x32xf32, #tpu.memory_space<vmem>> -> memref<32xf32, #tpu.memory_space<vmem>>
    %dma_wait3A_320 = arith.constant 0 : i32
    %dma_wait3A_321 = tpu.memref_slice %arg4[%dma_wait3A_315, %dma_wait3A_320] : memref<1000000x32xf32, #tpu.memory_space<hbm>> -> memref<1x32xf32, #tpu.memory_space<hbm>>
    %dma_wait3A_322 = tpu.memref_squeeze %dma_wait3A_321 : memref<1x32xf32, #tpu.memory_space<hbm>> -> memref<32xf32, #tpu.memory_space<hbm>>
    %dma_wait3A_323 = arith.constant 0 : i32
    %dma_wait3A_324 = tpu.memref_slice %arg10[%dma_wait3A_316, %dma_wait3A_323] : memref<256x32xf32, #tpu.memory_space<vmem>> -> memref<1x32xf32, #tpu.memory_space<vmem>>
    %dma_wait3A_325 = tpu.memref_squeeze %dma_wait3A_324 : memref<1x32xf32, #tpu.memory_space<vmem>> -> memref<32xf32, #tpu.memory_space<vmem>>
    %dma_wait3A_326 = arith.constant 0 : i32
    %dma_wait3A_327 = tpu.memref_slice %arg4[%dma_wait3A_315, %dma_wait3A_326] : memref<1000000x32xf32, #tpu.memory_space<hbm>> -> memref<1x32xf32, #tpu.memory_space<hbm>>
    %dma_wait3A_328 = tpu.memref_squeeze %dma_wait3A_327 : memref<1x32xf32, #tpu.memory_space<hbm>> -> memref<32xf32, #tpu.memory_space<hbm>>
    tpu.wait_dma2 semaphore(%arg12 : memref<!tpu.dma_semaphore, #tpu.memory_space<semaphore_mem>>) src(%dma_wait3A_328 : memref<32xf32, #tpu.memory_space<hbm>>) dst(%dma_wait3A_325 : memref<32xf32, #tpu.memory_space<vmem>>)
    %dma_wait3A_329 = arith.constant 0 : i32
    %dma_wait3A_330 = arith.constant 0 : i32
    %dma_wait3A_331 = arith.constant 0 : i32
    %dma_wait3A_332 = tpu.memref_slice %arg11[%dma_wait3A_330, %dma_wait3A_331] : memref<256x32xf32, #tpu.memory_space<vmem>> -> memref<1x32xf32, #tpu.memory_space<vmem>>
    %dma_wait3A_333 = tpu.memref_squeeze %dma_wait3A_332 : memref<1x32xf32, #tpu.memory_space<vmem>> -> memref<32xf32, #tpu.memory_space<vmem>>
    %dma_wait3A_334 = arith.constant 0 : i32
    %dma_wait3A_335 = tpu.memref_slice %arg5[%dma_wait3A_329, %dma_wait3A_334] : memref<100000x32xf32, #tpu.memory_space<hbm>> -> memref<1x32xf32, #tpu.memory_space<hbm>>
    %dma_wait3A_336 = tpu.memref_squeeze %dma_wait3A_335 : memref<1x32xf32, #tpu.memory_space<hbm>> -> memref<32xf32, #tpu.memory_space<hbm>>
    %dma_wait3A_337 = arith.constant 0 : i32
    %dma_wait3A_338 = tpu.memref_slice %arg11[%dma_wait3A_330, %dma_wait3A_337] : memref<256x32xf32, #tpu.memory_space<vmem>> -> memref<1x32xf32, #tpu.memory_space<vmem>>
    %dma_wait3A_339 = tpu.memref_squeeze %dma_wait3A_338 : memref<1x32xf32, #tpu.memory_space<vmem>> -> memref<32xf32, #tpu.memory_space<vmem>>
    %dma_wait3A_340 = arith.constant 0 : i32
    %dma_wait3A_341 = tpu.memref_slice %arg5[%dma_wait3A_329, %dma_wait3A_340] : memref<100000x32xf32, #tpu.memory_space<hbm>> -> memref<1x32xf32, #tpu.memory_space<hbm>>
    %dma_wait3A_342 = tpu.memref_squeeze %dma_wait3A_341 : memref<1x32xf32, #tpu.memory_space<hbm>> -> memref<32xf32, #tpu.memory_space<hbm>>
    tpu.wait_dma2 semaphore(%arg12 : memref<!tpu.dma_semaphore, #tpu.memory_space<semaphore_mem>>) src(%dma_wait3A_342 : memref<32xf32, #tpu.memory_space<hbm>>) dst(%dma_wait3A_339 : memref<32xf32, #tpu.memory_space<vmem>>)
    %dma_wait3A_343 = arith.constant 0 : i32
    %dma_wait3A_344 = arith.constant 0 : i32
    %dma_wait3A_345 = arith.constant 0 : i32
    %dma_wait3A_346 = tpu.memref_slice %arg10[%dma_wait3A_344, %dma_wait3A_345] : memref<256x32xf32, #tpu.memory_space<vmem>> -> memref<1x32xf32, #tpu.memory_space<vmem>>
    %dma_wait3A_347 = tpu.memref_squeeze %dma_wait3A_346 : memref<1x32xf32, #tpu.memory_space<vmem>> -> memref<32xf32, #tpu.memory_space<vmem>>
    %dma_wait3A_348 = arith.constant 0 : i32
    %dma_wait3A_349 = tpu.memref_slice %arg4[%dma_wait3A_343, %dma_wait3A_348] : memref<1000000x32xf32, #tpu.memory_space<hbm>> -> memref<1x32xf32, #tpu.memory_space<hbm>>
    %dma_wait3A_350 = tpu.memref_squeeze %dma_wait3A_349 : memref<1x32xf32, #tpu.memory_space<hbm>> -> memref<32xf32, #tpu.memory_space<hbm>>
    %dma_wait3A_351 = arith.constant 0 : i32
    %dma_wait3A_352 = tpu.memref_slice %arg10[%dma_wait3A_344, %dma_wait3A_351] : memref<256x32xf32, #tpu.memory_space<vmem>> -> memref<1x32xf32, #tpu.memory_space<vmem>>
    %dma_wait3A_353 = tpu.memref_squeeze %dma_wait3A_352 : memref<1x32xf32, #tpu.memory_space<vmem>> -> memref<32xf32, #tpu.memory_space<vmem>>
    %dma_wait3A_354 = arith.constant 0 : i32
    %dma_wait3A_355 = tpu.memref_slice %arg4[%dma_wait3A_343, %dma_wait3A_354] : memref<1000000x32xf32, #tpu.memory_space<hbm>> -> memref<1x32xf32, #tpu.memory_space<hbm>>
    %dma_wait3A_356 = tpu.memref_squeeze %dma_wait3A_355 : memref<1x32xf32, #tpu.memory_space<hbm>> -> memref<32xf32, #tpu.memory_space<hbm>>
    tpu.wait_dma2 semaphore(%arg12 : memref<!tpu.dma_semaphore, #tpu.memory_space<semaphore_mem>>) src(%dma_wait3A_356 : memref<32xf32, #tpu.memory_space<hbm>>) dst(%dma_wait3A_353 : memref<32xf32, #tpu.memory_space<vmem>>)
    %dma_wait3A_357 = arith.constant 0 : i32
    %dma_wait3A_358 = arith.constant 0 : i32
    %dma_wait3A_359 = arith.constant 0 : i32
    %dma_wait3A_360 = tpu.memref_slice %arg11[%dma_wait3A_358, %dma_wait3A_359] : memref<256x32xf32, #tpu.memory_space<vmem>> -> memref<1x32xf32, #tpu.memory_space<vmem>>
    %dma_wait3A_361 = tpu.memref_squeeze %dma_wait3A_360 : memref<1x32xf32, #tpu.memory_space<vmem>> -> memref<32xf32, #tpu.memory_space<vmem>>
    %dma_wait3A_362 = arith.constant 0 : i32
    %dma_wait3A_363 = tpu.memref_slice %arg5[%dma_wait3A_357, %dma_wait3A_362] : memref<100000x32xf32, #tpu.memory_space<hbm>> -> memref<1x32xf32, #tpu.memory_space<hbm>>
    %dma_wait3A_364 = tpu.memref_squeeze %dma_wait3A_363 : memref<1x32xf32, #tpu.memory_space<hbm>> -> memref<32xf32, #tpu.memory_space<hbm>>
    %dma_wait3A_365 = arith.constant 0 : i32
    %dma_wait3A_366 = tpu.memref_slice %arg11[%dma_wait3A_358, %dma_wait3A_365] : memref<256x32xf32, #tpu.memory_space<vmem>> -> memref<1x32xf32, #tpu.memory_space<vmem>>
    %dma_wait3A_367 = tpu.memref_squeeze %dma_wait3A_366 : memref<1x32xf32, #tpu.memory_space<vmem>> -> memref<32xf32, #tpu.memory_space<vmem>>
    %dma_wait3A_368 = arith.constant 0 : i32
    %dma_wait3A_369 = tpu.memref_slice %arg5[%dma_wait3A_357, %dma_wait3A_368] : memref<100000x32xf32, #tpu.memory_space<hbm>> -> memref<1x32xf32, #tpu.memory_space<hbm>>
    %dma_wait3A_370 = tpu.memref_squeeze %dma_wait3A_369 : memref<1x32xf32, #tpu.memory_space<hbm>> -> memref<32xf32, #tpu.memory_space<hbm>>
    tpu.wait_dma2 semaphore(%arg12 : memref<!tpu.dma_semaphore, #tpu.memory_space<semaphore_mem>>) src(%dma_wait3A_370 : memref<32xf32, #tpu.memory_space<hbm>>) dst(%dma_wait3A_367 : memref<32xf32, #tpu.memory_space<vmem>>)
    %dma_wait3A_371 = arith.constant 0 : i32
    %dma_wait3A_372 = arith.constant 0 : i32
    %dma_wait3A_373 = arith.constant 0 : i32
    %dma_wait3A_374 = tpu.memref_slice %arg10[%dma_wait3A_372, %dma_wait3A_373] : memref<256x32xf32, #tpu.memory_space<vmem>> -> memref<1x32xf32, #tpu.memory_space<vmem>>
    %dma_wait3A_375 = tpu.memref_squeeze %dma_wait3A_374 : memref<1x32xf32, #tpu.memory_space<vmem>> -> memref<32xf32, #tpu.memory_space<vmem>>
    %dma_wait3A_376 = arith.constant 0 : i32
    %dma_wait3A_377 = tpu.memref_slice %arg4[%dma_wait3A_371, %dma_wait3A_376] : memref<1000000x32xf32, #tpu.memory_space<hbm>> -> memref<1x32xf32, #tpu.memory_space<hbm>>
    %dma_wait3A_378 = tpu.memref_squeeze %dma_wait3A_377 : memref<1x32xf32, #tpu.memory_space<hbm>> -> memref<32xf32, #tpu.memory_space<hbm>>
    %dma_wait3A_379 = arith.constant 0 : i32
    %dma_wait3A_380 = tpu.memref_slice %arg10[%dma_wait3A_372, %dma_wait3A_379] : memref<256x32xf32, #tpu.memory_space<vmem>> -> memref<1x32xf32, #tpu.memory_space<vmem>>
    %dma_wait3A_381 = tpu.memref_squeeze %dma_wait3A_380 : memref<1x32xf32, #tpu.memory_space<vmem>> -> memref<32xf32, #tpu.memory_space<vmem>>
    %dma_wait3A_382 = arith.constant 0 : i32
    %dma_wait3A_383 = tpu.memref_slice %arg4[%dma_wait3A_371, %dma_wait3A_382] : memref<1000000x32xf32, #tpu.memory_space<hbm>> -> memref<1x32xf32, #tpu.memory_space<hbm>>
    %dma_wait3A_384 = tpu.memref_squeeze %dma_wait3A_383 : memref<1x32xf32, #tpu.memory_space<hbm>> -> memref<32xf32, #tpu.memory_space<hbm>>
    tpu.wait_dma2 semaphore(%arg12 : memref<!tpu.dma_semaphore, #tpu.memory_space<semaphore_mem>>) src(%dma_wait3A_384 : memref<32xf32, #tpu.memory_space<hbm>>) dst(%dma_wait3A_381 : memref<32xf32, #tpu.memory_space<vmem>>)
    %dma_wait3A_385 = arith.constant 0 : i32
    %dma_wait3A_386 = arith.constant 0 : i32
    %dma_wait3A_387 = arith.constant 0 : i32
    %dma_wait3A_388 = tpu.memref_slice %arg11[%dma_wait3A_386, %dma_wait3A_387] : memref<256x32xf32, #tpu.memory_space<vmem>> -> memref<1x32xf32, #tpu.memory_space<vmem>>
    %dma_wait3A_389 = tpu.memref_squeeze %dma_wait3A_388 : memref<1x32xf32, #tpu.memory_space<vmem>> -> memref<32xf32, #tpu.memory_space<vmem>>
    %dma_wait3A_390 = arith.constant 0 : i32
    %dma_wait3A_391 = tpu.memref_slice %arg5[%dma_wait3A_385, %dma_wait3A_390] : memref<100000x32xf32, #tpu.memory_space<hbm>> -> memref<1x32xf32, #tpu.memory_space<hbm>>
    %dma_wait3A_392 = tpu.memref_squeeze %dma_wait3A_391 : memref<1x32xf32, #tpu.memory_space<hbm>> -> memref<32xf32, #tpu.memory_space<hbm>>
    %dma_wait3A_393 = arith.constant 0 : i32
    %dma_wait3A_394 = tpu.memref_slice %arg11[%dma_wait3A_386, %dma_wait3A_393] : memref<256x32xf32, #tpu.memory_space<vmem>> -> memref<1x32xf32, #tpu.memory_space<vmem>>
    %dma_wait3A_395 = tpu.memref_squeeze %dma_wait3A_394 : memref<1x32xf32, #tpu.memory_space<vmem>> -> memref<32xf32, #tpu.memory_space<vmem>>
    %dma_wait3A_396 = arith.constant 0 : i32
    %dma_wait3A_397 = tpu.memref_slice %arg5[%dma_wait3A_385, %dma_wait3A_396] : memref<100000x32xf32, #tpu.memory_space<hbm>> -> memref<1x32xf32, #tpu.memory_space<hbm>>
    %dma_wait3A_398 = tpu.memref_squeeze %dma_wait3A_397 : memref<1x32xf32, #tpu.memory_space<hbm>> -> memref<32xf32, #tpu.memory_space<hbm>>
    tpu.wait_dma2 semaphore(%arg12 : memref<!tpu.dma_semaphore, #tpu.memory_space<semaphore_mem>>) src(%dma_wait3A_398 : memref<32xf32, #tpu.memory_space<hbm>>) dst(%dma_wait3A_395 : memref<32xf32, #tpu.memory_space<vmem>>)
    %dma_wait3A_399 = arith.constant 0 : i32
    %dma_wait3A_400 = arith.constant 0 : i32
    %dma_wait3A_401 = arith.constant 0 : i32
    %dma_wait3A_402 = tpu.memref_slice %arg10[%dma_wait3A_400, %dma_wait3A_401] : memref<256x32xf32, #tpu.memory_space<vmem>> -> memref<1x32xf32, #tpu.memory_space<vmem>>
    %dma_wait3A_403 = tpu.memref_squeeze %dma_wait3A_402 : memref<1x32xf32, #tpu.memory_space<vmem>> -> memref<32xf32, #tpu.memory_space<vmem>>
    %dma_wait3A_404 = arith.constant 0 : i32
    %dma_wait3A_405 = tpu.memref_slice %arg4[%dma_wait3A_399, %dma_wait3A_404] : memref<1000000x32xf32, #tpu.memory_space<hbm>> -> memref<1x32xf32, #tpu.memory_space<hbm>>
    %dma_wait3A_406 = tpu.memref_squeeze %dma_wait3A_405 : memref<1x32xf32, #tpu.memory_space<hbm>> -> memref<32xf32, #tpu.memory_space<hbm>>
    %dma_wait3A_407 = arith.constant 0 : i32
    %dma_wait3A_408 = tpu.memref_slice %arg10[%dma_wait3A_400, %dma_wait3A_407] : memref<256x32xf32, #tpu.memory_space<vmem>> -> memref<1x32xf32, #tpu.memory_space<vmem>>
    %dma_wait3A_409 = tpu.memref_squeeze %dma_wait3A_408 : memref<1x32xf32, #tpu.memory_space<vmem>> -> memref<32xf32, #tpu.memory_space<vmem>>
    %dma_wait3A_410 = arith.constant 0 : i32
    %dma_wait3A_411 = tpu.memref_slice %arg4[%dma_wait3A_399, %dma_wait3A_410] : memref<1000000x32xf32, #tpu.memory_space<hbm>> -> memref<1x32xf32, #tpu.memory_space<hbm>>
    %dma_wait3A_412 = tpu.memref_squeeze %dma_wait3A_411 : memref<1x32xf32, #tpu.memory_space<hbm>> -> memref<32xf32, #tpu.memory_space<hbm>>
    tpu.wait_dma2 semaphore(%arg12 : memref<!tpu.dma_semaphore, #tpu.memory_space<semaphore_mem>>) src(%dma_wait3A_412 : memref<32xf32, #tpu.memory_space<hbm>>) dst(%dma_wait3A_409 : memref<32xf32, #tpu.memory_space<vmem>>)
    %dma_wait3A_413 = arith.constant 0 : i32
    %dma_wait3A_414 = arith.constant 0 : i32
    %dma_wait3A_415 = arith.constant 0 : i32
    %dma_wait3A_416 = tpu.memref_slice %arg11[%dma_wait3A_414, %dma_wait3A_415] : memref<256x32xf32, #tpu.memory_space<vmem>> -> memref<1x32xf32, #tpu.memory_space<vmem>>
    %dma_wait3A_417 = tpu.memref_squeeze %dma_wait3A_416 : memref<1x32xf32, #tpu.memory_space<vmem>> -> memref<32xf32, #tpu.memory_space<vmem>>
    %dma_wait3A_418 = arith.constant 0 : i32
    %dma_wait3A_419 = tpu.memref_slice %arg5[%dma_wait3A_413, %dma_wait3A_418] : memref<100000x32xf32, #tpu.memory_space<hbm>> -> memref<1x32xf32, #tpu.memory_space<hbm>>
    %dma_wait3A_420 = tpu.memref_squeeze %dma_wait3A_419 : memref<1x32xf32, #tpu.memory_space<hbm>> -> memref<32xf32, #tpu.memory_space<hbm>>
    %dma_wait3A_421 = arith.constant 0 : i32
    %dma_wait3A_422 = tpu.memref_slice %arg11[%dma_wait3A_414, %dma_wait3A_421] : memref<256x32xf32, #tpu.memory_space<vmem>> -> memref<1x32xf32, #tpu.memory_space<vmem>>
    %dma_wait3A_423 = tpu.memref_squeeze %dma_wait3A_422 : memref<1x32xf32, #tpu.memory_space<vmem>> -> memref<32xf32, #tpu.memory_space<vmem>>
    %dma_wait3A_424 = arith.constant 0 : i32
    %dma_wait3A_425 = tpu.memref_slice %arg5[%dma_wait3A_413, %dma_wait3A_424] : memref<100000x32xf32, #tpu.memory_space<hbm>> -> memref<1x32xf32, #tpu.memory_space<hbm>>
    %dma_wait3A_426 = tpu.memref_squeeze %dma_wait3A_425 : memref<1x32xf32, #tpu.memory_space<hbm>> -> memref<32xf32, #tpu.memory_space<hbm>>
    tpu.wait_dma2 semaphore(%arg12 : memref<!tpu.dma_semaphore, #tpu.memory_space<semaphore_mem>>) src(%dma_wait3A_426 : memref<32xf32, #tpu.memory_space<hbm>>) dst(%dma_wait3A_423 : memref<32xf32, #tpu.memory_space<vmem>>)
    %dma_wait3A_427 = arith.constant 0 : i32
    %dma_wait3A_428 = arith.constant 0 : i32
    %dma_wait3A_429 = arith.constant 0 : i32
    %dma_wait3A_430 = tpu.memref_slice %arg10[%dma_wait3A_428, %dma_wait3A_429] : memref<256x32xf32, #tpu.memory_space<vmem>> -> memref<1x32xf32, #tpu.memory_space<vmem>>
    %dma_wait3A_431 = tpu.memref_squeeze %dma_wait3A_430 : memref<1x32xf32, #tpu.memory_space<vmem>> -> memref<32xf32, #tpu.memory_space<vmem>>
    %dma_wait3A_432 = arith.constant 0 : i32
    %dma_wait3A_433 = tpu.memref_slice %arg4[%dma_wait3A_427, %dma_wait3A_432] : memref<1000000x32xf32, #tpu.memory_space<hbm>> -> memref<1x32xf32, #tpu.memory_space<hbm>>
    %dma_wait3A_434 = tpu.memref_squeeze %dma_wait3A_433 : memref<1x32xf32, #tpu.memory_space<hbm>> -> memref<32xf32, #tpu.memory_space<hbm>>
    %dma_wait3A_435 = arith.constant 0 : i32
    %dma_wait3A_436 = tpu.memref_slice %arg10[%dma_wait3A_428, %dma_wait3A_435] : memref<256x32xf32, #tpu.memory_space<vmem>> -> memref<1x32xf32, #tpu.memory_space<vmem>>
    %dma_wait3A_437 = tpu.memref_squeeze %dma_wait3A_436 : memref<1x32xf32, #tpu.memory_space<vmem>> -> memref<32xf32, #tpu.memory_space<vmem>>
    %dma_wait3A_438 = arith.constant 0 : i32
    %dma_wait3A_439 = tpu.memref_slice %arg4[%dma_wait3A_427, %dma_wait3A_438] : memref<1000000x32xf32, #tpu.memory_space<hbm>> -> memref<1x32xf32, #tpu.memory_space<hbm>>
    %dma_wait3A_440 = tpu.memref_squeeze %dma_wait3A_439 : memref<1x32xf32, #tpu.memory_space<hbm>> -> memref<32xf32, #tpu.memory_space<hbm>>
    tpu.wait_dma2 semaphore(%arg12 : memref<!tpu.dma_semaphore, #tpu.memory_space<semaphore_mem>>) src(%dma_wait3A_440 : memref<32xf32, #tpu.memory_space<hbm>>) dst(%dma_wait3A_437 : memref<32xf32, #tpu.memory_space<vmem>>)
    %dma_wait3A_441 = arith.constant 0 : i32
    %dma_wait3A_442 = arith.constant 0 : i32
    %dma_wait3A_443 = arith.constant 0 : i32
    %dma_wait3A_444 = tpu.memref_slice %arg11[%dma_wait3A_442, %dma_wait3A_443] : memref<256x32xf32, #tpu.memory_space<vmem>> -> memref<1x32xf32, #tpu.memory_space<vmem>>
    %dma_wait3A_445 = tpu.memref_squeeze %dma_wait3A_444 : memref<1x32xf32, #tpu.memory_space<vmem>> -> memref<32xf32, #tpu.memory_space<vmem>>
    %dma_wait3A_446 = arith.constant 0 : i32
    %dma_wait3A_447 = tpu.memref_slice %arg5[%dma_wait3A_441, %dma_wait3A_446] : memref<100000x32xf32, #tpu.memory_space<hbm>> -> memref<1x32xf32, #tpu.memory_space<hbm>>
    %dma_wait3A_448 = tpu.memref_squeeze %dma_wait3A_447 : memref<1x32xf32, #tpu.memory_space<hbm>> -> memref<32xf32, #tpu.memory_space<hbm>>
    %dma_wait3A_449 = arith.constant 0 : i32
    %dma_wait3A_450 = tpu.memref_slice %arg11[%dma_wait3A_442, %dma_wait3A_449] : memref<256x32xf32, #tpu.memory_space<vmem>> -> memref<1x32xf32, #tpu.memory_space<vmem>>
    %dma_wait3A_451 = tpu.memref_squeeze %dma_wait3A_450 : memref<1x32xf32, #tpu.memory_space<vmem>> -> memref<32xf32, #tpu.memory_space<vmem>>
    %dma_wait3A_452 = arith.constant 0 : i32
    %dma_wait3A_453 = tpu.memref_slice %arg5[%dma_wait3A_441, %dma_wait3A_452] : memref<100000x32xf32, #tpu.memory_space<hbm>> -> memref<1x32xf32, #tpu.memory_space<hbm>>
    %dma_wait3A_454 = tpu.memref_squeeze %dma_wait3A_453 : memref<1x32xf32, #tpu.memory_space<hbm>> -> memref<32xf32, #tpu.memory_space<hbm>>
    tpu.wait_dma2 semaphore(%arg12 : memref<!tpu.dma_semaphore, #tpu.memory_space<semaphore_mem>>) src(%dma_wait3A_454 : memref<32xf32, #tpu.memory_space<hbm>>) dst(%dma_wait3A_451 : memref<32xf32, #tpu.memory_space<vmem>>)
    %add3A_455 = arith.constant 0 : i32
    %add3A_456 = arith.addi %mul3A_2, %add3A_455 : i32
    "tpu.region"() ({
      %run_scoped3A = tpu.sem_alloc : memref<!tpu.dma_semaphore, #tpu.memory_space<semaphore_mem>>
      %dma_start3A = arith.constant 0 : i32
      %dma_start3A_913 = tpu.memref_slice %arg6[%add3A_456, %dma_start3A] : memref<16384x32xf32, #tpu.memory_space<hbm>> -> memref<256x32xf32, #tpu.memory_space<hbm>>
      %dma_start3A_914 = arith.constant 0 : i32
      %dma_start3A_915 = tpu.memref_slice %arg6[%add3A_456, %dma_start3A_914] : memref<16384x32xf32, #tpu.memory_space<hbm>> -> memref<256x32xf32, #tpu.memory_space<hbm>>
      tpu.enqueue_dma source(%arg10 : memref<256x32xf32, #tpu.memory_space<vmem>>) target(%dma_start3A_915 : memref<256x32xf32, #tpu.memory_space<hbm>>) target_semaphore(%run_scoped3A : memref<!tpu.dma_semaphore, #tpu.memory_space<semaphore_mem>>)
      %dma_wait3A_916 = arith.constant 0 : i32
      %dma_wait3A_917 = tpu.memref_slice %arg6[%add3A_456, %dma_wait3A_916] : memref<16384x32xf32, #tpu.memory_space<hbm>> -> memref<256x32xf32, #tpu.memory_space<hbm>>
      %dma_wait3A_918 = arith.constant 0 : i32
      %dma_wait3A_919 = tpu.memref_slice %arg6[%add3A_456, %dma_wait3A_918] : memref<16384x32xf32, #tpu.memory_space<hbm>> -> memref<256x32xf32, #tpu.memory_space<hbm>>
      tpu.wait_dma2 semaphore(%run_scoped3A : memref<!tpu.dma_semaphore, #tpu.memory_space<semaphore_mem>>) src(%arg10 : memref<256x32xf32, #tpu.memory_space<vmem>>) dst(%dma_wait3A_919 : memref<256x32xf32, #tpu.memory_space<hbm>>)
      tpu.yield
    }) : () -> ()
    "tpu.region"() ({
      %run_scoped3A = tpu.sem_alloc : memref<!tpu.dma_semaphore, #tpu.memory_space<semaphore_mem>>
      %dma_start3A = arith.constant 0 : i32
      %dma_start3A_913 = tpu.memref_slice %arg7[%add3A_456, %dma_start3A] : memref<16384x32xf32, #tpu.memory_space<hbm>> -> memref<256x32xf32, #tpu.memory_space<hbm>>
      %dma_start3A_914 = arith.constant 0 : i32
      %dma_start3A_915 = tpu.memref_slice %arg7[%add3A_456, %dma_start3A_914] : memref<16384x32xf32, #tpu.memory_space<hbm>> -> memref<256x32xf32, #tpu.memory_space<hbm>>
      tpu.enqueue_dma source(%arg11 : memref<256x32xf32, #tpu.memory_space<vmem>>) target(%dma_start3A_915 : memref<256x32xf32, #tpu.memory_space<hbm>>) target_semaphore(%run_scoped3A : memref<!tpu.dma_semaphore, #tpu.memory_space<semaphore_mem>>)
      %dma_wait3A_916 = arith.constant 0 : i32
      %dma_wait3A_917 = tpu.memref_slice %arg7[%add3A_456, %dma_wait3A_916] : memref<16384x32xf32, #tpu.memory_space<hbm>> -> memref<256x32xf32, #tpu.memory_space<hbm>>
      %dma_wait3A_918 = arith.constant 0 : i32
      %dma_wait3A_919 = tpu.memref_slice %arg7[%add3A_456, %dma_wait3A_918] : memref<16384x32xf32, #tpu.memory_space<hbm>> -> memref<256x32xf32, #tpu.memory_space<hbm>>
      tpu.wait_dma2 semaphore(%run_scoped3A : memref<!tpu.dma_semaphore, #tpu.memory_space<semaphore_mem>>) src(%arg11 : memref<256x32xf32, #tpu.memory_space<vmem>>) dst(%dma_wait3A_919 : memref<256x32xf32, #tpu.memory_space<hbm>>)
      tpu.yield
    }) : () -> ()
    %scan3A_457 = arith.constant 0 : i32
    %scan3A_458 = arith.constant 0 : i32
    %scan3A_459 = arith.constant 16 : i32
    %scan3A_460 = arith.addi %scan3A_458, %scan3A_459 : i32
    %scan3A_461 = arith.constant 1 : i32
    scf.for %scan3A_913 = %scan3A_458 to %scan3A_460 step %scan3A_461  : i32 {
      %mul3A_914 = arith.constant 16 : i32
      %mul3A_915 = arith.muli %scan3A_913, %mul3A_914 : i32
      %add3A_916 = arith.constant 256 : i32
      %add3A_917 = arith.addi %add3A_916, %mul3A_915 : i32
      %get3A = arith.index_cast %add3A_917 : i32 to index
      %get3A_918 = tpu.vector_load %arg8[%get3A] {strides = array<i32>} : memref<512xi32, #tpu.memory_space<vmem>>, vector<16xi32>,
      %get3A_919 = vector.shape_cast %get3A_918 : vector<16xi32> to vector<16xi32>
      %mul3A_920 = arith.constant 16 : i32
      %mul3A_921 = arith.muli %scan3A_913, %mul3A_920 : i32
      %add3A_922 = arith.constant 256 : i32
      %add3A_923 = arith.addi %add3A_922, %mul3A_921 : i32
      %get3A_924 = arith.index_cast %add3A_923 : i32 to index
      %get3A_925 = tpu.vector_load %arg9[%get3A_924] {strides = array<i32>} : memref<512xi32, #tpu.memory_space<vmem>>, vector<16xi32>,
      %get3A_926 = vector.shape_cast %get3A_925 : vector<16xi32> to vector<16xi32>
      %slice3A = vector.extract_strided_slice %get3A_919 {offsets = [0], sizes = [1], strides = [1]} : vector<16xi32> to vector<1xi32>
      %squeeze3A = vector.extract %slice3A[0] : i32 from vector<1xi32>
      %mul3A_927 = arith.constant 16 : i32
      %mul3A_928 = arith.muli %scan3A_913, %mul3A_927 : i32
      %add3A_929 = arith.constant 0 : i32
      %add3A_930 = arith.addi %mul3A_928, %add3A_929 : i32
      %dma_start3A = arith.constant 0 : i32
      %dma_start3A_931 = tpu.memref_slice %arg10[%add3A_930, %dma_start3A] : memref<256x32xf32, #tpu.memory_space<vmem>> -> memref<1x32xf32, #tpu.memory_space<vmem>>
      %dma_start3A_932 = tpu.memref_squeeze %dma_start3A_931 : memref<1x32xf32, #tpu.memory_space<vmem>> -> memref<32xf32, #tpu.memory_space<vmem>>
      %dma_start3A_933 = arith.constant 0 : i32
      %dma_start3A_934 = tpu.memref_slice %arg4[%squeeze3A, %dma_start3A_933] : memref<1000000x32xf32, #tpu.memory_space<hbm>> -> memref<1x32xf32, #tpu.memory_space<hbm>>
      %dma_start3A_935 = tpu.memref_squeeze %dma_start3A_934 : memref<1x32xf32, #tpu.memory_space<hbm>> -> memref<32xf32, #tpu.memory_space<hbm>>
      %dma_start3A_936 = arith.constant 0 : i32
      %dma_start3A_937 = tpu.memref_slice %arg10[%add3A_930, %dma_start3A_936] : memref<256x32xf32, #tpu.memory_space<vmem>> -> memref<1x32xf32, #tpu.memory_space<vmem>>
      %dma_start3A_938 = tpu.memref_squeeze %dma_start3A_937 : memref<1x32xf32, #tpu.memory_space<vmem>> -> memref<32xf32, #tpu.memory_space<vmem>>
      %dma_start3A_939 = arith.constant 0 : i32
      %dma_start3A_940 = tpu.memref_slice %arg4[%squeeze3A, %dma_start3A_939] : memref<1000000x32xf32, #tpu.memory_space<hbm>> -> memref<1x32xf32, #tpu.memory_space<hbm>>
      %dma_start3A_941 = tpu.memref_squeeze %dma_start3A_940 : memref<1x32xf32, #tpu.memory_space<hbm>> -> memref<32xf32, #tpu.memory_space<hbm>>
      tpu.enqueue_dma source(%dma_start3A_941 : memref<32xf32, #tpu.memory_space<hbm>>) target(%dma_start3A_938 : memref<32xf32, #tpu.memory_space<vmem>>) target_semaphore(%arg12 : memref<!tpu.dma_semaphore, #tpu.memory_space<semaphore_mem>>)
      %slice3A_942 = vector.extract_strided_slice %get3A_926 {offsets = [0], sizes = [1], strides = [1]} : vector<16xi32> to vector<1xi32>
      %squeeze3A_943 = vector.extract %slice3A_942[0] : i32 from vector<1xi32>
      %mul3A_944 = arith.constant 16 : i32
      %mul3A_945 = arith.muli %scan3A_913, %mul3A_944 : i32
      %add3A_946 = arith.constant 0 : i32
      %add3A_947 = arith.addi %mul3A_945, %add3A_946 : i32
      %dma_start3A_948 = arith.constant 0 : i32
      %dma_start3A_949 = tpu.memref_slice %arg11[%add3A_947, %dma_start3A_948] : memref<256x32xf32, #tpu.memory_space<vmem>> -> memref<1x32xf32, #tpu.memory_space<vmem>>
      %dma_start3A_950 = tpu.memref_squeeze %dma_start3A_949 : memref<1x32xf32, #tpu.memory_space<vmem>> -> memref<32xf32, #tpu.memory_space<vmem>>
      %dma_start3A_951 = arith.constant 0 : i32
      %dma_start3A_952 = tpu.memref_slice %arg5[%squeeze3A_943, %dma_start3A_951] : memref<100000x32xf32, #tpu.memory_space<hbm>> -> memref<1x32xf32, #tpu.memory_space<hbm>>
      %dma_start3A_953 = tpu.memref_squeeze %dma_start3A_952 : memref<1x32xf32, #tpu.memory_space<hbm>> -> memref<32xf32, #tpu.memory_space<hbm>>
      %dma_start3A_954 = arith.constant 0 : i32
      %dma_start3A_955 = tpu.memref_slice %arg11[%add3A_947, %dma_start3A_954] : memref<256x32xf32, #tpu.memory_space<vmem>> -> memref<1x32xf32, #tpu.memory_space<vmem>>
      %dma_start3A_956 = tpu.memref_squeeze %dma_start3A_955 : memref<1x32xf32, #tpu.memory_space<vmem>> -> memref<32xf32, #tpu.memory_space<vmem>>
      %dma_start3A_957 = arith.constant 0 : i32
      %dma_start3A_958 = tpu.memref_slice %arg5[%squeeze3A_943, %dma_start3A_957] : memref<100000x32xf32, #tpu.memory_space<hbm>> -> memref<1x32xf32, #tpu.memory_space<hbm>>
      %dma_start3A_959 = tpu.memref_squeeze %dma_start3A_958 : memref<1x32xf32, #tpu.memory_space<hbm>> -> memref<32xf32, #tpu.memory_space<hbm>>
      tpu.enqueue_dma source(%dma_start3A_959 : memref<32xf32, #tpu.memory_space<hbm>>) target(%dma_start3A_956 : memref<32xf32, #tpu.memory_space<vmem>>) target_semaphore(%arg12 : memref<!tpu.dma_semaphore, #tpu.memory_space<semaphore_mem>>)
      %slice3A_960 = vector.extract_strided_slice %get3A_919 {offsets = [1], sizes = [1], strides = [1]} : vector<16xi32> to vector<1xi32>
      %squeeze3A_961 = vector.extract %slice3A_960[0] : i32 from vector<1xi32>
      %mul3A_962 = arith.constant 16 : i32
      %mul3A_963 = arith.muli %scan3A_913, %mul3A_962 : i32
      %add3A_964 = arith.constant 1 : i32
      %add3A_965 = arith.addi %mul3A_963, %add3A_964 : i32
      %dma_start3A_966 = arith.constant 0 : i32
      %dma_start3A_967 = tpu.memref_slice %arg10[%add3A_965, %dma_start3A_966] : memref<256x32xf32, #tpu.memory_space<vmem>> -> memref<1x32xf32, #tpu.memory_space<vmem>>
      %dma_start3A_968 = tpu.memref_squeeze %dma_start3A_967 : memref<1x32xf32, #tpu.memory_space<vmem>> -> memref<32xf32, #tpu.memory_space<vmem>>
      %dma_start3A_969 = arith.constant 0 : i32
      %dma_start3A_970 = tpu.memref_slice %arg4[%squeeze3A_961, %dma_start3A_969] : memref<1000000x32xf32, #tpu.memory_space<hbm>> -> memref<1x32xf32, #tpu.memory_space<hbm>>
      %dma_start3A_971 = tpu.memref_squeeze %dma_start3A_970 : memref<1x32xf32, #tpu.memory_space<hbm>> -> memref<32xf32, #tpu.memory_space<hbm>>
      %dma_start3A_972 = arith.constant 0 : i32
      %dma_start3A_973 = tpu.memref_slice %arg10[%add3A_965, %dma_start3A_972] : memref<256x32xf32, #tpu.memory_space<vmem>> -> memref<1x32xf32, #tpu.memory_space<vmem>>
      %dma_start3A_974 = tpu.memref_squeeze %dma_start3A_973 : memref<1x32xf32, #tpu.memory_space<vmem>> -> memref<32xf32, #tpu.memory_space<vmem>>
      %dma_start3A_975 = arith.constant 0 : i32
      %dma_start3A_976 = tpu.memref_slice %arg4[%squeeze3A_961, %dma_start3A_975] : memref<1000000x32xf32, #tpu.memory_space<hbm>> -> memref<1x32xf32, #tpu.memory_space<hbm>>
      %dma_start3A_977 = tpu.memref_squeeze %dma_start3A_976 : memref<1x32xf32, #tpu.memory_space<hbm>> -> memref<32xf32, #tpu.memory_space<hbm>>
      tpu.enqueue_dma source(%dma_start3A_977 : memref<32xf32, #tpu.memory_space<hbm>>) target(%dma_start3A_974 : memref<32xf32, #tpu.memory_space<vmem>>) target_semaphore(%arg12 : memref<!tpu.dma_semaphore, #tpu.memory_space<semaphore_mem>>)
      %slice3A_978 = vector.extract_strided_slice %get3A_926 {offsets = [1], sizes = [1], strides = [1]} : vector<16xi32> to vector<1xi32>
      %squeeze3A_979 = vector.extract %slice3A_978[0] : i32 from vector<1xi32>
      %mul3A_980 = arith.constant 16 : i32
      %mul3A_981 = arith.muli %scan3A_913, %mul3A_980 : i32
      %add3A_982 = arith.constant 1 : i32
      %add3A_983 = arith.addi %mul3A_981, %add3A_982 : i32
      %dma_start3A_984 = arith.constant 0 : i32
      %dma_start3A_985 = tpu.memref_slice %arg11[%add3A_983, %dma_start3A_984] : memref<256x32xf32, #tpu.memory_space<vmem>> -> memref<1x32xf32, #tpu.memory_space<vmem>>
      %dma_start3A_986 = tpu.memref_squeeze %dma_start3A_985 : memref<1x32xf32, #tpu.memory_space<vmem>> -> memref<32xf32, #tpu.memory_space<vmem>>
      %dma_start3A_987 = arith.constant 0 : i32
      %dma_start3A_988 = tpu.memref_slice %arg5[%squeeze3A_979, %dma_start3A_987] : memref<100000x32xf32, #tpu.memory_space<hbm>> -> memref<1x32xf32, #tpu.memory_space<hbm>>
      %dma_start3A_989 = tpu.memref_squeeze %dma_start3A_988 : memref<1x32xf32, #tpu.memory_space<hbm>> -> memref<32xf32, #tpu.memory_space<hbm>>
      %dma_start3A_990 = arith.constant 0 : i32
      %dma_start3A_991 = tpu.memref_slice %arg11[%add3A_983, %dma_start3A_990] : memref<256x32xf32, #tpu.memory_space<vmem>> -> memref<1x32xf32, #tpu.memory_space<vmem>>
      %dma_start3A_992 = tpu.memref_squeeze %dma_start3A_991 : memref<1x32xf32, #tpu.memory_space<vmem>> -> memref<32xf32, #tpu.memory_space<vmem>>
      %dma_start3A_993 = arith.constant 0 : i32
      %dma_start3A_994 = tpu.memref_slice %arg5[%squeeze3A_979, %dma_start3A_993] : memref<100000x32xf32, #tpu.memory_space<hbm>> -> memref<1x32xf32, #tpu.memory_space<hbm>>
      %dma_start3A_995 = tpu.memref_squeeze %dma_start3A_994 : memref<1x32xf32, #tpu.memory_space<hbm>> -> memref<32xf32, #tpu.memory_space<hbm>>
      tpu.enqueue_dma source(%dma_start3A_995 : memref<32xf32, #tpu.memory_space<hbm>>) target(%dma_start3A_992 : memref<32xf32, #tpu.memory_space<vmem>>) target_semaphore(%arg12 : memref<!tpu.dma_semaphore, #tpu.memory_space<semaphore_mem>>)
      %slice3A_996 = vector.extract_strided_slice %get3A_919 {offsets = [2], sizes = [1], strides = [1]} : vector<16xi32> to vector<1xi32>
      %squeeze3A_997 = vector.extract %slice3A_996[0] : i32 from vector<1xi32>
      %mul3A_998 = arith.constant 16 : i32
      %mul3A_999 = arith.muli %scan3A_913, %mul3A_998 : i32
      %add3A_1000 = arith.constant 2 : i32
      %add3A_1001 = arith.addi %mul3A_999, %add3A_1000 : i32
      %dma_start3A_1002 = arith.constant 0 : i32
      %dma_start3A_1003 = tpu.memref_slice %arg10[%add3A_1001, %dma_start3A_1002] : memref<256x32xf32, #tpu.memory_space<vmem>> -> memref<1x32xf32, #tpu.memory_space<vmem>>
      %dma_start3A_1004 = tpu.memref_squeeze %dma_start3A_1003 : memref<1x32xf32, #tpu.memory_space<vmem>> -> memref<32xf32, #tpu.memory_space<vmem>>
      %dma_start3A_1005 = arith.constant 0 : i32
      %dma_start3A_1006 = tpu.memref_slice %arg4[%squeeze3A_997, %dma_start3A_1005] : memref<1000000x32xf32, #tpu.memory_space<hbm>> -> memref<1x32xf32, #tpu.memory_space<hbm>>
      %dma_start3A_1007 = tpu.memref_squeeze %dma_start3A_1006 : memref<1x32xf32, #tpu.memory_space<hbm>> -> memref<32xf32, #tpu.memory_space<hbm>>
      %dma_start3A_1008 = arith.constant 0 : i32
      %dma_start3A_1009 = tpu.memref_slice %arg10[%add3A_1001, %dma_start3A_1008] : memref<256x32xf32, #tpu.memory_space<vmem>> -> memref<1x32xf32, #tpu.memory_space<vmem>>
      %dma_start3A_1010 = tpu.memref_squeeze %dma_start3A_1009 : memref<1x32xf32, #tpu.memory_space<vmem>> -> memref<32xf32, #tpu.memory_space<vmem>>
      %dma_start3A_1011 = arith.constant 0 : i32
      %dma_start3A_1012 = tpu.memref_slice %arg4[%squeeze3A_997, %dma_start3A_1011] : memref<1000000x32xf32, #tpu.memory_space<hbm>> -> memref<1x32xf32, #tpu.memory_space<hbm>>
      %dma_start3A_1013 = tpu.memref_squeeze %dma_start3A_1012 : memref<1x32xf32, #tpu.memory_space<hbm>> -> memref<32xf32, #tpu.memory_space<hbm>>
      tpu.enqueue_dma source(%dma_start3A_1013 : memref<32xf32, #tpu.memory_space<hbm>>) target(%dma_start3A_1010 : memref<32xf32, #tpu.memory_space<vmem>>) target_semaphore(%arg12 : memref<!tpu.dma_semaphore, #tpu.memory_space<semaphore_mem>>)
      %slice3A_1014 = vector.extract_strided_slice %get3A_926 {offsets = [2], sizes = [1], strides = [1]} : vector<16xi32> to vector<1xi32>
      %squeeze3A_1015 = vector.extract %slice3A_1014[0] : i32 from vector<1xi32>
      %mul3A_1016 = arith.constant 16 : i32
      %mul3A_1017 = arith.muli %scan3A_913, %mul3A_1016 : i32
      %add3A_1018 = arith.constant 2 : i32
      %add3A_1019 = arith.addi %mul3A_1017, %add3A_1018 : i32
      %dma_start3A_1020 = arith.constant 0 : i32
      %dma_start3A_1021 = tpu.memref_slice %arg11[%add3A_1019, %dma_start3A_1020] : memref<256x32xf32, #tpu.memory_space<vmem>> -> memref<1x32xf32, #tpu.memory_space<vmem>>
      %dma_start3A_1022 = tpu.memref_squeeze %dma_start3A_1021 : memref<1x32xf32, #tpu.memory_space<vmem>> -> memref<32xf32, #tpu.memory_space<vmem>>
      %dma_start3A_1023 = arith.constant 0 : i32
      %dma_start3A_1024 = tpu.memref_slice %arg5[%squeeze3A_1015, %dma_start3A_1023] : memref<100000x32xf32, #tpu.memory_space<hbm>> -> memref<1x32xf32, #tpu.memory_space<hbm>>
      %dma_start3A_1025 = tpu.memref_squeeze %dma_start3A_1024 : memref<1x32xf32, #tpu.memory_space<hbm>> -> memref<32xf32, #tpu.memory_space<hbm>>
      %dma_start3A_1026 = arith.constant 0 : i32
      %dma_start3A_1027 = tpu.memref_slice %arg11[%add3A_1019, %dma_start3A_1026] : memref<256x32xf32, #tpu.memory_space<vmem>> -> memref<1x32xf32, #tpu.memory_space<vmem>>
      %dma_start3A_1028 = tpu.memref_squeeze %dma_start3A_1027 : memref<1x32xf32, #tpu.memory_space<vmem>> -> memref<32xf32, #tpu.memory_space<vmem>>
      %dma_start3A_1029 = arith.constant 0 : i32
      %dma_start3A_1030 = tpu.memref_slice %arg5[%squeeze3A_1015, %dma_start3A_1029] : memref<100000x32xf32, #tpu.memory_space<hbm>> -> memref<1x32xf32, #tpu.memory_space<hbm>>
      %dma_start3A_1031 = tpu.memref_squeeze %dma_start3A_1030 : memref<1x32xf32, #tpu.memory_space<hbm>> -> memref<32xf32, #tpu.memory_space<hbm>>
      tpu.enqueue_dma source(%dma_start3A_1031 : memref<32xf32, #tpu.memory_space<hbm>>) target(%dma_start3A_1028 : memref<32xf32, #tpu.memory_space<vmem>>) target_semaphore(%arg12 : memref<!tpu.dma_semaphore, #tpu.memory_space<semaphore_mem>>)
      %slice3A_1032 = vector.extract_strided_slice %get3A_919 {offsets = [3], sizes = [1], strides = [1]} : vector<16xi32> to vector<1xi32>
      %squeeze3A_1033 = vector.extract %slice3A_1032[0] : i32 from vector<1xi32>
      %mul3A_1034 = arith.constant 16 : i32
      %mul3A_1035 = arith.muli %scan3A_913, %mul3A_1034 : i32
      %add3A_1036 = arith.constant 3 : i32
      %add3A_1037 = arith.addi %mul3A_1035, %add3A_1036 : i32
      %dma_start3A_1038 = arith.constant 0 : i32
      %dma_start3A_1039 = tpu.memref_slice %arg10[%add3A_1037, %dma_start3A_1038] : memref<256x32xf32, #tpu.memory_space<vmem>> -> memref<1x32xf32, #tpu.memory_space<vmem>>
      %dma_start3A_1040 = tpu.memref_squeeze %dma_start3A_1039 : memref<1x32xf32, #tpu.memory_space<vmem>> -> memref<32xf32, #tpu.memory_space<vmem>>
      %dma_start3A_1041 = arith.constant 0 : i32
      %dma_start3A_1042 = tpu.memref_slice %arg4[%squeeze3A_1033, %dma_start3A_1041] : memref<1000000x32xf32, #tpu.memory_space<hbm>> -> memref<1x32xf32, #tpu.memory_space<hbm>>
      %dma_start3A_1043 = tpu.memref_squeeze %dma_start3A_1042 : memref<1x32xf32, #tpu.memory_space<hbm>> -> memref<32xf32, #tpu.memory_space<hbm>>
      %dma_start3A_1044 = arith.constant 0 : i32
      %dma_start3A_1045 = tpu.memref_slice %arg10[%add3A_1037, %dma_start3A_1044] : memref<256x32xf32, #tpu.memory_space<vmem>> -> memref<1x32xf32, #tpu.memory_space<vmem>>
      %dma_start3A_1046 = tpu.memref_squeeze %dma_start3A_1045 : memref<1x32xf32, #tpu.memory_space<vmem>> -> memref<32xf32, #tpu.memory_space<vmem>>
      %dma_start3A_1047 = arith.constant 0 : i32
      %dma_start3A_1048 = tpu.memref_slice %arg4[%squeeze3A_1033, %dma_start3A_1047] : memref<1000000x32xf32, #tpu.memory_space<hbm>> -> memref<1x32xf32, #tpu.memory_space<hbm>>
      %dma_start3A_1049 = tpu.memref_squeeze %dma_start3A_1048 : memref<1x32xf32, #tpu.memory_space<hbm>> -> memref<32xf32, #tpu.memory_space<hbm>>
      tpu.enqueue_dma source(%dma_start3A_1049 : memref<32xf32, #tpu.memory_space<hbm>>) target(%dma_start3A_1046 : memref<32xf32, #tpu.memory_space<vmem>>) target_semaphore(%arg12 : memref<!tpu.dma_semaphore, #tpu.memory_space<semaphore_mem>>)
      %slice3A_1050 = vector.extract_strided_slice %get3A_926 {offsets = [3], sizes = [1], strides = [1]} : vector<16xi32> to vector<1xi32>
      %squeeze3A_1051 = vector.extract %slice3A_1050[0] : i32 from vector<1xi32>
      %mul3A_1052 = arith.constant 16 : i32
      %mul3A_1053 = arith.muli %scan3A_913, %mul3A_1052 : i32
      %add3A_1054 = arith.constant 3 : i32
      %add3A_1055 = arith.addi %mul3A_1053, %add3A_1054 : i32
      %dma_start3A_1056 = arith.constant 0 : i32
      %dma_start3A_1057 = tpu.memref_slice %arg11[%add3A_1055, %dma_start3A_1056] : memref<256x32xf32, #tpu.memory_space<vmem>> -> memref<1x32xf32, #tpu.memory_space<vmem>>
      %dma_start3A_1058 = tpu.memref_squeeze %dma_start3A_1057 : memref<1x32xf32, #tpu.memory_space<vmem>> -> memref<32xf32, #tpu.memory_space<vmem>>
      %dma_start3A_1059 = arith.constant 0 : i32
      %dma_start3A_1060 = tpu.memref_slice %arg5[%squeeze3A_1051, %dma_start3A_1059] : memref<100000x32xf32, #tpu.memory_space<hbm>> -> memref<1x32xf32, #tpu.memory_space<hbm>>
      %dma_start3A_1061 = tpu.memref_squeeze %dma_start3A_1060 : memref<1x32xf32, #tpu.memory_space<hbm>> -> memref<32xf32, #tpu.memory_space<hbm>>
      %dma_start3A_1062 = arith.constant 0 : i32
      %dma_start3A_1063 = tpu.memref_slice %arg11[%add3A_1055, %dma_start3A_1062] : memref<256x32xf32, #tpu.memory_space<vmem>> -> memref<1x32xf32, #tpu.memory_space<vmem>>
      %dma_start3A_1064 = tpu.memref_squeeze %dma_start3A_1063 : memref<1x32xf32, #tpu.memory_space<vmem>> -> memref<32xf32, #tpu.memory_space<vmem>>
      %dma_start3A_1065 = arith.constant 0 : i32
      %dma_start3A_1066 = tpu.memref_slice %arg5[%squeeze3A_1051, %dma_start3A_1065] : memref<100000x32xf32, #tpu.memory_space<hbm>> -> memref<1x32xf32, #tpu.memory_space<hbm>>
      %dma_start3A_1067 = tpu.memref_squeeze %dma_start3A_1066 : memref<1x32xf32, #tpu.memory_space<hbm>> -> memref<32xf32, #tpu.memory_space<hbm>>
      tpu.enqueue_dma source(%dma_start3A_1067 : memref<32xf32, #tpu.memory_space<hbm>>) target(%dma_start3A_1064 : memref<32xf32, #tpu.memory_space<vmem>>) target_semaphore(%arg12 : memref<!tpu.dma_semaphore, #tpu.memory_space<semaphore_mem>>)
      %slice3A_1068 = vector.extract_strided_slice %get3A_919 {offsets = [4], sizes = [1], strides = [1]} : vector<16xi32> to vector<1xi32>
      %squeeze3A_1069 = vector.extract %slice3A_1068[0] : i32 from vector<1xi32>
      %mul3A_1070 = arith.constant 16 : i32
      %mul3A_1071 = arith.muli %scan3A_913, %mul3A_1070 : i32
      %add3A_1072 = arith.constant 4 : i32
      %add3A_1073 = arith.addi %mul3A_1071, %add3A_1072 : i32
      %dma_start3A_1074 = arith.constant 0 : i32
      %dma_start3A_1075 = tpu.memref_slice %arg10[%add3A_1073, %dma_start3A_1074] : memref<256x32xf32, #tpu.memory_space<vmem>> -> memref<1x32xf32, #tpu.memory_space<vmem>>
      %dma_start3A_1076 = tpu.memref_squeeze %dma_start3A_1075 : memref<1x32xf32, #tpu.memory_space<vmem>> -> memref<32xf32, #tpu.memory_space<vmem>>
      %dma_start3A_1077 = arith.constant 0 : i32
      %dma_start3A_1078 = tpu.memref_slice %arg4[%squeeze3A_1069, %dma_start3A_1077] : memref<1000000x32xf32, #tpu.memory_space<hbm>> -> memref<1x32xf32, #tpu.memory_space<hbm>>
      %dma_start3A_1079 = tpu.memref_squeeze %dma_start3A_1078 : memref<1x32xf32, #tpu.memory_space<hbm>> -> memref<32xf32, #tpu.memory_space<hbm>>
      %dma_start3A_1080 = arith.constant 0 : i32
      %dma_start3A_1081 = tpu.memref_slice %arg10[%add3A_1073, %dma_start3A_1080] : memref<256x32xf32, #tpu.memory_space<vmem>> -> memref<1x32xf32, #tpu.memory_space<vmem>>
      %dma_start3A_1082 = tpu.memref_squeeze %dma_start3A_1081 : memref<1x32xf32, #tpu.memory_space<vmem>> -> memref<32xf32, #tpu.memory_space<vmem>>
      %dma_start3A_1083 = arith.constant 0 : i32
      %dma_start3A_1084 = tpu.memref_slice %arg4[%squeeze3A_1069, %dma_start3A_1083] : memref<1000000x32xf32, #tpu.memory_space<hbm>> -> memref<1x32xf32, #tpu.memory_space<hbm>>
      %dma_start3A_1085 = tpu.memref_squeeze %dma_start3A_1084 : memref<1x32xf32, #tpu.memory_space<hbm>> -> memref<32xf32, #tpu.memory_space<hbm>>
      tpu.enqueue_dma source(%dma_start3A_1085 : memref<32xf32, #tpu.memory_space<hbm>>) target(%dma_start3A_1082 : memref<32xf32, #tpu.memory_space<vmem>>) target_semaphore(%arg12 : memref<!tpu.dma_semaphore, #tpu.memory_space<semaphore_mem>>)
      %slice3A_1086 = vector.extract_strided_slice %get3A_926 {offsets = [4], sizes = [1], strides = [1]} : vector<16xi32> to vector<1xi32>
      %squeeze3A_1087 = vector.extract %slice3A_1086[0] : i32 from vector<1xi32>
      %mul3A_1088 = arith.constant 16 : i32
      %mul3A_1089 = arith.muli %scan3A_913, %mul3A_1088 : i32
      %add3A_1090 = arith.constant 4 : i32
      %add3A_1091 = arith.addi %mul3A_1089, %add3A_1090 : i32
      %dma_start3A_1092 = arith.constant 0 : i32
      %dma_start3A_1093 = tpu.memref_slice %arg11[%add3A_1091, %dma_start3A_1092] : memref<256x32xf32, #tpu.memory_space<vmem>> -> memref<1x32xf32, #tpu.memory_space<vmem>>
      %dma_start3A_1094 = tpu.memref_squeeze %dma_start3A_1093 : memref<1x32xf32, #tpu.memory_space<vmem>> -> memref<32xf32, #tpu.memory_space<vmem>>
      %dma_start3A_1095 = arith.constant 0 : i32
      %dma_start3A_1096 = tpu.memref_slice %arg5[%squeeze3A_1087, %dma_start3A_1095] : memref<100000x32xf32, #tpu.memory_space<hbm>> -> memref<1x32xf32, #tpu.memory_space<hbm>>
      %dma_start3A_1097 = tpu.memref_squeeze %dma_start3A_1096 : memref<1x32xf32, #tpu.memory_space<hbm>> -> memref<32xf32, #tpu.memory_space<hbm>>
      %dma_start3A_1098 = arith.constant 0 : i32
      %dma_start3A_1099 = tpu.memref_slice %arg11[%add3A_1091, %dma_start3A_1098] : memref<256x32xf32, #tpu.memory_space<vmem>> -> memref<1x32xf32, #tpu.memory_space<vmem>>
      %dma_start3A_1100 = tpu.memref_squeeze %dma_start3A_1099 : memref<1x32xf32, #tpu.memory_space<vmem>> -> memref<32xf32, #tpu.memory_space<vmem>>
      %dma_start3A_1101 = arith.constant 0 : i32
      %dma_start3A_1102 = tpu.memref_slice %arg5[%squeeze3A_1087, %dma_start3A_1101] : memref<100000x32xf32, #tpu.memory_space<hbm>> -> memref<1x32xf32, #tpu.memory_space<hbm>>
      %dma_start3A_1103 = tpu.memref_squeeze %dma_start3A_1102 : memref<1x32xf32, #tpu.memory_space<hbm>> -> memref<32xf32, #tpu.memory_space<hbm>>
      tpu.enqueue_dma source(%dma_start3A_1103 : memref<32xf32, #tpu.memory_space<hbm>>) target(%dma_start3A_1100 : memref<32xf32, #tpu.memory_space<vmem>>) target_semaphore(%arg12 : memref<!tpu.dma_semaphore, #tpu.memory_space<semaphore_mem>>)
      %slice3A_1104 = vector.extract_strided_slice %get3A_919 {offsets = [5], sizes = [1], strides = [1]} : vector<16xi32> to vector<1xi32>
      %squeeze3A_1105 = vector.extract %slice3A_1104[0] : i32 from vector<1xi32>
      %mul3A_1106 = arith.constant 16 : i32
      %mul3A_1107 = arith.muli %scan3A_913, %mul3A_1106 : i32
      %add3A_1108 = arith.constant 5 : i32
      %add3A_1109 = arith.addi %mul3A_1107, %add3A_1108 : i32
      %dma_start3A_1110 = arith.constant 0 : i32
      %dma_start3A_1111 = tpu.memref_slice %arg10[%add3A_1109, %dma_start3A_1110] : memref<256x32xf32, #tpu.memory_space<vmem>> -> memref<1x32xf32, #tpu.memory_space<vmem>>
      %dma_start3A_1112 = tpu.memref_squeeze %dma_start3A_1111 : memref<1x32xf32, #tpu.memory_space<vmem>> -> memref<32xf32, #tpu.memory_space<vmem>>
      %dma_start3A_1113 = arith.constant 0 : i32
      %dma_start3A_1114 = tpu.memref_slice %arg4[%squeeze3A_1105, %dma_start3A_1113] : memref<1000000x32xf32, #tpu.memory_space<hbm>> -> memref<1x32xf32, #tpu.memory_space<hbm>>
      %dma_start3A_1115 = tpu.memref_squeeze %dma_start3A_1114 : memref<1x32xf32, #tpu.memory_space<hbm>> -> memref<32xf32, #tpu.memory_space<hbm>>
      %dma_start3A_1116 = arith.constant 0 : i32
      %dma_start3A_1117 = tpu.memref_slice %arg10[%add3A_1109, %dma_start3A_1116] : memref<256x32xf32, #tpu.memory_space<vmem>> -> memref<1x32xf32, #tpu.memory_space<vmem>>
      %dma_start3A_1118 = tpu.memref_squeeze %dma_start3A_1117 : memref<1x32xf32, #tpu.memory_space<vmem>> -> memref<32xf32, #tpu.memory_space<vmem>>
      %dma_start3A_1119 = arith.constant 0 : i32
      %dma_start3A_1120 = tpu.memref_slice %arg4[%squeeze3A_1105, %dma_start3A_1119] : memref<1000000x32xf32, #tpu.memory_space<hbm>> -> memref<1x32xf32, #tpu.memory_space<hbm>>
      %dma_start3A_1121 = tpu.memref_squeeze %dma_start3A_1120 : memref<1x32xf32, #tpu.memory_space<hbm>> -> memref<32xf32, #tpu.memory_space<hbm>>
      tpu.enqueue_dma source(%dma_start3A_1121 : memref<32xf32, #tpu.memory_space<hbm>>) target(%dma_start3A_1118 : memref<32xf32, #tpu.memory_space<vmem>>) target_semaphore(%arg12 : memref<!tpu.dma_semaphore, #tpu.memory_space<semaphore_mem>>)
      %slice3A_1122 = vector.extract_strided_slice %get3A_926 {offsets = [5], sizes = [1], strides = [1]} : vector<16xi32> to vector<1xi32>
      %squeeze3A_1123 = vector.extract %slice3A_1122[0] : i32 from vector<1xi32>
      %mul3A_1124 = arith.constant 16 : i32
      %mul3A_1125 = arith.muli %scan3A_913, %mul3A_1124 : i32
      %add3A_1126 = arith.constant 5 : i32
      %add3A_1127 = arith.addi %mul3A_1125, %add3A_1126 : i32
      %dma_start3A_1128 = arith.constant 0 : i32
      %dma_start3A_1129 = tpu.memref_slice %arg11[%add3A_1127, %dma_start3A_1128] : memref<256x32xf32, #tpu.memory_space<vmem>> -> memref<1x32xf32, #tpu.memory_space<vmem>>
      %dma_start3A_1130 = tpu.memref_squeeze %dma_start3A_1129 : memref<1x32xf32, #tpu.memory_space<vmem>> -> memref<32xf32, #tpu.memory_space<vmem>>
      %dma_start3A_1131 = arith.constant 0 : i32
      %dma_start3A_1132 = tpu.memref_slice %arg5[%squeeze3A_1123, %dma_start3A_1131] : memref<100000x32xf32, #tpu.memory_space<hbm>> -> memref<1x32xf32, #tpu.memory_space<hbm>>
      %dma_start3A_1133 = tpu.memref_squeeze %dma_start3A_1132 : memref<1x32xf32, #tpu.memory_space<hbm>> -> memref<32xf32, #tpu.memory_space<hbm>>
      %dma_start3A_1134 = arith.constant 0 : i32
      %dma_start3A_1135 = tpu.memref_slice %arg11[%add3A_1127, %dma_start3A_1134] : memref<256x32xf32, #tpu.memory_space<vmem>> -> memref<1x32xf32, #tpu.memory_space<vmem>>
      %dma_start3A_1136 = tpu.memref_squeeze %dma_start3A_1135 : memref<1x32xf32, #tpu.memory_space<vmem>> -> memref<32xf32, #tpu.memory_space<vmem>>
      %dma_start3A_1137 = arith.constant 0 : i32
      %dma_start3A_1138 = tpu.memref_slice %arg5[%squeeze3A_1123, %dma_start3A_1137] : memref<100000x32xf32, #tpu.memory_space<hbm>> -> memref<1x32xf32, #tpu.memory_space<hbm>>
      %dma_start3A_1139 = tpu.memref_squeeze %dma_start3A_1138 : memref<1x32xf32, #tpu.memory_space<hbm>> -> memref<32xf32, #tpu.memory_space<hbm>>
      tpu.enqueue_dma source(%dma_start3A_1139 : memref<32xf32, #tpu.memory_space<hbm>>) target(%dma_start3A_1136 : memref<32xf32, #tpu.memory_space<vmem>>) target_semaphore(%arg12 : memref<!tpu.dma_semaphore, #tpu.memory_space<semaphore_mem>>)
      %slice3A_1140 = vector.extract_strided_slice %get3A_919 {offsets = [6], sizes = [1], strides = [1]} : vector<16xi32> to vector<1xi32>
      %squeeze3A_1141 = vector.extract %slice3A_1140[0] : i32 from vector<1xi32>
      %mul3A_1142 = arith.constant 16 : i32
      %mul3A_1143 = arith.muli %scan3A_913, %mul3A_1142 : i32
      %add3A_1144 = arith.constant 6 : i32
      %add3A_1145 = arith.addi %mul3A_1143, %add3A_1144 : i32
      %dma_start3A_1146 = arith.constant 0 : i32
      %dma_start3A_1147 = tpu.memref_slice %arg10[%add3A_1145, %dma_start3A_1146] : memref<256x32xf32, #tpu.memory_space<vmem>> -> memref<1x32xf32, #tpu.memory_space<vmem>>
      %dma_start3A_1148 = tpu.memref_squeeze %dma_start3A_1147 : memref<1x32xf32, #tpu.memory_space<vmem>> -> memref<32xf32, #tpu.memory_space<vmem>>
      %dma_start3A_1149 = arith.constant 0 : i32
      %dma_start3A_1150 = tpu.memref_slice %arg4[%squeeze3A_1141, %dma_start3A_1149] : memref<1000000x32xf32, #tpu.memory_space<hbm>> -> memref<1x32xf32, #tpu.memory_space<hbm>>
      %dma_start3A_1151 = tpu.memref_squeeze %dma_start3A_1150 : memref<1x32xf32, #tpu.memory_space<hbm>> -> memref<32xf32, #tpu.memory_space<hbm>>
      %dma_start3A_1152 = arith.constant 0 : i32
      %dma_start3A_1153 = tpu.memref_slice %arg10[%add3A_1145, %dma_start3A_1152] : memref<256x32xf32, #tpu.memory_space<vmem>> -> memref<1x32xf32, #tpu.memory_space<vmem>>
      %dma_start3A_1154 = tpu.memref_squeeze %dma_start3A_1153 : memref<1x32xf32, #tpu.memory_space<vmem>> -> memref<32xf32, #tpu.memory_space<vmem>>
      %dma_start3A_1155 = arith.constant 0 : i32
      %dma_start3A_1156 = tpu.memref_slice %arg4[%squeeze3A_1141, %dma_start3A_1155] : memref<1000000x32xf32, #tpu.memory_space<hbm>> -> memref<1x32xf32, #tpu.memory_space<hbm>>
      %dma_start3A_1157 = tpu.memref_squeeze %dma_start3A_1156 : memref<1x32xf32, #tpu.memory_space<hbm>> -> memref<32xf32, #tpu.memory_space<hbm>>
      tpu.enqueue_dma source(%dma_start3A_1157 : memref<32xf32, #tpu.memory_space<hbm>>) target(%dma_start3A_1154 : memref<32xf32, #tpu.memory_space<vmem>>) target_semaphore(%arg12 : memref<!tpu.dma_semaphore, #tpu.memory_space<semaphore_mem>>)
      %slice3A_1158 = vector.extract_strided_slice %get3A_926 {offsets = [6], sizes = [1], strides = [1]} : vector<16xi32> to vector<1xi32>
      %squeeze3A_1159 = vector.extract %slice3A_1158[0] : i32 from vector<1xi32>
      %mul3A_1160 = arith.constant 16 : i32
      %mul3A_1161 = arith.muli %scan3A_913, %mul3A_1160 : i32
      %add3A_1162 = arith.constant 6 : i32
      %add3A_1163 = arith.addi %mul3A_1161, %add3A_1162 : i32
      %dma_start3A_1164 = arith.constant 0 : i32
      %dma_start3A_1165 = tpu.memref_slice %arg11[%add3A_1163, %dma_start3A_1164] : memref<256x32xf32, #tpu.memory_space<vmem>> -> memref<1x32xf32, #tpu.memory_space<vmem>>
      %dma_start3A_1166 = tpu.memref_squeeze %dma_start3A_1165 : memref<1x32xf32, #tpu.memory_space<vmem>> -> memref<32xf32, #tpu.memory_space<vmem>>
      %dma_start3A_1167 = arith.constant 0 : i32
      %dma_start3A_1168 = tpu.memref_slice %arg5[%squeeze3A_1159, %dma_start3A_1167] : memref<100000x32xf32, #tpu.memory_space<hbm>> -> memref<1x32xf32, #tpu.memory_space<hbm>>
      %dma_start3A_1169 = tpu.memref_squeeze %dma_start3A_1168 : memref<1x32xf32, #tpu.memory_space<hbm>> -> memref<32xf32, #tpu.memory_space<hbm>>
      %dma_start3A_1170 = arith.constant 0 : i32
      %dma_start3A_1171 = tpu.memref_slice %arg11[%add3A_1163, %dma_start3A_1170] : memref<256x32xf32, #tpu.memory_space<vmem>> -> memref<1x32xf32, #tpu.memory_space<vmem>>
      %dma_start3A_1172 = tpu.memref_squeeze %dma_start3A_1171 : memref<1x32xf32, #tpu.memory_space<vmem>> -> memref<32xf32, #tpu.memory_space<vmem>>
      %dma_start3A_1173 = arith.constant 0 : i32
      %dma_start3A_1174 = tpu.memref_slice %arg5[%squeeze3A_1159, %dma_start3A_1173] : memref<100000x32xf32, #tpu.memory_space<hbm>> -> memref<1x32xf32, #tpu.memory_space<hbm>>
      %dma_start3A_1175 = tpu.memref_squeeze %dma_start3A_1174 : memref<1x32xf32, #tpu.memory_space<hbm>> -> memref<32xf32, #tpu.memory_space<hbm>>
      tpu.enqueue_dma source(%dma_start3A_1175 : memref<32xf32, #tpu.memory_space<hbm>>) target(%dma_start3A_1172 : memref<32xf32, #tpu.memory_space<vmem>>) target_semaphore(%arg12 : memref<!tpu.dma_semaphore, #tpu.memory_space<semaphore_mem>>)
      %slice3A_1176 = vector.extract_strided_slice %get3A_919 {offsets = [7], sizes = [1], strides = [1]} : vector<16xi32> to vector<1xi32>
      %squeeze3A_1177 = vector.extract %slice3A_1176[0] : i32 from vector<1xi32>
      %mul3A_1178 = arith.constant 16 : i32
      %mul3A_1179 = arith.muli %scan3A_913, %mul3A_1178 : i32
      %add3A_1180 = arith.constant 7 : i32
      %add3A_1181 = arith.addi %mul3A_1179, %add3A_1180 : i32
      %dma_start3A_1182 = arith.constant 0 : i32
      %dma_start3A_1183 = tpu.memref_slice %arg10[%add3A_1181, %dma_start3A_1182] : memref<256x32xf32, #tpu.memory_space<vmem>> -> memref<1x32xf32, #tpu.memory_space<vmem>>
      %dma_start3A_1184 = tpu.memref_squeeze %dma_start3A_1183 : memref<1x32xf32, #tpu.memory_space<vmem>> -> memref<32xf32, #tpu.memory_space<vmem>>
      %dma_start3A_1185 = arith.constant 0 : i32
      %dma_start3A_1186 = tpu.memref_slice %arg4[%squeeze3A_1177, %dma_start3A_1185] : memref<1000000x32xf32, #tpu.memory_space<hbm>> -> memref<1x32xf32, #tpu.memory_space<hbm>>
      %dma_start3A_1187 = tpu.memref_squeeze %dma_start3A_1186 : memref<1x32xf32, #tpu.memory_space<hbm>> -> memref<32xf32, #tpu.memory_space<hbm>>
      %dma_start3A_1188 = arith.constant 0 : i32
      %dma_start3A_1189 = tpu.memref_slice %arg10[%add3A_1181, %dma_start3A_1188] : memref<256x32xf32, #tpu.memory_space<vmem>> -> memref<1x32xf32, #tpu.memory_space<vmem>>
      %dma_start3A_1190 = tpu.memref_squeeze %dma_start3A_1189 : memref<1x32xf32, #tpu.memory_space<vmem>> -> memref<32xf32, #tpu.memory_space<vmem>>
      %dma_start3A_1191 = arith.constant 0 : i32
      %dma_start3A_1192 = tpu.memref_slice %arg4[%squeeze3A_1177, %dma_start3A_1191] : memref<1000000x32xf32, #tpu.memory_space<hbm>> -> memref<1x32xf32, #tpu.memory_space<hbm>>
      %dma_start3A_1193 = tpu.memref_squeeze %dma_start3A_1192 : memref<1x32xf32, #tpu.memory_space<hbm>> -> memref<32xf32, #tpu.memory_space<hbm>>
      tpu.enqueue_dma source(%dma_start3A_1193 : memref<32xf32, #tpu.memory_space<hbm>>) target(%dma_start3A_1190 : memref<32xf32, #tpu.memory_space<vmem>>) target_semaphore(%arg12 : memref<!tpu.dma_semaphore, #tpu.memory_space<semaphore_mem>>)
      %slice3A_1194 = vector.extract_strided_slice %get3A_926 {offsets = [7], sizes = [1], strides = [1]} : vector<16xi32> to vector<1xi32>
      %squeeze3A_1195 = vector.extract %slice3A_1194[0] : i32 from vector<1xi32>
      %mul3A_1196 = arith.constant 16 : i32
      %mul3A_1197 = arith.muli %scan3A_913, %mul3A_1196 : i32
      %add3A_1198 = arith.constant 7 : i32
      %add3A_1199 = arith.addi %mul3A_1197, %add3A_1198 : i32
      %dma_start3A_1200 = arith.constant 0 : i32
      %dma_start3A_1201 = tpu.memref_slice %arg11[%add3A_1199, %dma_start3A_1200] : memref<256x32xf32, #tpu.memory_space<vmem>> -> memref<1x32xf32, #tpu.memory_space<vmem>>
      %dma_start3A_1202 = tpu.memref_squeeze %dma_start3A_1201 : memref<1x32xf32, #tpu.memory_space<vmem>> -> memref<32xf32, #tpu.memory_space<vmem>>
      %dma_start3A_1203 = arith.constant 0 : i32
      %dma_start3A_1204 = tpu.memref_slice %arg5[%squeeze3A_1195, %dma_start3A_1203] : memref<100000x32xf32, #tpu.memory_space<hbm>> -> memref<1x32xf32, #tpu.memory_space<hbm>>
      %dma_start3A_1205 = tpu.memref_squeeze %dma_start3A_1204 : memref<1x32xf32, #tpu.memory_space<hbm>> -> memref<32xf32, #tpu.memory_space<hbm>>
      %dma_start3A_1206 = arith.constant 0 : i32
      %dma_start3A_1207 = tpu.memref_slice %arg11[%add3A_1199, %dma_start3A_1206] : memref<256x32xf32, #tpu.memory_space<vmem>> -> memref<1x32xf32, #tpu.memory_space<vmem>>
      %dma_start3A_1208 = tpu.memref_squeeze %dma_start3A_1207 : memref<1x32xf32, #tpu.memory_space<vmem>> -> memref<32xf32, #tpu.memory_space<vmem>>
      %dma_start3A_1209 = arith.constant 0 : i32
      %dma_start3A_1210 = tpu.memref_slice %arg5[%squeeze3A_1195, %dma_start3A_1209] : memref<100000x32xf32, #tpu.memory_space<hbm>> -> memref<1x32xf32, #tpu.memory_space<hbm>>
      %dma_start3A_1211 = tpu.memref_squeeze %dma_start3A_1210 : memref<1x32xf32, #tpu.memory_space<hbm>> -> memref<32xf32, #tpu.memory_space<hbm>>
      tpu.enqueue_dma source(%dma_start3A_1211 : memref<32xf32, #tpu.memory_space<hbm>>) target(%dma_start3A_1208 : memref<32xf32, #tpu.memory_space<vmem>>) target_semaphore(%arg12 : memref<!tpu.dma_semaphore, #tpu.memory_space<semaphore_mem>>)
      %slice3A_1212 = vector.extract_strided_slice %get3A_919 {offsets = [8], sizes = [1], strides = [1]} : vector<16xi32> to vector<1xi32>
      %squeeze3A_1213 = vector.extract %slice3A_1212[0] : i32 from vector<1xi32>
      %mul3A_1214 = arith.constant 16 : i32
      %mul3A_1215 = arith.muli %scan3A_913, %mul3A_1214 : i32
      %add3A_1216 = arith.constant 8 : i32
      %add3A_1217 = arith.addi %mul3A_1215, %add3A_1216 : i32
      %dma_start3A_1218 = arith.constant 0 : i32
      %dma_start3A_1219 = tpu.memref_slice %arg10[%add3A_1217, %dma_start3A_1218] : memref<256x32xf32, #tpu.memory_space<vmem>> -> memref<1x32xf32, #tpu.memory_space<vmem>>
      %dma_start3A_1220 = tpu.memref_squeeze %dma_start3A_1219 : memref<1x32xf32, #tpu.memory_space<vmem>> -> memref<32xf32, #tpu.memory_space<vmem>>
      %dma_start3A_1221 = arith.constant 0 : i32
      %dma_start3A_1222 = tpu.memref_slice %arg4[%squeeze3A_1213, %dma_start3A_1221] : memref<1000000x32xf32, #tpu.memory_space<hbm>> -> memref<1x32xf32, #tpu.memory_space<hbm>>
      %dma_start3A_1223 = tpu.memref_squeeze %dma_start3A_1222 : memref<1x32xf32, #tpu.memory_space<hbm>> -> memref<32xf32, #tpu.memory_space<hbm>>
      %dma_start3A_1224 = arith.constant 0 : i32
      %dma_start3A_1225 = tpu.memref_slice %arg10[%add3A_1217, %dma_start3A_1224] : memref<256x32xf32, #tpu.memory_space<vmem>> -> memref<1x32xf32, #tpu.memory_space<vmem>>
      %dma_start3A_1226 = tpu.memref_squeeze %dma_start3A_1225 : memref<1x32xf32, #tpu.memory_space<vmem>> -> memref<32xf32, #tpu.memory_space<vmem>>
      %dma_start3A_1227 = arith.constant 0 : i32
      %dma_start3A_1228 = tpu.memref_slice %arg4[%squeeze3A_1213, %dma_start3A_1227] : memref<1000000x32xf32, #tpu.memory_space<hbm>> -> memref<1x32xf32, #tpu.memory_space<hbm>>
      %dma_start3A_1229 = tpu.memref_squeeze %dma_start3A_1228 : memref<1x32xf32, #tpu.memory_space<hbm>> -> memref<32xf32, #tpu.memory_space<hbm>>
      tpu.enqueue_dma source(%dma_start3A_1229 : memref<32xf32, #tpu.memory_space<hbm>>) target(%dma_start3A_1226 : memref<32xf32, #tpu.memory_space<vmem>>) target_semaphore(%arg12 : memref<!tpu.dma_semaphore, #tpu.memory_space<semaphore_mem>>)
      %slice3A_1230 = vector.extract_strided_slice %get3A_926 {offsets = [8], sizes = [1], strides = [1]} : vector<16xi32> to vector<1xi32>
      %squeeze3A_1231 = vector.extract %slice3A_1230[0] : i32 from vector<1xi32>
      %mul3A_1232 = arith.constant 16 : i32
      %mul3A_1233 = arith.muli %scan3A_913, %mul3A_1232 : i32
      %add3A_1234 = arith.constant 8 : i32
      %add3A_1235 = arith.addi %mul3A_1233, %add3A_1234 : i32
      %dma_start3A_1236 = arith.constant 0 : i32
      %dma_start3A_1237 = tpu.memref_slice %arg11[%add3A_1235, %dma_start3A_1236] : memref<256x32xf32, #tpu.memory_space<vmem>> -> memref<1x32xf32, #tpu.memory_space<vmem>>
      %dma_start3A_1238 = tpu.memref_squeeze %dma_start3A_1237 : memref<1x32xf32, #tpu.memory_space<vmem>> -> memref<32xf32, #tpu.memory_space<vmem>>
      %dma_start3A_1239 = arith.constant 0 : i32
      %dma_start3A_1240 = tpu.memref_slice %arg5[%squeeze3A_1231, %dma_start3A_1239] : memref<100000x32xf32, #tpu.memory_space<hbm>> -> memref<1x32xf32, #tpu.memory_space<hbm>>
      %dma_start3A_1241 = tpu.memref_squeeze %dma_start3A_1240 : memref<1x32xf32, #tpu.memory_space<hbm>> -> memref<32xf32, #tpu.memory_space<hbm>>
      %dma_start3A_1242 = arith.constant 0 : i32
      %dma_start3A_1243 = tpu.memref_slice %arg11[%add3A_1235, %dma_start3A_1242] : memref<256x32xf32, #tpu.memory_space<vmem>> -> memref<1x32xf32, #tpu.memory_space<vmem>>
      %dma_start3A_1244 = tpu.memref_squeeze %dma_start3A_1243 : memref<1x32xf32, #tpu.memory_space<vmem>> -> memref<32xf32, #tpu.memory_space<vmem>>
      %dma_start3A_1245 = arith.constant 0 : i32
      %dma_start3A_1246 = tpu.memref_slice %arg5[%squeeze3A_1231, %dma_start3A_1245] : memref<100000x32xf32, #tpu.memory_space<hbm>> -> memref<1x32xf32, #tpu.memory_space<hbm>>
      %dma_start3A_1247 = tpu.memref_squeeze %dma_start3A_1246 : memref<1x32xf32, #tpu.memory_space<hbm>> -> memref<32xf32, #tpu.memory_space<hbm>>
      tpu.enqueue_dma source(%dma_start3A_1247 : memref<32xf32, #tpu.memory_space<hbm>>) target(%dma_start3A_1244 : memref<32xf32, #tpu.memory_space<vmem>>) target_semaphore(%arg12 : memref<!tpu.dma_semaphore, #tpu.memory_space<semaphore_mem>>)
      %slice3A_1248 = vector.extract_strided_slice %get3A_919 {offsets = [9], sizes = [1], strides = [1]} : vector<16xi32> to vector<1xi32>
      %squeeze3A_1249 = vector.extract %slice3A_1248[0] : i32 from vector<1xi32>
      %mul3A_1250 = arith.constant 16 : i32
      %mul3A_1251 = arith.muli %scan3A_913, %mul3A_1250 : i32
      %add3A_1252 = arith.constant 9 : i32
      %add3A_1253 = arith.addi %mul3A_1251, %add3A_1252 : i32
      %dma_start3A_1254 = arith.constant 0 : i32
      %dma_start3A_1255 = tpu.memref_slice %arg10[%add3A_1253, %dma_start3A_1254] : memref<256x32xf32, #tpu.memory_space<vmem>> -> memref<1x32xf32, #tpu.memory_space<vmem>>
      %dma_start3A_1256 = tpu.memref_squeeze %dma_start3A_1255 : memref<1x32xf32, #tpu.memory_space<vmem>> -> memref<32xf32, #tpu.memory_space<vmem>>
      %dma_start3A_1257 = arith.constant 0 : i32
      %dma_start3A_1258 = tpu.memref_slice %arg4[%squeeze3A_1249, %dma_start3A_1257] : memref<1000000x32xf32, #tpu.memory_space<hbm>> -> memref<1x32xf32, #tpu.memory_space<hbm>>
      %dma_start3A_1259 = tpu.memref_squeeze %dma_start3A_1258 : memref<1x32xf32, #tpu.memory_space<hbm>> -> memref<32xf32, #tpu.memory_space<hbm>>
      %dma_start3A_1260 = arith.constant 0 : i32
      %dma_start3A_1261 = tpu.memref_slice %arg10[%add3A_1253, %dma_start3A_1260] : memref<256x32xf32, #tpu.memory_space<vmem>> -> memref<1x32xf32, #tpu.memory_space<vmem>>
      %dma_start3A_1262 = tpu.memref_squeeze %dma_start3A_1261 : memref<1x32xf32, #tpu.memory_space<vmem>> -> memref<32xf32, #tpu.memory_space<vmem>>
      %dma_start3A_1263 = arith.constant 0 : i32
      %dma_start3A_1264 = tpu.memref_slice %arg4[%squeeze3A_1249, %dma_start3A_1263] : memref<1000000x32xf32, #tpu.memory_space<hbm>> -> memref<1x32xf32, #tpu.memory_space<hbm>>
      %dma_start3A_1265 = tpu.memref_squeeze %dma_start3A_1264 : memref<1x32xf32, #tpu.memory_space<hbm>> -> memref<32xf32, #tpu.memory_space<hbm>>
      tpu.enqueue_dma source(%dma_start3A_1265 : memref<32xf32, #tpu.memory_space<hbm>>) target(%dma_start3A_1262 : memref<32xf32, #tpu.memory_space<vmem>>) target_semaphore(%arg12 : memref<!tpu.dma_semaphore, #tpu.memory_space<semaphore_mem>>)
      %slice3A_1266 = vector.extract_strided_slice %get3A_926 {offsets = [9], sizes = [1], strides = [1]} : vector<16xi32> to vector<1xi32>
      %squeeze3A_1267 = vector.extract %slice3A_1266[0] : i32 from vector<1xi32>
      %mul3A_1268 = arith.constant 16 : i32
      %mul3A_1269 = arith.muli %scan3A_913, %mul3A_1268 : i32
      %add3A_1270 = arith.constant 9 : i32
      %add3A_1271 = arith.addi %mul3A_1269, %add3A_1270 : i32
      %dma_start3A_1272 = arith.constant 0 : i32
      %dma_start3A_1273 = tpu.memref_slice %arg11[%add3A_1271, %dma_start3A_1272] : memref<256x32xf32, #tpu.memory_space<vmem>> -> memref<1x32xf32, #tpu.memory_space<vmem>>
      %dma_start3A_1274 = tpu.memref_squeeze %dma_start3A_1273 : memref<1x32xf32, #tpu.memory_space<vmem>> -> memref<32xf32, #tpu.memory_space<vmem>>
      %dma_start3A_1275 = arith.constant 0 : i32
      %dma_start3A_1276 = tpu.memref_slice %arg5[%squeeze3A_1267, %dma_start3A_1275] : memref<100000x32xf32, #tpu.memory_space<hbm>> -> memref<1x32xf32, #tpu.memory_space<hbm>>
      %dma_start3A_1277 = tpu.memref_squeeze %dma_start3A_1276 : memref<1x32xf32, #tpu.memory_space<hbm>> -> memref<32xf32, #tpu.memory_space<hbm>>
      %dma_start3A_1278 = arith.constant 0 : i32
      %dma_start3A_1279 = tpu.memref_slice %arg11[%add3A_1271, %dma_start3A_1278] : memref<256x32xf32, #tpu.memory_space<vmem>> -> memref<1x32xf32, #tpu.memory_space<vmem>>
      %dma_start3A_1280 = tpu.memref_squeeze %dma_start3A_1279 : memref<1x32xf32, #tpu.memory_space<vmem>> -> memref<32xf32, #tpu.memory_space<vmem>>
      %dma_start3A_1281 = arith.constant 0 : i32
      %dma_start3A_1282 = tpu.memref_slice %arg5[%squeeze3A_1267, %dma_start3A_1281] : memref<100000x32xf32, #tpu.memory_space<hbm>> -> memref<1x32xf32, #tpu.memory_space<hbm>>
      %dma_start3A_1283 = tpu.memref_squeeze %dma_start3A_1282 : memref<1x32xf32, #tpu.memory_space<hbm>> -> memref<32xf32, #tpu.memory_space<hbm>>
      tpu.enqueue_dma source(%dma_start3A_1283 : memref<32xf32, #tpu.memory_space<hbm>>) target(%dma_start3A_1280 : memref<32xf32, #tpu.memory_space<vmem>>) target_semaphore(%arg12 : memref<!tpu.dma_semaphore, #tpu.memory_space<semaphore_mem>>)
      %slice3A_1284 = vector.extract_strided_slice %get3A_919 {offsets = [10], sizes = [1], strides = [1]} : vector<16xi32> to vector<1xi32>
      %squeeze3A_1285 = vector.extract %slice3A_1284[0] : i32 from vector<1xi32>
      %mul3A_1286 = arith.constant 16 : i32
      %mul3A_1287 = arith.muli %scan3A_913, %mul3A_1286 : i32
      %add3A_1288 = arith.constant 10 : i32
      %add3A_1289 = arith.addi %mul3A_1287, %add3A_1288 : i32
      %dma_start3A_1290 = arith.constant 0 : i32
      %dma_start3A_1291 = tpu.memref_slice %arg10[%add3A_1289, %dma_start3A_1290] : memref<256x32xf32, #tpu.memory_space<vmem>> -> memref<1x32xf32, #tpu.memory_space<vmem>>
      %dma_start3A_1292 = tpu.memref_squeeze %dma_start3A_1291 : memref<1x32xf32, #tpu.memory_space<vmem>> -> memref<32xf32, #tpu.memory_space<vmem>>
      %dma_start3A_1293 = arith.constant 0 : i32
      %dma_start3A_1294 = tpu.memref_slice %arg4[%squeeze3A_1285, %dma_start3A_1293] : memref<1000000x32xf32, #tpu.memory_space<hbm>> -> memref<1x32xf32, #tpu.memory_space<hbm>>
      %dma_start3A_1295 = tpu.memref_squeeze %dma_start3A_1294 : memref<1x32xf32, #tpu.memory_space<hbm>> -> memref<32xf32, #tpu.memory_space<hbm>>
      %dma_start3A_1296 = arith.constant 0 : i32
      %dma_start3A_1297 = tpu.memref_slice %arg10[%add3A_1289, %dma_start3A_1296] : memref<256x32xf32, #tpu.memory_space<vmem>> -> memref<1x32xf32, #tpu.memory_space<vmem>>
      %dma_start3A_1298 = tpu.memref_squeeze %dma_start3A_1297 : memref<1x32xf32, #tpu.memory_space<vmem>> -> memref<32xf32, #tpu.memory_space<vmem>>
      %dma_start3A_1299 = arith.constant 0 : i32
      %dma_start3A_1300 = tpu.memref_slice %arg4[%squeeze3A_1285, %dma_start3A_1299] : memref<1000000x32xf32, #tpu.memory_space<hbm>> -> memref<1x32xf32, #tpu.memory_space<hbm>>
      %dma_start3A_1301 = tpu.memref_squeeze %dma_start3A_1300 : memref<1x32xf32, #tpu.memory_space<hbm>> -> memref<32xf32, #tpu.memory_space<hbm>>
      tpu.enqueue_dma source(%dma_start3A_1301 : memref<32xf32, #tpu.memory_space<hbm>>) target(%dma_start3A_1298 : memref<32xf32, #tpu.memory_space<vmem>>) target_semaphore(%arg12 : memref<!tpu.dma_semaphore, #tpu.memory_space<semaphore_mem>>)
      %slice3A_1302 = vector.extract_strided_slice %get3A_926 {offsets = [10], sizes = [1], strides = [1]} : vector<16xi32> to vector<1xi32>
      %squeeze3A_1303 = vector.extract %slice3A_1302[0] : i32 from vector<1xi32>
      %mul3A_1304 = arith.constant 16 : i32
      %mul3A_1305 = arith.muli %scan3A_913, %mul3A_1304 : i32
      %add3A_1306 = arith.constant 10 : i32
      %add3A_1307 = arith.addi %mul3A_1305, %add3A_1306 : i32
      %dma_start3A_1308 = arith.constant 0 : i32
      %dma_start3A_1309 = tpu.memref_slice %arg11[%add3A_1307, %dma_start3A_1308] : memref<256x32xf32, #tpu.memory_space<vmem>> -> memref<1x32xf32, #tpu.memory_space<vmem>>
      %dma_start3A_1310 = tpu.memref_squeeze %dma_start3A_1309 : memref<1x32xf32, #tpu.memory_space<vmem>> -> memref<32xf32, #tpu.memory_space<vmem>>
      %dma_start3A_1311 = arith.constant 0 : i32
      %dma_start3A_1312 = tpu.memref_slice %arg5[%squeeze3A_1303, %dma_start3A_1311] : memref<100000x32xf32, #tpu.memory_space<hbm>> -> memref<1x32xf32, #tpu.memory_space<hbm>>
      %dma_start3A_1313 = tpu.memref_squeeze %dma_start3A_1312 : memref<1x32xf32, #tpu.memory_space<hbm>> -> memref<32xf32, #tpu.memory_space<hbm>>
      %dma_start3A_1314 = arith.constant 0 : i32
      %dma_start3A_1315 = tpu.memref_slice %arg11[%add3A_1307, %dma_start3A_1314] : memref<256x32xf32, #tpu.memory_space<vmem>> -> memref<1x32xf32, #tpu.memory_space<vmem>>
      %dma_start3A_1316 = tpu.memref_squeeze %dma_start3A_1315 : memref<1x32xf32, #tpu.memory_space<vmem>> -> memref<32xf32, #tpu.memory_space<vmem>>
      %dma_start3A_1317 = arith.constant 0 : i32
      %dma_start3A_1318 = tpu.memref_slice %arg5[%squeeze3A_1303, %dma_start3A_1317] : memref<100000x32xf32, #tpu.memory_space<hbm>> -> memref<1x32xf32, #tpu.memory_space<hbm>>
      %dma_start3A_1319 = tpu.memref_squeeze %dma_start3A_1318 : memref<1x32xf32, #tpu.memory_space<hbm>> -> memref<32xf32, #tpu.memory_space<hbm>>
      tpu.enqueue_dma source(%dma_start3A_1319 : memref<32xf32, #tpu.memory_space<hbm>>) target(%dma_start3A_1316 : memref<32xf32, #tpu.memory_space<vmem>>) target_semaphore(%arg12 : memref<!tpu.dma_semaphore, #tpu.memory_space<semaphore_mem>>)
      %slice3A_1320 = vector.extract_strided_slice %get3A_919 {offsets = [11], sizes = [1], strides = [1]} : vector<16xi32> to vector<1xi32>
      %squeeze3A_1321 = vector.extract %slice3A_1320[0] : i32 from vector<1xi32>
      %mul3A_1322 = arith.constant 16 : i32
      %mul3A_1323 = arith.muli %scan3A_913, %mul3A_1322 : i32
      %add3A_1324 = arith.constant 11 : i32
      %add3A_1325 = arith.addi %mul3A_1323, %add3A_1324 : i32
      %dma_start3A_1326 = arith.constant 0 : i32
      %dma_start3A_1327 = tpu.memref_slice %arg10[%add3A_1325, %dma_start3A_1326] : memref<256x32xf32, #tpu.memory_space<vmem>> -> memref<1x32xf32, #tpu.memory_space<vmem>>
      %dma_start3A_1328 = tpu.memref_squeeze %dma_start3A_1327 : memref<1x32xf32, #tpu.memory_space<vmem>> -> memref<32xf32, #tpu.memory_space<vmem>>
      %dma_start3A_1329 = arith.constant 0 : i32
      %dma_start3A_1330 = tpu.memref_slice %arg4[%squeeze3A_1321, %dma_start3A_1329] : memref<1000000x32xf32, #tpu.memory_space<hbm>> -> memref<1x32xf32, #tpu.memory_space<hbm>>
      %dma_start3A_1331 = tpu.memref_squeeze %dma_start3A_1330 : memref<1x32xf32, #tpu.memory_space<hbm>> -> memref<32xf32, #tpu.memory_space<hbm>>
      %dma_start3A_1332 = arith.constant 0 : i32
      %dma_start3A_1333 = tpu.memref_slice %arg10[%add3A_1325, %dma_start3A_1332] : memref<256x32xf32, #tpu.memory_space<vmem>> -> memref<1x32xf32, #tpu.memory_space<vmem>>
      %dma_start3A_1334 = tpu.memref_squeeze %dma_start3A_1333 : memref<1x32xf32, #tpu.memory_space<vmem>> -> memref<32xf32, #tpu.memory_space<vmem>>
      %dma_start3A_1335 = arith.constant 0 : i32
      %dma_start3A_1336 = tpu.memref_slice %arg4[%squeeze3A_1321, %dma_start3A_1335] : memref<1000000x32xf32, #tpu.memory_space<hbm>> -> memref<1x32xf32, #tpu.memory_space<hbm>>
      %dma_start3A_1337 = tpu.memref_squeeze %dma_start3A_1336 : memref<1x32xf32, #tpu.memory_space<hbm>> -> memref<32xf32, #tpu.memory_space<hbm>>
      tpu.enqueue_dma source(%dma_start3A_1337 : memref<32xf32, #tpu.memory_space<hbm>>) target(%dma_start3A_1334 : memref<32xf32, #tpu.memory_space<vmem>>) target_semaphore(%arg12 : memref<!tpu.dma_semaphore, #tpu.memory_space<semaphore_mem>>)
      %slice3A_1338 = vector.extract_strided_slice %get3A_926 {offsets = [11], sizes = [1], strides = [1]} : vector<16xi32> to vector<1xi32>
      %squeeze3A_1339 = vector.extract %slice3A_1338[0] : i32 from vector<1xi32>
      %mul3A_1340 = arith.constant 16 : i32
      %mul3A_1341 = arith.muli %scan3A_913, %mul3A_1340 : i32
      %add3A_1342 = arith.constant 11 : i32
      %add3A_1343 = arith.addi %mul3A_1341, %add3A_1342 : i32
      %dma_start3A_1344 = arith.constant 0 : i32
      %dma_start3A_1345 = tpu.memref_slice %arg11[%add3A_1343, %dma_start3A_1344] : memref<256x32xf32, #tpu.memory_space<vmem>> -> memref<1x32xf32, #tpu.memory_space<vmem>>
      %dma_start3A_1346 = tpu.memref_squeeze %dma_start3A_1345 : memref<1x32xf32, #tpu.memory_space<vmem>> -> memref<32xf32, #tpu.memory_space<vmem>>
      %dma_start3A_1347 = arith.constant 0 : i32
      %dma_start3A_1348 = tpu.memref_slice %arg5[%squeeze3A_1339, %dma_start3A_1347] : memref<100000x32xf32, #tpu.memory_space<hbm>> -> memref<1x32xf32, #tpu.memory_space<hbm>>
      %dma_start3A_1349 = tpu.memref_squeeze %dma_start3A_1348 : memref<1x32xf32, #tpu.memory_space<hbm>> -> memref<32xf32, #tpu.memory_space<hbm>>
      %dma_start3A_1350 = arith.constant 0 : i32
      %dma_start3A_1351 = tpu.memref_slice %arg11[%add3A_1343, %dma_start3A_1350] : memref<256x32xf32, #tpu.memory_space<vmem>> -> memref<1x32xf32, #tpu.memory_space<vmem>>
      %dma_start3A_1352 = tpu.memref_squeeze %dma_start3A_1351 : memref<1x32xf32, #tpu.memory_space<vmem>> -> memref<32xf32, #tpu.memory_space<vmem>>
      %dma_start3A_1353 = arith.constant 0 : i32
      %dma_start3A_1354 = tpu.memref_slice %arg5[%squeeze3A_1339, %dma_start3A_1353] : memref<100000x32xf32, #tpu.memory_space<hbm>> -> memref<1x32xf32, #tpu.memory_space<hbm>>
      %dma_start3A_1355 = tpu.memref_squeeze %dma_start3A_1354 : memref<1x32xf32, #tpu.memory_space<hbm>> -> memref<32xf32, #tpu.memory_space<hbm>>
      tpu.enqueue_dma source(%dma_start3A_1355 : memref<32xf32, #tpu.memory_space<hbm>>) target(%dma_start3A_1352 : memref<32xf32, #tpu.memory_space<vmem>>) target_semaphore(%arg12 : memref<!tpu.dma_semaphore, #tpu.memory_space<semaphore_mem>>)
      %slice3A_1356 = vector.extract_strided_slice %get3A_919 {offsets = [12], sizes = [1], strides = [1]} : vector<16xi32> to vector<1xi32>
      %squeeze3A_1357 = vector.extract %slice3A_1356[0] : i32 from vector<1xi32>
      %mul3A_1358 = arith.constant 16 : i32
      %mul3A_1359 = arith.muli %scan3A_913, %mul3A_1358 : i32
      %add3A_1360 = arith.constant 12 : i32
      %add3A_1361 = arith.addi %mul3A_1359, %add3A_1360 : i32
      %dma_start3A_1362 = arith.constant 0 : i32
      %dma_start3A_1363 = tpu.memref_slice %arg10[%add3A_1361, %dma_start3A_1362] : memref<256x32xf32, #tpu.memory_space<vmem>> -> memref<1x32xf32, #tpu.memory_space<vmem>>
      %dma_start3A_1364 = tpu.memref_squeeze %dma_start3A_1363 : memref<1x32xf32, #tpu.memory_space<vmem>> -> memref<32xf32, #tpu.memory_space<vmem>>
      %dma_start3A_1365 = arith.constant 0 : i32
      %dma_start3A_1366 = tpu.memref_slice %arg4[%squeeze3A_1357, %dma_start3A_1365] : memref<1000000x32xf32, #tpu.memory_space<hbm>> -> memref<1x32xf32, #tpu.memory_space<hbm>>
      %dma_start3A_1367 = tpu.memref_squeeze %dma_start3A_1366 : memref<1x32xf32, #tpu.memory_space<hbm>> -> memref<32xf32, #tpu.memory_space<hbm>>
      %dma_start3A_1368 = arith.constant 0 : i32
      %dma_start3A_1369 = tpu.memref_slice %arg10[%add3A_1361, %dma_start3A_1368] : memref<256x32xf32, #tpu.memory_space<vmem>> -> memref<1x32xf32, #tpu.memory_space<vmem>>
      %dma_start3A_1370 = tpu.memref_squeeze %dma_start3A_1369 : memref<1x32xf32, #tpu.memory_space<vmem>> -> memref<32xf32, #tpu.memory_space<vmem>>
      %dma_start3A_1371 = arith.constant 0 : i32
      %dma_start3A_1372 = tpu.memref_slice %arg4[%squeeze3A_1357, %dma_start3A_1371] : memref<1000000x32xf32, #tpu.memory_space<hbm>> -> memref<1x32xf32, #tpu.memory_space<hbm>>
      %dma_start3A_1373 = tpu.memref_squeeze %dma_start3A_1372 : memref<1x32xf32, #tpu.memory_space<hbm>> -> memref<32xf32, #tpu.memory_space<hbm>>
      tpu.enqueue_dma source(%dma_start3A_1373 : memref<32xf32, #tpu.memory_space<hbm>>) target(%dma_start3A_1370 : memref<32xf32, #tpu.memory_space<vmem>>) target_semaphore(%arg12 : memref<!tpu.dma_semaphore, #tpu.memory_space<semaphore_mem>>)
      %slice3A_1374 = vector.extract_strided_slice %get3A_926 {offsets = [12], sizes = [1], strides = [1]} : vector<16xi32> to vector<1xi32>
      %squeeze3A_1375 = vector.extract %slice3A_1374[0] : i32 from vector<1xi32>
      %mul3A_1376 = arith.constant 16 : i32
      %mul3A_1377 = arith.muli %scan3A_913, %mul3A_1376 : i32
      %add3A_1378 = arith.constant 12 : i32
      %add3A_1379 = arith.addi %mul3A_1377, %add3A_1378 : i32
      %dma_start3A_1380 = arith.constant 0 : i32
      %dma_start3A_1381 = tpu.memref_slice %arg11[%add3A_1379, %dma_start3A_1380] : memref<256x32xf32, #tpu.memory_space<vmem>> -> memref<1x32xf32, #tpu.memory_space<vmem>>
      %dma_start3A_1382 = tpu.memref_squeeze %dma_start3A_1381 : memref<1x32xf32, #tpu.memory_space<vmem>> -> memref<32xf32, #tpu.memory_space<vmem>>
      %dma_start3A_1383 = arith.constant 0 : i32
      %dma_start3A_1384 = tpu.memref_slice %arg5[%squeeze3A_1375, %dma_start3A_1383] : memref<100000x32xf32, #tpu.memory_space<hbm>> -> memref<1x32xf32, #tpu.memory_space<hbm>>
      %dma_start3A_1385 = tpu.memref_squeeze %dma_start3A_1384 : memref<1x32xf32, #tpu.memory_space<hbm>> -> memref<32xf32, #tpu.memory_space<hbm>>
      %dma_start3A_1386 = arith.constant 0 : i32
      %dma_start3A_1387 = tpu.memref_slice %arg11[%add3A_1379, %dma_start3A_1386] : memref<256x32xf32, #tpu.memory_space<vmem>> -> memref<1x32xf32, #tpu.memory_space<vmem>>
      %dma_start3A_1388 = tpu.memref_squeeze %dma_start3A_1387 : memref<1x32xf32, #tpu.memory_space<vmem>> -> memref<32xf32, #tpu.memory_space<vmem>>
      %dma_start3A_1389 = arith.constant 0 : i32
      %dma_start3A_1390 = tpu.memref_slice %arg5[%squeeze3A_1375, %dma_start3A_1389] : memref<100000x32xf32, #tpu.memory_space<hbm>> -> memref<1x32xf32, #tpu.memory_space<hbm>>
      %dma_start3A_1391 = tpu.memref_squeeze %dma_start3A_1390 : memref<1x32xf32, #tpu.memory_space<hbm>> -> memref<32xf32, #tpu.memory_space<hbm>>
      tpu.enqueue_dma source(%dma_start3A_1391 : memref<32xf32, #tpu.memory_space<hbm>>) target(%dma_start3A_1388 : memref<32xf32, #tpu.memory_space<vmem>>) target_semaphore(%arg12 : memref<!tpu.dma_semaphore, #tpu.memory_space<semaphore_mem>>)
      %slice3A_1392 = vector.extract_strided_slice %get3A_919 {offsets = [13], sizes = [1], strides = [1]} : vector<16xi32> to vector<1xi32>
      %squeeze3A_1393 = vector.extract %slice3A_1392[0] : i32 from vector<1xi32>
      %mul3A_1394 = arith.constant 16 : i32
      %mul3A_1395 = arith.muli %scan3A_913, %mul3A_1394 : i32
      %add3A_1396 = arith.constant 13 : i32
      %add3A_1397 = arith.addi %mul3A_1395, %add3A_1396 : i32
      %dma_start3A_1398 = arith.constant 0 : i32
      %dma_start3A_1399 = tpu.memref_slice %arg10[%add3A_1397, %dma_start3A_1398] : memref<256x32xf32, #tpu.memory_space<vmem>> -> memref<1x32xf32, #tpu.memory_space<vmem>>
      %dma_start3A_1400 = tpu.memref_squeeze %dma_start3A_1399 : memref<1x32xf32, #tpu.memory_space<vmem>> -> memref<32xf32, #tpu.memory_space<vmem>>
      %dma_start3A_1401 = arith.constant 0 : i32
      %dma_start3A_1402 = tpu.memref_slice %arg4[%squeeze3A_1393, %dma_start3A_1401] : memref<1000000x32xf32, #tpu.memory_space<hbm>> -> memref<1x32xf32, #tpu.memory_space<hbm>>
      %dma_start3A_1403 = tpu.memref_squeeze %dma_start3A_1402 : memref<1x32xf32, #tpu.memory_space<hbm>> -> memref<32xf32, #tpu.memory_space<hbm>>
      %dma_start3A_1404 = arith.constant 0 : i32
      %dma_start3A_1405 = tpu.memref_slice %arg10[%add3A_1397, %dma_start3A_1404] : memref<256x32xf32, #tpu.memory_space<vmem>> -> memref<1x32xf32, #tpu.memory_space<vmem>>
      %dma_start3A_1406 = tpu.memref_squeeze %dma_start3A_1405 : memref<1x32xf32, #tpu.memory_space<vmem>> -> memref<32xf32, #tpu.memory_space<vmem>>
      %dma_start3A_1407 = arith.constant 0 : i32
      %dma_start3A_1408 = tpu.memref_slice %arg4[%squeeze3A_1393, %dma_start3A_1407] : memref<1000000x32xf32, #tpu.memory_space<hbm>> -> memref<1x32xf32, #tpu.memory_space<hbm>>
      %dma_start3A_1409 = tpu.memref_squeeze %dma_start3A_1408 : memref<1x32xf32, #tpu.memory_space<hbm>> -> memref<32xf32, #tpu.memory_space<hbm>>
      tpu.enqueue_dma source(%dma_start3A_1409 : memref<32xf32, #tpu.memory_space<hbm>>) target(%dma_start3A_1406 : memref<32xf32, #tpu.memory_space<vmem>>) target_semaphore(%arg12 : memref<!tpu.dma_semaphore, #tpu.memory_space<semaphore_mem>>)
      %slice3A_1410 = vector.extract_strided_slice %get3A_926 {offsets = [13], sizes = [1], strides = [1]} : vector<16xi32> to vector<1xi32>
      %squeeze3A_1411 = vector.extract %slice3A_1410[0] : i32 from vector<1xi32>
      %mul3A_1412 = arith.constant 16 : i32
      %mul3A_1413 = arith.muli %scan3A_913, %mul3A_1412 : i32
      %add3A_1414 = arith.constant 13 : i32
      %add3A_1415 = arith.addi %mul3A_1413, %add3A_1414 : i32
      %dma_start3A_1416 = arith.constant 0 : i32
      %dma_start3A_1417 = tpu.memref_slice %arg11[%add3A_1415, %dma_start3A_1416] : memref<256x32xf32, #tpu.memory_space<vmem>> -> memref<1x32xf32, #tpu.memory_space<vmem>>
      %dma_start3A_1418 = tpu.memref_squeeze %dma_start3A_1417 : memref<1x32xf32, #tpu.memory_space<vmem>> -> memref<32xf32, #tpu.memory_space<vmem>>
      %dma_start3A_1419 = arith.constant 0 : i32
      %dma_start3A_1420 = tpu.memref_slice %arg5[%squeeze3A_1411, %dma_start3A_1419] : memref<100000x32xf32, #tpu.memory_space<hbm>> -> memref<1x32xf32, #tpu.memory_space<hbm>>
      %dma_start3A_1421 = tpu.memref_squeeze %dma_start3A_1420 : memref<1x32xf32, #tpu.memory_space<hbm>> -> memref<32xf32, #tpu.memory_space<hbm>>
      %dma_start3A_1422 = arith.constant 0 : i32
      %dma_start3A_1423 = tpu.memref_slice %arg11[%add3A_1415, %dma_start3A_1422] : memref<256x32xf32, #tpu.memory_space<vmem>> -> memref<1x32xf32, #tpu.memory_space<vmem>>
      %dma_start3A_1424 = tpu.memref_squeeze %dma_start3A_1423 : memref<1x32xf32, #tpu.memory_space<vmem>> -> memref<32xf32, #tpu.memory_space<vmem>>
      %dma_start3A_1425 = arith.constant 0 : i32
      %dma_start3A_1426 = tpu.memref_slice %arg5[%squeeze3A_1411, %dma_start3A_1425] : memref<100000x32xf32, #tpu.memory_space<hbm>> -> memref<1x32xf32, #tpu.memory_space<hbm>>
      %dma_start3A_1427 = tpu.memref_squeeze %dma_start3A_1426 : memref<1x32xf32, #tpu.memory_space<hbm>> -> memref<32xf32, #tpu.memory_space<hbm>>
      tpu.enqueue_dma source(%dma_start3A_1427 : memref<32xf32, #tpu.memory_space<hbm>>) target(%dma_start3A_1424 : memref<32xf32, #tpu.memory_space<vmem>>) target_semaphore(%arg12 : memref<!tpu.dma_semaphore, #tpu.memory_space<semaphore_mem>>)
      %slice3A_1428 = vector.extract_strided_slice %get3A_919 {offsets = [14], sizes = [1], strides = [1]} : vector<16xi32> to vector<1xi32>
      %squeeze3A_1429 = vector.extract %slice3A_1428[0] : i32 from vector<1xi32>
      %mul3A_1430 = arith.constant 16 : i32
      %mul3A_1431 = arith.muli %scan3A_913, %mul3A_1430 : i32
      %add3A_1432 = arith.constant 14 : i32
      %add3A_1433 = arith.addi %mul3A_1431, %add3A_1432 : i32
      %dma_start3A_1434 = arith.constant 0 : i32
      %dma_start3A_1435 = tpu.memref_slice %arg10[%add3A_1433, %dma_start3A_1434] : memref<256x32xf32, #tpu.memory_space<vmem>> -> memref<1x32xf32, #tpu.memory_space<vmem>>
      %dma_start3A_1436 = tpu.memref_squeeze %dma_start3A_1435 : memref<1x32xf32, #tpu.memory_space<vmem>> -> memref<32xf32, #tpu.memory_space<vmem>>
      %dma_start3A_1437 = arith.constant 0 : i32
      %dma_start3A_1438 = tpu.memref_slice %arg4[%squeeze3A_1429, %dma_start3A_1437] : memref<1000000x32xf32, #tpu.memory_space<hbm>> -> memref<1x32xf32, #tpu.memory_space<hbm>>
      %dma_start3A_1439 = tpu.memref_squeeze %dma_start3A_1438 : memref<1x32xf32, #tpu.memory_space<hbm>> -> memref<32xf32, #tpu.memory_space<hbm>>
      %dma_start3A_1440 = arith.constant 0 : i32
      %dma_start3A_1441 = tpu.memref_slice %arg10[%add3A_1433, %dma_start3A_1440] : memref<256x32xf32, #tpu.memory_space<vmem>> -> memref<1x32xf32, #tpu.memory_space<vmem>>
      %dma_start3A_1442 = tpu.memref_squeeze %dma_start3A_1441 : memref<1x32xf32, #tpu.memory_space<vmem>> -> memref<32xf32, #tpu.memory_space<vmem>>
      %dma_start3A_1443 = arith.constant 0 : i32
      %dma_start3A_1444 = tpu.memref_slice %arg4[%squeeze3A_1429, %dma_start3A_1443] : memref<1000000x32xf32, #tpu.memory_space<hbm>> -> memref<1x32xf32, #tpu.memory_space<hbm>>
      %dma_start3A_1445 = tpu.memref_squeeze %dma_start3A_1444 : memref<1x32xf32, #tpu.memory_space<hbm>> -> memref<32xf32, #tpu.memory_space<hbm>>
      tpu.enqueue_dma source(%dma_start3A_1445 : memref<32xf32, #tpu.memory_space<hbm>>) target(%dma_start3A_1442 : memref<32xf32, #tpu.memory_space<vmem>>) target_semaphore(%arg12 : memref<!tpu.dma_semaphore, #tpu.memory_space<semaphore_mem>>)
      %slice3A_1446 = vector.extract_strided_slice %get3A_926 {offsets = [14], sizes = [1], strides = [1]} : vector<16xi32> to vector<1xi32>
      %squeeze3A_1447 = vector.extract %slice3A_1446[0] : i32 from vector<1xi32>
      %mul3A_1448 = arith.constant 16 : i32
      %mul3A_1449 = arith.muli %scan3A_913, %mul3A_1448 : i32
      %add3A_1450 = arith.constant 14 : i32
      %add3A_1451 = arith.addi %mul3A_1449, %add3A_1450 : i32
      %dma_start3A_1452 = arith.constant 0 : i32
      %dma_start3A_1453 = tpu.memref_slice %arg11[%add3A_1451, %dma_start3A_1452] : memref<256x32xf32, #tpu.memory_space<vmem>> -> memref<1x32xf32, #tpu.memory_space<vmem>>
      %dma_start3A_1454 = tpu.memref_squeeze %dma_start3A_1453 : memref<1x32xf32, #tpu.memory_space<vmem>> -> memref<32xf32, #tpu.memory_space<vmem>>
      %dma_start3A_1455 = arith.constant 0 : i32
      %dma_start3A_1456 = tpu.memref_slice %arg5[%squeeze3A_1447, %dma_start3A_1455] : memref<100000x32xf32, #tpu.memory_space<hbm>> -> memref<1x32xf32, #tpu.memory_space<hbm>>
      %dma_start3A_1457 = tpu.memref_squeeze %dma_start3A_1456 : memref<1x32xf32, #tpu.memory_space<hbm>> -> memref<32xf32, #tpu.memory_space<hbm>>
      %dma_start3A_1458 = arith.constant 0 : i32
      %dma_start3A_1459 = tpu.memref_slice %arg11[%add3A_1451, %dma_start3A_1458] : memref<256x32xf32, #tpu.memory_space<vmem>> -> memref<1x32xf32, #tpu.memory_space<vmem>>
      %dma_start3A_1460 = tpu.memref_squeeze %dma_start3A_1459 : memref<1x32xf32, #tpu.memory_space<vmem>> -> memref<32xf32, #tpu.memory_space<vmem>>
      %dma_start3A_1461 = arith.constant 0 : i32
      %dma_start3A_1462 = tpu.memref_slice %arg5[%squeeze3A_1447, %dma_start3A_1461] : memref<100000x32xf32, #tpu.memory_space<hbm>> -> memref<1x32xf32, #tpu.memory_space<hbm>>
      %dma_start3A_1463 = tpu.memref_squeeze %dma_start3A_1462 : memref<1x32xf32, #tpu.memory_space<hbm>> -> memref<32xf32, #tpu.memory_space<hbm>>
      tpu.enqueue_dma source(%dma_start3A_1463 : memref<32xf32, #tpu.memory_space<hbm>>) target(%dma_start3A_1460 : memref<32xf32, #tpu.memory_space<vmem>>) target_semaphore(%arg12 : memref<!tpu.dma_semaphore, #tpu.memory_space<semaphore_mem>>)
      %slice3A_1464 = vector.extract_strided_slice %get3A_919 {offsets = [15], sizes = [1], strides = [1]} : vector<16xi32> to vector<1xi32>
      %squeeze3A_1465 = vector.extract %slice3A_1464[0] : i32 from vector<1xi32>
      %mul3A_1466 = arith.constant 16 : i32
      %mul3A_1467 = arith.muli %scan3A_913, %mul3A_1466 : i32
      %add3A_1468 = arith.constant 15 : i32
      %add3A_1469 = arith.addi %mul3A_1467, %add3A_1468 : i32
      %dma_start3A_1470 = arith.constant 0 : i32
      %dma_start3A_1471 = tpu.memref_slice %arg10[%add3A_1469, %dma_start3A_1470] : memref<256x32xf32, #tpu.memory_space<vmem>> -> memref<1x32xf32, #tpu.memory_space<vmem>>
      %dma_start3A_1472 = tpu.memref_squeeze %dma_start3A_1471 : memref<1x32xf32, #tpu.memory_space<vmem>> -> memref<32xf32, #tpu.memory_space<vmem>>
      %dma_start3A_1473 = arith.constant 0 : i32
      %dma_start3A_1474 = tpu.memref_slice %arg4[%squeeze3A_1465, %dma_start3A_1473] : memref<1000000x32xf32, #tpu.memory_space<hbm>> -> memref<1x32xf32, #tpu.memory_space<hbm>>
      %dma_start3A_1475 = tpu.memref_squeeze %dma_start3A_1474 : memref<1x32xf32, #tpu.memory_space<hbm>> -> memref<32xf32, #tpu.memory_space<hbm>>
      %dma_start3A_1476 = arith.constant 0 : i32
      %dma_start3A_1477 = tpu.memref_slice %arg10[%add3A_1469, %dma_start3A_1476] : memref<256x32xf32, #tpu.memory_space<vmem>> -> memref<1x32xf32, #tpu.memory_space<vmem>>
      %dma_start3A_1478 = tpu.memref_squeeze %dma_start3A_1477 : memref<1x32xf32, #tpu.memory_space<vmem>> -> memref<32xf32, #tpu.memory_space<vmem>>
      %dma_start3A_1479 = arith.constant 0 : i32
      %dma_start3A_1480 = tpu.memref_slice %arg4[%squeeze3A_1465, %dma_start3A_1479] : memref<1000000x32xf32, #tpu.memory_space<hbm>> -> memref<1x32xf32, #tpu.memory_space<hbm>>
      %dma_start3A_1481 = tpu.memref_squeeze %dma_start3A_1480 : memref<1x32xf32, #tpu.memory_space<hbm>> -> memref<32xf32, #tpu.memory_space<hbm>>
      tpu.enqueue_dma source(%dma_start3A_1481 : memref<32xf32, #tpu.memory_space<hbm>>) target(%dma_start3A_1478 : memref<32xf32, #tpu.memory_space<vmem>>) target_semaphore(%arg12 : memref<!tpu.dma_semaphore, #tpu.memory_space<semaphore_mem>>)
      %slice3A_1482 = vector.extract_strided_slice %get3A_926 {offsets = [15], sizes = [1], strides = [1]} : vector<16xi32> to vector<1xi32>
      %squeeze3A_1483 = vector.extract %slice3A_1482[0] : i32 from vector<1xi32>
      %mul3A_1484 = arith.constant 16 : i32
      %mul3A_1485 = arith.muli %scan3A_913, %mul3A_1484 : i32
      %add3A_1486 = arith.constant 15 : i32
      %add3A_1487 = arith.addi %mul3A_1485, %add3A_1486 : i32
      %dma_start3A_1488 = arith.constant 0 : i32
      %dma_start3A_1489 = tpu.memref_slice %arg11[%add3A_1487, %dma_start3A_1488] : memref<256x32xf32, #tpu.memory_space<vmem>> -> memref<1x32xf32, #tpu.memory_space<vmem>>
      %dma_start3A_1490 = tpu.memref_squeeze %dma_start3A_1489 : memref<1x32xf32, #tpu.memory_space<vmem>> -> memref<32xf32, #tpu.memory_space<vmem>>
      %dma_start3A_1491 = arith.constant 0 : i32
      %dma_start3A_1492 = tpu.memref_slice %arg5[%squeeze3A_1483, %dma_start3A_1491] : memref<100000x32xf32, #tpu.memory_space<hbm>> -> memref<1x32xf32, #tpu.memory_space<hbm>>
      %dma_start3A_1493 = tpu.memref_squeeze %dma_start3A_1492 : memref<1x32xf32, #tpu.memory_space<hbm>> -> memref<32xf32, #tpu.memory_space<hbm>>
      %dma_start3A_1494 = arith.constant 0 : i32
      %dma_start3A_1495 = tpu.memref_slice %arg11[%add3A_1487, %dma_start3A_1494] : memref<256x32xf32, #tpu.memory_space<vmem>> -> memref<1x32xf32, #tpu.memory_space<vmem>>
      %dma_start3A_1496 = tpu.memref_squeeze %dma_start3A_1495 : memref<1x32xf32, #tpu.memory_space<vmem>> -> memref<32xf32, #tpu.memory_space<vmem>>
      %dma_start3A_1497 = arith.constant 0 : i32
      %dma_start3A_1498 = tpu.memref_slice %arg5[%squeeze3A_1483, %dma_start3A_1497] : memref<100000x32xf32, #tpu.memory_space<hbm>> -> memref<1x32xf32, #tpu.memory_space<hbm>>
      %dma_start3A_1499 = tpu.memref_squeeze %dma_start3A_1498 : memref<1x32xf32, #tpu.memory_space<hbm>> -> memref<32xf32, #tpu.memory_space<hbm>>
      tpu.enqueue_dma source(%dma_start3A_1499 : memref<32xf32, #tpu.memory_space<hbm>>) target(%dma_start3A_1496 : memref<32xf32, #tpu.memory_space<vmem>>) target_semaphore(%arg12 : memref<!tpu.dma_semaphore, #tpu.memory_space<semaphore_mem>>)
      %ge3A = arith.constant 1 : i32
      %ge3A_1500 = arith.cmpi sge, %scan3A_913, %ge3A : i32
      %convert_element_type3A = arith.extui %ge3A_1500 : i1 to i32
      %cond3A = arith.constant 0 : i32
      %cond3A_1501 = arith.cmpi ne, %convert_element_type3A, %cond3A : i32
      scf.if %cond3A_1501 {
        %dma_wait3A_1502 = arith.constant 0 : i32
        %dma_wait3A_1503 = arith.constant 0 : i32
        %dma_wait3A_1504 = arith.constant 0 : i32
        %dma_wait3A_1505 = tpu.memref_slice %arg10[%dma_wait3A_1503, %dma_wait3A_1504] : memref<256x32xf32, #tpu.memory_space<vmem>> -> memref<1x32xf32, #tpu.memory_space<vmem>>
        %dma_wait3A_1506 = tpu.memref_squeeze %dma_wait3A_1505 : memref<1x32xf32, #tpu.memory_space<vmem>> -> memref<32xf32, #tpu.memory_space<vmem>>
        %dma_wait3A_1507 = arith.constant 0 : i32
        %dma_wait3A_1508 = tpu.memref_slice %arg4[%dma_wait3A_1502, %dma_wait3A_1507] : memref<1000000x32xf32, #tpu.memory_space<hbm>> -> memref<1x32xf32, #tpu.memory_space<hbm>>
        %dma_wait3A_1509 = tpu.memref_squeeze %dma_wait3A_1508 : memref<1x32xf32, #tpu.memory_space<hbm>> -> memref<32xf32, #tpu.memory_space<hbm>>
        %dma_wait3A_1510 = arith.constant 0 : i32
        %dma_wait3A_1511 = tpu.memref_slice %arg10[%dma_wait3A_1503, %dma_wait3A_1510] : memref<256x32xf32, #tpu.memory_space<vmem>> -> memref<1x32xf32, #tpu.memory_space<vmem>>
        %dma_wait3A_1512 = tpu.memref_squeeze %dma_wait3A_1511 : memref<1x32xf32, #tpu.memory_space<vmem>> -> memref<32xf32, #tpu.memory_space<vmem>>
        %dma_wait3A_1513 = arith.constant 0 : i32
        %dma_wait3A_1514 = tpu.memref_slice %arg4[%dma_wait3A_1502, %dma_wait3A_1513] : memref<1000000x32xf32, #tpu.memory_space<hbm>> -> memref<1x32xf32, #tpu.memory_space<hbm>>
        %dma_wait3A_1515 = tpu.memref_squeeze %dma_wait3A_1514 : memref<1x32xf32, #tpu.memory_space<hbm>> -> memref<32xf32, #tpu.memory_space<hbm>>
        tpu.wait_dma2 semaphore(%arg12 : memref<!tpu.dma_semaphore, #tpu.memory_space<semaphore_mem>>) src(%dma_wait3A_1515 : memref<32xf32, #tpu.memory_space<hbm>>) dst(%dma_wait3A_1512 : memref<32xf32, #tpu.memory_space<vmem>>)
        %dma_wait3A_1516 = arith.constant 0 : i32
        %dma_wait3A_1517 = arith.constant 0 : i32
        %dma_wait3A_1518 = arith.constant 0 : i32
        %dma_wait3A_1519 = tpu.memref_slice %arg11[%dma_wait3A_1517, %dma_wait3A_1518] : memref<256x32xf32, #tpu.memory_space<vmem>> -> memref<1x32xf32, #tpu.memory_space<vmem>>
        %dma_wait3A_1520 = tpu.memref_squeeze %dma_wait3A_1519 : memref<1x32xf32, #tpu.memory_space<vmem>> -> memref<32xf32, #tpu.memory_space<vmem>>
        %dma_wait3A_1521 = arith.constant 0 : i32
        %dma_wait3A_1522 = tpu.memref_slice %arg5[%dma_wait3A_1516, %dma_wait3A_1521] : memref<100000x32xf32, #tpu.memory_space<hbm>> -> memref<1x32xf32, #tpu.memory_space<hbm>>
        %dma_wait3A_1523 = tpu.memref_squeeze %dma_wait3A_1522 : memref<1x32xf32, #tpu.memory_space<hbm>> -> memref<32xf32, #tpu.memory_space<hbm>>
        %dma_wait3A_1524 = arith.constant 0 : i32
        %dma_wait3A_1525 = tpu.memref_slice %arg11[%dma_wait3A_1517, %dma_wait3A_1524] : memref<256x32xf32, #tpu.memory_space<vmem>> -> memref<1x32xf32, #tpu.memory_space<vmem>>
        %dma_wait3A_1526 = tpu.memref_squeeze %dma_wait3A_1525 : memref<1x32xf32, #tpu.memory_space<vmem>> -> memref<32xf32, #tpu.memory_space<vmem>>
        %dma_wait3A_1527 = arith.constant 0 : i32
        %dma_wait3A_1528 = tpu.memref_slice %arg5[%dma_wait3A_1516, %dma_wait3A_1527] : memref<100000x32xf32, #tpu.memory_space<hbm>> -> memref<1x32xf32, #tpu.memory_space<hbm>>
        %dma_wait3A_1529 = tpu.memref_squeeze %dma_wait3A_1528 : memref<1x32xf32, #tpu.memory_space<hbm>> -> memref<32xf32, #tpu.memory_space<hbm>>
        tpu.wait_dma2 semaphore(%arg12 : memref<!tpu.dma_semaphore, #tpu.memory_space<semaphore_mem>>) src(%dma_wait3A_1529 : memref<32xf32, #tpu.memory_space<hbm>>) dst(%dma_wait3A_1526 : memref<32xf32, #tpu.memory_space<vmem>>)
        %dma_wait3A_1530 = arith.constant 0 : i32
        %dma_wait3A_1531 = arith.constant 0 : i32
        %dma_wait3A_1532 = arith.constant 0 : i32
        %dma_wait3A_1533 = tpu.memref_slice %arg10[%dma_wait3A_1531, %dma_wait3A_1532] : memref<256x32xf32, #tpu.memory_space<vmem>> -> memref<1x32xf32, #tpu.memory_space<vmem>>
        %dma_wait3A_1534 = tpu.memref_squeeze %dma_wait3A_1533 : memref<1x32xf32, #tpu.memory_space<vmem>> -> memref<32xf32, #tpu.memory_space<vmem>>
        %dma_wait3A_1535 = arith.constant 0 : i32
        %dma_wait3A_1536 = tpu.memref_slice %arg4[%dma_wait3A_1530, %dma_wait3A_1535] : memref<1000000x32xf32, #tpu.memory_space<hbm>> -> memref<1x32xf32, #tpu.memory_space<hbm>>
        %dma_wait3A_1537 = tpu.memref_squeeze %dma_wait3A_1536 : memref<1x32xf32, #tpu.memory_space<hbm>> -> memref<32xf32, #tpu.memory_space<hbm>>
        %dma_wait3A_1538 = arith.constant 0 : i32
        %dma_wait3A_1539 = tpu.memref_slice %arg10[%dma_wait3A_1531, %dma_wait3A_1538] : memref<256x32xf32, #tpu.memory_space<vmem>> -> memref<1x32xf32, #tpu.memory_space<vmem>>
        %dma_wait3A_1540 = tpu.memref_squeeze %dma_wait3A_1539 : memref<1x32xf32, #tpu.memory_space<vmem>> -> memref<32xf32, #tpu.memory_space<vmem>>
        %dma_wait3A_1541 = arith.constant 0 : i32
        %dma_wait3A_1542 = tpu.memref_slice %arg4[%dma_wait3A_1530, %dma_wait3A_1541] : memref<1000000x32xf32, #tpu.memory_space<hbm>> -> memref<1x32xf32, #tpu.memory_space<hbm>>
        %dma_wait3A_1543 = tpu.memref_squeeze %dma_wait3A_1542 : memref<1x32xf32, #tpu.memory_space<hbm>> -> memref<32xf32, #tpu.memory_space<hbm>>
        tpu.wait_dma2 semaphore(%arg12 : memref<!tpu.dma_semaphore, #tpu.memory_space<semaphore_mem>>) src(%dma_wait3A_1543 : memref<32xf32, #tpu.memory_space<hbm>>) dst(%dma_wait3A_1540 : memref<32xf32, #tpu.memory_space<vmem>>)
        %dma_wait3A_1544 = arith.constant 0 : i32
        %dma_wait3A_1545 = arith.constant 0 : i32
        %dma_wait3A_1546 = arith.constant 0 : i32
        %dma_wait3A_1547 = tpu.memref_slice %arg11[%dma_wait3A_1545, %dma_wait3A_1546] : memref<256x32xf32, #tpu.memory_space<vmem>> -> memref<1x32xf32, #tpu.memory_space<vmem>>
        %dma_wait3A_1548 = tpu.memref_squeeze %dma_wait3A_1547 : memref<1x32xf32, #tpu.memory_space<vmem>> -> memref<32xf32, #tpu.memory_space<vmem>>
        %dma_wait3A_1549 = arith.constant 0 : i32
        %dma_wait3A_1550 = tpu.memref_slice %arg5[%dma_wait3A_1544, %dma_wait3A_1549] : memref<100000x32xf32, #tpu.memory_space<hbm>> -> memref<1x32xf32, #tpu.memory_space<hbm>>
        %dma_wait3A_1551 = tpu.memref_squeeze %dma_wait3A_1550 : memref<1x32xf32, #tpu.memory_space<hbm>> -> memref<32xf32, #tpu.memory_space<hbm>>
        %dma_wait3A_1552 = arith.constant 0 : i32
        %dma_wait3A_1553 = tpu.memref_slice %arg11[%dma_wait3A_1545, %dma_wait3A_1552] : memref<256x32xf32, #tpu.memory_space<vmem>> -> memref<1x32xf32, #tpu.memory_space<vmem>>
        %dma_wait3A_1554 = tpu.memref_squeeze %dma_wait3A_1553 : memref<1x32xf32, #tpu.memory_space<vmem>> -> memref<32xf32, #tpu.memory_space<vmem>>
        %dma_wait3A_1555 = arith.constant 0 : i32
        %dma_wait3A_1556 = tpu.memref_slice %arg5[%dma_wait3A_1544, %dma_wait3A_1555] : memref<100000x32xf32, #tpu.memory_space<hbm>> -> memref<1x32xf32, #tpu.memory_space<hbm>>
        %dma_wait3A_1557 = tpu.memref_squeeze %dma_wait3A_1556 : memref<1x32xf32, #tpu.memory_space<hbm>> -> memref<32xf32, #tpu.memory_space<hbm>>
        tpu.wait_dma2 semaphore(%arg12 : memref<!tpu.dma_semaphore, #tpu.memory_space<semaphore_mem>>) src(%dma_wait3A_1557 : memref<32xf32, #tpu.memory_space<hbm>>) dst(%dma_wait3A_1554 : memref<32xf32, #tpu.memory_space<vmem>>)
        %dma_wait3A_1558 = arith.constant 0 : i32
        %dma_wait3A_1559 = arith.constant 0 : i32
        %dma_wait3A_1560 = arith.constant 0 : i32
        %dma_wait3A_1561 = tpu.memref_slice %arg10[%dma_wait3A_1559, %dma_wait3A_1560] : memref<256x32xf32, #tpu.memory_space<vmem>> -> memref<1x32xf32, #tpu.memory_space<vmem>>
        %dma_wait3A_1562 = tpu.memref_squeeze %dma_wait3A_1561 : memref<1x32xf32, #tpu.memory_space<vmem>> -> memref<32xf32, #tpu.memory_space<vmem>>
        %dma_wait3A_1563 = arith.constant 0 : i32
        %dma_wait3A_1564 = tpu.memref_slice %arg4[%dma_wait3A_1558, %dma_wait3A_1563] : memref<1000000x32xf32, #tpu.memory_space<hbm>> -> memref<1x32xf32, #tpu.memory_space<hbm>>
        %dma_wait3A_1565 = tpu.memref_squeeze %dma_wait3A_1564 : memref<1x32xf32, #tpu.memory_space<hbm>> -> memref<32xf32, #tpu.memory_space<hbm>>
        %dma_wait3A_1566 = arith.constant 0 : i32
        %dma_wait3A_1567 = tpu.memref_slice %arg10[%dma_wait3A_1559, %dma_wait3A_1566] : memref<256x32xf32, #tpu.memory_space<vmem>> -> memref<1x32xf32, #tpu.memory_space<vmem>>
        %dma_wait3A_1568 = tpu.memref_squeeze %dma_wait3A_1567 : memref<1x32xf32, #tpu.memory_space<vmem>> -> memref<32xf32, #tpu.memory_space<vmem>>
        %dma_wait3A_1569 = arith.constant 0 : i32
        %dma_wait3A_1570 = tpu.memref_slice %arg4[%dma_wait3A_1558, %dma_wait3A_1569] : memref<1000000x32xf32, #tpu.memory_space<hbm>> -> memref<1x32xf32, #tpu.memory_space<hbm>>
        %dma_wait3A_1571 = tpu.memref_squeeze %dma_wait3A_1570 : memref<1x32xf32, #tpu.memory_space<hbm>> -> memref<32xf32, #tpu.memory_space<hbm>>
        tpu.wait_dma2 semaphore(%arg12 : memref<!tpu.dma_semaphore, #tpu.memory_space<semaphore_mem>>) src(%dma_wait3A_1571 : memref<32xf32, #tpu.memory_space<hbm>>) dst(%dma_wait3A_1568 : memref<32xf32, #tpu.memory_space<vmem>>)
        %dma_wait3A_1572 = arith.constant 0 : i32
        %dma_wait3A_1573 = arith.constant 0 : i32
        %dma_wait3A_1574 = arith.constant 0 : i32
        %dma_wait3A_1575 = tpu.memref_slice %arg11[%dma_wait3A_1573, %dma_wait3A_1574] : memref<256x32xf32, #tpu.memory_space<vmem>> -> memref<1x32xf32, #tpu.memory_space<vmem>>
        %dma_wait3A_1576 = tpu.memref_squeeze %dma_wait3A_1575 : memref<1x32xf32, #tpu.memory_space<vmem>> -> memref<32xf32, #tpu.memory_space<vmem>>
        %dma_wait3A_1577 = arith.constant 0 : i32
        %dma_wait3A_1578 = tpu.memref_slice %arg5[%dma_wait3A_1572, %dma_wait3A_1577] : memref<100000x32xf32, #tpu.memory_space<hbm>> -> memref<1x32xf32, #tpu.memory_space<hbm>>
        %dma_wait3A_1579 = tpu.memref_squeeze %dma_wait3A_1578 : memref<1x32xf32, #tpu.memory_space<hbm>> -> memref<32xf32, #tpu.memory_space<hbm>>
        %dma_wait3A_1580 = arith.constant 0 : i32
        %dma_wait3A_1581 = tpu.memref_slice %arg11[%dma_wait3A_1573, %dma_wait3A_1580] : memref<256x32xf32, #tpu.memory_space<vmem>> -> memref<1x32xf32, #tpu.memory_space<vmem>>
        %dma_wait3A_1582 = tpu.memref_squeeze %dma_wait3A_1581 : memref<1x32xf32, #tpu.memory_space<vmem>> -> memref<32xf32, #tpu.memory_space<vmem>>
        %dma_wait3A_1583 = arith.constant 0 : i32
        %dma_wait3A_1584 = tpu.memref_slice %arg5[%dma_wait3A_1572, %dma_wait3A_1583] : memref<100000x32xf32, #tpu.memory_space<hbm>> -> memref<1x32xf32, #tpu.memory_space<hbm>>
        %dma_wait3A_1585 = tpu.memref_squeeze %dma_wait3A_1584 : memref<1x32xf32, #tpu.memory_space<hbm>> -> memref<32xf32, #tpu.memory_space<hbm>>
        tpu.wait_dma2 semaphore(%arg12 : memref<!tpu.dma_semaphore, #tpu.memory_space<semaphore_mem>>) src(%dma_wait3A_1585 : memref<32xf32, #tpu.memory_space<hbm>>) dst(%dma_wait3A_1582 : memref<32xf32, #tpu.memory_space<vmem>>)
        %dma_wait3A_1586 = arith.constant 0 : i32
        %dma_wait3A_1587 = arith.constant 0 : i32
        %dma_wait3A_1588 = arith.constant 0 : i32
        %dma_wait3A_1589 = tpu.memref_slice %arg10[%dma_wait3A_1587, %dma_wait3A_1588] : memref<256x32xf32, #tpu.memory_space<vmem>> -> memref<1x32xf32, #tpu.memory_space<vmem>>
        %dma_wait3A_1590 = tpu.memref_squeeze %dma_wait3A_1589 : memref<1x32xf32, #tpu.memory_space<vmem>> -> memref<32xf32, #tpu.memory_space<vmem>>
        %dma_wait3A_1591 = arith.constant 0 : i32
        %dma_wait3A_1592 = tpu.memref_slice %arg4[%dma_wait3A_1586, %dma_wait3A_1591] : memref<1000000x32xf32, #tpu.memory_space<hbm>> -> memref<1x32xf32, #tpu.memory_space<hbm>>
        %dma_wait3A_1593 = tpu.memref_squeeze %dma_wait3A_1592 : memref<1x32xf32, #tpu.memory_space<hbm>> -> memref<32xf32, #tpu.memory_space<hbm>>
        %dma_wait3A_1594 = arith.constant 0 : i32
        %dma_wait3A_1595 = tpu.memref_slice %arg10[%dma_wait3A_1587, %dma_wait3A_1594] : memref<256x32xf32, #tpu.memory_space<vmem>> -> memref<1x32xf32, #tpu.memory_space<vmem>>
        %dma_wait3A_1596 = tpu.memref_squeeze %dma_wait3A_1595 : memref<1x32xf32, #tpu.memory_space<vmem>> -> memref<32xf32, #tpu.memory_space<vmem>>
        %dma_wait3A_1597 = arith.constant 0 : i32
        %dma_wait3A_1598 = tpu.memref_slice %arg4[%dma_wait3A_1586, %dma_wait3A_1597] : memref<1000000x32xf32, #tpu.memory_space<hbm>> -> memref<1x32xf32, #tpu.memory_space<hbm>>
        %dma_wait3A_1599 = tpu.memref_squeeze %dma_wait3A_1598 : memref<1x32xf32, #tpu.memory_space<hbm>> -> memref<32xf32, #tpu.memory_space<hbm>>
        tpu.wait_dma2 semaphore(%arg12 : memref<!tpu.dma_semaphore, #tpu.memory_space<semaphore_mem>>) src(%dma_wait3A_1599 : memref<32xf32, #tpu.memory_space<hbm>>) dst(%dma_wait3A_1596 : memref<32xf32, #tpu.memory_space<vmem>>)
        %dma_wait3A_1600 = arith.constant 0 : i32
        %dma_wait3A_1601 = arith.constant 0 : i32
        %dma_wait3A_1602 = arith.constant 0 : i32
        %dma_wait3A_1603 = tpu.memref_slice %arg11[%dma_wait3A_1601, %dma_wait3A_1602] : memref<256x32xf32, #tpu.memory_space<vmem>> -> memref<1x32xf32, #tpu.memory_space<vmem>>
        %dma_wait3A_1604 = tpu.memref_squeeze %dma_wait3A_1603 : memref<1x32xf32, #tpu.memory_space<vmem>> -> memref<32xf32, #tpu.memory_space<vmem>>
        %dma_wait3A_1605 = arith.constant 0 : i32
        %dma_wait3A_1606 = tpu.memref_slice %arg5[%dma_wait3A_1600, %dma_wait3A_1605] : memref<100000x32xf32, #tpu.memory_space<hbm>> -> memref<1x32xf32, #tpu.memory_space<hbm>>
        %dma_wait3A_1607 = tpu.memref_squeeze %dma_wait3A_1606 : memref<1x32xf32, #tpu.memory_space<hbm>> -> memref<32xf32, #tpu.memory_space<hbm>>
        %dma_wait3A_1608 = arith.constant 0 : i32
        %dma_wait3A_1609 = tpu.memref_slice %arg11[%dma_wait3A_1601, %dma_wait3A_1608] : memref<256x32xf32, #tpu.memory_space<vmem>> -> memref<1x32xf32, #tpu.memory_space<vmem>>
        %dma_wait3A_1610 = tpu.memref_squeeze %dma_wait3A_1609 : memref<1x32xf32, #tpu.memory_space<vmem>> -> memref<32xf32, #tpu.memory_space<vmem>>
        %dma_wait3A_1611 = arith.constant 0 : i32
        %dma_wait3A_1612 = tpu.memref_slice %arg5[%dma_wait3A_1600, %dma_wait3A_1611] : memref<100000x32xf32, #tpu.memory_space<hbm>> -> memref<1x32xf32, #tpu.memory_space<hbm>>
        %dma_wait3A_1613 = tpu.memref_squeeze %dma_wait3A_1612 : memref<1x32xf32, #tpu.memory_space<hbm>> -> memref<32xf32, #tpu.memory_space<hbm>>
        tpu.wait_dma2 semaphore(%arg12 : memref<!tpu.dma_semaphore, #tpu.memory_space<semaphore_mem>>) src(%dma_wait3A_1613 : memref<32xf32, #tpu.memory_space<hbm>>) dst(%dma_wait3A_1610 : memref<32xf32, #tpu.memory_space<vmem>>)
        %dma_wait3A_1614 = arith.constant 0 : i32
        %dma_wait3A_1615 = arith.constant 0 : i32
        %dma_wait3A_1616 = arith.constant 0 : i32
        %dma_wait3A_1617 = tpu.memref_slice %arg10[%dma_wait3A_1615, %dma_wait3A_1616] : memref<256x32xf32, #tpu.memory_space<vmem>> -> memref<1x32xf32, #tpu.memory_space<vmem>>
        %dma_wait3A_1618 = tpu.memref_squeeze %dma_wait3A_1617 : memref<1x32xf32, #tpu.memory_space<vmem>> -> memref<32xf32, #tpu.memory_space<vmem>>
        %dma_wait3A_1619 = arith.constant 0 : i32
        %dma_wait3A_1620 = tpu.memref_slice %arg4[%dma_wait3A_1614, %dma_wait3A_1619] : memref<1000000x32xf32, #tpu.memory_space<hbm>> -> memref<1x32xf32, #tpu.memory_space<hbm>>
        %dma_wait3A_1621 = tpu.memref_squeeze %dma_wait3A_1620 : memref<1x32xf32, #tpu.memory_space<hbm>> -> memref<32xf32, #tpu.memory_space<hbm>>
        %dma_wait3A_1622 = arith.constant 0 : i32
        %dma_wait3A_1623 = tpu.memref_slice %arg10[%dma_wait3A_1615, %dma_wait3A_1622] : memref<256x32xf32, #tpu.memory_space<vmem>> -> memref<1x32xf32, #tpu.memory_space<vmem>>
        %dma_wait3A_1624 = tpu.memref_squeeze %dma_wait3A_1623 : memref<1x32xf32, #tpu.memory_space<vmem>> -> memref<32xf32, #tpu.memory_space<vmem>>
        %dma_wait3A_1625 = arith.constant 0 : i32
        %dma_wait3A_1626 = tpu.memref_slice %arg4[%dma_wait3A_1614, %dma_wait3A_1625] : memref<1000000x32xf32, #tpu.memory_space<hbm>> -> memref<1x32xf32, #tpu.memory_space<hbm>>
        %dma_wait3A_1627 = tpu.memref_squeeze %dma_wait3A_1626 : memref<1x32xf32, #tpu.memory_space<hbm>> -> memref<32xf32, #tpu.memory_space<hbm>>
        tpu.wait_dma2 semaphore(%arg12 : memref<!tpu.dma_semaphore, #tpu.memory_space<semaphore_mem>>) src(%dma_wait3A_1627 : memref<32xf32, #tpu.memory_space<hbm>>) dst(%dma_wait3A_1624 : memref<32xf32, #tpu.memory_space<vmem>>)
        %dma_wait3A_1628 = arith.constant 0 : i32
        %dma_wait3A_1629 = arith.constant 0 : i32
        %dma_wait3A_1630 = arith.constant 0 : i32
        %dma_wait3A_1631 = tpu.memref_slice %arg11[%dma_wait3A_1629, %dma_wait3A_1630] : memref<256x32xf32, #tpu.memory_space<vmem>> -> memref<1x32xf32, #tpu.memory_space<vmem>>
        %dma_wait3A_1632 = tpu.memref_squeeze %dma_wait3A_1631 : memref<1x32xf32, #tpu.memory_space<vmem>> -> memref<32xf32, #tpu.memory_space<vmem>>
        %dma_wait3A_1633 = arith.constant 0 : i32
        %dma_wait3A_1634 = tpu.memref_slice %arg5[%dma_wait3A_1628, %dma_wait3A_1633] : memref<100000x32xf32, #tpu.memory_space<hbm>> -> memref<1x32xf32, #tpu.memory_space<hbm>>
        %dma_wait3A_1635 = tpu.memref_squeeze %dma_wait3A_1634 : memref<1x32xf32, #tpu.memory_space<hbm>> -> memref<32xf32, #tpu.memory_space<hbm>>
        %dma_wait3A_1636 = arith.constant 0 : i32
        %dma_wait3A_1637 = tpu.memref_slice %arg11[%dma_wait3A_1629, %dma_wait3A_1636] : memref<256x32xf32, #tpu.memory_space<vmem>> -> memref<1x32xf32, #tpu.memory_space<vmem>>
        %dma_wait3A_1638 = tpu.memref_squeeze %dma_wait3A_1637 : memref<1x32xf32, #tpu.memory_space<vmem>> -> memref<32xf32, #tpu.memory_space<vmem>>
        %dma_wait3A_1639 = arith.constant 0 : i32
        %dma_wait3A_1640 = tpu.memref_slice %arg5[%dma_wait3A_1628, %dma_wait3A_1639] : memref<100000x32xf32, #tpu.memory_space<hbm>> -> memref<1x32xf32, #tpu.memory_space<hbm>>
        %dma_wait3A_1641 = tpu.memref_squeeze %dma_wait3A_1640 : memref<1x32xf32, #tpu.memory_space<hbm>> -> memref<32xf32, #tpu.memory_space<hbm>>
        tpu.wait_dma2 semaphore(%arg12 : memref<!tpu.dma_semaphore, #tpu.memory_space<semaphore_mem>>) src(%dma_wait3A_1641 : memref<32xf32, #tpu.memory_space<hbm>>) dst(%dma_wait3A_1638 : memref<32xf32, #tpu.memory_space<vmem>>)
        %dma_wait3A_1642 = arith.constant 0 : i32
        %dma_wait3A_1643 = arith.constant 0 : i32
        %dma_wait3A_1644 = arith.constant 0 : i32
        %dma_wait3A_1645 = tpu.memref_slice %arg10[%dma_wait3A_1643, %dma_wait3A_1644] : memref<256x32xf32, #tpu.memory_space<vmem>> -> memref<1x32xf32, #tpu.memory_space<vmem>>
        %dma_wait3A_1646 = tpu.memref_squeeze %dma_wait3A_1645 : memref<1x32xf32, #tpu.memory_space<vmem>> -> memref<32xf32, #tpu.memory_space<vmem>>
        %dma_wait3A_1647 = arith.constant 0 : i32
        %dma_wait3A_1648 = tpu.memref_slice %arg4[%dma_wait3A_1642, %dma_wait3A_1647] : memref<1000000x32xf32, #tpu.memory_space<hbm>> -> memref<1x32xf32, #tpu.memory_space<hbm>>
        %dma_wait3A_1649 = tpu.memref_squeeze %dma_wait3A_1648 : memref<1x32xf32, #tpu.memory_space<hbm>> -> memref<32xf32, #tpu.memory_space<hbm>>
        %dma_wait3A_1650 = arith.constant 0 : i32
        %dma_wait3A_1651 = tpu.memref_slice %arg10[%dma_wait3A_1643, %dma_wait3A_1650] : memref<256x32xf32, #tpu.memory_space<vmem>> -> memref<1x32xf32, #tpu.memory_space<vmem>>
        %dma_wait3A_1652 = tpu.memref_squeeze %dma_wait3A_1651 : memref<1x32xf32, #tpu.memory_space<vmem>> -> memref<32xf32, #tpu.memory_space<vmem>>
        %dma_wait3A_1653 = arith.constant 0 : i32
        %dma_wait3A_1654 = tpu.memref_slice %arg4[%dma_wait3A_1642, %dma_wait3A_1653] : memref<1000000x32xf32, #tpu.memory_space<hbm>> -> memref<1x32xf32, #tpu.memory_space<hbm>>
        %dma_wait3A_1655 = tpu.memref_squeeze %dma_wait3A_1654 : memref<1x32xf32, #tpu.memory_space<hbm>> -> memref<32xf32, #tpu.memory_space<hbm>>
        tpu.wait_dma2 semaphore(%arg12 : memref<!tpu.dma_semaphore, #tpu.memory_space<semaphore_mem>>) src(%dma_wait3A_1655 : memref<32xf32, #tpu.memory_space<hbm>>) dst(%dma_wait3A_1652 : memref<32xf32, #tpu.memory_space<vmem>>)
        %dma_wait3A_1656 = arith.constant 0 : i32
        %dma_wait3A_1657 = arith.constant 0 : i32
        %dma_wait3A_1658 = arith.constant 0 : i32
        %dma_wait3A_1659 = tpu.memref_slice %arg11[%dma_wait3A_1657, %dma_wait3A_1658] : memref<256x32xf32, #tpu.memory_space<vmem>> -> memref<1x32xf32, #tpu.memory_space<vmem>>
        %dma_wait3A_1660 = tpu.memref_squeeze %dma_wait3A_1659 : memref<1x32xf32, #tpu.memory_space<vmem>> -> memref<32xf32, #tpu.memory_space<vmem>>
        %dma_wait3A_1661 = arith.constant 0 : i32
        %dma_wait3A_1662 = tpu.memref_slice %arg5[%dma_wait3A_1656, %dma_wait3A_1661] : memref<100000x32xf32, #tpu.memory_space<hbm>> -> memref<1x32xf32, #tpu.memory_space<hbm>>
        %dma_wait3A_1663 = tpu.memref_squeeze %dma_wait3A_1662 : memref<1x32xf32, #tpu.memory_space<hbm>> -> memref<32xf32, #tpu.memory_space<hbm>>
        %dma_wait3A_1664 = arith.constant 0 : i32
        %dma_wait3A_1665 = tpu.memref_slice %arg11[%dma_wait3A_1657, %dma_wait3A_1664] : memref<256x32xf32, #tpu.memory_space<vmem>> -> memref<1x32xf32, #tpu.memory_space<vmem>>
        %dma_wait3A_1666 = tpu.memref_squeeze %dma_wait3A_1665 : memref<1x32xf32, #tpu.memory_space<vmem>> -> memref<32xf32, #tpu.memory_space<vmem>>
        %dma_wait3A_1667 = arith.constant 0 : i32
        %dma_wait3A_1668 = tpu.memref_slice %arg5[%dma_wait3A_1656, %dma_wait3A_1667] : memref<100000x32xf32, #tpu.memory_space<hbm>> -> memref<1x32xf32, #tpu.memory_space<hbm>>
        %dma_wait3A_1669 = tpu.memref_squeeze %dma_wait3A_1668 : memref<1x32xf32, #tpu.memory_space<hbm>> -> memref<32xf32, #tpu.memory_space<hbm>>
        tpu.wait_dma2 semaphore(%arg12 : memref<!tpu.dma_semaphore, #tpu.memory_space<semaphore_mem>>) src(%dma_wait3A_1669 : memref<32xf32, #tpu.memory_space<hbm>>) dst(%dma_wait3A_1666 : memref<32xf32, #tpu.memory_space<vmem>>)
        %dma_wait3A_1670 = arith.constant 0 : i32
        %dma_wait3A_1671 = arith.constant 0 : i32
        %dma_wait3A_1672 = arith.constant 0 : i32
        %dma_wait3A_1673 = tpu.memref_slice %arg10[%dma_wait3A_1671, %dma_wait3A_1672] : memref<256x32xf32, #tpu.memory_space<vmem>> -> memref<1x32xf32, #tpu.memory_space<vmem>>
        %dma_wait3A_1674 = tpu.memref_squeeze %dma_wait3A_1673 : memref<1x32xf32, #tpu.memory_space<vmem>> -> memref<32xf32, #tpu.memory_space<vmem>>
        %dma_wait3A_1675 = arith.constant 0 : i32
        %dma_wait3A_1676 = tpu.memref_slice %arg4[%dma_wait3A_1670, %dma_wait3A_1675] : memref<1000000x32xf32, #tpu.memory_space<hbm>> -> memref<1x32xf32, #tpu.memory_space<hbm>>
        %dma_wait3A_1677 = tpu.memref_squeeze %dma_wait3A_1676 : memref<1x32xf32, #tpu.memory_space<hbm>> -> memref<32xf32, #tpu.memory_space<hbm>>
        %dma_wait3A_1678 = arith.constant 0 : i32
        %dma_wait3A_1679 = tpu.memref_slice %arg10[%dma_wait3A_1671, %dma_wait3A_1678] : memref<256x32xf32, #tpu.memory_space<vmem>> -> memref<1x32xf32, #tpu.memory_space<vmem>>
        %dma_wait3A_1680 = tpu.memref_squeeze %dma_wait3A_1679 : memref<1x32xf32, #tpu.memory_space<vmem>> -> memref<32xf32, #tpu.memory_space<vmem>>
        %dma_wait3A_1681 = arith.constant 0 : i32
        %dma_wait3A_1682 = tpu.memref_slice %arg4[%dma_wait3A_1670, %dma_wait3A_1681] : memref<1000000x32xf32, #tpu.memory_space<hbm>> -> memref<1x32xf32, #tpu.memory_space<hbm>>
        %dma_wait3A_1683 = tpu.memref_squeeze %dma_wait3A_1682 : memref<1x32xf32, #tpu.memory_space<hbm>> -> memref<32xf32, #tpu.memory_space<hbm>>
        tpu.wait_dma2 semaphore(%arg12 : memref<!tpu.dma_semaphore, #tpu.memory_space<semaphore_mem>>) src(%dma_wait3A_1683 : memref<32xf32, #tpu.memory_space<hbm>>) dst(%dma_wait3A_1680 : memref<32xf32, #tpu.memory_space<vmem>>)
        %dma_wait3A_1684 = arith.constant 0 : i32
        %dma_wait3A_1685 = arith.constant 0 : i32
        %dma_wait3A_1686 = arith.constant 0 : i32
        %dma_wait3A_1687 = tpu.memref_slice %arg11[%dma_wait3A_1685, %dma_wait3A_1686] : memref<256x32xf32, #tpu.memory_space<vmem>> -> memref<1x32xf32, #tpu.memory_space<vmem>>
        %dma_wait3A_1688 = tpu.memref_squeeze %dma_wait3A_1687 : memref<1x32xf32, #tpu.memory_space<vmem>> -> memref<32xf32, #tpu.memory_space<vmem>>
        %dma_wait3A_1689 = arith.constant 0 : i32
        %dma_wait3A_1690 = tpu.memref_slice %arg5[%dma_wait3A_1684, %dma_wait3A_1689] : memref<100000x32xf32, #tpu.memory_space<hbm>> -> memref<1x32xf32, #tpu.memory_space<hbm>>
        %dma_wait3A_1691 = tpu.memref_squeeze %dma_wait3A_1690 : memref<1x32xf32, #tpu.memory_space<hbm>> -> memref<32xf32, #tpu.memory_space<hbm>>
        %dma_wait3A_1692 = arith.constant 0 : i32
        %dma_wait3A_1693 = tpu.memref_slice %arg11[%dma_wait3A_1685, %dma_wait3A_1692] : memref<256x32xf32, #tpu.memory_space<vmem>> -> memref<1x32xf32, #tpu.memory_space<vmem>>
        %dma_wait3A_1694 = tpu.memref_squeeze %dma_wait3A_1693 : memref<1x32xf32, #tpu.memory_space<vmem>> -> memref<32xf32, #tpu.memory_space<vmem>>
        %dma_wait3A_1695 = arith.constant 0 : i32
        %dma_wait3A_1696 = tpu.memref_slice %arg5[%dma_wait3A_1684, %dma_wait3A_1695] : memref<100000x32xf32, #tpu.memory_space<hbm>> -> memref<1x32xf32, #tpu.memory_space<hbm>>
        %dma_wait3A_1697 = tpu.memref_squeeze %dma_wait3A_1696 : memref<1x32xf32, #tpu.memory_space<hbm>> -> memref<32xf32, #tpu.memory_space<hbm>>
        tpu.wait_dma2 semaphore(%arg12 : memref<!tpu.dma_semaphore, #tpu.memory_space<semaphore_mem>>) src(%dma_wait3A_1697 : memref<32xf32, #tpu.memory_space<hbm>>) dst(%dma_wait3A_1694 : memref<32xf32, #tpu.memory_space<vmem>>)
        %dma_wait3A_1698 = arith.constant 0 : i32
        %dma_wait3A_1699 = arith.constant 0 : i32
        %dma_wait3A_1700 = arith.constant 0 : i32
        %dma_wait3A_1701 = tpu.memref_slice %arg10[%dma_wait3A_1699, %dma_wait3A_1700] : memref<256x32xf32, #tpu.memory_space<vmem>> -> memref<1x32xf32, #tpu.memory_space<vmem>>
        %dma_wait3A_1702 = tpu.memref_squeeze %dma_wait3A_1701 : memref<1x32xf32, #tpu.memory_space<vmem>> -> memref<32xf32, #tpu.memory_space<vmem>>
        %dma_wait3A_1703 = arith.constant 0 : i32
        %dma_wait3A_1704 = tpu.memref_slice %arg4[%dma_wait3A_1698, %dma_wait3A_1703] : memref<1000000x32xf32, #tpu.memory_space<hbm>> -> memref<1x32xf32, #tpu.memory_space<hbm>>
        %dma_wait3A_1705 = tpu.memref_squeeze %dma_wait3A_1704 : memref<1x32xf32, #tpu.memory_space<hbm>> -> memref<32xf32, #tpu.memory_space<hbm>>
        %dma_wait3A_1706 = arith.constant 0 : i32
        %dma_wait3A_1707 = tpu.memref_slice %arg10[%dma_wait3A_1699, %dma_wait3A_1706] : memref<256x32xf32, #tpu.memory_space<vmem>> -> memref<1x32xf32, #tpu.memory_space<vmem>>
        %dma_wait3A_1708 = tpu.memref_squeeze %dma_wait3A_1707 : memref<1x32xf32, #tpu.memory_space<vmem>> -> memref<32xf32, #tpu.memory_space<vmem>>
        %dma_wait3A_1709 = arith.constant 0 : i32
        %dma_wait3A_1710 = tpu.memref_slice %arg4[%dma_wait3A_1698, %dma_wait3A_1709] : memref<1000000x32xf32, #tpu.memory_space<hbm>> -> memref<1x32xf32, #tpu.memory_space<hbm>>
        %dma_wait3A_1711 = tpu.memref_squeeze %dma_wait3A_1710 : memref<1x32xf32, #tpu.memory_space<hbm>> -> memref<32xf32, #tpu.memory_space<hbm>>
        tpu.wait_dma2 semaphore(%arg12 : memref<!tpu.dma_semaphore, #tpu.memory_space<semaphore_mem>>) src(%dma_wait3A_1711 : memref<32xf32, #tpu.memory_space<hbm>>) dst(%dma_wait3A_1708 : memref<32xf32, #tpu.memory_space<vmem>>)
        %dma_wait3A_1712 = arith.constant 0 : i32
        %dma_wait3A_1713 = arith.constant 0 : i32
        %dma_wait3A_1714 = arith.constant 0 : i32
        %dma_wait3A_1715 = tpu.memref_slice %arg11[%dma_wait3A_1713, %dma_wait3A_1714] : memref<256x32xf32, #tpu.memory_space<vmem>> -> memref<1x32xf32, #tpu.memory_space<vmem>>
        %dma_wait3A_1716 = tpu.memref_squeeze %dma_wait3A_1715 : memref<1x32xf32, #tpu.memory_space<vmem>> -> memref<32xf32, #tpu.memory_space<vmem>>
        %dma_wait3A_1717 = arith.constant 0 : i32
        %dma_wait3A_1718 = tpu.memref_slice %arg5[%dma_wait3A_1712, %dma_wait3A_1717] : memref<100000x32xf32, #tpu.memory_space<hbm>> -> memref<1x32xf32, #tpu.memory_space<hbm>>
        %dma_wait3A_1719 = tpu.memref_squeeze %dma_wait3A_1718 : memref<1x32xf32, #tpu.memory_space<hbm>> -> memref<32xf32, #tpu.memory_space<hbm>>
        %dma_wait3A_1720 = arith.constant 0 : i32
        %dma_wait3A_1721 = tpu.memref_slice %arg11[%dma_wait3A_1713, %dma_wait3A_1720] : memref<256x32xf32, #tpu.memory_space<vmem>> -> memref<1x32xf32, #tpu.memory_space<vmem>>
        %dma_wait3A_1722 = tpu.memref_squeeze %dma_wait3A_1721 : memref<1x32xf32, #tpu.memory_space<vmem>> -> memref<32xf32, #tpu.memory_space<vmem>>
        %dma_wait3A_1723 = arith.constant 0 : i32
        %dma_wait3A_1724 = tpu.memref_slice %arg5[%dma_wait3A_1712, %dma_wait3A_1723] : memref<100000x32xf32, #tpu.memory_space<hbm>> -> memref<1x32xf32, #tpu.memory_space<hbm>>
        %dma_wait3A_1725 = tpu.memref_squeeze %dma_wait3A_1724 : memref<1x32xf32, #tpu.memory_space<hbm>> -> memref<32xf32, #tpu.memory_space<hbm>>
        tpu.wait_dma2 semaphore(%arg12 : memref<!tpu.dma_semaphore, #tpu.memory_space<semaphore_mem>>) src(%dma_wait3A_1725 : memref<32xf32, #tpu.memory_space<hbm>>) dst(%dma_wait3A_1722 : memref<32xf32, #tpu.memory_space<vmem>>)
        %dma_wait3A_1726 = arith.constant 0 : i32
        %dma_wait3A_1727 = arith.constant 0 : i32
        %dma_wait3A_1728 = arith.constant 0 : i32
        %dma_wait3A_1729 = tpu.memref_slice %arg10[%dma_wait3A_1727, %dma_wait3A_1728] : memref<256x32xf32, #tpu.memory_space<vmem>> -> memref<1x32xf32, #tpu.memory_space<vmem>>
        %dma_wait3A_1730 = tpu.memref_squeeze %dma_wait3A_1729 : memref<1x32xf32, #tpu.memory_space<vmem>> -> memref<32xf32, #tpu.memory_space<vmem>>
        %dma_wait3A_1731 = arith.constant 0 : i32
        %dma_wait3A_1732 = tpu.memref_slice %arg4[%dma_wait3A_1726, %dma_wait3A_1731] : memref<1000000x32xf32, #tpu.memory_space<hbm>> -> memref<1x32xf32, #tpu.memory_space<hbm>>
        %dma_wait3A_1733 = tpu.memref_squeeze %dma_wait3A_1732 : memref<1x32xf32, #tpu.memory_space<hbm>> -> memref<32xf32, #tpu.memory_space<hbm>>
        %dma_wait3A_1734 = arith.constant 0 : i32
        %dma_wait3A_1735 = tpu.memref_slice %arg10[%dma_wait3A_1727, %dma_wait3A_1734] : memref<256x32xf32, #tpu.memory_space<vmem>> -> memref<1x32xf32, #tpu.memory_space<vmem>>
        %dma_wait3A_1736 = tpu.memref_squeeze %dma_wait3A_1735 : memref<1x32xf32, #tpu.memory_space<vmem>> -> memref<32xf32, #tpu.memory_space<vmem>>
        %dma_wait3A_1737 = arith.constant 0 : i32
        %dma_wait3A_1738 = tpu.memref_slice %arg4[%dma_wait3A_1726, %dma_wait3A_1737] : memref<1000000x32xf32, #tpu.memory_space<hbm>> -> memref<1x32xf32, #tpu.memory_space<hbm>>
        %dma_wait3A_1739 = tpu.memref_squeeze %dma_wait3A_1738 : memref<1x32xf32, #tpu.memory_space<hbm>> -> memref<32xf32, #tpu.memory_space<hbm>>
        tpu.wait_dma2 semaphore(%arg12 : memref<!tpu.dma_semaphore, #tpu.memory_space<semaphore_mem>>) src(%dma_wait3A_1739 : memref<32xf32, #tpu.memory_space<hbm>>) dst(%dma_wait3A_1736 : memref<32xf32, #tpu.memory_space<vmem>>)
        %dma_wait3A_1740 = arith.constant 0 : i32
        %dma_wait3A_1741 = arith.constant 0 : i32
        %dma_wait3A_1742 = arith.constant 0 : i32
        %dma_wait3A_1743 = tpu.memref_slice %arg11[%dma_wait3A_1741, %dma_wait3A_1742] : memref<256x32xf32, #tpu.memory_space<vmem>> -> memref<1x32xf32, #tpu.memory_space<vmem>>
        %dma_wait3A_1744 = tpu.memref_squeeze %dma_wait3A_1743 : memref<1x32xf32, #tpu.memory_space<vmem>> -> memref<32xf32, #tpu.memory_space<vmem>>
        %dma_wait3A_1745 = arith.constant 0 : i32
        %dma_wait3A_1746 = tpu.memref_slice %arg5[%dma_wait3A_1740, %dma_wait3A_1745] : memref<100000x32xf32, #tpu.memory_space<hbm>> -> memref<1x32xf32, #tpu.memory_space<hbm>>
        %dma_wait3A_1747 = tpu.memref_squeeze %dma_wait3A_1746 : memref<1x32xf32, #tpu.memory_space<hbm>> -> memref<32xf32, #tpu.memory_space<hbm>>
        %dma_wait3A_1748 = arith.constant 0 : i32
        %dma_wait3A_1749 = tpu.memref_slice %arg11[%dma_wait3A_1741, %dma_wait3A_1748] : memref<256x32xf32, #tpu.memory_space<vmem>> -> memref<1x32xf32, #tpu.memory_space<vmem>>
        %dma_wait3A_1750 = tpu.memref_squeeze %dma_wait3A_1749 : memref<1x32xf32, #tpu.memory_space<vmem>> -> memref<32xf32, #tpu.memory_space<vmem>>
        %dma_wait3A_1751 = arith.constant 0 : i32
        %dma_wait3A_1752 = tpu.memref_slice %arg5[%dma_wait3A_1740, %dma_wait3A_1751] : memref<100000x32xf32, #tpu.memory_space<hbm>> -> memref<1x32xf32, #tpu.memory_space<hbm>>
        %dma_wait3A_1753 = tpu.memref_squeeze %dma_wait3A_1752 : memref<1x32xf32, #tpu.memory_space<hbm>> -> memref<32xf32, #tpu.memory_space<hbm>>
        tpu.wait_dma2 semaphore(%arg12 : memref<!tpu.dma_semaphore, #tpu.memory_space<semaphore_mem>>) src(%dma_wait3A_1753 : memref<32xf32, #tpu.memory_space<hbm>>) dst(%dma_wait3A_1750 : memref<32xf32, #tpu.memory_space<vmem>>)
        %dma_wait3A_1754 = arith.constant 0 : i32
        %dma_wait3A_1755 = arith.constant 0 : i32
        %dma_wait3A_1756 = arith.constant 0 : i32
        %dma_wait3A_1757 = tpu.memref_slice %arg10[%dma_wait3A_1755, %dma_wait3A_1756] : memref<256x32xf32, #tpu.memory_space<vmem>> -> memref<1x32xf32, #tpu.memory_space<vmem>>
        %dma_wait3A_1758 = tpu.memref_squeeze %dma_wait3A_1757 : memref<1x32xf32, #tpu.memory_space<vmem>> -> memref<32xf32, #tpu.memory_space<vmem>>
        %dma_wait3A_1759 = arith.constant 0 : i32
        %dma_wait3A_1760 = tpu.memref_slice %arg4[%dma_wait3A_1754, %dma_wait3A_1759] : memref<1000000x32xf32, #tpu.memory_space<hbm>> -> memref<1x32xf32, #tpu.memory_space<hbm>>
        %dma_wait3A_1761 = tpu.memref_squeeze %dma_wait3A_1760 : memref<1x32xf32, #tpu.memory_space<hbm>> -> memref<32xf32, #tpu.memory_space<hbm>>
        %dma_wait3A_1762 = arith.constant 0 : i32
        %dma_wait3A_1763 = tpu.memref_slice %arg10[%dma_wait3A_1755, %dma_wait3A_1762] : memref<256x32xf32, #tpu.memory_space<vmem>> -> memref<1x32xf32, #tpu.memory_space<vmem>>
        %dma_wait3A_1764 = tpu.memref_squeeze %dma_wait3A_1763 : memref<1x32xf32, #tpu.memory_space<vmem>> -> memref<32xf32, #tpu.memory_space<vmem>>
        %dma_wait3A_1765 = arith.constant 0 : i32
        %dma_wait3A_1766 = tpu.memref_slice %arg4[%dma_wait3A_1754, %dma_wait3A_1765] : memref<1000000x32xf32, #tpu.memory_space<hbm>> -> memref<1x32xf32, #tpu.memory_space<hbm>>
        %dma_wait3A_1767 = tpu.memref_squeeze %dma_wait3A_1766 : memref<1x32xf32, #tpu.memory_space<hbm>> -> memref<32xf32, #tpu.memory_space<hbm>>
        tpu.wait_dma2 semaphore(%arg12 : memref<!tpu.dma_semaphore, #tpu.memory_space<semaphore_mem>>) src(%dma_wait3A_1767 : memref<32xf32, #tpu.memory_space<hbm>>) dst(%dma_wait3A_1764 : memref<32xf32, #tpu.memory_space<vmem>>)
        %dma_wait3A_1768 = arith.constant 0 : i32
        %dma_wait3A_1769 = arith.constant 0 : i32
        %dma_wait3A_1770 = arith.constant 0 : i32
        %dma_wait3A_1771 = tpu.memref_slice %arg11[%dma_wait3A_1769, %dma_wait3A_1770] : memref<256x32xf32, #tpu.memory_space<vmem>> -> memref<1x32xf32, #tpu.memory_space<vmem>>
        %dma_wait3A_1772 = tpu.memref_squeeze %dma_wait3A_1771 : memref<1x32xf32, #tpu.memory_space<vmem>> -> memref<32xf32, #tpu.memory_space<vmem>>
        %dma_wait3A_1773 = arith.constant 0 : i32
        %dma_wait3A_1774 = tpu.memref_slice %arg5[%dma_wait3A_1768, %dma_wait3A_1773] : memref<100000x32xf32, #tpu.memory_space<hbm>> -> memref<1x32xf32, #tpu.memory_space<hbm>>
        %dma_wait3A_1775 = tpu.memref_squeeze %dma_wait3A_1774 : memref<1x32xf32, #tpu.memory_space<hbm>> -> memref<32xf32, #tpu.memory_space<hbm>>
        %dma_wait3A_1776 = arith.constant 0 : i32
        %dma_wait3A_1777 = tpu.memref_slice %arg11[%dma_wait3A_1769, %dma_wait3A_1776] : memref<256x32xf32, #tpu.memory_space<vmem>> -> memref<1x32xf32, #tpu.memory_space<vmem>>
        %dma_wait3A_1778 = tpu.memref_squeeze %dma_wait3A_1777 : memref<1x32xf32, #tpu.memory_space<vmem>> -> memref<32xf32, #tpu.memory_space<vmem>>
        %dma_wait3A_1779 = arith.constant 0 : i32
        %dma_wait3A_1780 = tpu.memref_slice %arg5[%dma_wait3A_1768, %dma_wait3A_1779] : memref<100000x32xf32, #tpu.memory_space<hbm>> -> memref<1x32xf32, #tpu.memory_space<hbm>>
        %dma_wait3A_1781 = tpu.memref_squeeze %dma_wait3A_1780 : memref<1x32xf32, #tpu.memory_space<hbm>> -> memref<32xf32, #tpu.memory_space<hbm>>
        tpu.wait_dma2 semaphore(%arg12 : memref<!tpu.dma_semaphore, #tpu.memory_space<semaphore_mem>>) src(%dma_wait3A_1781 : memref<32xf32, #tpu.memory_space<hbm>>) dst(%dma_wait3A_1778 : memref<32xf32, #tpu.memory_space<vmem>>)
        %dma_wait3A_1782 = arith.constant 0 : i32
        %dma_wait3A_1783 = arith.constant 0 : i32
        %dma_wait3A_1784 = arith.constant 0 : i32
        %dma_wait3A_1785 = tpu.memref_slice %arg10[%dma_wait3A_1783, %dma_wait3A_1784] : memref<256x32xf32, #tpu.memory_space<vmem>> -> memref<1x32xf32, #tpu.memory_space<vmem>>
        %dma_wait3A_1786 = tpu.memref_squeeze %dma_wait3A_1785 : memref<1x32xf32, #tpu.memory_space<vmem>> -> memref<32xf32, #tpu.memory_space<vmem>>
        %dma_wait3A_1787 = arith.constant 0 : i32
        %dma_wait3A_1788 = tpu.memref_slice %arg4[%dma_wait3A_1782, %dma_wait3A_1787] : memref<1000000x32xf32, #tpu.memory_space<hbm>> -> memref<1x32xf32, #tpu.memory_space<hbm>>
        %dma_wait3A_1789 = tpu.memref_squeeze %dma_wait3A_1788 : memref<1x32xf32, #tpu.memory_space<hbm>> -> memref<32xf32, #tpu.memory_space<hbm>>
        %dma_wait3A_1790 = arith.constant 0 : i32
        %dma_wait3A_1791 = tpu.memref_slice %arg10[%dma_wait3A_1783, %dma_wait3A_1790] : memref<256x32xf32, #tpu.memory_space<vmem>> -> memref<1x32xf32, #tpu.memory_space<vmem>>
        %dma_wait3A_1792 = tpu.memref_squeeze %dma_wait3A_1791 : memref<1x32xf32, #tpu.memory_space<vmem>> -> memref<32xf32, #tpu.memory_space<vmem>>
        %dma_wait3A_1793 = arith.constant 0 : i32
        %dma_wait3A_1794 = tpu.memref_slice %arg4[%dma_wait3A_1782, %dma_wait3A_1793] : memref<1000000x32xf32, #tpu.memory_space<hbm>> -> memref<1x32xf32, #tpu.memory_space<hbm>>
        %dma_wait3A_1795 = tpu.memref_squeeze %dma_wait3A_1794 : memref<1x32xf32, #tpu.memory_space<hbm>> -> memref<32xf32, #tpu.memory_space<hbm>>
        tpu.wait_dma2 semaphore(%arg12 : memref<!tpu.dma_semaphore, #tpu.memory_space<semaphore_mem>>) src(%dma_wait3A_1795 : memref<32xf32, #tpu.memory_space<hbm>>) dst(%dma_wait3A_1792 : memref<32xf32, #tpu.memory_space<vmem>>)
        %dma_wait3A_1796 = arith.constant 0 : i32
        %dma_wait3A_1797 = arith.constant 0 : i32
        %dma_wait3A_1798 = arith.constant 0 : i32
        %dma_wait3A_1799 = tpu.memref_slice %arg11[%dma_wait3A_1797, %dma_wait3A_1798] : memref<256x32xf32, #tpu.memory_space<vmem>> -> memref<1x32xf32, #tpu.memory_space<vmem>>
        %dma_wait3A_1800 = tpu.memref_squeeze %dma_wait3A_1799 : memref<1x32xf32, #tpu.memory_space<vmem>> -> memref<32xf32, #tpu.memory_space<vmem>>
        %dma_wait3A_1801 = arith.constant 0 : i32
        %dma_wait3A_1802 = tpu.memref_slice %arg5[%dma_wait3A_1796, %dma_wait3A_1801] : memref<100000x32xf32, #tpu.memory_space<hbm>> -> memref<1x32xf32, #tpu.memory_space<hbm>>
        %dma_wait3A_1803 = tpu.memref_squeeze %dma_wait3A_1802 : memref<1x32xf32, #tpu.memory_space<hbm>> -> memref<32xf32, #tpu.memory_space<hbm>>
        %dma_wait3A_1804 = arith.constant 0 : i32
        %dma_wait3A_1805 = tpu.memref_slice %arg11[%dma_wait3A_1797, %dma_wait3A_1804] : memref<256x32xf32, #tpu.memory_space<vmem>> -> memref<1x32xf32, #tpu.memory_space<vmem>>
        %dma_wait3A_1806 = tpu.memref_squeeze %dma_wait3A_1805 : memref<1x32xf32, #tpu.memory_space<vmem>> -> memref<32xf32, #tpu.memory_space<vmem>>
        %dma_wait3A_1807 = arith.constant 0 : i32
        %dma_wait3A_1808 = tpu.memref_slice %arg5[%dma_wait3A_1796, %dma_wait3A_1807] : memref<100000x32xf32, #tpu.memory_space<hbm>> -> memref<1x32xf32, #tpu.memory_space<hbm>>
        %dma_wait3A_1809 = tpu.memref_squeeze %dma_wait3A_1808 : memref<1x32xf32, #tpu.memory_space<hbm>> -> memref<32xf32, #tpu.memory_space<hbm>>
        tpu.wait_dma2 semaphore(%arg12 : memref<!tpu.dma_semaphore, #tpu.memory_space<semaphore_mem>>) src(%dma_wait3A_1809 : memref<32xf32, #tpu.memory_space<hbm>>) dst(%dma_wait3A_1806 : memref<32xf32, #tpu.memory_space<vmem>>)
        %dma_wait3A_1810 = arith.constant 0 : i32
        %dma_wait3A_1811 = arith.constant 0 : i32
        %dma_wait3A_1812 = arith.constant 0 : i32
        %dma_wait3A_1813 = tpu.memref_slice %arg10[%dma_wait3A_1811, %dma_wait3A_1812] : memref<256x32xf32, #tpu.memory_space<vmem>> -> memref<1x32xf32, #tpu.memory_space<vmem>>
        %dma_wait3A_1814 = tpu.memref_squeeze %dma_wait3A_1813 : memref<1x32xf32, #tpu.memory_space<vmem>> -> memref<32xf32, #tpu.memory_space<vmem>>
        %dma_wait3A_1815 = arith.constant 0 : i32
        %dma_wait3A_1816 = tpu.memref_slice %arg4[%dma_wait3A_1810, %dma_wait3A_1815] : memref<1000000x32xf32, #tpu.memory_space<hbm>> -> memref<1x32xf32, #tpu.memory_space<hbm>>
        %dma_wait3A_1817 = tpu.memref_squeeze %dma_wait3A_1816 : memref<1x32xf32, #tpu.memory_space<hbm>> -> memref<32xf32, #tpu.memory_space<hbm>>
        %dma_wait3A_1818 = arith.constant 0 : i32
        %dma_wait3A_1819 = tpu.memref_slice %arg10[%dma_wait3A_1811, %dma_wait3A_1818] : memref<256x32xf32, #tpu.memory_space<vmem>> -> memref<1x32xf32, #tpu.memory_space<vmem>>
        %dma_wait3A_1820 = tpu.memref_squeeze %dma_wait3A_1819 : memref<1x32xf32, #tpu.memory_space<vmem>> -> memref<32xf32, #tpu.memory_space<vmem>>
        %dma_wait3A_1821 = arith.constant 0 : i32
        %dma_wait3A_1822 = tpu.memref_slice %arg4[%dma_wait3A_1810, %dma_wait3A_1821] : memref<1000000x32xf32, #tpu.memory_space<hbm>> -> memref<1x32xf32, #tpu.memory_space<hbm>>
        %dma_wait3A_1823 = tpu.memref_squeeze %dma_wait3A_1822 : memref<1x32xf32, #tpu.memory_space<hbm>> -> memref<32xf32, #tpu.memory_space<hbm>>
        tpu.wait_dma2 semaphore(%arg12 : memref<!tpu.dma_semaphore, #tpu.memory_space<semaphore_mem>>) src(%dma_wait3A_1823 : memref<32xf32, #tpu.memory_space<hbm>>) dst(%dma_wait3A_1820 : memref<32xf32, #tpu.memory_space<vmem>>)
        %dma_wait3A_1824 = arith.constant 0 : i32
        %dma_wait3A_1825 = arith.constant 0 : i32
        %dma_wait3A_1826 = arith.constant 0 : i32
        %dma_wait3A_1827 = tpu.memref_slice %arg11[%dma_wait3A_1825, %dma_wait3A_1826] : memref<256x32xf32, #tpu.memory_space<vmem>> -> memref<1x32xf32, #tpu.memory_space<vmem>>
        %dma_wait3A_1828 = tpu.memref_squeeze %dma_wait3A_1827 : memref<1x32xf32, #tpu.memory_space<vmem>> -> memref<32xf32, #tpu.memory_space<vmem>>
        %dma_wait3A_1829 = arith.constant 0 : i32
        %dma_wait3A_1830 = tpu.memref_slice %arg5[%dma_wait3A_1824, %dma_wait3A_1829] : memref<100000x32xf32, #tpu.memory_space<hbm>> -> memref<1x32xf32, #tpu.memory_space<hbm>>
        %dma_wait3A_1831 = tpu.memref_squeeze %dma_wait3A_1830 : memref<1x32xf32, #tpu.memory_space<hbm>> -> memref<32xf32, #tpu.memory_space<hbm>>
        %dma_wait3A_1832 = arith.constant 0 : i32
        %dma_wait3A_1833 = tpu.memref_slice %arg11[%dma_wait3A_1825, %dma_wait3A_1832] : memref<256x32xf32, #tpu.memory_space<vmem>> -> memref<1x32xf32, #tpu.memory_space<vmem>>
        %dma_wait3A_1834 = tpu.memref_squeeze %dma_wait3A_1833 : memref<1x32xf32, #tpu.memory_space<vmem>> -> memref<32xf32, #tpu.memory_space<vmem>>
        %dma_wait3A_1835 = arith.constant 0 : i32
        %dma_wait3A_1836 = tpu.memref_slice %arg5[%dma_wait3A_1824, %dma_wait3A_1835] : memref<100000x32xf32, #tpu.memory_space<hbm>> -> memref<1x32xf32, #tpu.memory_space<hbm>>
        %dma_wait3A_1837 = tpu.memref_squeeze %dma_wait3A_1836 : memref<1x32xf32, #tpu.memory_space<hbm>> -> memref<32xf32, #tpu.memory_space<hbm>>
        tpu.wait_dma2 semaphore(%arg12 : memref<!tpu.dma_semaphore, #tpu.memory_space<semaphore_mem>>) src(%dma_wait3A_1837 : memref<32xf32, #tpu.memory_space<hbm>>) dst(%dma_wait3A_1834 : memref<32xf32, #tpu.memory_space<vmem>>)
        %dma_wait3A_1838 = arith.constant 0 : i32
        %dma_wait3A_1839 = arith.constant 0 : i32
        %dma_wait3A_1840 = arith.constant 0 : i32
        %dma_wait3A_1841 = tpu.memref_slice %arg10[%dma_wait3A_1839, %dma_wait3A_1840] : memref<256x32xf32, #tpu.memory_space<vmem>> -> memref<1x32xf32, #tpu.memory_space<vmem>>
        %dma_wait3A_1842 = tpu.memref_squeeze %dma_wait3A_1841 : memref<1x32xf32, #tpu.memory_space<vmem>> -> memref<32xf32, #tpu.memory_space<vmem>>
        %dma_wait3A_1843 = arith.constant 0 : i32
        %dma_wait3A_1844 = tpu.memref_slice %arg4[%dma_wait3A_1838, %dma_wait3A_1843] : memref<1000000x32xf32, #tpu.memory_space<hbm>> -> memref<1x32xf32, #tpu.memory_space<hbm>>
        %dma_wait3A_1845 = tpu.memref_squeeze %dma_wait3A_1844 : memref<1x32xf32, #tpu.memory_space<hbm>> -> memref<32xf32, #tpu.memory_space<hbm>>
        %dma_wait3A_1846 = arith.constant 0 : i32
        %dma_wait3A_1847 = tpu.memref_slice %arg10[%dma_wait3A_1839, %dma_wait3A_1846] : memref<256x32xf32, #tpu.memory_space<vmem>> -> memref<1x32xf32, #tpu.memory_space<vmem>>
        %dma_wait3A_1848 = tpu.memref_squeeze %dma_wait3A_1847 : memref<1x32xf32, #tpu.memory_space<vmem>> -> memref<32xf32, #tpu.memory_space<vmem>>
        %dma_wait3A_1849 = arith.constant 0 : i32
        %dma_wait3A_1850 = tpu.memref_slice %arg4[%dma_wait3A_1838, %dma_wait3A_1849] : memref<1000000x32xf32, #tpu.memory_space<hbm>> -> memref<1x32xf32, #tpu.memory_space<hbm>>
        %dma_wait3A_1851 = tpu.memref_squeeze %dma_wait3A_1850 : memref<1x32xf32, #tpu.memory_space<hbm>> -> memref<32xf32, #tpu.memory_space<hbm>>
        tpu.wait_dma2 semaphore(%arg12 : memref<!tpu.dma_semaphore, #tpu.memory_space<semaphore_mem>>) src(%dma_wait3A_1851 : memref<32xf32, #tpu.memory_space<hbm>>) dst(%dma_wait3A_1848 : memref<32xf32, #tpu.memory_space<vmem>>)
        %dma_wait3A_1852 = arith.constant 0 : i32
        %dma_wait3A_1853 = arith.constant 0 : i32
        %dma_wait3A_1854 = arith.constant 0 : i32
        %dma_wait3A_1855 = tpu.memref_slice %arg11[%dma_wait3A_1853, %dma_wait3A_1854] : memref<256x32xf32, #tpu.memory_space<vmem>> -> memref<1x32xf32, #tpu.memory_space<vmem>>
        %dma_wait3A_1856 = tpu.memref_squeeze %dma_wait3A_1855 : memref<1x32xf32, #tpu.memory_space<vmem>> -> memref<32xf32, #tpu.memory_space<vmem>>
        %dma_wait3A_1857 = arith.constant 0 : i32
        %dma_wait3A_1858 = tpu.memref_slice %arg5[%dma_wait3A_1852, %dma_wait3A_1857] : memref<100000x32xf32, #tpu.memory_space<hbm>> -> memref<1x32xf32, #tpu.memory_space<hbm>>
        %dma_wait3A_1859 = tpu.memref_squeeze %dma_wait3A_1858 : memref<1x32xf32, #tpu.memory_space<hbm>> -> memref<32xf32, #tpu.memory_space<hbm>>
        %dma_wait3A_1860 = arith.constant 0 : i32
        %dma_wait3A_1861 = tpu.memref_slice %arg11[%dma_wait3A_1853, %dma_wait3A_1860] : memref<256x32xf32, #tpu.memory_space<vmem>> -> memref<1x32xf32, #tpu.memory_space<vmem>>
        %dma_wait3A_1862 = tpu.memref_squeeze %dma_wait3A_1861 : memref<1x32xf32, #tpu.memory_space<vmem>> -> memref<32xf32, #tpu.memory_space<vmem>>
        %dma_wait3A_1863 = arith.constant 0 : i32
        %dma_wait3A_1864 = tpu.memref_slice %arg5[%dma_wait3A_1852, %dma_wait3A_1863] : memref<100000x32xf32, #tpu.memory_space<hbm>> -> memref<1x32xf32, #tpu.memory_space<hbm>>
        %dma_wait3A_1865 = tpu.memref_squeeze %dma_wait3A_1864 : memref<1x32xf32, #tpu.memory_space<hbm>> -> memref<32xf32, #tpu.memory_space<hbm>>
        tpu.wait_dma2 semaphore(%arg12 : memref<!tpu.dma_semaphore, #tpu.memory_space<semaphore_mem>>) src(%dma_wait3A_1865 : memref<32xf32, #tpu.memory_space<hbm>>) dst(%dma_wait3A_1862 : memref<32xf32, #tpu.memory_space<vmem>>)
        %dma_wait3A_1866 = arith.constant 0 : i32
        %dma_wait3A_1867 = arith.constant 0 : i32
        %dma_wait3A_1868 = arith.constant 0 : i32
        %dma_wait3A_1869 = tpu.memref_slice %arg10[%dma_wait3A_1867, %dma_wait3A_1868] : memref<256x32xf32, #tpu.memory_space<vmem>> -> memref<1x32xf32, #tpu.memory_space<vmem>>
        %dma_wait3A_1870 = tpu.memref_squeeze %dma_wait3A_1869 : memref<1x32xf32, #tpu.memory_space<vmem>> -> memref<32xf32, #tpu.memory_space<vmem>>
        %dma_wait3A_1871 = arith.constant 0 : i32
        %dma_wait3A_1872 = tpu.memref_slice %arg4[%dma_wait3A_1866, %dma_wait3A_1871] : memref<1000000x32xf32, #tpu.memory_space<hbm>> -> memref<1x32xf32, #tpu.memory_space<hbm>>
        %dma_wait3A_1873 = tpu.memref_squeeze %dma_wait3A_1872 : memref<1x32xf32, #tpu.memory_space<hbm>> -> memref<32xf32, #tpu.memory_space<hbm>>
        %dma_wait3A_1874 = arith.constant 0 : i32
        %dma_wait3A_1875 = tpu.memref_slice %arg10[%dma_wait3A_1867, %dma_wait3A_1874] : memref<256x32xf32, #tpu.memory_space<vmem>> -> memref<1x32xf32, #tpu.memory_space<vmem>>
        %dma_wait3A_1876 = tpu.memref_squeeze %dma_wait3A_1875 : memref<1x32xf32, #tpu.memory_space<vmem>> -> memref<32xf32, #tpu.memory_space<vmem>>
        %dma_wait3A_1877 = arith.constant 0 : i32
        %dma_wait3A_1878 = tpu.memref_slice %arg4[%dma_wait3A_1866, %dma_wait3A_1877] : memref<1000000x32xf32, #tpu.memory_space<hbm>> -> memref<1x32xf32, #tpu.memory_space<hbm>>
        %dma_wait3A_1879 = tpu.memref_squeeze %dma_wait3A_1878 : memref<1x32xf32, #tpu.memory_space<hbm>> -> memref<32xf32, #tpu.memory_space<hbm>>
        tpu.wait_dma2 semaphore(%arg12 : memref<!tpu.dma_semaphore, #tpu.memory_space<semaphore_mem>>) src(%dma_wait3A_1879 : memref<32xf32, #tpu.memory_space<hbm>>) dst(%dma_wait3A_1876 : memref<32xf32, #tpu.memory_space<vmem>>)
        %dma_wait3A_1880 = arith.constant 0 : i32
        %dma_wait3A_1881 = arith.constant 0 : i32
        %dma_wait3A_1882 = arith.constant 0 : i32
        %dma_wait3A_1883 = tpu.memref_slice %arg11[%dma_wait3A_1881, %dma_wait3A_1882] : memref<256x32xf32, #tpu.memory_space<vmem>> -> memref<1x32xf32, #tpu.memory_space<vmem>>
        %dma_wait3A_1884 = tpu.memref_squeeze %dma_wait3A_1883 : memref<1x32xf32, #tpu.memory_space<vmem>> -> memref<32xf32, #tpu.memory_space<vmem>>
        %dma_wait3A_1885 = arith.constant 0 : i32
        %dma_wait3A_1886 = tpu.memref_slice %arg5[%dma_wait3A_1880, %dma_wait3A_1885] : memref<100000x32xf32, #tpu.memory_space<hbm>> -> memref<1x32xf32, #tpu.memory_space<hbm>>
        %dma_wait3A_1887 = tpu.memref_squeeze %dma_wait3A_1886 : memref<1x32xf32, #tpu.memory_space<hbm>> -> memref<32xf32, #tpu.memory_space<hbm>>
        %dma_wait3A_1888 = arith.constant 0 : i32
        %dma_wait3A_1889 = tpu.memref_slice %arg11[%dma_wait3A_1881, %dma_wait3A_1888] : memref<256x32xf32, #tpu.memory_space<vmem>> -> memref<1x32xf32, #tpu.memory_space<vmem>>
        %dma_wait3A_1890 = tpu.memref_squeeze %dma_wait3A_1889 : memref<1x32xf32, #tpu.memory_space<vmem>> -> memref<32xf32, #tpu.memory_space<vmem>>
        %dma_wait3A_1891 = arith.constant 0 : i32
        %dma_wait3A_1892 = tpu.memref_slice %arg5[%dma_wait3A_1880, %dma_wait3A_1891] : memref<100000x32xf32, #tpu.memory_space<hbm>> -> memref<1x32xf32, #tpu.memory_space<hbm>>
        %dma_wait3A_1893 = tpu.memref_squeeze %dma_wait3A_1892 : memref<1x32xf32, #tpu.memory_space<hbm>> -> memref<32xf32, #tpu.memory_space<hbm>>
        tpu.wait_dma2 semaphore(%arg12 : memref<!tpu.dma_semaphore, #tpu.memory_space<semaphore_mem>>) src(%dma_wait3A_1893 : memref<32xf32, #tpu.memory_space<hbm>>) dst(%dma_wait3A_1890 : memref<32xf32, #tpu.memory_space<vmem>>)
        %dma_wait3A_1894 = arith.constant 0 : i32
        %dma_wait3A_1895 = arith.constant 0 : i32
        %dma_wait3A_1896 = arith.constant 0 : i32
        %dma_wait3A_1897 = tpu.memref_slice %arg10[%dma_wait3A_1895, %dma_wait3A_1896] : memref<256x32xf32, #tpu.memory_space<vmem>> -> memref<1x32xf32, #tpu.memory_space<vmem>>
        %dma_wait3A_1898 = tpu.memref_squeeze %dma_wait3A_1897 : memref<1x32xf32, #tpu.memory_space<vmem>> -> memref<32xf32, #tpu.memory_space<vmem>>
        %dma_wait3A_1899 = arith.constant 0 : i32
        %dma_wait3A_1900 = tpu.memref_slice %arg4[%dma_wait3A_1894, %dma_wait3A_1899] : memref<1000000x32xf32, #tpu.memory_space<hbm>> -> memref<1x32xf32, #tpu.memory_space<hbm>>
        %dma_wait3A_1901 = tpu.memref_squeeze %dma_wait3A_1900 : memref<1x32xf32, #tpu.memory_space<hbm>> -> memref<32xf32, #tpu.memory_space<hbm>>
        %dma_wait3A_1902 = arith.constant 0 : i32
        %dma_wait3A_1903 = tpu.memref_slice %arg10[%dma_wait3A_1895, %dma_wait3A_1902] : memref<256x32xf32, #tpu.memory_space<vmem>> -> memref<1x32xf32, #tpu.memory_space<vmem>>
        %dma_wait3A_1904 = tpu.memref_squeeze %dma_wait3A_1903 : memref<1x32xf32, #tpu.memory_space<vmem>> -> memref<32xf32, #tpu.memory_space<vmem>>
        %dma_wait3A_1905 = arith.constant 0 : i32
        %dma_wait3A_1906 = tpu.memref_slice %arg4[%dma_wait3A_1894, %dma_wait3A_1905] : memref<1000000x32xf32, #tpu.memory_space<hbm>> -> memref<1x32xf32, #tpu.memory_space<hbm>>
        %dma_wait3A_1907 = tpu.memref_squeeze %dma_wait3A_1906 : memref<1x32xf32, #tpu.memory_space<hbm>> -> memref<32xf32, #tpu.memory_space<hbm>>
        tpu.wait_dma2 semaphore(%arg12 : memref<!tpu.dma_semaphore, #tpu.memory_space<semaphore_mem>>) src(%dma_wait3A_1907 : memref<32xf32, #tpu.memory_space<hbm>>) dst(%dma_wait3A_1904 : memref<32xf32, #tpu.memory_space<vmem>>)
        %dma_wait3A_1908 = arith.constant 0 : i32
        %dma_wait3A_1909 = arith.constant 0 : i32
        %dma_wait3A_1910 = arith.constant 0 : i32
        %dma_wait3A_1911 = tpu.memref_slice %arg11[%dma_wait3A_1909, %dma_wait3A_1910] : memref<256x32xf32, #tpu.memory_space<vmem>> -> memref<1x32xf32, #tpu.memory_space<vmem>>
        %dma_wait3A_1912 = tpu.memref_squeeze %dma_wait3A_1911 : memref<1x32xf32, #tpu.memory_space<vmem>> -> memref<32xf32, #tpu.memory_space<vmem>>
        %dma_wait3A_1913 = arith.constant 0 : i32
        %dma_wait3A_1914 = tpu.memref_slice %arg5[%dma_wait3A_1908, %dma_wait3A_1913] : memref<100000x32xf32, #tpu.memory_space<hbm>> -> memref<1x32xf32, #tpu.memory_space<hbm>>
        %dma_wait3A_1915 = tpu.memref_squeeze %dma_wait3A_1914 : memref<1x32xf32, #tpu.memory_space<hbm>> -> memref<32xf32, #tpu.memory_space<hbm>>
        %dma_wait3A_1916 = arith.constant 0 : i32
        %dma_wait3A_1917 = tpu.memref_slice %arg11[%dma_wait3A_1909, %dma_wait3A_1916] : memref<256x32xf32, #tpu.memory_space<vmem>> -> memref<1x32xf32, #tpu.memory_space<vmem>>
        %dma_wait3A_1918 = tpu.memref_squeeze %dma_wait3A_1917 : memref<1x32xf32, #tpu.memory_space<vmem>> -> memref<32xf32, #tpu.memory_space<vmem>>
        %dma_wait3A_1919 = arith.constant 0 : i32
        %dma_wait3A_1920 = tpu.memref_slice %arg5[%dma_wait3A_1908, %dma_wait3A_1919] : memref<100000x32xf32, #tpu.memory_space<hbm>> -> memref<1x32xf32, #tpu.memory_space<hbm>>
        %dma_wait3A_1921 = tpu.memref_squeeze %dma_wait3A_1920 : memref<1x32xf32, #tpu.memory_space<hbm>> -> memref<32xf32, #tpu.memory_space<hbm>>
        tpu.wait_dma2 semaphore(%arg12 : memref<!tpu.dma_semaphore, #tpu.memory_space<semaphore_mem>>) src(%dma_wait3A_1921 : memref<32xf32, #tpu.memory_space<hbm>>) dst(%dma_wait3A_1918 : memref<32xf32, #tpu.memory_space<vmem>>)
        %dma_wait3A_1922 = arith.constant 0 : i32
        %dma_wait3A_1923 = arith.constant 0 : i32
        %dma_wait3A_1924 = arith.constant 0 : i32
        %dma_wait3A_1925 = tpu.memref_slice %arg10[%dma_wait3A_1923, %dma_wait3A_1924] : memref<256x32xf32, #tpu.memory_space<vmem>> -> memref<1x32xf32, #tpu.memory_space<vmem>>
        %dma_wait3A_1926 = tpu.memref_squeeze %dma_wait3A_1925 : memref<1x32xf32, #tpu.memory_space<vmem>> -> memref<32xf32, #tpu.memory_space<vmem>>
        %dma_wait3A_1927 = arith.constant 0 : i32
        %dma_wait3A_1928 = tpu.memref_slice %arg4[%dma_wait3A_1922, %dma_wait3A_1927] : memref<1000000x32xf32, #tpu.memory_space<hbm>> -> memref<1x32xf32, #tpu.memory_space<hbm>>
        %dma_wait3A_1929 = tpu.memref_squeeze %dma_wait3A_1928 : memref<1x32xf32, #tpu.memory_space<hbm>> -> memref<32xf32, #tpu.memory_space<hbm>>
        %dma_wait3A_1930 = arith.constant 0 : i32
        %dma_wait3A_1931 = tpu.memref_slice %arg10[%dma_wait3A_1923, %dma_wait3A_1930] : memref<256x32xf32, #tpu.memory_space<vmem>> -> memref<1x32xf32, #tpu.memory_space<vmem>>
        %dma_wait3A_1932 = tpu.memref_squeeze %dma_wait3A_1931 : memref<1x32xf32, #tpu.memory_space<vmem>> -> memref<32xf32, #tpu.memory_space<vmem>>
        %dma_wait3A_1933 = arith.constant 0 : i32
        %dma_wait3A_1934 = tpu.memref_slice %arg4[%dma_wait3A_1922, %dma_wait3A_1933] : memref<1000000x32xf32, #tpu.memory_space<hbm>> -> memref<1x32xf32, #tpu.memory_space<hbm>>
        %dma_wait3A_1935 = tpu.memref_squeeze %dma_wait3A_1934 : memref<1x32xf32, #tpu.memory_space<hbm>> -> memref<32xf32, #tpu.memory_space<hbm>>
        tpu.wait_dma2 semaphore(%arg12 : memref<!tpu.dma_semaphore, #tpu.memory_space<semaphore_mem>>) src(%dma_wait3A_1935 : memref<32xf32, #tpu.memory_space<hbm>>) dst(%dma_wait3A_1932 : memref<32xf32, #tpu.memory_space<vmem>>)
        %dma_wait3A_1936 = arith.constant 0 : i32
        %dma_wait3A_1937 = arith.constant 0 : i32
        %dma_wait3A_1938 = arith.constant 0 : i32
        %dma_wait3A_1939 = tpu.memref_slice %arg11[%dma_wait3A_1937, %dma_wait3A_1938] : memref<256x32xf32, #tpu.memory_space<vmem>> -> memref<1x32xf32, #tpu.memory_space<vmem>>
        %dma_wait3A_1940 = tpu.memref_squeeze %dma_wait3A_1939 : memref<1x32xf32, #tpu.memory_space<vmem>> -> memref<32xf32, #tpu.memory_space<vmem>>
        %dma_wait3A_1941 = arith.constant 0 : i32
        %dma_wait3A_1942 = tpu.memref_slice %arg5[%dma_wait3A_1936, %dma_wait3A_1941] : memref<100000x32xf32, #tpu.memory_space<hbm>> -> memref<1x32xf32, #tpu.memory_space<hbm>>
        %dma_wait3A_1943 = tpu.memref_squeeze %dma_wait3A_1942 : memref<1x32xf32, #tpu.memory_space<hbm>> -> memref<32xf32, #tpu.memory_space<hbm>>
        %dma_wait3A_1944 = arith.constant 0 : i32
        %dma_wait3A_1945 = tpu.memref_slice %arg11[%dma_wait3A_1937, %dma_wait3A_1944] : memref<256x32xf32, #tpu.memory_space<vmem>> -> memref<1x32xf32, #tpu.memory_space<vmem>>
        %dma_wait3A_1946 = tpu.memref_squeeze %dma_wait3A_1945 : memref<1x32xf32, #tpu.memory_space<vmem>> -> memref<32xf32, #tpu.memory_space<vmem>>
        %dma_wait3A_1947 = arith.constant 0 : i32
        %dma_wait3A_1948 = tpu.memref_slice %arg5[%dma_wait3A_1936, %dma_wait3A_1947] : memref<100000x32xf32, #tpu.memory_space<hbm>> -> memref<1x32xf32, #tpu.memory_space<hbm>>
        %dma_wait3A_1949 = tpu.memref_squeeze %dma_wait3A_1948 : memref<1x32xf32, #tpu.memory_space<hbm>> -> memref<32xf32, #tpu.memory_space<hbm>>
        tpu.wait_dma2 semaphore(%arg12 : memref<!tpu.dma_semaphore, #tpu.memory_space<semaphore_mem>>) src(%dma_wait3A_1949 : memref<32xf32, #tpu.memory_space<hbm>>) dst(%dma_wait3A_1946 : memref<32xf32, #tpu.memory_space<vmem>>)
      } else {
      }
    }
    %scan3A_462 = arith.constant 16 : i32
    %dma_wait3A_463 = arith.constant 0 : i32
    %dma_wait3A_464 = arith.constant 0 : i32
    %dma_wait3A_465 = arith.constant 0 : i32
    %dma_wait3A_466 = tpu.memref_slice %arg10[%dma_wait3A_464, %dma_wait3A_465] : memref<256x32xf32, #tpu.memory_space<vmem>> -> memref<1x32xf32, #tpu.memory_space<vmem>>
    %dma_wait3A_467 = tpu.memref_squeeze %dma_wait3A_466 : memref<1x32xf32, #tpu.memory_space<vmem>> -> memref<32xf32, #tpu.memory_space<vmem>>
    %dma_wait3A_468 = arith.constant 0 : i32
    %dma_wait3A_469 = tpu.memref_slice %arg4[%dma_wait3A_463, %dma_wait3A_468] : memref<1000000x32xf32, #tpu.memory_space<hbm>> -> memref<1x32xf32, #tpu.memory_space<hbm>>
    %dma_wait3A_470 = tpu.memref_squeeze %dma_wait3A_469 : memref<1x32xf32, #tpu.memory_space<hbm>> -> memref<32xf32, #tpu.memory_space<hbm>>
    %dma_wait3A_471 = arith.constant 0 : i32
    %dma_wait3A_472 = tpu.memref_slice %arg10[%dma_wait3A_464, %dma_wait3A_471] : memref<256x32xf32, #tpu.memory_space<vmem>> -> memref<1x32xf32, #tpu.memory_space<vmem>>
    %dma_wait3A_473 = tpu.memref_squeeze %dma_wait3A_472 : memref<1x32xf32, #tpu.memory_space<vmem>> -> memref<32xf32, #tpu.memory_space<vmem>>
    %dma_wait3A_474 = arith.constant 0 : i32
    %dma_wait3A_475 = tpu.memref_slice %arg4[%dma_wait3A_463, %dma_wait3A_474] : memref<1000000x32xf32, #tpu.memory_space<hbm>> -> memref<1x32xf32, #tpu.memory_space<hbm>>
    %dma_wait3A_476 = tpu.memref_squeeze %dma_wait3A_475 : memref<1x32xf32, #tpu.memory_space<hbm>> -> memref<32xf32, #tpu.memory_space<hbm>>
    tpu.wait_dma2 semaphore(%arg12 : memref<!tpu.dma_semaphore, #tpu.memory_space<semaphore_mem>>) src(%dma_wait3A_476 : memref<32xf32, #tpu.memory_space<hbm>>) dst(%dma_wait3A_473 : memref<32xf32, #tpu.memory_space<vmem>>)
    %dma_wait3A_477 = arith.constant 0 : i32
    %dma_wait3A_478 = arith.constant 0 : i32
    %dma_wait3A_479 = arith.constant 0 : i32
    %dma_wait3A_480 = tpu.memref_slice %arg11[%dma_wait3A_478, %dma_wait3A_479] : memref<256x32xf32, #tpu.memory_space<vmem>> -> memref<1x32xf32, #tpu.memory_space<vmem>>
    %dma_wait3A_481 = tpu.memref_squeeze %dma_wait3A_480 : memref<1x32xf32, #tpu.memory_space<vmem>> -> memref<32xf32, #tpu.memory_space<vmem>>
    %dma_wait3A_482 = arith.constant 0 : i32
    %dma_wait3A_483 = tpu.memref_slice %arg5[%dma_wait3A_477, %dma_wait3A_482] : memref<100000x32xf32, #tpu.memory_space<hbm>> -> memref<1x32xf32, #tpu.memory_space<hbm>>
    %dma_wait3A_484 = tpu.memref_squeeze %dma_wait3A_483 : memref<1x32xf32, #tpu.memory_space<hbm>> -> memref<32xf32, #tpu.memory_space<hbm>>
    %dma_wait3A_485 = arith.constant 0 : i32
    %dma_wait3A_486 = tpu.memref_slice %arg11[%dma_wait3A_478, %dma_wait3A_485] : memref<256x32xf32, #tpu.memory_space<vmem>> -> memref<1x32xf32, #tpu.memory_space<vmem>>
    %dma_wait3A_487 = tpu.memref_squeeze %dma_wait3A_486 : memref<1x32xf32, #tpu.memory_space<vmem>> -> memref<32xf32, #tpu.memory_space<vmem>>
    %dma_wait3A_488 = arith.constant 0 : i32
    %dma_wait3A_489 = tpu.memref_slice %arg5[%dma_wait3A_477, %dma_wait3A_488] : memref<100000x32xf32, #tpu.memory_space<hbm>> -> memref<1x32xf32, #tpu.memory_space<hbm>>
    %dma_wait3A_490 = tpu.memref_squeeze %dma_wait3A_489 : memref<1x32xf32, #tpu.memory_space<hbm>> -> memref<32xf32, #tpu.memory_space<hbm>>
    tpu.wait_dma2 semaphore(%arg12 : memref<!tpu.dma_semaphore, #tpu.memory_space<semaphore_mem>>) src(%dma_wait3A_490 : memref<32xf32, #tpu.memory_space<hbm>>) dst(%dma_wait3A_487 : memref<32xf32, #tpu.memory_space<vmem>>)
    %dma_wait3A_491 = arith.constant 0 : i32
    %dma_wait3A_492 = arith.constant 0 : i32
    %dma_wait3A_493 = arith.constant 0 : i32
    %dma_wait3A_494 = tpu.memref_slice %arg10[%dma_wait3A_492, %dma_wait3A_493] : memref<256x32xf32, #tpu.memory_space<vmem>> -> memref<1x32xf32, #tpu.memory_space<vmem>>
    %dma_wait3A_495 = tpu.memref_squeeze %dma_wait3A_494 : memref<1x32xf32, #tpu.memory_space<vmem>> -> memref<32xf32, #tpu.memory_space<vmem>>
    %dma_wait3A_496 = arith.constant 0 : i32
    %dma_wait3A_497 = tpu.memref_slice %arg4[%dma_wait3A_491, %dma_wait3A_496] : memref<1000000x32xf32, #tpu.memory_space<hbm>> -> memref<1x32xf32, #tpu.memory_space<hbm>>
    %dma_wait3A_498 = tpu.memref_squeeze %dma_wait3A_497 : memref<1x32xf32, #tpu.memory_space<hbm>> -> memref<32xf32, #tpu.memory_space<hbm>>
    %dma_wait3A_499 = arith.constant 0 : i32
    %dma_wait3A_500 = tpu.memref_slice %arg10[%dma_wait3A_492, %dma_wait3A_499] : memref<256x32xf32, #tpu.memory_space<vmem>> -> memref<1x32xf32, #tpu.memory_space<vmem>>
    %dma_wait3A_501 = tpu.memref_squeeze %dma_wait3A_500 : memref<1x32xf32, #tpu.memory_space<vmem>> -> memref<32xf32, #tpu.memory_space<vmem>>
    %dma_wait3A_502 = arith.constant 0 : i32
    %dma_wait3A_503 = tpu.memref_slice %arg4[%dma_wait3A_491, %dma_wait3A_502] : memref<1000000x32xf32, #tpu.memory_space<hbm>> -> memref<1x32xf32, #tpu.memory_space<hbm>>
    %dma_wait3A_504 = tpu.memref_squeeze %dma_wait3A_503 : memref<1x32xf32, #tpu.memory_space<hbm>> -> memref<32xf32, #tpu.memory_space<hbm>>
    tpu.wait_dma2 semaphore(%arg12 : memref<!tpu.dma_semaphore, #tpu.memory_space<semaphore_mem>>) src(%dma_wait3A_504 : memref<32xf32, #tpu.memory_space<hbm>>) dst(%dma_wait3A_501 : memref<32xf32, #tpu.memory_space<vmem>>)
    %dma_wait3A_505 = arith.constant 0 : i32
    %dma_wait3A_506 = arith.constant 0 : i32
    %dma_wait3A_507 = arith.constant 0 : i32
    %dma_wait3A_508 = tpu.memref_slice %arg11[%dma_wait3A_506, %dma_wait3A_507] : memref<256x32xf32, #tpu.memory_space<vmem>> -> memref<1x32xf32, #tpu.memory_space<vmem>>
    %dma_wait3A_509 = tpu.memref_squeeze %dma_wait3A_508 : memref<1x32xf32, #tpu.memory_space<vmem>> -> memref<32xf32, #tpu.memory_space<vmem>>
    %dma_wait3A_510 = arith.constant 0 : i32
    %dma_wait3A_511 = tpu.memref_slice %arg5[%dma_wait3A_505, %dma_wait3A_510] : memref<100000x32xf32, #tpu.memory_space<hbm>> -> memref<1x32xf32, #tpu.memory_space<hbm>>
    %dma_wait3A_512 = tpu.memref_squeeze %dma_wait3A_511 : memref<1x32xf32, #tpu.memory_space<hbm>> -> memref<32xf32, #tpu.memory_space<hbm>>
    %dma_wait3A_513 = arith.constant 0 : i32
    %dma_wait3A_514 = tpu.memref_slice %arg11[%dma_wait3A_506, %dma_wait3A_513] : memref<256x32xf32, #tpu.memory_space<vmem>> -> memref<1x32xf32, #tpu.memory_space<vmem>>
    %dma_wait3A_515 = tpu.memref_squeeze %dma_wait3A_514 : memref<1x32xf32, #tpu.memory_space<vmem>> -> memref<32xf32, #tpu.memory_space<vmem>>
    %dma_wait3A_516 = arith.constant 0 : i32
    %dma_wait3A_517 = tpu.memref_slice %arg5[%dma_wait3A_505, %dma_wait3A_516] : memref<100000x32xf32, #tpu.memory_space<hbm>> -> memref<1x32xf32, #tpu.memory_space<hbm>>
    %dma_wait3A_518 = tpu.memref_squeeze %dma_wait3A_517 : memref<1x32xf32, #tpu.memory_space<hbm>> -> memref<32xf32, #tpu.memory_space<hbm>>
    tpu.wait_dma2 semaphore(%arg12 : memref<!tpu.dma_semaphore, #tpu.memory_space<semaphore_mem>>) src(%dma_wait3A_518 : memref<32xf32, #tpu.memory_space<hbm>>) dst(%dma_wait3A_515 : memref<32xf32, #tpu.memory_space<vmem>>)
    %dma_wait3A_519 = arith.constant 0 : i32
    %dma_wait3A_520 = arith.constant 0 : i32
    %dma_wait3A_521 = arith.constant 0 : i32
    %dma_wait3A_522 = tpu.memref_slice %arg10[%dma_wait3A_520, %dma_wait3A_521] : memref<256x32xf32, #tpu.memory_space<vmem>> -> memref<1x32xf32, #tpu.memory_space<vmem>>
    %dma_wait3A_523 = tpu.memref_squeeze %dma_wait3A_522 : memref<1x32xf32, #tpu.memory_space<vmem>> -> memref<32xf32, #tpu.memory_space<vmem>>
    %dma_wait3A_524 = arith.constant 0 : i32
    %dma_wait3A_525 = tpu.memref_slice %arg4[%dma_wait3A_519, %dma_wait3A_524] : memref<1000000x32xf32, #tpu.memory_space<hbm>> -> memref<1x32xf32, #tpu.memory_space<hbm>>
    %dma_wait3A_526 = tpu.memref_squeeze %dma_wait3A_525 : memref<1x32xf32, #tpu.memory_space<hbm>> -> memref<32xf32, #tpu.memory_space<hbm>>
    %dma_wait3A_527 = arith.constant 0 : i32
    %dma_wait3A_528 = tpu.memref_slice %arg10[%dma_wait3A_520, %dma_wait3A_527] : memref<256x32xf32, #tpu.memory_space<vmem>> -> memref<1x32xf32, #tpu.memory_space<vmem>>
    %dma_wait3A_529 = tpu.memref_squeeze %dma_wait3A_528 : memref<1x32xf32, #tpu.memory_space<vmem>> -> memref<32xf32, #tpu.memory_space<vmem>>
    %dma_wait3A_530 = arith.constant 0 : i32
    %dma_wait3A_531 = tpu.memref_slice %arg4[%dma_wait3A_519, %dma_wait3A_530] : memref<1000000x32xf32, #tpu.memory_space<hbm>> -> memref<1x32xf32, #tpu.memory_space<hbm>>
    %dma_wait3A_532 = tpu.memref_squeeze %dma_wait3A_531 : memref<1x32xf32, #tpu.memory_space<hbm>> -> memref<32xf32, #tpu.memory_space<hbm>>
    tpu.wait_dma2 semaphore(%arg12 : memref<!tpu.dma_semaphore, #tpu.memory_space<semaphore_mem>>) src(%dma_wait3A_532 : memref<32xf32, #tpu.memory_space<hbm>>) dst(%dma_wait3A_529 : memref<32xf32, #tpu.memory_space<vmem>>)
    %dma_wait3A_533 = arith.constant 0 : i32
    %dma_wait3A_534 = arith.constant 0 : i32
    %dma_wait3A_535 = arith.constant 0 : i32
    %dma_wait3A_536 = tpu.memref_slice %arg11[%dma_wait3A_534, %dma_wait3A_535] : memref<256x32xf32, #tpu.memory_space<vmem>> -> memref<1x32xf32, #tpu.memory_space<vmem>>
    %dma_wait3A_537 = tpu.memref_squeeze %dma_wait3A_536 : memref<1x32xf32, #tpu.memory_space<vmem>> -> memref<32xf32, #tpu.memory_space<vmem>>
    %dma_wait3A_538 = arith.constant 0 : i32
    %dma_wait3A_539 = tpu.memref_slice %arg5[%dma_wait3A_533, %dma_wait3A_538] : memref<100000x32xf32, #tpu.memory_space<hbm>> -> memref<1x32xf32, #tpu.memory_space<hbm>>
    %dma_wait3A_540 = tpu.memref_squeeze %dma_wait3A_539 : memref<1x32xf32, #tpu.memory_space<hbm>> -> memref<32xf32, #tpu.memory_space<hbm>>
    %dma_wait3A_541 = arith.constant 0 : i32
    %dma_wait3A_542 = tpu.memref_slice %arg11[%dma_wait3A_534, %dma_wait3A_541] : memref<256x32xf32, #tpu.memory_space<vmem>> -> memref<1x32xf32, #tpu.memory_space<vmem>>
    %dma_wait3A_543 = tpu.memref_squeeze %dma_wait3A_542 : memref<1x32xf32, #tpu.memory_space<vmem>> -> memref<32xf32, #tpu.memory_space<vmem>>
    %dma_wait3A_544 = arith.constant 0 : i32
    %dma_wait3A_545 = tpu.memref_slice %arg5[%dma_wait3A_533, %dma_wait3A_544] : memref<100000x32xf32, #tpu.memory_space<hbm>> -> memref<1x32xf32, #tpu.memory_space<hbm>>
    %dma_wait3A_546 = tpu.memref_squeeze %dma_wait3A_545 : memref<1x32xf32, #tpu.memory_space<hbm>> -> memref<32xf32, #tpu.memory_space<hbm>>
    tpu.wait_dma2 semaphore(%arg12 : memref<!tpu.dma_semaphore, #tpu.memory_space<semaphore_mem>>) src(%dma_wait3A_546 : memref<32xf32, #tpu.memory_space<hbm>>) dst(%dma_wait3A_543 : memref<32xf32, #tpu.memory_space<vmem>>)
    %dma_wait3A_547 = arith.constant 0 : i32
    %dma_wait3A_548 = arith.constant 0 : i32
    %dma_wait3A_549 = arith.constant 0 : i32
    %dma_wait3A_550 = tpu.memref_slice %arg10[%dma_wait3A_548, %dma_wait3A_549] : memref<256x32xf32, #tpu.memory_space<vmem>> -> memref<1x32xf32, #tpu.memory_space<vmem>>
    %dma_wait3A_551 = tpu.memref_squeeze %dma_wait3A_550 : memref<1x32xf32, #tpu.memory_space<vmem>> -> memref<32xf32, #tpu.memory_space<vmem>>
    %dma_wait3A_552 = arith.constant 0 : i32
    %dma_wait3A_553 = tpu.memref_slice %arg4[%dma_wait3A_547, %dma_wait3A_552] : memref<1000000x32xf32, #tpu.memory_space<hbm>> -> memref<1x32xf32, #tpu.memory_space<hbm>>
    %dma_wait3A_554 = tpu.memref_squeeze %dma_wait3A_553 : memref<1x32xf32, #tpu.memory_space<hbm>> -> memref<32xf32, #tpu.memory_space<hbm>>
    %dma_wait3A_555 = arith.constant 0 : i32
    %dma_wait3A_556 = tpu.memref_slice %arg10[%dma_wait3A_548, %dma_wait3A_555] : memref<256x32xf32, #tpu.memory_space<vmem>> -> memref<1x32xf32, #tpu.memory_space<vmem>>
    %dma_wait3A_557 = tpu.memref_squeeze %dma_wait3A_556 : memref<1x32xf32, #tpu.memory_space<vmem>> -> memref<32xf32, #tpu.memory_space<vmem>>
    %dma_wait3A_558 = arith.constant 0 : i32
    %dma_wait3A_559 = tpu.memref_slice %arg4[%dma_wait3A_547, %dma_wait3A_558] : memref<1000000x32xf32, #tpu.memory_space<hbm>> -> memref<1x32xf32, #tpu.memory_space<hbm>>
    %dma_wait3A_560 = tpu.memref_squeeze %dma_wait3A_559 : memref<1x32xf32, #tpu.memory_space<hbm>> -> memref<32xf32, #tpu.memory_space<hbm>>
    tpu.wait_dma2 semaphore(%arg12 : memref<!tpu.dma_semaphore, #tpu.memory_space<semaphore_mem>>) src(%dma_wait3A_560 : memref<32xf32, #tpu.memory_space<hbm>>) dst(%dma_wait3A_557 : memref<32xf32, #tpu.memory_space<vmem>>)
    %dma_wait3A_561 = arith.constant 0 : i32
    %dma_wait3A_562 = arith.constant 0 : i32
    %dma_wait3A_563 = arith.constant 0 : i32
    %dma_wait3A_564 = tpu.memref_slice %arg11[%dma_wait3A_562, %dma_wait3A_563] : memref<256x32xf32, #tpu.memory_space<vmem>> -> memref<1x32xf32, #tpu.memory_space<vmem>>
    %dma_wait3A_565 = tpu.memref_squeeze %dma_wait3A_564 : memref<1x32xf32, #tpu.memory_space<vmem>> -> memref<32xf32, #tpu.memory_space<vmem>>
    %dma_wait3A_566 = arith.constant 0 : i32
    %dma_wait3A_567 = tpu.memref_slice %arg5[%dma_wait3A_561, %dma_wait3A_566] : memref<100000x32xf32, #tpu.memory_space<hbm>> -> memref<1x32xf32, #tpu.memory_space<hbm>>
    %dma_wait3A_568 = tpu.memref_squeeze %dma_wait3A_567 : memref<1x32xf32, #tpu.memory_space<hbm>> -> memref<32xf32, #tpu.memory_space<hbm>>
    %dma_wait3A_569 = arith.constant 0 : i32
    %dma_wait3A_570 = tpu.memref_slice %arg11[%dma_wait3A_562, %dma_wait3A_569] : memref<256x32xf32, #tpu.memory_space<vmem>> -> memref<1x32xf32, #tpu.memory_space<vmem>>
    %dma_wait3A_571 = tpu.memref_squeeze %dma_wait3A_570 : memref<1x32xf32, #tpu.memory_space<vmem>> -> memref<32xf32, #tpu.memory_space<vmem>>
    %dma_wait3A_572 = arith.constant 0 : i32
    %dma_wait3A_573 = tpu.memref_slice %arg5[%dma_wait3A_561, %dma_wait3A_572] : memref<100000x32xf32, #tpu.memory_space<hbm>> -> memref<1x32xf32, #tpu.memory_space<hbm>>
    %dma_wait3A_574 = tpu.memref_squeeze %dma_wait3A_573 : memref<1x32xf32, #tpu.memory_space<hbm>> -> memref<32xf32, #tpu.memory_space<hbm>>
    tpu.wait_dma2 semaphore(%arg12 : memref<!tpu.dma_semaphore, #tpu.memory_space<semaphore_mem>>) src(%dma_wait3A_574 : memref<32xf32, #tpu.memory_space<hbm>>) dst(%dma_wait3A_571 : memref<32xf32, #tpu.memory_space<vmem>>)
    %dma_wait3A_575 = arith.constant 0 : i32
    %dma_wait3A_576 = arith.constant 0 : i32
    %dma_wait3A_577 = arith.constant 0 : i32
    %dma_wait3A_578 = tpu.memref_slice %arg10[%dma_wait3A_576, %dma_wait3A_577] : memref<256x32xf32, #tpu.memory_space<vmem>> -> memref<1x32xf32, #tpu.memory_space<vmem>>
    %dma_wait3A_579 = tpu.memref_squeeze %dma_wait3A_578 : memref<1x32xf32, #tpu.memory_space<vmem>> -> memref<32xf32, #tpu.memory_space<vmem>>
    %dma_wait3A_580 = arith.constant 0 : i32
    %dma_wait3A_581 = tpu.memref_slice %arg4[%dma_wait3A_575, %dma_wait3A_580] : memref<1000000x32xf32, #tpu.memory_space<hbm>> -> memref<1x32xf32, #tpu.memory_space<hbm>>
    %dma_wait3A_582 = tpu.memref_squeeze %dma_wait3A_581 : memref<1x32xf32, #tpu.memory_space<hbm>> -> memref<32xf32, #tpu.memory_space<hbm>>
    %dma_wait3A_583 = arith.constant 0 : i32
    %dma_wait3A_584 = tpu.memref_slice %arg10[%dma_wait3A_576, %dma_wait3A_583] : memref<256x32xf32, #tpu.memory_space<vmem>> -> memref<1x32xf32, #tpu.memory_space<vmem>>
    %dma_wait3A_585 = tpu.memref_squeeze %dma_wait3A_584 : memref<1x32xf32, #tpu.memory_space<vmem>> -> memref<32xf32, #tpu.memory_space<vmem>>
    %dma_wait3A_586 = arith.constant 0 : i32
    %dma_wait3A_587 = tpu.memref_slice %arg4[%dma_wait3A_575, %dma_wait3A_586] : memref<1000000x32xf32, #tpu.memory_space<hbm>> -> memref<1x32xf32, #tpu.memory_space<hbm>>
    %dma_wait3A_588 = tpu.memref_squeeze %dma_wait3A_587 : memref<1x32xf32, #tpu.memory_space<hbm>> -> memref<32xf32, #tpu.memory_space<hbm>>
    tpu.wait_dma2 semaphore(%arg12 : memref<!tpu.dma_semaphore, #tpu.memory_space<semaphore_mem>>) src(%dma_wait3A_588 : memref<32xf32, #tpu.memory_space<hbm>>) dst(%dma_wait3A_585 : memref<32xf32, #tpu.memory_space<vmem>>)
    %dma_wait3A_589 = arith.constant 0 : i32
    %dma_wait3A_590 = arith.constant 0 : i32
    %dma_wait3A_591 = arith.constant 0 : i32
    %dma_wait3A_592 = tpu.memref_slice %arg11[%dma_wait3A_590, %dma_wait3A_591] : memref<256x32xf32, #tpu.memory_space<vmem>> -> memref<1x32xf32, #tpu.memory_space<vmem>>
    %dma_wait3A_593 = tpu.memref_squeeze %dma_wait3A_592 : memref<1x32xf32, #tpu.memory_space<vmem>> -> memref<32xf32, #tpu.memory_space<vmem>>
    %dma_wait3A_594 = arith.constant 0 : i32
    %dma_wait3A_595 = tpu.memref_slice %arg5[%dma_wait3A_589, %dma_wait3A_594] : memref<100000x32xf32, #tpu.memory_space<hbm>> -> memref<1x32xf32, #tpu.memory_space<hbm>>
    %dma_wait3A_596 = tpu.memref_squeeze %dma_wait3A_595 : memref<1x32xf32, #tpu.memory_space<hbm>> -> memref<32xf32, #tpu.memory_space<hbm>>
    %dma_wait3A_597 = arith.constant 0 : i32
    %dma_wait3A_598 = tpu.memref_slice %arg11[%dma_wait3A_590, %dma_wait3A_597] : memref<256x32xf32, #tpu.memory_space<vmem>> -> memref<1x32xf32, #tpu.memory_space<vmem>>
    %dma_wait3A_599 = tpu.memref_squeeze %dma_wait3A_598 : memref<1x32xf32, #tpu.memory_space<vmem>> -> memref<32xf32, #tpu.memory_space<vmem>>
    %dma_wait3A_600 = arith.constant 0 : i32
    %dma_wait3A_601 = tpu.memref_slice %arg5[%dma_wait3A_589, %dma_wait3A_600] : memref<100000x32xf32, #tpu.memory_space<hbm>> -> memref<1x32xf32, #tpu.memory_space<hbm>>
    %dma_wait3A_602 = tpu.memref_squeeze %dma_wait3A_601 : memref<1x32xf32, #tpu.memory_space<hbm>> -> memref<32xf32, #tpu.memory_space<hbm>>
    tpu.wait_dma2 semaphore(%arg12 : memref<!tpu.dma_semaphore, #tpu.memory_space<semaphore_mem>>) src(%dma_wait3A_602 : memref<32xf32, #tpu.memory_space<hbm>>) dst(%dma_wait3A_599 : memref<32xf32, #tpu.memory_space<vmem>>)
    %dma_wait3A_603 = arith.constant 0 : i32
    %dma_wait3A_604 = arith.constant 0 : i32
    %dma_wait3A_605 = arith.constant 0 : i32
    %dma_wait3A_606 = tpu.memref_slice %arg10[%dma_wait3A_604, %dma_wait3A_605] : memref<256x32xf32, #tpu.memory_space<vmem>> -> memref<1x32xf32, #tpu.memory_space<vmem>>
    %dma_wait3A_607 = tpu.memref_squeeze %dma_wait3A_606 : memref<1x32xf32, #tpu.memory_space<vmem>> -> memref<32xf32, #tpu.memory_space<vmem>>
    %dma_wait3A_608 = arith.constant 0 : i32
    %dma_wait3A_609 = tpu.memref_slice %arg4[%dma_wait3A_603, %dma_wait3A_608] : memref<1000000x32xf32, #tpu.memory_space<hbm>> -> memref<1x32xf32, #tpu.memory_space<hbm>>
    %dma_wait3A_610 = tpu.memref_squeeze %dma_wait3A_609 : memref<1x32xf32, #tpu.memory_space<hbm>> -> memref<32xf32, #tpu.memory_space<hbm>>
    %dma_wait3A_611 = arith.constant 0 : i32
    %dma_wait3A_612 = tpu.memref_slice %arg10[%dma_wait3A_604, %dma_wait3A_611] : memref<256x32xf32, #tpu.memory_space<vmem>> -> memref<1x32xf32, #tpu.memory_space<vmem>>
    %dma_wait3A_613 = tpu.memref_squeeze %dma_wait3A_612 : memref<1x32xf32, #tpu.memory_space<vmem>> -> memref<32xf32, #tpu.memory_space<vmem>>
    %dma_wait3A_614 = arith.constant 0 : i32
    %dma_wait3A_615 = tpu.memref_slice %arg4[%dma_wait3A_603, %dma_wait3A_614] : memref<1000000x32xf32, #tpu.memory_space<hbm>> -> memref<1x32xf32, #tpu.memory_space<hbm>>
    %dma_wait3A_616 = tpu.memref_squeeze %dma_wait3A_615 : memref<1x32xf32, #tpu.memory_space<hbm>> -> memref<32xf32, #tpu.memory_space<hbm>>
    tpu.wait_dma2 semaphore(%arg12 : memref<!tpu.dma_semaphore, #tpu.memory_space<semaphore_mem>>) src(%dma_wait3A_616 : memref<32xf32, #tpu.memory_space<hbm>>) dst(%dma_wait3A_613 : memref<32xf32, #tpu.memory_space<vmem>>)
    %dma_wait3A_617 = arith.constant 0 : i32
    %dma_wait3A_618 = arith.constant 0 : i32
    %dma_wait3A_619 = arith.constant 0 : i32
    %dma_wait3A_620 = tpu.memref_slice %arg11[%dma_wait3A_618, %dma_wait3A_619] : memref<256x32xf32, #tpu.memory_space<vmem>> -> memref<1x32xf32, #tpu.memory_space<vmem>>
    %dma_wait3A_621 = tpu.memref_squeeze %dma_wait3A_620 : memref<1x32xf32, #tpu.memory_space<vmem>> -> memref<32xf32, #tpu.memory_space<vmem>>
    %dma_wait3A_622 = arith.constant 0 : i32
    %dma_wait3A_623 = tpu.memref_slice %arg5[%dma_wait3A_617, %dma_wait3A_622] : memref<100000x32xf32, #tpu.memory_space<hbm>> -> memref<1x32xf32, #tpu.memory_space<hbm>>
    %dma_wait3A_624 = tpu.memref_squeeze %dma_wait3A_623 : memref<1x32xf32, #tpu.memory_space<hbm>> -> memref<32xf32, #tpu.memory_space<hbm>>
    %dma_wait3A_625 = arith.constant 0 : i32
    %dma_wait3A_626 = tpu.memref_slice %arg11[%dma_wait3A_618, %dma_wait3A_625] : memref<256x32xf32, #tpu.memory_space<vmem>> -> memref<1x32xf32, #tpu.memory_space<vmem>>
    %dma_wait3A_627 = tpu.memref_squeeze %dma_wait3A_626 : memref<1x32xf32, #tpu.memory_space<vmem>> -> memref<32xf32, #tpu.memory_space<vmem>>
    %dma_wait3A_628 = arith.constant 0 : i32
    %dma_wait3A_629 = tpu.memref_slice %arg5[%dma_wait3A_617, %dma_wait3A_628] : memref<100000x32xf32, #tpu.memory_space<hbm>> -> memref<1x32xf32, #tpu.memory_space<hbm>>
    %dma_wait3A_630 = tpu.memref_squeeze %dma_wait3A_629 : memref<1x32xf32, #tpu.memory_space<hbm>> -> memref<32xf32, #tpu.memory_space<hbm>>
    tpu.wait_dma2 semaphore(%arg12 : memref<!tpu.dma_semaphore, #tpu.memory_space<semaphore_mem>>) src(%dma_wait3A_630 : memref<32xf32, #tpu.memory_space<hbm>>) dst(%dma_wait3A_627 : memref<32xf32, #tpu.memory_space<vmem>>)
    %dma_wait3A_631 = arith.constant 0 : i32
    %dma_wait3A_632 = arith.constant 0 : i32
    %dma_wait3A_633 = arith.constant 0 : i32
    %dma_wait3A_634 = tpu.memref_slice %arg10[%dma_wait3A_632, %dma_wait3A_633] : memref<256x32xf32, #tpu.memory_space<vmem>> -> memref<1x32xf32, #tpu.memory_space<vmem>>
    %dma_wait3A_635 = tpu.memref_squeeze %dma_wait3A_634 : memref<1x32xf32, #tpu.memory_space<vmem>> -> memref<32xf32, #tpu.memory_space<vmem>>
    %dma_wait3A_636 = arith.constant 0 : i32
    %dma_wait3A_637 = tpu.memref_slice %arg4[%dma_wait3A_631, %dma_wait3A_636] : memref<1000000x32xf32, #tpu.memory_space<hbm>> -> memref<1x32xf32, #tpu.memory_space<hbm>>
    %dma_wait3A_638 = tpu.memref_squeeze %dma_wait3A_637 : memref<1x32xf32, #tpu.memory_space<hbm>> -> memref<32xf32, #tpu.memory_space<hbm>>
    %dma_wait3A_639 = arith.constant 0 : i32
    %dma_wait3A_640 = tpu.memref_slice %arg10[%dma_wait3A_632, %dma_wait3A_639] : memref<256x32xf32, #tpu.memory_space<vmem>> -> memref<1x32xf32, #tpu.memory_space<vmem>>
    %dma_wait3A_641 = tpu.memref_squeeze %dma_wait3A_640 : memref<1x32xf32, #tpu.memory_space<vmem>> -> memref<32xf32, #tpu.memory_space<vmem>>
    %dma_wait3A_642 = arith.constant 0 : i32
    %dma_wait3A_643 = tpu.memref_slice %arg4[%dma_wait3A_631, %dma_wait3A_642] : memref<1000000x32xf32, #tpu.memory_space<hbm>> -> memref<1x32xf32, #tpu.memory_space<hbm>>
    %dma_wait3A_644 = tpu.memref_squeeze %dma_wait3A_643 : memref<1x32xf32, #tpu.memory_space<hbm>> -> memref<32xf32, #tpu.memory_space<hbm>>
    tpu.wait_dma2 semaphore(%arg12 : memref<!tpu.dma_semaphore, #tpu.memory_space<semaphore_mem>>) src(%dma_wait3A_644 : memref<32xf32, #tpu.memory_space<hbm>>) dst(%dma_wait3A_641 : memref<32xf32, #tpu.memory_space<vmem>>)
    %dma_wait3A_645 = arith.constant 0 : i32
    %dma_wait3A_646 = arith.constant 0 : i32
    %dma_wait3A_647 = arith.constant 0 : i32
    %dma_wait3A_648 = tpu.memref_slice %arg11[%dma_wait3A_646, %dma_wait3A_647] : memref<256x32xf32, #tpu.memory_space<vmem>> -> memref<1x32xf32, #tpu.memory_space<vmem>>
    %dma_wait3A_649 = tpu.memref_squeeze %dma_wait3A_648 : memref<1x32xf32, #tpu.memory_space<vmem>> -> memref<32xf32, #tpu.memory_space<vmem>>
    %dma_wait3A_650 = arith.constant 0 : i32
    %dma_wait3A_651 = tpu.memref_slice %arg5[%dma_wait3A_645, %dma_wait3A_650] : memref<100000x32xf32, #tpu.memory_space<hbm>> -> memref<1x32xf32, #tpu.memory_space<hbm>>
    %dma_wait3A_652 = tpu.memref_squeeze %dma_wait3A_651 : memref<1x32xf32, #tpu.memory_space<hbm>> -> memref<32xf32, #tpu.memory_space<hbm>>
    %dma_wait3A_653 = arith.constant 0 : i32
    %dma_wait3A_654 = tpu.memref_slice %arg11[%dma_wait3A_646, %dma_wait3A_653] : memref<256x32xf32, #tpu.memory_space<vmem>> -> memref<1x32xf32, #tpu.memory_space<vmem>>
    %dma_wait3A_655 = tpu.memref_squeeze %dma_wait3A_654 : memref<1x32xf32, #tpu.memory_space<vmem>> -> memref<32xf32, #tpu.memory_space<vmem>>
    %dma_wait3A_656 = arith.constant 0 : i32
    %dma_wait3A_657 = tpu.memref_slice %arg5[%dma_wait3A_645, %dma_wait3A_656] : memref<100000x32xf32, #tpu.memory_space<hbm>> -> memref<1x32xf32, #tpu.memory_space<hbm>>
    %dma_wait3A_658 = tpu.memref_squeeze %dma_wait3A_657 : memref<1x32xf32, #tpu.memory_space<hbm>> -> memref<32xf32, #tpu.memory_space<hbm>>
    tpu.wait_dma2 semaphore(%arg12 : memref<!tpu.dma_semaphore, #tpu.memory_space<semaphore_mem>>) src(%dma_wait3A_658 : memref<32xf32, #tpu.memory_space<hbm>>) dst(%dma_wait3A_655 : memref<32xf32, #tpu.memory_space<vmem>>)
    %dma_wait3A_659 = arith.constant 0 : i32
    %dma_wait3A_660 = arith.constant 0 : i32
    %dma_wait3A_661 = arith.constant 0 : i32
    %dma_wait3A_662 = tpu.memref_slice %arg10[%dma_wait3A_660, %dma_wait3A_661] : memref<256x32xf32, #tpu.memory_space<vmem>> -> memref<1x32xf32, #tpu.memory_space<vmem>>
    %dma_wait3A_663 = tpu.memref_squeeze %dma_wait3A_662 : memref<1x32xf32, #tpu.memory_space<vmem>> -> memref<32xf32, #tpu.memory_space<vmem>>
    %dma_wait3A_664 = arith.constant 0 : i32
    %dma_wait3A_665 = tpu.memref_slice %arg4[%dma_wait3A_659, %dma_wait3A_664] : memref<1000000x32xf32, #tpu.memory_space<hbm>> -> memref<1x32xf32, #tpu.memory_space<hbm>>
    %dma_wait3A_666 = tpu.memref_squeeze %dma_wait3A_665 : memref<1x32xf32, #tpu.memory_space<hbm>> -> memref<32xf32, #tpu.memory_space<hbm>>
    %dma_wait3A_667 = arith.constant 0 : i32
    %dma_wait3A_668 = tpu.memref_slice %arg10[%dma_wait3A_660, %dma_wait3A_667] : memref<256x32xf32, #tpu.memory_space<vmem>> -> memref<1x32xf32, #tpu.memory_space<vmem>>
    %dma_wait3A_669 = tpu.memref_squeeze %dma_wait3A_668 : memref<1x32xf32, #tpu.memory_space<vmem>> -> memref<32xf32, #tpu.memory_space<vmem>>
    %dma_wait3A_670 = arith.constant 0 : i32
    %dma_wait3A_671 = tpu.memref_slice %arg4[%dma_wait3A_659, %dma_wait3A_670] : memref<1000000x32xf32, #tpu.memory_space<hbm>> -> memref<1x32xf32, #tpu.memory_space<hbm>>
    %dma_wait3A_672 = tpu.memref_squeeze %dma_wait3A_671 : memref<1x32xf32, #tpu.memory_space<hbm>> -> memref<32xf32, #tpu.memory_space<hbm>>
    tpu.wait_dma2 semaphore(%arg12 : memref<!tpu.dma_semaphore, #tpu.memory_space<semaphore_mem>>) src(%dma_wait3A_672 : memref<32xf32, #tpu.memory_space<hbm>>) dst(%dma_wait3A_669 : memref<32xf32, #tpu.memory_space<vmem>>)
    %dma_wait3A_673 = arith.constant 0 : i32
    %dma_wait3A_674 = arith.constant 0 : i32
    %dma_wait3A_675 = arith.constant 0 : i32
    %dma_wait3A_676 = tpu.memref_slice %arg11[%dma_wait3A_674, %dma_wait3A_675] : memref<256x32xf32, #tpu.memory_space<vmem>> -> memref<1x32xf32, #tpu.memory_space<vmem>>
    %dma_wait3A_677 = tpu.memref_squeeze %dma_wait3A_676 : memref<1x32xf32, #tpu.memory_space<vmem>> -> memref<32xf32, #tpu.memory_space<vmem>>
    %dma_wait3A_678 = arith.constant 0 : i32
    %dma_wait3A_679 = tpu.memref_slice %arg5[%dma_wait3A_673, %dma_wait3A_678] : memref<100000x32xf32, #tpu.memory_space<hbm>> -> memref<1x32xf32, #tpu.memory_space<hbm>>
    %dma_wait3A_680 = tpu.memref_squeeze %dma_wait3A_679 : memref<1x32xf32, #tpu.memory_space<hbm>> -> memref<32xf32, #tpu.memory_space<hbm>>
    %dma_wait3A_681 = arith.constant 0 : i32
    %dma_wait3A_682 = tpu.memref_slice %arg11[%dma_wait3A_674, %dma_wait3A_681] : memref<256x32xf32, #tpu.memory_space<vmem>> -> memref<1x32xf32, #tpu.memory_space<vmem>>
    %dma_wait3A_683 = tpu.memref_squeeze %dma_wait3A_682 : memref<1x32xf32, #tpu.memory_space<vmem>> -> memref<32xf32, #tpu.memory_space<vmem>>
    %dma_wait3A_684 = arith.constant 0 : i32
    %dma_wait3A_685 = tpu.memref_slice %arg5[%dma_wait3A_673, %dma_wait3A_684] : memref<100000x32xf32, #tpu.memory_space<hbm>> -> memref<1x32xf32, #tpu.memory_space<hbm>>
    %dma_wait3A_686 = tpu.memref_squeeze %dma_wait3A_685 : memref<1x32xf32, #tpu.memory_space<hbm>> -> memref<32xf32, #tpu.memory_space<hbm>>
    tpu.wait_dma2 semaphore(%arg12 : memref<!tpu.dma_semaphore, #tpu.memory_space<semaphore_mem>>) src(%dma_wait3A_686 : memref<32xf32, #tpu.memory_space<hbm>>) dst(%dma_wait3A_683 : memref<32xf32, #tpu.memory_space<vmem>>)
    %dma_wait3A_687 = arith.constant 0 : i32
    %dma_wait3A_688 = arith.constant 0 : i32
    %dma_wait3A_689 = arith.constant 0 : i32
    %dma_wait3A_690 = tpu.memref_slice %arg10[%dma_wait3A_688, %dma_wait3A_689] : memref<256x32xf32, #tpu.memory_space<vmem>> -> memref<1x32xf32, #tpu.memory_space<vmem>>
    %dma_wait3A_691 = tpu.memref_squeeze %dma_wait3A_690 : memref<1x32xf32, #tpu.memory_space<vmem>> -> memref<32xf32, #tpu.memory_space<vmem>>
    %dma_wait3A_692 = arith.constant 0 : i32
    %dma_wait3A_693 = tpu.memref_slice %arg4[%dma_wait3A_687, %dma_wait3A_692] : memref<1000000x32xf32, #tpu.memory_space<hbm>> -> memref<1x32xf32, #tpu.memory_space<hbm>>
    %dma_wait3A_694 = tpu.memref_squeeze %dma_wait3A_693 : memref<1x32xf32, #tpu.memory_space<hbm>> -> memref<32xf32, #tpu.memory_space<hbm>>
    %dma_wait3A_695 = arith.constant 0 : i32
    %dma_wait3A_696 = tpu.memref_slice %arg10[%dma_wait3A_688, %dma_wait3A_695] : memref<256x32xf32, #tpu.memory_space<vmem>> -> memref<1x32xf32, #tpu.memory_space<vmem>>
    %dma_wait3A_697 = tpu.memref_squeeze %dma_wait3A_696 : memref<1x32xf32, #tpu.memory_space<vmem>> -> memref<32xf32, #tpu.memory_space<vmem>>
    %dma_wait3A_698 = arith.constant 0 : i32
    %dma_wait3A_699 = tpu.memref_slice %arg4[%dma_wait3A_687, %dma_wait3A_698] : memref<1000000x32xf32, #tpu.memory_space<hbm>> -> memref<1x32xf32, #tpu.memory_space<hbm>>
    %dma_wait3A_700 = tpu.memref_squeeze %dma_wait3A_699 : memref<1x32xf32, #tpu.memory_space<hbm>> -> memref<32xf32, #tpu.memory_space<hbm>>
    tpu.wait_dma2 semaphore(%arg12 : memref<!tpu.dma_semaphore, #tpu.memory_space<semaphore_mem>>) src(%dma_wait3A_700 : memref<32xf32, #tpu.memory_space<hbm>>) dst(%dma_wait3A_697 : memref<32xf32, #tpu.memory_space<vmem>>)
    %dma_wait3A_701 = arith.constant 0 : i32
    %dma_wait3A_702 = arith.constant 0 : i32
    %dma_wait3A_703 = arith.constant 0 : i32
    %dma_wait3A_704 = tpu.memref_slice %arg11[%dma_wait3A_702, %dma_wait3A_703] : memref<256x32xf32, #tpu.memory_space<vmem>> -> memref<1x32xf32, #tpu.memory_space<vmem>>
    %dma_wait3A_705 = tpu.memref_squeeze %dma_wait3A_704 : memref<1x32xf32, #tpu.memory_space<vmem>> -> memref<32xf32, #tpu.memory_space<vmem>>
    %dma_wait3A_706 = arith.constant 0 : i32
    %dma_wait3A_707 = tpu.memref_slice %arg5[%dma_wait3A_701, %dma_wait3A_706] : memref<100000x32xf32, #tpu.memory_space<hbm>> -> memref<1x32xf32, #tpu.memory_space<hbm>>
    %dma_wait3A_708 = tpu.memref_squeeze %dma_wait3A_707 : memref<1x32xf32, #tpu.memory_space<hbm>> -> memref<32xf32, #tpu.memory_space<hbm>>
    %dma_wait3A_709 = arith.constant 0 : i32
    %dma_wait3A_710 = tpu.memref_slice %arg11[%dma_wait3A_702, %dma_wait3A_709] : memref<256x32xf32, #tpu.memory_space<vmem>> -> memref<1x32xf32, #tpu.memory_space<vmem>>
    %dma_wait3A_711 = tpu.memref_squeeze %dma_wait3A_710 : memref<1x32xf32, #tpu.memory_space<vmem>> -> memref<32xf32, #tpu.memory_space<vmem>>
    %dma_wait3A_712 = arith.constant 0 : i32
    %dma_wait3A_713 = tpu.memref_slice %arg5[%dma_wait3A_701, %dma_wait3A_712] : memref<100000x32xf32, #tpu.memory_space<hbm>> -> memref<1x32xf32, #tpu.memory_space<hbm>>
    %dma_wait3A_714 = tpu.memref_squeeze %dma_wait3A_713 : memref<1x32xf32, #tpu.memory_space<hbm>> -> memref<32xf32, #tpu.memory_space<hbm>>
    tpu.wait_dma2 semaphore(%arg12 : memref<!tpu.dma_semaphore, #tpu.memory_space<semaphore_mem>>) src(%dma_wait3A_714 : memref<32xf32, #tpu.memory_space<hbm>>) dst(%dma_wait3A_711 : memref<32xf32, #tpu.memory_space<vmem>>)
    %dma_wait3A_715 = arith.constant 0 : i32
    %dma_wait3A_716 = arith.constant 0 : i32
    %dma_wait3A_717 = arith.constant 0 : i32
    %dma_wait3A_718 = tpu.memref_slice %arg10[%dma_wait3A_716, %dma_wait3A_717] : memref<256x32xf32, #tpu.memory_space<vmem>> -> memref<1x32xf32, #tpu.memory_space<vmem>>
    %dma_wait3A_719 = tpu.memref_squeeze %dma_wait3A_718 : memref<1x32xf32, #tpu.memory_space<vmem>> -> memref<32xf32, #tpu.memory_space<vmem>>
    %dma_wait3A_720 = arith.constant 0 : i32
    %dma_wait3A_721 = tpu.memref_slice %arg4[%dma_wait3A_715, %dma_wait3A_720] : memref<1000000x32xf32, #tpu.memory_space<hbm>> -> memref<1x32xf32, #tpu.memory_space<hbm>>
    %dma_wait3A_722 = tpu.memref_squeeze %dma_wait3A_721 : memref<1x32xf32, #tpu.memory_space<hbm>> -> memref<32xf32, #tpu.memory_space<hbm>>
    %dma_wait3A_723 = arith.constant 0 : i32
    %dma_wait3A_724 = tpu.memref_slice %arg10[%dma_wait3A_716, %dma_wait3A_723] : memref<256x32xf32, #tpu.memory_space<vmem>> -> memref<1x32xf32, #tpu.memory_space<vmem>>
    %dma_wait3A_725 = tpu.memref_squeeze %dma_wait3A_724 : memref<1x32xf32, #tpu.memory_space<vmem>> -> memref<32xf32, #tpu.memory_space<vmem>>
    %dma_wait3A_726 = arith.constant 0 : i32
    %dma_wait3A_727 = tpu.memref_slice %arg4[%dma_wait3A_715, %dma_wait3A_726] : memref<1000000x32xf32, #tpu.memory_space<hbm>> -> memref<1x32xf32, #tpu.memory_space<hbm>>
    %dma_wait3A_728 = tpu.memref_squeeze %dma_wait3A_727 : memref<1x32xf32, #tpu.memory_space<hbm>> -> memref<32xf32, #tpu.memory_space<hbm>>
    tpu.wait_dma2 semaphore(%arg12 : memref<!tpu.dma_semaphore, #tpu.memory_space<semaphore_mem>>) src(%dma_wait3A_728 : memref<32xf32, #tpu.memory_space<hbm>>) dst(%dma_wait3A_725 : memref<32xf32, #tpu.memory_space<vmem>>)
    %dma_wait3A_729 = arith.constant 0 : i32
    %dma_wait3A_730 = arith.constant 0 : i32
    %dma_wait3A_731 = arith.constant 0 : i32
    %dma_wait3A_732 = tpu.memref_slice %arg11[%dma_wait3A_730, %dma_wait3A_731] : memref<256x32xf32, #tpu.memory_space<vmem>> -> memref<1x32xf32, #tpu.memory_space<vmem>>
    %dma_wait3A_733 = tpu.memref_squeeze %dma_wait3A_732 : memref<1x32xf32, #tpu.memory_space<vmem>> -> memref<32xf32, #tpu.memory_space<vmem>>
    %dma_wait3A_734 = arith.constant 0 : i32
    %dma_wait3A_735 = tpu.memref_slice %arg5[%dma_wait3A_729, %dma_wait3A_734] : memref<100000x32xf32, #tpu.memory_space<hbm>> -> memref<1x32xf32, #tpu.memory_space<hbm>>
    %dma_wait3A_736 = tpu.memref_squeeze %dma_wait3A_735 : memref<1x32xf32, #tpu.memory_space<hbm>> -> memref<32xf32, #tpu.memory_space<hbm>>
    %dma_wait3A_737 = arith.constant 0 : i32
    %dma_wait3A_738 = tpu.memref_slice %arg11[%dma_wait3A_730, %dma_wait3A_737] : memref<256x32xf32, #tpu.memory_space<vmem>> -> memref<1x32xf32, #tpu.memory_space<vmem>>
    %dma_wait3A_739 = tpu.memref_squeeze %dma_wait3A_738 : memref<1x32xf32, #tpu.memory_space<vmem>> -> memref<32xf32, #tpu.memory_space<vmem>>
    %dma_wait3A_740 = arith.constant 0 : i32
    %dma_wait3A_741 = tpu.memref_slice %arg5[%dma_wait3A_729, %dma_wait3A_740] : memref<100000x32xf32, #tpu.memory_space<hbm>> -> memref<1x32xf32, #tpu.memory_space<hbm>>
    %dma_wait3A_742 = tpu.memref_squeeze %dma_wait3A_741 : memref<1x32xf32, #tpu.memory_space<hbm>> -> memref<32xf32, #tpu.memory_space<hbm>>
    tpu.wait_dma2 semaphore(%arg12 : memref<!tpu.dma_semaphore, #tpu.memory_space<semaphore_mem>>) src(%dma_wait3A_742 : memref<32xf32, #tpu.memory_space<hbm>>) dst(%dma_wait3A_739 : memref<32xf32, #tpu.memory_space<vmem>>)
    %dma_wait3A_743 = arith.constant 0 : i32
    %dma_wait3A_744 = arith.constant 0 : i32
    %dma_wait3A_745 = arith.constant 0 : i32
    %dma_wait3A_746 = tpu.memref_slice %arg10[%dma_wait3A_744, %dma_wait3A_745] : memref<256x32xf32, #tpu.memory_space<vmem>> -> memref<1x32xf32, #tpu.memory_space<vmem>>
    %dma_wait3A_747 = tpu.memref_squeeze %dma_wait3A_746 : memref<1x32xf32, #tpu.memory_space<vmem>> -> memref<32xf32, #tpu.memory_space<vmem>>
    %dma_wait3A_748 = arith.constant 0 : i32
    %dma_wait3A_749 = tpu.memref_slice %arg4[%dma_wait3A_743, %dma_wait3A_748] : memref<1000000x32xf32, #tpu.memory_space<hbm>> -> memref<1x32xf32, #tpu.memory_space<hbm>>
    %dma_wait3A_750 = tpu.memref_squeeze %dma_wait3A_749 : memref<1x32xf32, #tpu.memory_space<hbm>> -> memref<32xf32, #tpu.memory_space<hbm>>
    %dma_wait3A_751 = arith.constant 0 : i32
    %dma_wait3A_752 = tpu.memref_slice %arg10[%dma_wait3A_744, %dma_wait3A_751] : memref<256x32xf32, #tpu.memory_space<vmem>> -> memref<1x32xf32, #tpu.memory_space<vmem>>
    %dma_wait3A_753 = tpu.memref_squeeze %dma_wait3A_752 : memref<1x32xf32, #tpu.memory_space<vmem>> -> memref<32xf32, #tpu.memory_space<vmem>>
    %dma_wait3A_754 = arith.constant 0 : i32
    %dma_wait3A_755 = tpu.memref_slice %arg4[%dma_wait3A_743, %dma_wait3A_754] : memref<1000000x32xf32, #tpu.memory_space<hbm>> -> memref<1x32xf32, #tpu.memory_space<hbm>>
    %dma_wait3A_756 = tpu.memref_squeeze %dma_wait3A_755 : memref<1x32xf32, #tpu.memory_space<hbm>> -> memref<32xf32, #tpu.memory_space<hbm>>
    tpu.wait_dma2 semaphore(%arg12 : memref<!tpu.dma_semaphore, #tpu.memory_space<semaphore_mem>>) src(%dma_wait3A_756 : memref<32xf32, #tpu.memory_space<hbm>>) dst(%dma_wait3A_753 : memref<32xf32, #tpu.memory_space<vmem>>)
    %dma_wait3A_757 = arith.constant 0 : i32
    %dma_wait3A_758 = arith.constant 0 : i32
    %dma_wait3A_759 = arith.constant 0 : i32
    %dma_wait3A_760 = tpu.memref_slice %arg11[%dma_wait3A_758, %dma_wait3A_759] : memref<256x32xf32, #tpu.memory_space<vmem>> -> memref<1x32xf32, #tpu.memory_space<vmem>>
    %dma_wait3A_761 = tpu.memref_squeeze %dma_wait3A_760 : memref<1x32xf32, #tpu.memory_space<vmem>> -> memref<32xf32, #tpu.memory_space<vmem>>
    %dma_wait3A_762 = arith.constant 0 : i32
    %dma_wait3A_763 = tpu.memref_slice %arg5[%dma_wait3A_757, %dma_wait3A_762] : memref<100000x32xf32, #tpu.memory_space<hbm>> -> memref<1x32xf32, #tpu.memory_space<hbm>>
    %dma_wait3A_764 = tpu.memref_squeeze %dma_wait3A_763 : memref<1x32xf32, #tpu.memory_space<hbm>> -> memref<32xf32, #tpu.memory_space<hbm>>
    %dma_wait3A_765 = arith.constant 0 : i32
    %dma_wait3A_766 = tpu.memref_slice %arg11[%dma_wait3A_758, %dma_wait3A_765] : memref<256x32xf32, #tpu.memory_space<vmem>> -> memref<1x32xf32, #tpu.memory_space<vmem>>
    %dma_wait3A_767 = tpu.memref_squeeze %dma_wait3A_766 : memref<1x32xf32, #tpu.memory_space<vmem>> -> memref<32xf32, #tpu.memory_space<vmem>>
    %dma_wait3A_768 = arith.constant 0 : i32
    %dma_wait3A_769 = tpu.memref_slice %arg5[%dma_wait3A_757, %dma_wait3A_768] : memref<100000x32xf32, #tpu.memory_space<hbm>> -> memref<1x32xf32, #tpu.memory_space<hbm>>
    %dma_wait3A_770 = tpu.memref_squeeze %dma_wait3A_769 : memref<1x32xf32, #tpu.memory_space<hbm>> -> memref<32xf32, #tpu.memory_space<hbm>>
    tpu.wait_dma2 semaphore(%arg12 : memref<!tpu.dma_semaphore, #tpu.memory_space<semaphore_mem>>) src(%dma_wait3A_770 : memref<32xf32, #tpu.memory_space<hbm>>) dst(%dma_wait3A_767 : memref<32xf32, #tpu.memory_space<vmem>>)
    %dma_wait3A_771 = arith.constant 0 : i32
    %dma_wait3A_772 = arith.constant 0 : i32
    %dma_wait3A_773 = arith.constant 0 : i32
    %dma_wait3A_774 = tpu.memref_slice %arg10[%dma_wait3A_772, %dma_wait3A_773] : memref<256x32xf32, #tpu.memory_space<vmem>> -> memref<1x32xf32, #tpu.memory_space<vmem>>
    %dma_wait3A_775 = tpu.memref_squeeze %dma_wait3A_774 : memref<1x32xf32, #tpu.memory_space<vmem>> -> memref<32xf32, #tpu.memory_space<vmem>>
    %dma_wait3A_776 = arith.constant 0 : i32
    %dma_wait3A_777 = tpu.memref_slice %arg4[%dma_wait3A_771, %dma_wait3A_776] : memref<1000000x32xf32, #tpu.memory_space<hbm>> -> memref<1x32xf32, #tpu.memory_space<hbm>>
    %dma_wait3A_778 = tpu.memref_squeeze %dma_wait3A_777 : memref<1x32xf32, #tpu.memory_space<hbm>> -> memref<32xf32, #tpu.memory_space<hbm>>
    %dma_wait3A_779 = arith.constant 0 : i32
    %dma_wait3A_780 = tpu.memref_slice %arg10[%dma_wait3A_772, %dma_wait3A_779] : memref<256x32xf32, #tpu.memory_space<vmem>> -> memref<1x32xf32, #tpu.memory_space<vmem>>
    %dma_wait3A_781 = tpu.memref_squeeze %dma_wait3A_780 : memref<1x32xf32, #tpu.memory_space<vmem>> -> memref<32xf32, #tpu.memory_space<vmem>>
    %dma_wait3A_782 = arith.constant 0 : i32
    %dma_wait3A_783 = tpu.memref_slice %arg4[%dma_wait3A_771, %dma_wait3A_782] : memref<1000000x32xf32, #tpu.memory_space<hbm>> -> memref<1x32xf32, #tpu.memory_space<hbm>>
    %dma_wait3A_784 = tpu.memref_squeeze %dma_wait3A_783 : memref<1x32xf32, #tpu.memory_space<hbm>> -> memref<32xf32, #tpu.memory_space<hbm>>
    tpu.wait_dma2 semaphore(%arg12 : memref<!tpu.dma_semaphore, #tpu.memory_space<semaphore_mem>>) src(%dma_wait3A_784 : memref<32xf32, #tpu.memory_space<hbm>>) dst(%dma_wait3A_781 : memref<32xf32, #tpu.memory_space<vmem>>)
    %dma_wait3A_785 = arith.constant 0 : i32
    %dma_wait3A_786 = arith.constant 0 : i32
    %dma_wait3A_787 = arith.constant 0 : i32
    %dma_wait3A_788 = tpu.memref_slice %arg11[%dma_wait3A_786, %dma_wait3A_787] : memref<256x32xf32, #tpu.memory_space<vmem>> -> memref<1x32xf32, #tpu.memory_space<vmem>>
    %dma_wait3A_789 = tpu.memref_squeeze %dma_wait3A_788 : memref<1x32xf32, #tpu.memory_space<vmem>> -> memref<32xf32, #tpu.memory_space<vmem>>
    %dma_wait3A_790 = arith.constant 0 : i32
    %dma_wait3A_791 = tpu.memref_slice %arg5[%dma_wait3A_785, %dma_wait3A_790] : memref<100000x32xf32, #tpu.memory_space<hbm>> -> memref<1x32xf32, #tpu.memory_space<hbm>>
    %dma_wait3A_792 = tpu.memref_squeeze %dma_wait3A_791 : memref<1x32xf32, #tpu.memory_space<hbm>> -> memref<32xf32, #tpu.memory_space<hbm>>
    %dma_wait3A_793 = arith.constant 0 : i32
    %dma_wait3A_794 = tpu.memref_slice %arg11[%dma_wait3A_786, %dma_wait3A_793] : memref<256x32xf32, #tpu.memory_space<vmem>> -> memref<1x32xf32, #tpu.memory_space<vmem>>
    %dma_wait3A_795 = tpu.memref_squeeze %dma_wait3A_794 : memref<1x32xf32, #tpu.memory_space<vmem>> -> memref<32xf32, #tpu.memory_space<vmem>>
    %dma_wait3A_796 = arith.constant 0 : i32
    %dma_wait3A_797 = tpu.memref_slice %arg5[%dma_wait3A_785, %dma_wait3A_796] : memref<100000x32xf32, #tpu.memory_space<hbm>> -> memref<1x32xf32, #tpu.memory_space<hbm>>
    %dma_wait3A_798 = tpu.memref_squeeze %dma_wait3A_797 : memref<1x32xf32, #tpu.memory_space<hbm>> -> memref<32xf32, #tpu.memory_space<hbm>>
    tpu.wait_dma2 semaphore(%arg12 : memref<!tpu.dma_semaphore, #tpu.memory_space<semaphore_mem>>) src(%dma_wait3A_798 : memref<32xf32, #tpu.memory_space<hbm>>) dst(%dma_wait3A_795 : memref<32xf32, #tpu.memory_space<vmem>>)
    %dma_wait3A_799 = arith.constant 0 : i32
    %dma_wait3A_800 = arith.constant 0 : i32
    %dma_wait3A_801 = arith.constant 0 : i32
    %dma_wait3A_802 = tpu.memref_slice %arg10[%dma_wait3A_800, %dma_wait3A_801] : memref<256x32xf32, #tpu.memory_space<vmem>> -> memref<1x32xf32, #tpu.memory_space<vmem>>
    %dma_wait3A_803 = tpu.memref_squeeze %dma_wait3A_802 : memref<1x32xf32, #tpu.memory_space<vmem>> -> memref<32xf32, #tpu.memory_space<vmem>>
    %dma_wait3A_804 = arith.constant 0 : i32
    %dma_wait3A_805 = tpu.memref_slice %arg4[%dma_wait3A_799, %dma_wait3A_804] : memref<1000000x32xf32, #tpu.memory_space<hbm>> -> memref<1x32xf32, #tpu.memory_space<hbm>>
    %dma_wait3A_806 = tpu.memref_squeeze %dma_wait3A_805 : memref<1x32xf32, #tpu.memory_space<hbm>> -> memref<32xf32, #tpu.memory_space<hbm>>
    %dma_wait3A_807 = arith.constant 0 : i32
    %dma_wait3A_808 = tpu.memref_slice %arg10[%dma_wait3A_800, %dma_wait3A_807] : memref<256x32xf32, #tpu.memory_space<vmem>> -> memref<1x32xf32, #tpu.memory_space<vmem>>
    %dma_wait3A_809 = tpu.memref_squeeze %dma_wait3A_808 : memref<1x32xf32, #tpu.memory_space<vmem>> -> memref<32xf32, #tpu.memory_space<vmem>>
    %dma_wait3A_810 = arith.constant 0 : i32
    %dma_wait3A_811 = tpu.memref_slice %arg4[%dma_wait3A_799, %dma_wait3A_810] : memref<1000000x32xf32, #tpu.memory_space<hbm>> -> memref<1x32xf32, #tpu.memory_space<hbm>>
    %dma_wait3A_812 = tpu.memref_squeeze %dma_wait3A_811 : memref<1x32xf32, #tpu.memory_space<hbm>> -> memref<32xf32, #tpu.memory_space<hbm>>
    tpu.wait_dma2 semaphore(%arg12 : memref<!tpu.dma_semaphore, #tpu.memory_space<semaphore_mem>>) src(%dma_wait3A_812 : memref<32xf32, #tpu.memory_space<hbm>>) dst(%dma_wait3A_809 : memref<32xf32, #tpu.memory_space<vmem>>)
    %dma_wait3A_813 = arith.constant 0 : i32
    %dma_wait3A_814 = arith.constant 0 : i32
    %dma_wait3A_815 = arith.constant 0 : i32
    %dma_wait3A_816 = tpu.memref_slice %arg11[%dma_wait3A_814, %dma_wait3A_815] : memref<256x32xf32, #tpu.memory_space<vmem>> -> memref<1x32xf32, #tpu.memory_space<vmem>>
    %dma_wait3A_817 = tpu.memref_squeeze %dma_wait3A_816 : memref<1x32xf32, #tpu.memory_space<vmem>> -> memref<32xf32, #tpu.memory_space<vmem>>
    %dma_wait3A_818 = arith.constant 0 : i32
    %dma_wait3A_819 = tpu.memref_slice %arg5[%dma_wait3A_813, %dma_wait3A_818] : memref<100000x32xf32, #tpu.memory_space<hbm>> -> memref<1x32xf32, #tpu.memory_space<hbm>>
    %dma_wait3A_820 = tpu.memref_squeeze %dma_wait3A_819 : memref<1x32xf32, #tpu.memory_space<hbm>> -> memref<32xf32, #tpu.memory_space<hbm>>
    %dma_wait3A_821 = arith.constant 0 : i32
    %dma_wait3A_822 = tpu.memref_slice %arg11[%dma_wait3A_814, %dma_wait3A_821] : memref<256x32xf32, #tpu.memory_space<vmem>> -> memref<1x32xf32, #tpu.memory_space<vmem>>
    %dma_wait3A_823 = tpu.memref_squeeze %dma_wait3A_822 : memref<1x32xf32, #tpu.memory_space<vmem>> -> memref<32xf32, #tpu.memory_space<vmem>>
    %dma_wait3A_824 = arith.constant 0 : i32
    %dma_wait3A_825 = tpu.memref_slice %arg5[%dma_wait3A_813, %dma_wait3A_824] : memref<100000x32xf32, #tpu.memory_space<hbm>> -> memref<1x32xf32, #tpu.memory_space<hbm>>
    %dma_wait3A_826 = tpu.memref_squeeze %dma_wait3A_825 : memref<1x32xf32, #tpu.memory_space<hbm>> -> memref<32xf32, #tpu.memory_space<hbm>>
    tpu.wait_dma2 semaphore(%arg12 : memref<!tpu.dma_semaphore, #tpu.memory_space<semaphore_mem>>) src(%dma_wait3A_826 : memref<32xf32, #tpu.memory_space<hbm>>) dst(%dma_wait3A_823 : memref<32xf32, #tpu.memory_space<vmem>>)
    %dma_wait3A_827 = arith.constant 0 : i32
    %dma_wait3A_828 = arith.constant 0 : i32
    %dma_wait3A_829 = arith.constant 0 : i32
    %dma_wait3A_830 = tpu.memref_slice %arg10[%dma_wait3A_828, %dma_wait3A_829] : memref<256x32xf32, #tpu.memory_space<vmem>> -> memref<1x32xf32, #tpu.memory_space<vmem>>
    %dma_wait3A_831 = tpu.memref_squeeze %dma_wait3A_830 : memref<1x32xf32, #tpu.memory_space<vmem>> -> memref<32xf32, #tpu.memory_space<vmem>>
    %dma_wait3A_832 = arith.constant 0 : i32
    %dma_wait3A_833 = tpu.memref_slice %arg4[%dma_wait3A_827, %dma_wait3A_832] : memref<1000000x32xf32, #tpu.memory_space<hbm>> -> memref<1x32xf32, #tpu.memory_space<hbm>>
    %dma_wait3A_834 = tpu.memref_squeeze %dma_wait3A_833 : memref<1x32xf32, #tpu.memory_space<hbm>> -> memref<32xf32, #tpu.memory_space<hbm>>
    %dma_wait3A_835 = arith.constant 0 : i32
    %dma_wait3A_836 = tpu.memref_slice %arg10[%dma_wait3A_828, %dma_wait3A_835] : memref<256x32xf32, #tpu.memory_space<vmem>> -> memref<1x32xf32, #tpu.memory_space<vmem>>
    %dma_wait3A_837 = tpu.memref_squeeze %dma_wait3A_836 : memref<1x32xf32, #tpu.memory_space<vmem>> -> memref<32xf32, #tpu.memory_space<vmem>>
    %dma_wait3A_838 = arith.constant 0 : i32
    %dma_wait3A_839 = tpu.memref_slice %arg4[%dma_wait3A_827, %dma_wait3A_838] : memref<1000000x32xf32, #tpu.memory_space<hbm>> -> memref<1x32xf32, #tpu.memory_space<hbm>>
    %dma_wait3A_840 = tpu.memref_squeeze %dma_wait3A_839 : memref<1x32xf32, #tpu.memory_space<hbm>> -> memref<32xf32, #tpu.memory_space<hbm>>
    tpu.wait_dma2 semaphore(%arg12 : memref<!tpu.dma_semaphore, #tpu.memory_space<semaphore_mem>>) src(%dma_wait3A_840 : memref<32xf32, #tpu.memory_space<hbm>>) dst(%dma_wait3A_837 : memref<32xf32, #tpu.memory_space<vmem>>)
    %dma_wait3A_841 = arith.constant 0 : i32
    %dma_wait3A_842 = arith.constant 0 : i32
    %dma_wait3A_843 = arith.constant 0 : i32
    %dma_wait3A_844 = tpu.memref_slice %arg11[%dma_wait3A_842, %dma_wait3A_843] : memref<256x32xf32, #tpu.memory_space<vmem>> -> memref<1x32xf32, #tpu.memory_space<vmem>>
    %dma_wait3A_845 = tpu.memref_squeeze %dma_wait3A_844 : memref<1x32xf32, #tpu.memory_space<vmem>> -> memref<32xf32, #tpu.memory_space<vmem>>
    %dma_wait3A_846 = arith.constant 0 : i32
    %dma_wait3A_847 = tpu.memref_slice %arg5[%dma_wait3A_841, %dma_wait3A_846] : memref<100000x32xf32, #tpu.memory_space<hbm>> -> memref<1x32xf32, #tpu.memory_space<hbm>>
    %dma_wait3A_848 = tpu.memref_squeeze %dma_wait3A_847 : memref<1x32xf32, #tpu.memory_space<hbm>> -> memref<32xf32, #tpu.memory_space<hbm>>
    %dma_wait3A_849 = arith.constant 0 : i32
    %dma_wait3A_850 = tpu.memref_slice %arg11[%dma_wait3A_842, %dma_wait3A_849] : memref<256x32xf32, #tpu.memory_space<vmem>> -> memref<1x32xf32, #tpu.memory_space<vmem>>
    %dma_wait3A_851 = tpu.memref_squeeze %dma_wait3A_850 : memref<1x32xf32, #tpu.memory_space<vmem>> -> memref<32xf32, #tpu.memory_space<vmem>>
    %dma_wait3A_852 = arith.constant 0 : i32
    %dma_wait3A_853 = tpu.memref_slice %arg5[%dma_wait3A_841, %dma_wait3A_852] : memref<100000x32xf32, #tpu.memory_space<hbm>> -> memref<1x32xf32, #tpu.memory_space<hbm>>
    %dma_wait3A_854 = tpu.memref_squeeze %dma_wait3A_853 : memref<1x32xf32, #tpu.memory_space<hbm>> -> memref<32xf32, #tpu.memory_space<hbm>>
    tpu.wait_dma2 semaphore(%arg12 : memref<!tpu.dma_semaphore, #tpu.memory_space<semaphore_mem>>) src(%dma_wait3A_854 : memref<32xf32, #tpu.memory_space<hbm>>) dst(%dma_wait3A_851 : memref<32xf32, #tpu.memory_space<vmem>>)
    %dma_wait3A_855 = arith.constant 0 : i32
    %dma_wait3A_856 = arith.constant 0 : i32
    %dma_wait3A_857 = arith.constant 0 : i32
    %dma_wait3A_858 = tpu.memref_slice %arg10[%dma_wait3A_856, %dma_wait3A_857] : memref<256x32xf32, #tpu.memory_space<vmem>> -> memref<1x32xf32, #tpu.memory_space<vmem>>
    %dma_wait3A_859 = tpu.memref_squeeze %dma_wait3A_858 : memref<1x32xf32, #tpu.memory_space<vmem>> -> memref<32xf32, #tpu.memory_space<vmem>>
    %dma_wait3A_860 = arith.constant 0 : i32
    %dma_wait3A_861 = tpu.memref_slice %arg4[%dma_wait3A_855, %dma_wait3A_860] : memref<1000000x32xf32, #tpu.memory_space<hbm>> -> memref<1x32xf32, #tpu.memory_space<hbm>>
    %dma_wait3A_862 = tpu.memref_squeeze %dma_wait3A_861 : memref<1x32xf32, #tpu.memory_space<hbm>> -> memref<32xf32, #tpu.memory_space<hbm>>
    %dma_wait3A_863 = arith.constant 0 : i32
    %dma_wait3A_864 = tpu.memref_slice %arg10[%dma_wait3A_856, %dma_wait3A_863] : memref<256x32xf32, #tpu.memory_space<vmem>> -> memref<1x32xf32, #tpu.memory_space<vmem>>
    %dma_wait3A_865 = tpu.memref_squeeze %dma_wait3A_864 : memref<1x32xf32, #tpu.memory_space<vmem>> -> memref<32xf32, #tpu.memory_space<vmem>>
    %dma_wait3A_866 = arith.constant 0 : i32
    %dma_wait3A_867 = tpu.memref_slice %arg4[%dma_wait3A_855, %dma_wait3A_866] : memref<1000000x32xf32, #tpu.memory_space<hbm>> -> memref<1x32xf32, #tpu.memory_space<hbm>>
    %dma_wait3A_868 = tpu.memref_squeeze %dma_wait3A_867 : memref<1x32xf32, #tpu.memory_space<hbm>> -> memref<32xf32, #tpu.memory_space<hbm>>
    tpu.wait_dma2 semaphore(%arg12 : memref<!tpu.dma_semaphore, #tpu.memory_space<semaphore_mem>>) src(%dma_wait3A_868 : memref<32xf32, #tpu.memory_space<hbm>>) dst(%dma_wait3A_865 : memref<32xf32, #tpu.memory_space<vmem>>)
    %dma_wait3A_869 = arith.constant 0 : i32
    %dma_wait3A_870 = arith.constant 0 : i32
    %dma_wait3A_871 = arith.constant 0 : i32
    %dma_wait3A_872 = tpu.memref_slice %arg11[%dma_wait3A_870, %dma_wait3A_871] : memref<256x32xf32, #tpu.memory_space<vmem>> -> memref<1x32xf32, #tpu.memory_space<vmem>>
    %dma_wait3A_873 = tpu.memref_squeeze %dma_wait3A_872 : memref<1x32xf32, #tpu.memory_space<vmem>> -> memref<32xf32, #tpu.memory_space<vmem>>
    %dma_wait3A_874 = arith.constant 0 : i32
    %dma_wait3A_875 = tpu.memref_slice %arg5[%dma_wait3A_869, %dma_wait3A_874] : memref<100000x32xf32, #tpu.memory_space<hbm>> -> memref<1x32xf32, #tpu.memory_space<hbm>>
    %dma_wait3A_876 = tpu.memref_squeeze %dma_wait3A_875 : memref<1x32xf32, #tpu.memory_space<hbm>> -> memref<32xf32, #tpu.memory_space<hbm>>
    %dma_wait3A_877 = arith.constant 0 : i32
    %dma_wait3A_878 = tpu.memref_slice %arg11[%dma_wait3A_870, %dma_wait3A_877] : memref<256x32xf32, #tpu.memory_space<vmem>> -> memref<1x32xf32, #tpu.memory_space<vmem>>
    %dma_wait3A_879 = tpu.memref_squeeze %dma_wait3A_878 : memref<1x32xf32, #tpu.memory_space<vmem>> -> memref<32xf32, #tpu.memory_space<vmem>>
    %dma_wait3A_880 = arith.constant 0 : i32
    %dma_wait3A_881 = tpu.memref_slice %arg5[%dma_wait3A_869, %dma_wait3A_880] : memref<100000x32xf32, #tpu.memory_space<hbm>> -> memref<1x32xf32, #tpu.memory_space<hbm>>
    %dma_wait3A_882 = tpu.memref_squeeze %dma_wait3A_881 : memref<1x32xf32, #tpu.memory_space<hbm>> -> memref<32xf32, #tpu.memory_space<hbm>>
    tpu.wait_dma2 semaphore(%arg12 : memref<!tpu.dma_semaphore, #tpu.memory_space<semaphore_mem>>) src(%dma_wait3A_882 : memref<32xf32, #tpu.memory_space<hbm>>) dst(%dma_wait3A_879 : memref<32xf32, #tpu.memory_space<vmem>>)
    %dma_wait3A_883 = arith.constant 0 : i32
    %dma_wait3A_884 = arith.constant 0 : i32
    %dma_wait3A_885 = arith.constant 0 : i32
    %dma_wait3A_886 = tpu.memref_slice %arg10[%dma_wait3A_884, %dma_wait3A_885] : memref<256x32xf32, #tpu.memory_space<vmem>> -> memref<1x32xf32, #tpu.memory_space<vmem>>
    %dma_wait3A_887 = tpu.memref_squeeze %dma_wait3A_886 : memref<1x32xf32, #tpu.memory_space<vmem>> -> memref<32xf32, #tpu.memory_space<vmem>>
    %dma_wait3A_888 = arith.constant 0 : i32
    %dma_wait3A_889 = tpu.memref_slice %arg4[%dma_wait3A_883, %dma_wait3A_888] : memref<1000000x32xf32, #tpu.memory_space<hbm>> -> memref<1x32xf32, #tpu.memory_space<hbm>>
    %dma_wait3A_890 = tpu.memref_squeeze %dma_wait3A_889 : memref<1x32xf32, #tpu.memory_space<hbm>> -> memref<32xf32, #tpu.memory_space<hbm>>
    %dma_wait3A_891 = arith.constant 0 : i32
    %dma_wait3A_892 = tpu.memref_slice %arg10[%dma_wait3A_884, %dma_wait3A_891] : memref<256x32xf32, #tpu.memory_space<vmem>> -> memref<1x32xf32, #tpu.memory_space<vmem>>
    %dma_wait3A_893 = tpu.memref_squeeze %dma_wait3A_892 : memref<1x32xf32, #tpu.memory_space<vmem>> -> memref<32xf32, #tpu.memory_space<vmem>>
    %dma_wait3A_894 = arith.constant 0 : i32
    %dma_wait3A_895 = tpu.memref_slice %arg4[%dma_wait3A_883, %dma_wait3A_894] : memref<1000000x32xf32, #tpu.memory_space<hbm>> -> memref<1x32xf32, #tpu.memory_space<hbm>>
    %dma_wait3A_896 = tpu.memref_squeeze %dma_wait3A_895 : memref<1x32xf32, #tpu.memory_space<hbm>> -> memref<32xf32, #tpu.memory_space<hbm>>
    tpu.wait_dma2 semaphore(%arg12 : memref<!tpu.dma_semaphore, #tpu.memory_space<semaphore_mem>>) src(%dma_wait3A_896 : memref<32xf32, #tpu.memory_space<hbm>>) dst(%dma_wait3A_893 : memref<32xf32, #tpu.memory_space<vmem>>)
    %dma_wait3A_897 = arith.constant 0 : i32
    %dma_wait3A_898 = arith.constant 0 : i32
    %dma_wait3A_899 = arith.constant 0 : i32
    %dma_wait3A_900 = tpu.memref_slice %arg11[%dma_wait3A_898, %dma_wait3A_899] : memref<256x32xf32, #tpu.memory_space<vmem>> -> memref<1x32xf32, #tpu.memory_space<vmem>>
    %dma_wait3A_901 = tpu.memref_squeeze %dma_wait3A_900 : memref<1x32xf32, #tpu.memory_space<vmem>> -> memref<32xf32, #tpu.memory_space<vmem>>
    %dma_wait3A_902 = arith.constant 0 : i32
    %dma_wait3A_903 = tpu.memref_slice %arg5[%dma_wait3A_897, %dma_wait3A_902] : memref<100000x32xf32, #tpu.memory_space<hbm>> -> memref<1x32xf32, #tpu.memory_space<hbm>>
    %dma_wait3A_904 = tpu.memref_squeeze %dma_wait3A_903 : memref<1x32xf32, #tpu.memory_space<hbm>> -> memref<32xf32, #tpu.memory_space<hbm>>
    %dma_wait3A_905 = arith.constant 0 : i32
    %dma_wait3A_906 = tpu.memref_slice %arg11[%dma_wait3A_898, %dma_wait3A_905] : memref<256x32xf32, #tpu.memory_space<vmem>> -> memref<1x32xf32, #tpu.memory_space<vmem>>
    %dma_wait3A_907 = tpu.memref_squeeze %dma_wait3A_906 : memref<1x32xf32, #tpu.memory_space<vmem>> -> memref<32xf32, #tpu.memory_space<vmem>>
    %dma_wait3A_908 = arith.constant 0 : i32
    %dma_wait3A_909 = tpu.memref_slice %arg5[%dma_wait3A_897, %dma_wait3A_908] : memref<100000x32xf32, #tpu.memory_space<hbm>> -> memref<1x32xf32, #tpu.memory_space<hbm>>
    %dma_wait3A_910 = tpu.memref_squeeze %dma_wait3A_909 : memref<1x32xf32, #tpu.memory_space<hbm>> -> memref<32xf32, #tpu.memory_space<hbm>>
    tpu.wait_dma2 semaphore(%arg12 : memref<!tpu.dma_semaphore, #tpu.memory_space<semaphore_mem>>) src(%dma_wait3A_910 : memref<32xf32, #tpu.memory_space<hbm>>) dst(%dma_wait3A_907 : memref<32xf32, #tpu.memory_space<vmem>>)
    %add3A_911 = arith.constant 256 : i32
    %add3A_912 = arith.addi %mul3A_2, %add3A_911 : i32
    "tpu.region"() ({
      %run_scoped3A = tpu.sem_alloc : memref<!tpu.dma_semaphore, #tpu.memory_space<semaphore_mem>>
      %dma_start3A = arith.constant 0 : i32
      %dma_start3A_913 = tpu.memref_slice %arg6[%add3A_912, %dma_start3A] : memref<16384x32xf32, #tpu.memory_space<hbm>> -> memref<256x32xf32, #tpu.memory_space<hbm>>
      %dma_start3A_914 = arith.constant 0 : i32
      %dma_start3A_915 = tpu.memref_slice %arg6[%add3A_912, %dma_start3A_914] : memref<16384x32xf32, #tpu.memory_space<hbm>> -> memref<256x32xf32, #tpu.memory_space<hbm>>
      tpu.enqueue_dma source(%arg10 : memref<256x32xf32, #tpu.memory_space<vmem>>) target(%dma_start3A_915 : memref<256x32xf32, #tpu.memory_space<hbm>>) target_semaphore(%run_scoped3A : memref<!tpu.dma_semaphore, #tpu.memory_space<semaphore_mem>>)
      %dma_wait3A_916 = arith.constant 0 : i32
      %dma_wait3A_917 = tpu.memref_slice %arg6[%add3A_912, %dma_wait3A_916] : memref<16384x32xf32, #tpu.memory_space<hbm>> -> memref<256x32xf32, #tpu.memory_space<hbm>>
      %dma_wait3A_918 = arith.constant 0 : i32
      %dma_wait3A_919 = tpu.memref_slice %arg6[%add3A_912, %dma_wait3A_918] : memref<16384x32xf32, #tpu.memory_space<hbm>> -> memref<256x32xf32, #tpu.memory_space<hbm>>
      tpu.wait_dma2 semaphore(%run_scoped3A : memref<!tpu.dma_semaphore, #tpu.memory_space<semaphore_mem>>) src(%arg10 : memref<256x32xf32, #tpu.memory_space<vmem>>) dst(%dma_wait3A_919 : memref<256x32xf32, #tpu.memory_space<hbm>>)
      tpu.yield
    }) : () -> ()
    "tpu.region"() ({
      %run_scoped3A = tpu.sem_alloc : memref<!tpu.dma_semaphore, #tpu.memory_space<semaphore_mem>>
      %dma_start3A = arith.constant 0 : i32
      %dma_start3A_913 = tpu.memref_slice %arg7[%add3A_912, %dma_start3A] : memref<16384x32xf32, #tpu.memory_space<hbm>> -> memref<256x32xf32, #tpu.memory_space<hbm>>
      %dma_start3A_914 = arith.constant 0 : i32
      %dma_start3A_915 = tpu.memref_slice %arg7[%add3A_912, %dma_start3A_914] : memref<16384x32xf32, #tpu.memory_space<hbm>> -> memref<256x32xf32, #tpu.memory_space<hbm>>
      tpu.enqueue_dma source(%arg11 : memref<256x32xf32, #tpu.memory_space<vmem>>) target(%dma_start3A_915 : memref<256x32xf32, #tpu.memory_space<hbm>>) target_semaphore(%run_scoped3A : memref<!tpu.dma_semaphore, #tpu.memory_space<semaphore_mem>>)
      %dma_wait3A_916 = arith.constant 0 : i32
      %dma_wait3A_917 = tpu.memref_slice %arg7[%add3A_912, %dma_wait3A_916] : memref<16384x32xf32, #tpu.memory_space<hbm>> -> memref<256x32xf32, #tpu.memory_space<hbm>>
      %dma_wait3A_918 = arith.constant 0 : i32
      %dma_wait3A_919 = tpu.memref_slice %arg7[%add3A_912, %dma_wait3A_918] : memref<16384x32xf32, #tpu.memory_space<hbm>> -> memref<256x32xf32, #tpu.memory_space<hbm>>
      tpu.wait_dma2 semaphore(%run_scoped3A : memref<!tpu.dma_semaphore, #tpu.memory_space<semaphore_mem>>) src(%arg11 : memref<256x32xf32, #tpu.memory_space<vmem>>) dst(%dma_wait3A_919 : memref<256x32xf32, #tpu.memory_space<hbm>>)
      tpu.yield
    }) : () -> ()
    return
  }
}

module attributes {stable_mosaic.version = 14 : i64} {
  func.func @_mlp_body(%arg0: i32, %arg1: memref<2048x32xf32, #tpu.memory_space<vmem>>, %arg2: memref<2048x32xf32, #tpu.memory_space<vmem>>, %arg3: memref<32x128xf32, #tpu.memory_space<vmem>>, %arg4: memref<32x128xf32, #tpu.memory_space<vmem>>, %arg5: memref<1x128xf32, #tpu.memory_space<vmem>>, %arg6: memref<128x64xf32, #tpu.memory_space<vmem>>, %arg7: memref<1x64xf32, #tpu.memory_space<vmem>>, %arg8: memref<1x64xf32, #tpu.memory_space<vmem>>, %arg9: memref<1x1xf32, #tpu.memory_space<vmem>>, %arg10: memref<2048xf32, #tpu.memory_space<vmem>>) attributes {dimension_semantics = [#tpu.dimension_semantics<arbitrary>], iteration_bounds = array<i64: 8>, scalar_prefetch = 0 : i64, scratch_operands = 0 : i64, tpu.core_type = #tpu.core_type<tc>, window_params = [{transform_indices = @transform_0, window_bounds = array<i64: 2048, 32>}, {transform_indices = @transform_1, window_bounds = array<i64: 2048, 32>}, {pipeline_mode = #tpu.pipeline_mode<synchronous>, transform_indices = @transform_2, window_bounds = array<i64: 32, 128>}, {pipeline_mode = #tpu.pipeline_mode<synchronous>, transform_indices = @transform_3, window_bounds = array<i64: 32, 128>}, {pipeline_mode = #tpu.pipeline_mode<synchronous>, transform_indices = @transform_4, window_bounds = array<i64: 1, 128>}, {pipeline_mode = #tpu.pipeline_mode<synchronous>, transform_indices = @transform_5, window_bounds = array<i64: 128, 64>}, {pipeline_mode = #tpu.pipeline_mode<synchronous>, transform_indices = @transform_6, window_bounds = array<i64: 1, 64>}, {pipeline_mode = #tpu.pipeline_mode<synchronous>, transform_indices = @transform_7, window_bounds = array<i64: 1, 64>}, {pipeline_mode = #tpu.pipeline_mode<synchronous>, transform_indices = @transform_8, window_bounds = array<i64: 1, 1>}, {transform_indices = @transform_9, window_bounds = array<i64: 2048>}]} {
    %get3A = arith.constant 0 : index
    %get3A_0 = arith.constant 0 : index
    %get3A_1 = vector.load %arg1[%get3A, %get3A_0] : memref<2048x32xf32, #tpu.memory_space<vmem>>, vector<2048x32xf32>
    %get3A_2 = arith.constant 0 : index
    %get3A_3 = arith.constant 0 : index
    %get3A_4 = vector.load %arg2[%get3A_2, %get3A_3] : memref<2048x32xf32, #tpu.memory_space<vmem>>, vector<2048x32xf32>
    %get3A_5 = arith.constant 0 : index
    %get3A_6 = arith.constant 0 : index
    %get3A_7 = vector.load %arg3[%get3A_5, %get3A_6] : memref<32x128xf32, #tpu.memory_space<vmem>>, vector<32x128xf32>
    %dot_general3A = arith.constant dense<0.000000e+00> : vector<2048x128xf32>
    %dot_general3A_8 = tpu.matmul %get3A_1, %get3A_7, %dot_general3A {dimension_numbers = #tpu.dot_dimension_numbers<[1], [0], [0], [1], [0, 0, 1, 1], [], []>, transpose_lhs_hint = false} : vector<2048x32xf32>, vector<32x128xf32>, vector<2048x128xf32> -> vector<2048x128xf32>
    %get3A_9 = arith.constant 0 : index
    %get3A_10 = arith.constant 0 : index
    %get3A_11 = vector.load %arg4[%get3A_9, %get3A_10] : memref<32x128xf32, #tpu.memory_space<vmem>>, vector<32x128xf32>
    %dot_general3A_12 = arith.constant dense<0.000000e+00> : vector<2048x128xf32>
    %dot_general3A_13 = tpu.matmul %get3A_4, %get3A_11, %dot_general3A_12 {dimension_numbers = #tpu.dot_dimension_numbers<[1], [0], [0], [1], [0, 0, 1, 1], [], []>, transpose_lhs_hint = false} : vector<2048x32xf32>, vector<32x128xf32>, vector<2048x128xf32> -> vector<2048x128xf32>
    %add3A = arith.addf %dot_general3A_8, %dot_general3A_13 : vector<2048x128xf32>
    %get3A_14 = arith.constant 0 : index
    %get3A_15 = arith.constant 0 : index
    %get3A_16 = vector.load %arg5[%get3A_14, %get3A_15] : memref<1x128xf32, #tpu.memory_space<vmem>>, vector<1x128xf32>
    %add3A_17 = vector.broadcast %get3A_16 : vector<1x128xf32> to vector<2048x128xf32>
    %add3A_18 = arith.addf %add3A, %add3A_17 : vector<2048x128xf32>
    %max3A = arith.constant 0.000000e+00 : f32
    %max3A_19 = vector.broadcast %max3A : f32 to vector<2048x128xf32>
    %max3A_20 = arith.maximumf %add3A_18, %max3A_19 : vector<2048x128xf32>
    %get3A_21 = arith.constant 0 : index
    %get3A_22 = arith.constant 0 : index
    %get3A_23 = vector.load %arg6[%get3A_21, %get3A_22] : memref<128x64xf32, #tpu.memory_space<vmem>>, vector<128x64xf32>
    %dot_general3A_24 = arith.constant dense<0.000000e+00> : vector<2048x64xf32>
    %dot_general3A_25 = tpu.matmul %max3A_20, %get3A_23, %dot_general3A_24 {dimension_numbers = #tpu.dot_dimension_numbers<[1], [0], [0], [1], [0, 0, 1, 1], [], []>, transpose_lhs_hint = false} : vector<2048x128xf32>, vector<128x64xf32>, vector<2048x64xf32> -> vector<2048x64xf32>
    %get3A_26 = arith.constant 0 : index
    %get3A_27 = arith.constant 0 : index
    %get3A_28 = vector.load %arg7[%get3A_26, %get3A_27] : memref<1x64xf32, #tpu.memory_space<vmem>>, vector<1x64xf32>
    %add3A_29 = vector.broadcast %get3A_28 : vector<1x64xf32> to vector<2048x64xf32>
    %add3A_30 = arith.addf %dot_general3A_25, %add3A_29 : vector<2048x64xf32>
    %max3A_31 = arith.constant 0.000000e+00 : f32
    %max3A_32 = vector.broadcast %max3A_31 : f32 to vector<2048x64xf32>
    %max3A_33 = arith.maximumf %add3A_30, %max3A_32 : vector<2048x64xf32>
    %get3A_34 = arith.constant 0 : index
    %get3A_35 = arith.constant 0 : index
    %get3A_36 = vector.load %arg8[%get3A_34, %get3A_35] : memref<1x64xf32, #tpu.memory_space<vmem>>, vector<1x64xf32>
    %mul3A = vector.broadcast %get3A_36 : vector<1x64xf32> to vector<2048x64xf32>
    %mul3A_37 = arith.mulf %max3A_33, %mul3A : vector<2048x64xf32>
    %reduce_sum3A = arith.constant dense<0.000000e+00> : vector<2048xf32>
    %reduce_sum3A_38 = vector.multi_reduction <add>, %mul3A_37, %reduce_sum3A [1] : vector<2048x64xf32> to vector<2048xf32>
    %get3A_39 = arith.constant 0 : index
    %get3A_40 = arith.constant 0 : index
    %get3A_41 = vector.load %arg9[%get3A_39, %get3A_40] : memref<1x1xf32, #tpu.memory_space<vmem>>, vector<1x1xf32>
    %get3A_42 = vector.extract %get3A_41[0, 0] : f32 from vector<1x1xf32>
    %add3A_43 = vector.broadcast %get3A_42 : f32 to vector<2048xf32>
    %add3A_44 = arith.addf %reduce_sum3A_38, %add3A_43 : vector<2048xf32>
    %neg3A = arith.constant 0.000000e+00 : f32
    %neg3A_45 = vector.broadcast %neg3A : f32 to vector<2048xf32>
    %neg3A_46 = arith.subf %neg3A_45, %add3A_44 : vector<2048xf32>
    %exp3A = math.exp %neg3A_46 : vector<2048xf32>
    %add3A_47 = arith.constant 1.000000e+00 : f32
    %add3A_48 = vector.broadcast %add3A_47 : f32 to vector<2048xf32>
    %add3A_49 = arith.addf %add3A_48, %exp3A : vector<2048xf32>
    %div3A = arith.constant 1.000000e+00 : f32
    %div3A_50 = vector.broadcast %div3A : f32 to vector<2048xf32>
    %div3A_51 = arith.divf %div3A_50, %add3A_49 : vector<2048xf32>
    %swap3A = arith.constant 0 : index
    %swap3A_52 = vector.load %arg10[%swap3A] : memref<2048xf32, #tpu.memory_space<vmem>>, vector<2048xf32>
    tpu.vector_store %arg10[%swap3A], %div3A_51 {strides = array<i32>} : memref<2048xf32, #tpu.memory_space<vmem>>, vector<2048xf32>,
    return
  }
  func.func @transform_0(%arg0: i32) -> (i32, i32) {
    %c0_i32 = arith.constant 0 : i32
    %c0_i32_0 = arith.constant 0 : i32
    return %arg0, %c0_i32 : i32, i32
  }
  func.func @transform_1(%arg0: i32) -> (i32, i32) {
    %c0_i32 = arith.constant 0 : i32
    %c0_i32_0 = arith.constant 0 : i32
    return %arg0, %c0_i32 : i32, i32
  }
  func.func @transform_2(%arg0: i32) -> (i32, i32) {
    %c0_i32 = arith.constant 0 : i32
    %c0_i32_0 = arith.constant 0 : i32
    %c0_i32_1 = arith.constant 0 : i32
    return %c0_i32, %c0_i32_0 : i32, i32
  }
  func.func @transform_3(%arg0: i32) -> (i32, i32) {
    %c0_i32 = arith.constant 0 : i32
    %c0_i32_0 = arith.constant 0 : i32
    %c0_i32_1 = arith.constant 0 : i32
    return %c0_i32, %c0_i32_0 : i32, i32
  }
  func.func @transform_4(%arg0: i32) -> (i32, i32) {
    %c0_i32 = arith.constant 0 : i32
    %c0_i32_0 = arith.constant 0 : i32
    %c0_i32_1 = arith.constant 0 : i32
    return %c0_i32, %c0_i32_0 : i32, i32
  }
  func.func @transform_5(%arg0: i32) -> (i32, i32) {
    %c0_i32 = arith.constant 0 : i32
    %c0_i32_0 = arith.constant 0 : i32
    %c0_i32_1 = arith.constant 0 : i32
    return %c0_i32, %c0_i32_0 : i32, i32
  }
  func.func @transform_6(%arg0: i32) -> (i32, i32) {
    %c0_i32 = arith.constant 0 : i32
    %c0_i32_0 = arith.constant 0 : i32
    %c0_i32_1 = arith.constant 0 : i32
    return %c0_i32, %c0_i32_0 : i32, i32
  }
  func.func @transform_7(%arg0: i32) -> (i32, i32) {
    %c0_i32 = arith.constant 0 : i32
    %c0_i32_0 = arith.constant 0 : i32
    %c0_i32_1 = arith.constant 0 : i32
    return %c0_i32, %c0_i32_0 : i32, i32
  }
  func.func @transform_8(%arg0: i32) -> (i32, i32) {
    %c0_i32 = arith.constant 0 : i32
    %c0_i32_0 = arith.constant 0 : i32
    %c0_i32_1 = arith.constant 0 : i32
    return %c0_i32, %c0_i32_0 : i32, i32
  }
  func.func @transform_9(%arg0: i32) -> i32 {
    %c0_i32 = arith.constant 0 : i32
    return %arg0 : i32
  }
}

</mosaic_0001>

<sc_bundles>
// kernel: kernel.4.cloned.1.call-start
scs
__scs_entry_jumppad:
0x0: {  	(pc) =	sbr.rel $0x88, $3  }
0x1: {  	(tag) =	ssettag $0x0;
	lr =	simm.s32 $0x1  }
0x2: {  	[smem:$0x3F93] =	sst lr;
	_ =	strace $0xD0000000  }
0x3: {  	_ = 	snop  }
0x4: {  	_ = 	snop  }
0x5: {  	_ = 	snop  }
0x6: {  	_ = 	snop  }
0x7: {  	_ = 	snop  }
__scs_overlays_trampoline_lowered:
0x8: {  	[smem:$0x3FA2] =	sst s0  }
0x9: {  	[smem:$0x3FA3] =	sst s1  }
0xa: {  	[smem:$0x3FA4] =	sst s2  }
0xb: {  	[smem:$0x3FA5] =	sst s3  }
0xc: {  	[smem:$0x3FA6] =	sst s4  }
0xd: {  	[smem:$0x3FA7] =	sst s5  }
0xe: {  	[smem:$0x3FA8] =	sst s6  }
0xf: {  	[smem:$0x3FA9] =	sst s7  }
0x10: {  	[smem:$0x3FAA] =	sst s8  }
0x11: {  	[smem:$0x3FAB] =	sst s9;
	s0 =	simm.s32 @!p0 $0x0  }
0x12: {  	s1 =	sld [smem:$0x3F91];
	s0 =	simm.s32 @p0 $0x1  }
0x13: {  	[smem:$0x3FAC] =	sst s0;
	s0 =	simm.s32 @!p1 $0x0  }
0x14: {  	s2 =	sld [smem:$0x3F90];
	s0 =	simm.s32 @p1 $0x1  }
0x15: {  	[smem:$0x3FAD] =	sst s0;
	s0 =	simm.s32 @!p2 $0x0  }
0x16: {  	s3 =	sld [smem:$0x3FDB];
	s0 =	simm.s32 @p2 $0x1  }
0x17: {  	s4 =	simm.s32 $0x1BF5;
	[smem:$0x3FAF] =	sst s0  }
0x18: {  	s0 =	sld [smem:$0x3F92];
	_ =	swait.ge [sflag:s4], $0x0  }
0x19: {  	s7 =	sld [smem:$0x3F93]  }
0x1a: {  	s8 =	sadd.s32 $0xFFFFE003, lr  }
0x1b: {  	s9 =	sadd.s32 $0xFFFFFEF7, lr;
	s5 =	simm.s32 $0xFFFFFFFF;
	p2 =	slt.u32 s8, $0xFFFFF086  }
0x1c: {  	p1 =	slt.u32 s9, $0xF7A;
	s5 =	simm.s32 @!p2 $0x0  }
0x1d: {  	s5 =	simm.s32 @p1 $0x1;
	p0 =	seq.s32 s7, s2  }
0x1e: {  	s7 =	smul.u32 @!p0 $0xF7A, s2;
	p2 =	seq.s32 @!p0 s5, $0x0  }
0x1f: {  	s9 =	smul.u32 $0xF7A, s1;
	s8 =	simm.s32 @!p0 $0x1BF5;
	p2 =	por !p2, p0  }
0x20: {  	[sflag:s8] =	ssyncset.s32 @!p0 $0xFFFFF086;
	s6 =	sadd.s32 @!p0 s3, s7;
	s7 =	simm.s32 @!p0 $0x108  }
0x21: {  	s3 =	sadd.s32 s3, s9;
	s6 =	sadd.s32 @!p0 $0x88, s6;
	s7 =	simm.s32 @p2 $0x1082  }
0x22: {  	[simem:s7], [sflag:s8] =	dma.local @!p0 [hbm:s6], $0xF7A  }
0x23: {  	s9 =	sor.u32 $0xD0000000, s2;
	s6 =	simm.s32 $0x108;
	_ =	swait.ge @!p0 [sflag:s8], $0x0  }
0x24: {  	s3 =	sadd.s32 $0x88, s3;
	s6 =	simm.s32 @!p1 $0x1082;
	[sflag:s4] =	ssyncset.s32 $0xFFFFF086  }
0x25: {  	[simem:s6], [sflag:s4] =	dma.local [hbm:s3], $0xF7A  }
0x26: {  	[smem:$0x3F93] =	sst s1;
	(tag) =	ssettag s2;
	_ =	strace s9  }
0x27: {  	s1 =	sld [smem:$0x3FA3]  }
0x28: {  	s2 =	sld [smem:$0x3FA4]  }
0x29: {  	s4 =	sld [smem:$0x3FA6]  }
0x2a: {  	p0 =	seq.s32 s5, $0x0;
	s5 =	sld [smem:$0x3FA7]  }
0x2b: {  	s6 =	sld [smem:$0x3FA8]  }
0x2c: {  	s7 =	sld [smem:$0x3FA9]  }
0x2d: {  	s3 =	simm.s32 $0x108;
	s8 =	sld [smem:$0x3FAA]  }
0x2e: {  	s3 =	simm.s32 @!p0 $0x1082;
	s9 =	sld [smem:$0x3FAB]  }
0x2f: {  	lr =	sadd.s32 s0, s3;
	s0 =	sld [smem:$0x3FA2]  }
0x30: {  	s3 =	sld [smem:$0x3FA5]  }
0x31: {  	[smem:$0x3FAE] =	sst s10  }
0x32: {  	s10 =	sld [smem:$0x3FAC];
	_ =	sdelay $0x3  }
0x33: {  	p0 =	seq.s32 s10, $0x1;
	s10 =	sld [smem:$0x3FAE];
	_ =	sdelay $0x3  }
0x34: {  	[smem:$0x3FAE] =	sst s10  }
0x35: {  	s10 =	sld [smem:$0x3FAD];
	_ =	sdelay $0x3  }
0x36: {  	p1 =	seq.s32 s10, $0x1;
	s10 =	sld [smem:$0x3FAE];
	_ =	sdelay $0x3  }
0x37: {  	[smem:$0x3FAE] =	sst s10  }
0x38: {  	s10 =	sld [smem:$0x3FAF]  }
0x39: {  	_ = 	snop;
	(pc) =	sbr.ind lr, $3  }
0x3a: {  	_ = 	snop  }
0x3b: {  	_ = 	snop  }
0x3c: {  	p2 =	seq.s32 s10, $0x1;
	s10 =	sld [smem:$0x3FAE]  }
0x3d: {  	_ =	shalt  }
0x3e: {  	_ =	shalt  }
0x3f: {  	_ =	shalt  }
0x40: {  	_ =	shalt  }
0x41: {  	_ =	shalt  }
0x42: {  	_ =	shalt  }
0x43: {  	_ =	shalt  }
0x44: {  	_ =	shalt  }
0x45: {  	_ =	shalt  }
0x46: {  	_ =	shalt  }
0x47: {  	_ =	shalt  }
0x48: {  	_ =	shalt  }
0x49: {  	_ =	shalt  }
0x4a: {  	_ =	shalt  }
0x4b: {  	_ =	shalt  }
0x4c: {  	_ =	shalt  }
0x4d: {  	_ =	shalt  }
0x4e: {  	_ =	shalt  }
0x4f: {  	_ =	shalt  }
0x50: {  	_ =	shalt  }
0x51: {  	_ =	shalt  }
0x52: {  	_ =	shalt  }
0x53: {  	_ =	shalt  }
0x54: {  	_ =	shalt  }
0x55: {  	_ =	shalt  }
0x56: {  	_ =	shalt  }
0x57: {  	_ =	shalt  }
0x58: {  	_ =	shalt  }
0x59: {  	_ =	shalt  }
0x5a: {  	_ =	shalt  }
0x5b: {  	_ =	shalt  }
0x5c: {  	_ =	shalt  }
0x5d: {  	_ =	shalt  }
0x5e: {  	_ =	shalt  }
0x5f: {  	_ =	shalt  }
0x60: {  	_ =	shalt  }
0x61: {  	_ =	shalt  }
0x62: {  	_ =	shalt  }
0x63: {  	_ =	shalt  }
0x64: {  	_ =	shalt  }
0x65: {  	_ =	shalt  }
0x66: {  	_ =	shalt  }
0x67: {  	_ =	shalt  }
0x68: {  	_ =	shalt  }
0x69: {  	_ =	shalt  }
0x6a: {  	_ =	shalt  }
0x6b: {  	_ =	shalt  }
0x6c: {  	_ =	shalt  }
0x6d: {  	_ =	shalt  }
0x6e: {  	_ =	shalt  }
0x6f: {  	_ =	shalt  }
0x70: {  	_ =	shalt  }
0x71: {  	_ =	shalt  }
0x72: {  	_ =	shalt  }
0x73: {  	_ =	shalt  }
0x74: {  	_ =	shalt  }
0x75: {  	_ =	shalt  }
0x76: {  	_ =	shalt  }
0x77: {  	_ =	shalt  }
0x78: {  	_ =	shalt  }
0x79: {  	_ =	shalt  }
0x7a: {  	_ =	shalt  }
0x7b: {  	_ =	shalt  }
0x7c: {  	_ =	shalt  }
0x7d: {  	_ =	shalt  }
0x7e: {  	_ =	shalt  }
0x7f: {  	_ =	shalt  }
0x80: {  	_ =	shalt  }
0x81: {  	_ =	shalt  }
0x82: {  	_ =	shalt  }
0x83: {  	_ =	shalt  }
0x84: {  	_ =	shalt  }
0x85: {  	_ =	shalt  }
0x86: {  	_ =	shalt  }
0x87: {  	_ =	shalt  }
.Lfunc_end0:
.L_simem_size_0:
called_computation_lowered:
.L_overlay_start_0:
0x88: {  	s2 =	sld [smem:$0x3FD9]  }
0x89: {  	s3 =	sld [smem:$0x3FFE];
	_ =	sdelay $0x1  }
0x8a: {  	s1 =	srdreg.scid  }
0x8b: {  	s0 =	sand.u32 $0x1, s1  }
0x8c: {  	s17 =	sshll.u32 s0, $0xA;
	s2 =	sadd.s32 s3, s2  }
0x8d: {  	s2 =	sadd.s32 s2, s17  }
0x8e: {  	[smem:$0x3FBA] =	sst s2  }
0x8f: {  	_ = 	snop  }
0x90: {  	s2 =	sld [smem:$0x3FC9]  }
0x91: {  	s18 =	sld [smem:$0x3FC8];
	(tm) =	ssettm $0x1  }
0x92: {  	s4 =	sld [smem:$0x3FFB];
	_ =	sdelay $0x3  }
0x93: {  	_ =	strace s4  }
0x94: {  	s4 =	sld [smem:$0x3FFC];
	_ =	sdelay $0x3  }
0x95: {  	_ =	strace s4  }
0x96: {  	s4 =	sld [smem:$0x3FFD];
	_ =	sdelay $0x3  }
0x97: {  	_ =	strace s4  }
0x98: {  	_ =	strace $0x8FFFFFFF  }
0x99: {  	s19 =	sld [smem:$0x3FDB];
	_ =	sdelay $0x1  }
0x9a: {  	s5 =	simm.s32 $_scs_section_size  }
0x9b: {  	s6 =	simm.s32 $_size__tile_overlayer_lowered;
	s7 =	simm.s32 $_tile_overlayer_lowered  }
0x9c: {  	s22 =	simm.s32 $0x1BFF;
	s21 =	sshll.u32 s7, $0x1;
	s4 =	sadd.s32 s5, s19  }
0x9d: {  	s8 =	simm.s32 $0x0;
	s20 =	sshll.u32 s6, $0x1;
	s6 =	sadd.s32 s21, s4  }
0x9e: {  	[timem:s8], [sflag:s22] =	dma.local [hbm:s6], s20  }
0x9f: {  	_ =	swait.ge [sflag:s22], s20  }
0xa0: {  	s5 =	ssub.s32 $0x0, s20;
	[sflag:s22] =	ssyncset.done $0x0  }
0xa1: {  	[sflag:s22] =	ssyncadd.s32 s5;
	_ =	sdelay $0x1  }
0xa2: {  	s23 =	simm.s32 $0x1B8B  }
0xa3: {  	_ =	swait.ge [sflag:s23], $0x1  }
0xa4: {  	[sflag:s23] =	ssyncset.done $0x0  }
0xa5: {  	s25 =	simm.s32 $0x1B8E;
	s24 =	sld [smem:$0x3FFE];
	[sflag:s23] =	ssyncadd.s32 $0xFFFFFFFF  }
0xa6: {  	s26 =	simm.s32 $execute0_lowered;
	[smem:$0x3FD2] =	sst s25  }
0xa7: {  	s6 =	sshll.u32 s26, $0x1;
	_ =	strace $0x80000046;
	[dreg:$0x1] =	wrdreg $0xFFFFFFFF  }
0xa8: {  	s28 =	simm.s32 $_size_execute0_lowered;
	s4 =	sadd.s32 s4, s6;
	[dreg:$0x0] =	wrdreg $0x0  }
0xa9: {  	s6 =	sshll.u32 s28, $0x1;
	[dreg:$0x2] =	wrdreg s4  }
0xaa: {  	[dreg:$0x3] =	wrdreg s6  }
0xab: {  	[dreg:$0x4] =	wrdreg $0xC0  }
0xac: {  	_ =	task [dreg:s8], $0x5FFFF  }
0xad: {  	[dreg:$0x1] =	wrdreg $0xFFFFFFFF  }
0xae: {  	[dreg:$0x0] =	wrdreg $0x60  }
0xaf: {  	[dreg:$0x2] =	wrdreg s2  }
0xb0: {  	[dreg:$0x3] =	wrdreg s18  }
0xb1: {  	[dreg:$0x4] =	wrdreg s24  }
0xb2: {  	[dreg:$0x5] =	wrdreg $0x9  }
0xb3: {  	_ =	task.clear_ibuf [dreg:s8], $0x6FFFF;
	_ =	strace $0x90000046  }
0xb4: {  	s29 =	simm.s32 $0x9;
	_ =	strace $0x80000048  }
0xb5: {  	_ =	swait.ge [sflag:s29], $0x1  }
0xb6: {  	[sflag:s29] =	ssyncadd.s32 $0xFFFFFFFF  }
0xb7: {  	_ =	strace $0x90000048  }
0xb8: {  	_ =	sfence  }
0xb9: {  	s30 =	sld [smem:$0x0];
	_ =	sdelay $0x2  }
0xba: {  	s31 =	sshll.u32 s1, $0xD;
	s1 =	sshrl.u32 s1, $0x2  }
0xbb: {  	s3 =	sand.u32 $0x4000, s31;
	s1 =	sadd.s32 s1, s30  }
0xbc: {  	s0 =	sor.u32 s3, s0;
	s1 =	sshll.u32 s1, $0x11  }
0xbd: {  	s0 =	sor.u32 s1, s0  }
0xbe: {  	s0 =	sadd.s32 $0x8F2B, s0  }
0xbf: {  	[sflag:s0] =	ssyncadd.remote.s32 $0x1  }
0xc0: {  	_ =	sfence.sel $0xFFFF  }
0xc1: {  	[dreg:$0x0] =	wrdreg $0xFFFFFFFF;
	(pc) =	sbr.abs _section_cstart, $3  }
0xc2: {  	[dreg:$0x1] =	wrdreg $0xFFFFFFFF  }
0xc3: {  	_ =	task.clear_ibuf [dreg:s8], $0x2FFFF;
	_ =	strace $0x9FFFFFFF  }
0xc4: {  	(tm) =	ssettm $0x7FFFFFFF  }
0xc5: {  	_ =	shalt  }
tec
execute0_lowered:
.L_overlay_start_1:
0x0: {  	(tag) =	ssettag $0x1  }
0x1: {  	s5 =	rddreg [dreg:$0x0]  }
0x2: {  	s6 =	rddreg [dreg:$0x1]  }
0x3: {  	s7 =	rddreg [dreg:$0x2]  }
0x4: {  	s0 =	rddreg [dreg:$0x3];
	s1 =	simm.s32 $0x0;
	s4 =	srdreg.scid  }
0x5: {  	s2 =	stileid.u32;
	s14 =	simm.s32 $0x400;
	s15 =	simm.s32 $0x8400  }
0x6: {  	s16 =	simm.s32 $0x0;
	[smem:$0x7FF] =	sst s1;
	s3 =	sadd.s32 $0x2600, s7  }
0x7: {  	s8 =	sand.u32 $0x1, s4;
	s4 =	sadd.s32 $0xF44A00, s7;
	s11 =	sadd.s32 $0x10CB400, s7  }
0x8: {  	s9 =	sshll.u32 s2, $0xA;
	s28 =	sadd.s32 $0x110B400, s7;
	s10 =	sshll.u32 s8, $0x9  }
0x9: {  	_ =	strace $0x80000047;
	s8 =	ssub.s32 $0x2, s8;
	s9 =	sor.u32 s10, s9  }
.Ltmp0:
0xa: {  	s29 =	sshrl.u32 s8, $0x1;
	s12 =	sshrl.u32 s9, $0x3;
	(pc) =	sbr.rel .LBB2_1-.Ltmp0, $4  }
0xb: {  	s13 =	ssub.s32 s8, s29;
	s30 =	sshll.u32 s9, $0x4;
	s5 =	sadd.s32 s5, s12  }
0xc: {  	s6 =	sadd.s32 s6, s12;
	s7 =	sadd.s32 s11, s30;
	s31 =	sor.u32 $0x1000, s30  }
0xd: {  	s8 =	sadd.s32 s28, s30;
	s12 =	simm.s32 $0x2;
	s9 =	sadd.s32 s11, s31  }
0xe: {  	s10 =	sadd.s32 s28, s31;
	s11 =	smax.u32 s13, $0x1;
	s13 =	simm.s32 $0x1  }
.LBB2_9:
0xf: {  	_ =	swait.ge [sflag:s13], $0x80  }
0x10: {  	[sflag:s13] =	ssyncset.done $0x0  }
0x11: {  	[sflag:s13] =	ssyncadd.s32 $0xFFFFFF80  }
0x12: {  	_ =	swait.ge [sflag:s13], $0x80  }
0x13: {  	[sflag:s13] =	ssyncset.done $0x0  }
0x14: {  	[sflag:s13] =	ssyncadd.s32 $0xFFFFFF80  }
0x15: {  	_ =	swait.ge [sflag:s13], $0x80  }
0x16: {  	[sflag:s13] =	ssyncset.done $0x0  }
0x17: {  	[sflag:s13] =	ssyncadd.s32 $0xFFFFFF80  }
0x18: {  	_ =	swait.ge [sflag:s13], $0x80  }
0x19: {  	[sflag:s13] =	ssyncset.done $0x0  }
0x1a: {  	[sflag:s13] =	ssyncadd.s32 $0xFFFFFF80  }
0x1b: {  	_ =	swait.ge [sflag:s13], $0x80  }
0x1c: {  	[sflag:s13] =	ssyncset.done $0x0  }
0x1d: {  	[sflag:s13] =	ssyncadd.s32 $0xFFFFFF80  }
0x1e: {  	_ =	swait.ge [sflag:s13], $0x80  }
0x1f: {  	[sflag:s13] =	ssyncset.done $0x0  }
0x20: {  	[sflag:s13] =	ssyncadd.s32 $0xFFFFFF80  }
0x21: {  	_ =	swait.ge [sflag:s13], $0x80  }
0x22: {  	[sflag:s13] =	ssyncset.done $0x0  }
0x23: {  	[sflag:s13] =	ssyncadd.s32 $0xFFFFFF80  }
0x24: {  	_ =	swait.ge [sflag:s13], $0x80  }
0x25: {  	[sflag:s13] =	ssyncset.done $0x0  }
0x26: {  	[sflag:s13] =	ssyncadd.s32 $0xFFFFFF80  }
0x27: {  	_ =	swait.ge [sflag:s13], $0x80  }
0x28: {  	[sflag:s13] =	ssyncset.done $0x0  }
0x29: {  	[sflag:s13] =	ssyncadd.s32 $0xFFFFFF80  }
0x2a: {  	_ =	swait.ge [sflag:s13], $0x80  }
0x2b: {  	[sflag:s13] =	ssyncset.done $0x0  }
0x2c: {  	[sflag:s13] =	ssyncadd.s32 $0xFFFFFF80  }
0x2d: {  	_ =	swait.ge [sflag:s13], $0x80  }
0x2e: {  	[sflag:s13] =	ssyncset.done $0x0  }
0x2f: {  	[sflag:s13] =	ssyncadd.s32 $0xFFFFFF80  }
0x30: {  	_ =	swait.ge [sflag:s13], $0x80  }
0x31: {  	[sflag:s13] =	ssyncset.done $0x0  }
0x32: {  	[sflag:s13] =	ssyncadd.s32 $0xFFFFFF80  }
0x33: {  	_ =	swait.ge [sflag:s13], $0x80  }
0x34: {  	[sflag:s13] =	ssyncset.done $0x0  }
0x35: {  	[sflag:s13] =	ssyncadd.s32 $0xFFFFFF80  }
0x36: {  	_ =	swait.ge [sflag:s13], $0x80  }
0x37: {  	[sflag:s13] =	ssyncset.done $0x0  }
0x38: {  	[sflag:s13] =	ssyncadd.s32 $0xFFFFFF80  }
0x39: {  	_ =	swait.ge [sflag:s13], $0x80  }
0x3a: {  	[sflag:s13] =	ssyncset.done $0x0  }
0x3b: {  	[sflag:s13] =	ssyncadd.s32 $0xFFFFFF80  }
0x3c: {  	_ =	swait.ge [sflag:s13], $0x80  }
0x3d: {  	[sflag:s13] =	ssyncset.done $0x0  }
0x3e: {  	[sflag:s13] =	ssyncadd.s32 $0xFFFFFF80  }
0x3f: {  	_ =	swait.ge [sflag:s13], $0x80  }
0x40: {  	[sflag:s13] =	ssyncset.done $0x0  }
0x41: {  	[sflag:s13] =	ssyncadd.s32 $0xFFFFFF80  }
0x42: {  	_ =	swait.ge [sflag:s13], $0x80  }
0x43: {  	[sflag:s13] =	ssyncset.done $0x0  }
0x44: {  	[sflag:s13] =	ssyncadd.s32 $0xFFFFFF80  }
0x45: {  	_ =	swait.ge [sflag:s13], $0x80  }
0x46: {  	[sflag:s13] =	ssyncset.done $0x0  }
0x47: {  	[sflag:s13] =	ssyncadd.s32 $0xFFFFFF80  }
0x48: {  	_ =	swait.ge [sflag:s13], $0x80  }
0x49: {  	[sflag:s13] =	ssyncset.done $0x0  }
0x4a: {  	[sflag:s13] =	ssyncadd.s32 $0xFFFFFF80  }
0x4b: {  	_ =	swait.ge [sflag:s13], $0x80  }
0x4c: {  	[sflag:s13] =	ssyncset.done $0x0  }
0x4d: {  	[sflag:s13] =	ssyncadd.s32 $0xFFFFFF80  }
0x4e: {  	_ =	swait.ge [sflag:s13], $0x80  }
0x4f: {  	[sflag:s13] =	ssyncset.done $0x0  }
0x50: {  	[sflag:s13] =	ssyncadd.s32 $0xFFFFFF80  }
0x51: {  	_ =	swait.ge [sflag:s13], $0x80  }
0x52: {  	[sflag:s13] =	ssyncset.done $0x0  }
0x53: {  	[sflag:s13] =	ssyncadd.s32 $0xFFFFFF80  }
0x54: {  	_ =	swait.ge [sflag:s13], $0x80  }
0x55: {  	[sflag:s13] =	ssyncset.done $0x0  }
0x56: {  	[sflag:s13] =	ssyncadd.s32 $0xFFFFFF80  }
0x57: {  	_ =	swait.ge [sflag:s13], $0x80  }
0x58: {  	[sflag:s13] =	ssyncset.done $0x0  }
0x59: {  	[sflag:s13] =	ssyncadd.s32 $0xFFFFFF80  }
0x5a: {  	_ =	swait.ge [sflag:s13], $0x80  }
0x5b: {  	[sflag:s13] =	ssyncset.done $0x0  }
0x5c: {  	[sflag:s13] =	ssyncadd.s32 $0xFFFFFF80  }
0x5d: {  	_ =	swait.ge [sflag:s13], $0x80  }
0x5e: {  	[sflag:s13] =	ssyncset.done $0x0  }
0x5f: {  	[sflag:s13] =	ssyncadd.s32 $0xFFFFFF80  }
0x60: {  	_ =	swait.ge [sflag:s13], $0x80  }
0x61: {  	[sflag:s13] =	ssyncset.done $0x0  }
0x62: {  	[sflag:s13] =	ssyncadd.s32 $0xFFFFFF80  }
0x63: {  	_ =	swait.ge [sflag:s13], $0x80  }
0x64: {  	[sflag:s13] =	ssyncset.done $0x0  }
0x65: {  	[sflag:s13] =	ssyncadd.s32 $0xFFFFFF80  }
0x66: {  	_ =	swait.ge [sflag:s13], $0x80  }
0x67: {  	[sflag:s13] =	ssyncset.done $0x0  }
0x68: {  	[sflag:s13] =	ssyncadd.s32 $0xFFFFFF80  }
0x69: {  	_ =	swait.ge [sflag:s13], $0x80  }
0x6a: {  	[sflag:s13] =	ssyncset.done $0x0  }
0x6b: {  	[sflag:s13] =	ssyncadd.s32 $0xFFFFFF80  }
0x6c: {  	_ =	swait.ge [sflag:s13], $0x80  }
0x6d: {  	[sflag:s13] =	ssyncset.done $0x0  }
0x6e: {  	[sflag:s13] =	ssyncadd.s32 $0xFFFFFF80  }
0x6f: {  	[hbm4b:s9+s1] =	stream.linear.scatter [tilespmem:s14], [sflag:$0x2], $0x8000, $0x38;
	[tilespmem:$0x10400] =	vst v63  }
0x70: {  	s16 =	sadd.s32 $0x1, s16;
	_ =	swait.ge [sflag:s12], $0x8000  }
0x71: {  	p0 =	sne.s32 s16, s11;
	[sflag:s12] =	ssyncset.done $0x0  }
.Ltmp1:
0x72: {  	[sflag:s12] =	ssyncadd.s32 $0xFFFF8000;
	(pc) =	sbr.rel @!p0 .LBB2_10-.Ltmp1, $4  }
0x73: {  	[hbm4b:s10+s1] =	stream.linear.scatter [tilespmem:s15], [sflag:$0x2], $0x8000, $0x38;
	[tilespmem:$0x10400] =	vst v63  }
0x74: {  	_ =	swait.ge [sflag:s12], $0x8000  }
0x75: {  	[sflag:s12] =	ssyncset.done $0x0  }
0x76: {  	[sflag:s12] =	ssyncadd.s32 $0xFFFF8000  }
.LBB2_1:
0x77: {  	[tilespmem:s1], [sflag:$0x2] =	stream.linear.gather [hbm4b:s5+s1], $0x200, $0x38;
	[tilespmem:$0x10400] =	vst v63  }
0x78: {  	_ =	swait.ge [sflag:s12], $0x200  }
0x79: {  	[sflag:s12] =	ssyncset.done $0x0  }
.Ltmp2:
0x7a: {  	s17 =	simm.s32 $0x200;
	[sflag:s12] =	ssyncadd.s32 $0xFFFFFE00;
	(pc) =	sbr.rel .LBB2_2-.Ltmp2, $4  }
0x7b: {  	[tilespmem:s17], [sflag:$0x2] =	stream.linear.gather [hbm4b:s6+s1], $0x200, $0x38;
	[tilespmem:$0x10400] =	vst v63  }
0x7c: {  	_ =	swait.ge [sflag:s12], $0x200  }
0x7d: {  	[sflag:s12] =	ssyncset.done $0x0  }
0x7e: {  	s18 =	simm.s32 $0x0;
	s19 =	simm.s32 $0x0;
	[sflag:s12] =	ssyncadd.s32 $0xFFFFFE00  }
.LBB2_4:
0x7f: {  	s19 =	sadd.s32 $0x2000, s19  }
0x80: {  	p0 =	sne.s32 s19, $0x20000  }
.Ltmp3:
0x81: {  	_ = 	snop;
	(pc) =	sbr.rel @!p0 .LBB2_5-.Ltmp3, $2  }
0x82: {  	_ =	sdelay $0x2  }
0x83: {  	s18 =	sadd.s32 $0x10, s18;
	s17 =	sadd.s32 $0x10, s17  }
.LBB2_2:
0x84: {  	v0 =	vld [tilespmem:s18+$0x0];
	_ =	sdelay $0x1  }
0x85: {  	v2 =	vld [tilespmem:s17+$0x0];
	_ =	sdelay $0x2  }
0x86: {  	v1 =	vshll.u32 v0, $0x4  }
0x87: {  	(v2sf) =	vpush v1, $0x0  }
0x88: {  	v63 =	vshll.u32 v2, $0x4  }
0x89: {  	(v2sf) =	vpush v63, $0x0;
	_ =	sdelay $0x1  }
0x8a: {  	(v2sf) =	vpush v1, $0x1;
	_ =	sdelay $0x2  }
0x8b: {  	(v2sf) =	vpush v63, $0x1;
	_ =	sdelay $0x7  }
0x8c: {  	s21 =	spop (v2sf);
	(v2sf) =	vpush v1, $0x2;
	_ =	sdelay $0x1  }
0x8d: {  	s28 =	spop (v2sf);
	(v2sf) =	vpush v63, $0x2;
	_ =	sdelay $0x1  }
0x8e: {  	s30 =	spop (v2sf);
	(v2sf) =	vpush v1, $0x3;
	_ =	sdelay $0x2  }
0x8f: {  	s23 =	spop (v2sf);
	(v2sf) =	vpush v63, $0x3;
	_ =	sdelay $0x4  }
0x90: {  	s20 =	sshra.s32 s19, $0x2;
	s21 =	sand.u32 $0x1FFFFFF0, s21  }
0x91: {  	s22 =	sadd.s32 $0x400, s20;
	s21 =	sadd.s32 s3, s21  }
0x92: {  	[tilespmem:s22], [sflag:$0x1] =	stream.linear.gather [hbm4b:s21+s1], $0x80, $0x38;
	[tilespmem:$0x10400] =	vst v63  }
0x93: {  	s25 =	spop (v2sf);
	(v2sf) =	vpush v1, $0x4  }
0x94: {  	s21 =	sand.u32 $0x1FFFFFF0, s28  }
0x95: {  	s29 =	sadd.s32 $0x8400, s20;
	s21 =	sadd.s32 s4, s21;
	s28 =	spop (v2sf);
	(v2sf) =	vpush v63, $0x4  }
0x96: {  	[tilespmem:s29], [sflag:$0x1] =	stream.linear.gather [hbm4b:s21+s1], $0x80, $0x38;
	[tilespmem:$0x10400] =	vst v63  }
0x97: {  	s21 =	sand.u32 $0x1FFFFFF0, s30;
	s30 =	spop (v2sf);
	(v2sf) =	vpush v1, $0x5  }
0x98: {  	s31 =	sadd.s32 $0x480, s20;
	s21 =	sadd.s32 s3, s21  }
0x99: {  	[tilespmem:s31], [sflag:$0x1] =	stream.linear.gather [hbm4b:s21+s1], $0x80, $0x38;
	[tilespmem:$0x10400] =	vst v63  }
0x9a: {  	s21 =	sand.u32 $0x1FFFFFF0, s23;
	s23 =	spop (v2sf);
	(v2sf) =	vpush v63, $0x5;
	_ =	sdelay $0x1  }
0x9b: {  	s24 =	sadd.s32 $0x8480, s20;
	s21 =	sadd.s32 s4, s21  }
0x9c: {  	[tilespmem:s24], [sflag:$0x1] =	stream.linear.gather [hbm4b:s21+s1], $0x80, $0x38;
	[tilespmem:$0x10400] =	vst v63  }
0x9d: {  	s21 =	sand.u32 $0x1FFFFFF0, s25  }
0x9e: {  	s26 =	sadd.s32 $0x500, s20;
	s21 =	sadd.s32 s3, s21  }
0x9f: {  	[tilespmem:s26], [sflag:$0x1] =	stream.linear.gather [hbm4b:s21+s1], $0x80, $0x38;
	[tilespmem:$0x10400] =	vst v63  }
0xa0: {  	s21 =	sand.u32 $0x1FFFFFF0, s28  }
0xa1: {  	s29 =	sadd.s32 $0x8500, s20;
	s21 =	sadd.s32 s4, s21;
	s25 =	spop (v2sf);
	(v2sf) =	vpush v1, $0x6  }
0xa2: {  	[tilespmem:s29], [sflag:$0x1] =	stream.linear.gather [hbm4b:s21+s1], $0x80, $0x38;
	[tilespmem:$0x10400] =	vst v63  }
0xa3: {  	s28 =	spop (v2sf);
	(v2sf) =	vpush v63, $0x6  }
0xa4: {  	s21 =	sand.u32 $0x1FFFFFF0, s30  }
0xa5: {  	s31 =	sadd.s32 $0x580, s20;
	s21 =	sadd.s32 s3, s21;
	s30 =	spop (v2sf);
	(v2sf) =	vpush v1, $0x7  }
0xa6: {  	[tilespmem:s31], [sflag:$0x1] =	stream.linear.gather [hbm4b:s21+s1], $0x80, $0x38;
	[tilespmem:$0x10400] =	vst v63  }
0xa7: {  	s21 =	sand.u32 $0x1FFFFFF0, s23  }
0xa8: {  	s24 =	sadd.s32 $0x8580, s20;
	s21 =	sadd.s32 s4, s21;
	s23 =	spop (v2sf);
	(v2sf) =	vpush v63, $0x7  }
0xa9: {  	[tilespmem:s24], [sflag:$0x1] =	stream.linear.gather [hbm4b:s21+s1], $0x80, $0x38;
	[tilespmem:$0x10400] =	vst v63  }
0xaa: {  	s21 =	sand.u32 $0x1FFFFFF0, s25  }
0xab: {  	s26 =	sadd.s32 $0x600, s20;
	s21 =	sadd.s32 s3, s21  }
0xac: {  	[tilespmem:s26], [sflag:$0x1] =	stream.linear.gather [hbm4b:s21+s1], $0x80, $0x38;
	[tilespmem:$0x10400] =	vst v63  }
0xad: {  	s21 =	sand.u32 $0x1FFFFFF0, s28  }
0xae: {  	s29 =	sadd.s32 $0x8600, s20;
	s21 =	sadd.s32 s4, s21  }
0xaf: {  	[tilespmem:s29], [sflag:$0x1] =	stream.linear.gather [hbm4b:s21+s1], $0x80, $0x38;
	[tilespmem:$0x10400] =	vst v63  }
0xb0: {  	s25 =	spop (v2sf);
	(v2sf) =	vpush v1, $0x8  }
0xb1: {  	s21 =	sand.u32 $0x1FFFFFF0, s30  }
0xb2: {  	s31 =	sadd.s32 $0x680, s20;
	s21 =	sadd.s32 s3, s21;
	s28 =	spop (v2sf);
	(v2sf) =	vpush v63, $0x8  }
0xb3: {  	[tilespmem:s31], [sflag:$0x1] =	stream.linear.gather [hbm4b:s21+s1], $0x80, $0x38;
	[tilespmem:$0x10400] =	vst v63  }
0xb4: {  	s21 =	sand.u32 $0x1FFFFFF0, s23;
	s30 =	spop (v2sf);
	(v2sf) =	vpush v1, $0x9  }
0xb5: {  	s24 =	sadd.s32 $0x8680, s20;
	s21 =	sadd.s32 s4, s21  }
0xb6: {  	[tilespmem:s24], [sflag:$0x1] =	stream.linear.gather [hbm4b:s21+s1], $0x80, $0x38;
	[tilespmem:$0x10400] =	vst v63  }
0xb7: {  	s23 =	spop (v2sf);
	(v2sf) =	vpush v63, $0x9  }
0xb8: {  	s21 =	sand.u32 $0x1FFFFFF0, s25  }
0xb9: {  	s26 =	sadd.s32 $0x700, s20;
	s21 =	sadd.s32 s3, s21  }
0xba: {  	[tilespmem:s26], [sflag:$0x1] =	stream.linear.gather [hbm4b:s21+s1], $0x80, $0x38;
	[tilespmem:$0x10400] =	vst v63  }
0xbb: {  	s21 =	sand.u32 $0x1FFFFFF0, s28  }
0xbc: {  	s29 =	sadd.s32 $0x8700, s20;
	s21 =	sadd.s32 s4, s21  }
0xbd: {  	[tilespmem:s29], [sflag:$0x1] =	stream.linear.gather [hbm4b:s21+s1], $0x80, $0x38;
	[tilespmem:$0x10400] =	vst v63  }
0xbe: {  	s21 =	sand.u32 $0x1FFFFFF0, s30  }
0xbf: {  	s31 =	sadd.s32 $0x780, s20;
	s21 =	sadd.s32 s3, s21;
	s25 =	spop (v2sf);
	(v2sf) =	vpush v1, $0xA  }
0xc0: {  	[tilespmem:s31], [sflag:$0x1] =	stream.linear.gather [hbm4b:s21+s1], $0x80, $0x38;
	[tilespmem:$0x10400] =	vst v63  }
0xc1: {  	s28 =	spop (v2sf);
	(v2sf) =	vpush v63, $0xA  }
0xc2: {  	s21 =	sand.u32 $0x1FFFFFF0, s23  }
0xc3: {  	s24 =	sadd.s32 $0x8780, s20;
	s21 =	sadd.s32 s4, s21;
	s30 =	spop (v2sf);
	(v2sf) =	vpush v1, $0xB  }
0xc4: {  	[tilespmem:s24], [sflag:$0x1] =	stream.linear.gather [hbm4b:s21+s1], $0x80, $0x38;
	[tilespmem:$0x10400] =	vst v63  }
0xc5: {  	s21 =	sand.u32 $0x1FFFFFF0, s25  }
0xc6: {  	s26 =	sadd.s32 $0x800, s20;
	s21 =	sadd.s32 s3, s21;
	s23 =	spop (v2sf);
	(v2sf) =	vpush v63, $0xB  }
0xc7: {  	[tilespmem:s26], [sflag:$0x1] =	stream.linear.gather [hbm4b:s21+s1], $0x80, $0x38;
	[tilespmem:$0x10400] =	vst v63  }
0xc8: {  	s21 =	sand.u32 $0x1FFFFFF0, s28  }
0xc9: {  	s29 =	sadd.s32 $0x8800, s20;
	s21 =	sadd.s32 s4, s21  }
0xca: {  	[tilespmem:s29], [sflag:$0x1] =	stream.linear.gather [hbm4b:s21+s1], $0x80, $0x38;
	[tilespmem:$0x10400] =	vst v63  }
0xcb: {  	s21 =	sand.u32 $0x1FFFFFF0, s30  }
0xcc: {  	s31 =	sadd.s32 $0x880, s20;
	s21 =	sadd.s32 s3, s21  }
0xcd: {  	[tilespmem:s31], [sflag:$0x1] =	stream.linear.gather [hbm4b:s21+s1], $0x80, $0x38;
	[tilespmem:$0x10400] =	vst v63  }
0xce: {  	s25 =	spop (v2sf);
	(v2sf) =	vpush v1, $0xC  }
0xcf: {  	s21 =	sand.u32 $0x1FFFFFF0, s23  }
0xd0: {  	s24 =	sadd.s32 $0x8880, s20;
	s21 =	sadd.s32 s4, s21;
	s28 =	spop (v2sf);
	(v2sf) =	vpush v63, $0xC  }
0xd1: {  	[tilespmem:s24], [sflag:$0x1] =	stream.linear.gather [hbm4b:s21+s1], $0x80, $0x38;
	[tilespmem:$0x10400] =	vst v63  }
0xd2: {  	s21 =	sand.u32 $0x1FFFFFF0, s25;
	s30 =	spop (v2sf);
	(v2sf) =	vpush v1, $0xD  }
0xd3: {  	s26 =	sadd.s32 $0x900, s20;
	s21 =	sadd.s32 s3, s21  }
0xd4: {  	[tilespmem:s26], [sflag:$0x1] =	stream.linear.gather [hbm4b:s21+s1], $0x80, $0x38;
	[tilespmem:$0x10400] =	vst v63  }
0xd5: {  	s23 =	spop (v2sf);
	(v2sf) =	vpush v63, $0xD  }
0xd6: {  	s21 =	sand.u32 $0x1FFFFFF0, s28  }
0xd7: {  	s29 =	sadd.s32 $0x8900, s20;
	s21 =	sadd.s32 s4, s21  }
0xd8: {  	[tilespmem:s29], [sflag:$0x1] =	stream.linear.gather [hbm4b:s21+s1], $0x80, $0x38;
	[tilespmem:$0x10400] =	vst v63  }
0xd9: {  	s21 =	sand.u32 $0x1FFFFFF0, s30  }
0xda: {  	s31 =	sadd.s32 $0x980, s20;
	s21 =	sadd.s32 s3, s21  }
0xdb: {  	[tilespmem:s31], [sflag:$0x1] =	stream.linear.gather [hbm4b:s21+s1], $0x80, $0x38;
	[tilespmem:$0x10400] =	vst v63  }
0xdc: {  	s21 =	sand.u32 $0x1FFFFFF0, s23  }
0xdd: {  	s24 =	sadd.s32 $0x8980, s20;
	s21 =	sadd.s32 s4, s21;
	s25 =	spop (v2sf);
	(v2sf) =	vpush v1, $0xE  }
0xde: {  	[tilespmem:s24], [sflag:$0x1] =	stream.linear.gather [hbm4b:s21+s1], $0x80, $0x38;
	[tilespmem:$0x10400] =	vst v63  }
0xdf: {  	s28 =	spop (v2sf);
	(v2sf) =	vpush v63, $0xE  }
0xe0: {  	s21 =	sand.u32 $0x1FFFFFF0, s25  }
0xe1: {  	s26 =	sadd.s32 $0xA00, s20;
	s21 =	sadd.s32 s3, s21;
	s30 =	spop (v2sf)  }
0xe2: {  	(v2sf) =	vpush v1, $0xF;
	[tilespmem:s26], [sflag:$0x1] =	stream.linear.gather [hbm4b:s21+s1], $0x80, $0x38;
	[tilespmem:$0x10400] =	vst v63  }
0xe3: {  	s21 =	sand.u32 $0x1FFFFFF0, s28  }
0xe4: {  	s29 =	sadd.s32 $0x8A00, s20;
	s22 =	spop (v2sf);
	s21 =	sadd.s32 s4, s21  }
0xe5: {  	(v2sf) =	vpush v63, $0xF;
	[tilespmem:s29], [sflag:$0x1] =	stream.linear.gather [hbm4b:s21+s1], $0x80, $0x38;
	[tilespmem:$0x10400] =	vst v63  }
0xe6: {  	s21 =	sand.u32 $0x1FFFFFF0, s30  }
0xe7: {  	s31 =	sadd.s32 $0xA80, s20;
	s21 =	sadd.s32 s3, s21  }
0xe8: {  	[tilespmem:s31], [sflag:$0x1] =	stream.linear.gather [hbm4b:s21+s1], $0x80, $0x38;
	[tilespmem:$0x10400] =	vst v63  }
0xe9: {  	s21 =	sand.u32 $0x1FFFFFF0, s22  }
0xea: {  	s23 =	sadd.s32 $0x8A80, s20;
	s21 =	sadd.s32 s4, s21  }
0xeb: {  	[tilespmem:s23], [sflag:$0x1] =	stream.linear.gather [hbm4b:s21+s1], $0x80, $0x38;
	[tilespmem:$0x10400] =	vst v63  }
0xec: {  	s24 =	spop (v2sf)  }
0xed: {  	s21 =	sand.u32 $0x1FFFFFF0, s24  }
0xee: {  	s25 =	sadd.s32 $0xB00, s20;
	s26 =	spop (v2sf);
	s21 =	sadd.s32 s3, s21  }
0xef: {  	[tilespmem:s25], [sflag:$0x1] =	stream.linear.gather [hbm4b:s21+s1], $0x80, $0x38;
	[tilespmem:$0x10400] =	vst v63  }
0xf0: {  	s21 =	sand.u32 $0x1FFFFFF0, s26  }
0xf1: {  	s28 =	sadd.s32 $0x8B00, s20;
	s29 =	spop (v2sf);
	s21 =	sadd.s32 s4, s21  }
0xf2: {  	[tilespmem:s28], [sflag:$0x1] =	stream.linear.gather [hbm4b:s21+s1], $0x80, $0x38;
	[tilespmem:$0x10400] =	vst v63  }
0xf3: {  	p0 =	seq.s32 s19, $0x0;
	s30 =	sadd.s32 $0xB80, s20;
	s21 =	sand.u32 $0x1FFFFFF0, s29  }
.Ltmp4:
0xf4: {  	s31 =	spop (v2sf);
	s21 =	sadd.s32 s3, s21;
	(pc) =	sbr.rel @p0 .LBB2_4-.Ltmp4, $4  }
0xf5: {  	[tilespmem:s30], [sflag:$0x1] =	stream.linear.gather [hbm4b:s21+s1], $0x80, $0x38;
	[tilespmem:$0x10400] =	vst v63  }
0xf6: {  	s21 =	sand.u32 $0x1FFFFFF0, s31  }
0xf7: {  	s20 =	sadd.s32 $0x8B80, s20;
	s21 =	sadd.s32 s4, s21  }
0xf8: {  	[tilespmem:s20], [sflag:$0x1] =	stream.linear.gather [hbm4b:s21+s1], $0x80, $0x38;
	[tilespmem:$0x10400] =	vst v63  }
0xf9: {  	_ =	swait.ge [sflag:s13], $0x80  }
0xfa: {  	[sflag:s13] =	ssyncset.done $0x0  }
0xfb: {  	[sflag:s13] =	ssyncadd.s32 $0xFFFFFF80  }
0xfc: {  	_ =	swait.ge [sflag:s13], $0x80  }
0xfd: {  	[sflag:s13] =	ssyncset.done $0x0  }
0xfe: {  	[sflag:s13] =	ssyncadd.s32 $0xFFFFFF80  }
0xff: {  	_ =	swait.ge [sflag:s13], $0x80  }
0x100: {  	[sflag:s13] =	ssyncset.done $0x0  }
0x101: {  	[sflag:s13] =	ssyncadd.s32 $0xFFFFFF80  }
0x102: {  	_ =	swait.ge [sflag:s13], $0x80  }
0x103: {  	[sflag:s13] =	ssyncset.done $0x0  }
0x104: {  	[sflag:s13] =	ssyncadd.s32 $0xFFFFFF80  }
0x105: {  	_ =	swait.ge [sflag:s13], $0x80  }
0x106: {  	[sflag:s13] =	ssyncset.done $0x0  }
0x107: {  	[sflag:s13] =	ssyncadd.s32 $0xFFFFFF80  }
0x108: {  	_ =	swait.ge [sflag:s13], $0x80  }
0x109: {  	[sflag:s13] =	ssyncset.done $0x0  }
0x10a: {  	[sflag:s13] =	ssyncadd.s32 $0xFFFFFF80  }
0x10b: {  	_ =	swait.ge [sflag:s13], $0x80  }
0x10c: {  	[sflag:s13] =	ssyncset.done $0x0  }
0x10d: {  	[sflag:s13] =	ssyncadd.s32 $0xFFFFFF80  }
0x10e: {  	_ =	swait.ge [sflag:s13], $0x80  }
0x10f: {  	[sflag:s13] =	ssyncset.done $0x0  }
0x110: {  	[sflag:s13] =	ssyncadd.s32 $0xFFFFFF80  }
0x111: {  	_ =	swait.ge [sflag:s13], $0x80  }
0x112: {  	[sflag:s13] =	ssyncset.done $0x0  }
0x113: {  	[sflag:s13] =	ssyncadd.s32 $0xFFFFFF80  }
0x114: {  	_ =	swait.ge [sflag:s13], $0x80  }
0x115: {  	[sflag:s13] =	ssyncset.done $0x0  }
0x116: {  	[sflag:s13] =	ssyncadd.s32 $0xFFFFFF80  }
0x117: {  	_ =	swait.ge [sflag:s13], $0x80  }
0x118: {  	[sflag:s13] =	ssyncset.done $0x0  }
0x119: {  	[sflag:s13] =	ssyncadd.s32 $0xFFFFFF80  }
0x11a: {  	_ =	swait.ge [sflag:s13], $0x80  }
0x11b: {  	[sflag:s13] =	ssyncset.done $0x0  }
0x11c: {  	[sflag:s13] =	ssyncadd.s32 $0xFFFFFF80  }
0x11d: {  	_ =	swait.ge [sflag:s13], $0x80  }
0x11e: {  	[sflag:s13] =	ssyncset.done $0x0  }
0x11f: {  	[sflag:s13] =	ssyncadd.s32 $0xFFFFFF80  }
0x120: {  	_ =	swait.ge [sflag:s13], $0x80  }
0x121: {  	[sflag:s13] =	ssyncset.done $0x0  }
0x122: {  	[sflag:s13] =	ssyncadd.s32 $0xFFFFFF80  }
0x123: {  	_ =	swait.ge [sflag:s13], $0x80  }
0x124: {  	[sflag:s13] =	ssyncset.done $0x0  }
0x125: {  	[sflag:s13] =	ssyncadd.s32 $0xFFFFFF80  }
0x126: {  	_ =	swait.ge [sflag:s13], $0x80  }
0x127: {  	[sflag:s13] =	ssyncset.done $0x0  }
0x128: {  	[sflag:s13] =	ssyncadd.s32 $0xFFFFFF80  }
0x129: {  	_ =	swait.ge [sflag:s13], $0x80  }
0x12a: {  	[sflag:s13] =	ssyncset.done $0x0  }
0x12b: {  	[sflag:s13] =	ssyncadd.s32 $0xFFFFFF80  }
0x12c: {  	_ =	swait.ge [sflag:s13], $0x80  }
0x12d: {  	[sflag:s13] =	ssyncset.done $0x0  }
0x12e: {  	[sflag:s13] =	ssyncadd.s32 $0xFFFFFF80  }
0x12f: {  	_ =	swait.ge [sflag:s13], $0x80  }
0x130: {  	[sflag:s13] =	ssyncset.done $0x0  }
0x131: {  	[sflag:s13] =	ssyncadd.s32 $0xFFFFFF80  }
0x132: {  	_ =	swait.ge [sflag:s13], $0x80  }
0x133: {  	[sflag:s13] =	ssyncset.done $0x0  }
0x134: {  	[sflag:s13] =	ssyncadd.s32 $0xFFFFFF80  }
0x135: {  	_ =	swait.ge [sflag:s13], $0x80  }
0x136: {  	[sflag:s13] =	ssyncset.done $0x0  }
0x137: {  	[sflag:s13] =	ssyncadd.s32 $0xFFFFFF80  }
0x138: {  	_ =	swait.ge [sflag:s13], $0x80  }
0x139: {  	[sflag:s13] =	ssyncset.done $0x0  }
0x13a: {  	[sflag:s13] =	ssyncadd.s32 $0xFFFFFF80  }
0x13b: {  	_ =	swait.ge [sflag:s13], $0x80  }
0x13c: {  	[sflag:s13] =	ssyncset.done $0x0  }
0x13d: {  	[sflag:s13] =	ssyncadd.s32 $0xFFFFFF80  }
0x13e: {  	_ =	swait.ge [sflag:s13], $0x80  }
0x13f: {  	[sflag:s13] =	ssyncset.done $0x0  }
0x140: {  	[sflag:s13] =	ssyncadd.s32 $0xFFFFFF80  }
0x141: {  	_ =	swait.ge [sflag:s13], $0x80  }
0x142: {  	[sflag:s13] =	ssyncset.done $0x0  }
0x143: {  	[sflag:s13] =	ssyncadd.s32 $0xFFFFFF80  }
0x144: {  	_ =	swait.ge [sflag:s13], $0x80  }
0x145: {  	[sflag:s13] =	ssyncset.done $0x0  }
0x146: {  	[sflag:s13] =	ssyncadd.s32 $0xFFFFFF80  }
0x147: {  	_ =	swait.ge [sflag:s13], $0x80  }
0x148: {  	[sflag:s13] =	ssyncset.done $0x0  }
0x149: {  	[sflag:s13] =	ssyncadd.s32 $0xFFFFFF80  }
0x14a: {  	_ =	swait.ge [sflag:s13], $0x80  }
0x14b: {  	[sflag:s13] =	ssyncset.done $0x0  }
0x14c: {  	[sflag:s13] =	ssyncadd.s32 $0xFFFFFF80  }
0x14d: {  	_ =	swait.ge [sflag:s13], $0x80  }
0x14e: {  	[sflag:s13] =	ssyncset.done $0x0  }
0x14f: {  	[sflag:s13] =	ssyncadd.s32 $0xFFFFFF80  }
0x150: {  	_ =	swait.ge [sflag:s13], $0x80  }
0x151: {  	[sflag:s13] =	ssyncset.done $0x0  }
0x152: {  	[sflag:s13] =	ssyncadd.s32 $0xFFFFFF80  }
0x153: {  	_ =	swait.ge [sflag:s13], $0x80  }
.Ltmp5:
0x154: {  	[sflag:s13] =	ssyncset.done $0x0;
	(pc) =	sbr.rel .LBB2_4-.Ltmp5, $4  }
0x155: {  	[sflag:s13] =	ssyncadd.s32 $0xFFFFFF80  }
0x156: {  	_ =	swait.ge [sflag:s13], $0x80  }
0x157: {  	[sflag:s13] =	ssyncset.done $0x0  }
0x158: {  	[sflag:s13] =	ssyncadd.s32 $0xFFFFFF80  }
.LBB2_5:
0x159: {  	_ =	swait.ge [sflag:s13], $0x80  }
0x15a: {  	[sflag:s13] =	ssyncset.done $0x0  }
0x15b: {  	[sflag:s13] =	ssyncadd.s32 $0xFFFFFF80  }
0x15c: {  	_ =	swait.ge [sflag:s13], $0x80  }
0x15d: {  	[sflag:s13] =	ssyncset.done $0x0  }
0x15e: {  	[sflag:s13] =	ssyncadd.s32 $0xFFFFFF80  }
0x15f: {  	_ =	swait.ge [sflag:s13], $0x80  }
0x160: {  	[sflag:s13] =	ssyncset.done $0x0  }
0x161: {  	[sflag:s13] =	ssyncadd.s32 $0xFFFFFF80  }
0x162: {  	_ =	swait.ge [sflag:s13], $0x80  }
0x163: {  	[sflag:s13] =	ssyncset.done $0x0  }
0x164: {  	[sflag:s13] =	ssyncadd.s32 $0xFFFFFF80  }
0x165: {  	_ =	swait.ge [sflag:s13], $0x80  }
0x166: {  	[sflag:s13] =	ssyncset.done $0x0  }
0x167: {  	[sflag:s13] =	ssyncadd.s32 $0xFFFFFF80  }
0x168: {  	_ =	swait.ge [sflag:s13], $0x80  }
0x169: {  	[sflag:s13] =	ssyncset.done $0x0  }
0x16a: {  	[sflag:s13] =	ssyncadd.s32 $0xFFFFFF80  }
0x16b: {  	_ =	swait.ge [sflag:s13], $0x80  }
0x16c: {  	[sflag:s13] =	ssyncset.done $0x0  }
0x16d: {  	[sflag:s13] =	ssyncadd.s32 $0xFFFFFF80  }
0x16e: {  	_ =	swait.ge [sflag:s13], $0x80  }
0x16f: {  	[sflag:s13] =	ssyncset.done $0x0  }
0x170: {  	[sflag:s13] =	ssyncadd.s32 $0xFFFFFF80  }
0x171: {  	_ =	swait.ge [sflag:s13], $0x80  }
0x172: {  	[sflag:s13] =	ssyncset.done $0x0  }
0x173: {  	[sflag:s13] =	ssyncadd.s32 $0xFFFFFF80  }
0x174: {  	_ =	swait.ge [sflag:s13], $0x80  }
0x175: {  	[sflag:s13] =	ssyncset.done $0x0  }
0x176: {  	[sflag:s13] =	ssyncadd.s32 $0xFFFFFF80  }
0x177: {  	_ =	swait.ge [sflag:s13], $0x80  }
0x178: {  	[sflag:s13] =	ssyncset.done $0x0  }
0x179: {  	[sflag:s13] =	ssyncadd.s32 $0xFFFFFF80  }
0x17a: {  	_ =	swait.ge [sflag:s13], $0x80  }
0x17b: {  	[sflag:s13] =	ssyncset.done $0x0  }
0x17c: {  	[sflag:s13] =	ssyncadd.s32 $0xFFFFFF80  }
0x17d: {  	_ =	swait.ge [sflag:s13], $0x80  }
0x17e: {  	[sflag:s13] =	ssyncset.done $0x0  }
0x17f: {  	[sflag:s13] =	ssyncadd.s32 $0xFFFFFF80  }
0x180: {  	_ =	swait.ge [sflag:s13], $0x80  }
0x181: {  	[sflag:s13] =	ssyncset.done $0x0  }
0x182: {  	[sflag:s13] =	ssyncadd.s32 $0xFFFFFF80  }
0x183: {  	_ =	swait.ge [sflag:s13], $0x80  }
0x184: {  	[sflag:s13] =	ssyncset.done $0x0  }
0x185: {  	[sflag:s13] =	ssyncadd.s32 $0xFFFFFF80  }
0x186: {  	_ =	swait.ge [sflag:s13], $0x80  }
0x187: {  	[sflag:s13] =	ssyncset.done $0x0  }
0x188: {  	[sflag:s13] =	ssyncadd.s32 $0xFFFFFF80  }
0x189: {  	_ =	swait.ge [sflag:s13], $0x80  }
0x18a: {  	[sflag:s13] =	ssyncset.done $0x0  }
0x18b: {  	[sflag:s13] =	ssyncadd.s32 $0xFFFFFF80  }
0x18c: {  	_ =	swait.ge [sflag:s13], $0x80  }
0x18d: {  	[sflag:s13] =	ssyncset.done $0x0  }
0x18e: {  	[sflag:s13] =	ssyncadd.s32 $0xFFFFFF80  }
0x18f: {  	_ =	swait.ge [sflag:s13], $0x80  }
0x190: {  	[sflag:s13] =	ssyncset.done $0x0  }
0x191: {  	[sflag:s13] =	ssyncadd.s32 $0xFFFFFF80  }
0x192: {  	_ =	swait.ge [sflag:s13], $0x80  }
0x193: {  	[sflag:s13] =	ssyncset.done $0x0  }
0x194: {  	[sflag:s13] =	ssyncadd.s32 $0xFFFFFF80  }
0x195: {  	_ =	swait.ge [sflag:s13], $0x80  }
0x196: {  	[sflag:s13] =	ssyncset.done $0x0  }
0x197: {  	[sflag:s13] =	ssyncadd.s32 $0xFFFFFF80  }
0x198: {  	_ =	swait.ge [sflag:s13], $0x80  }
0x199: {  	[sflag:s13] =	ssyncset.done $0x0  }
0x19a: {  	[sflag:s13] =	ssyncadd.s32 $0xFFFFFF80  }
0x19b: {  	_ =	swait.ge [sflag:s13], $0x80  }
0x19c: {  	[sflag:s13] =	ssyncset.done $0x0  }
0x19d: {  	[sflag:s13] =	ssyncadd.s32 $0xFFFFFF80  }
0x19e: {  	_ =	swait.ge [sflag:s13], $0x80  }
0x19f: {  	[sflag:s13] =	ssyncset.done $0x0  }
0x1a0: {  	[sflag:s13] =	ssyncadd.s32 $0xFFFFFF80  }
0x1a1: {  	_ =	swait.ge [sflag:s13], $0x80  }
0x1a2: {  	[sflag:s13] =	ssyncset.done $0x0  }
0x1a3: {  	[sflag:s13] =	ssyncadd.s32 $0xFFFFFF80  }
0x1a4: {  	_ =	swait.ge [sflag:s13], $0x80  }
0x1a5: {  	[sflag:s13] =	ssyncset.done $0x0  }
0x1a6: {  	[sflag:s13] =	ssyncadd.s32 $0xFFFFFF80  }
0x1a7: {  	_ =	swait.ge [sflag:s13], $0x80  }
0x1a8: {  	[sflag:s13] =	ssyncset.done $0x0  }
0x1a9: {  	[sflag:s13] =	ssyncadd.s32 $0xFFFFFF80  }
0x1aa: {  	_ =	swait.ge [sflag:s13], $0x80  }
0x1ab: {  	[sflag:s13] =	ssyncset.done $0x0  }
0x1ac: {  	[sflag:s13] =	ssyncadd.s32 $0xFFFFFF80  }
0x1ad: {  	_ =	swait.ge [sflag:s13], $0x80  }
0x1ae: {  	[sflag:s13] =	ssyncset.done $0x0  }
0x1af: {  	[sflag:s13] =	ssyncadd.s32 $0xFFFFFF80  }
0x1b0: {  	_ =	swait.ge [sflag:s13], $0x80  }
0x1b1: {  	[sflag:s13] =	ssyncset.done $0x0  }
0x1b2: {  	[sflag:s13] =	ssyncadd.s32 $0xFFFFFF80  }
0x1b3: {  	_ =	swait.ge [sflag:s13], $0x80  }
0x1b4: {  	[sflag:s13] =	ssyncset.done $0x0  }
0x1b5: {  	[sflag:s13] =	ssyncadd.s32 $0xFFFFFF80  }
0x1b6: {  	_ =	swait.ge [sflag:s13], $0x80  }
0x1b7: {  	[sflag:s13] =	ssyncset.done $0x0  }
0x1b8: {  	s17 =	simm.s32 $0x0;
	[sflag:s13] =	ssyncadd.s32 $0xFFFFFF80  }
0x1b9: {  	[hbm4b:s7+s17] =	stream.linear.scatter [tilespmem:s14], [sflag:$0x2], $0x8000, $0x38;
	[tilespmem:$0x10400] =	vst v63  }
0x1ba: {  	_ =	swait.ge [sflag:s12], $0x8000  }
0x1bb: {  	[sflag:s12] =	ssyncset.done $0x0  }
.Ltmp6:
0x1bc: {  	[sflag:s12] =	ssyncadd.s32 $0xFFFF8000;
	(pc) =	sbr.rel .LBB2_6-.Ltmp6, $4  }
0x1bd: {  	[hbm4b:s8+s17] =	stream.linear.scatter [tilespmem:s15], [sflag:$0x2], $0x8000, $0x38;
	[tilespmem:$0x10400] =	vst v63  }
0x1be: {  	_ =	swait.ge [sflag:s12], $0x8000  }
0x1bf: {  	[sflag:s12] =	ssyncset.done $0x0  }
0x1c0: {  	s18 =	simm.s32 $0x100;
	s19 =	simm.s32 $0x300;
	[sflag:s12] =	ssyncadd.s32 $0xFFFF8000  }
.LBB2_8:
0x1c1: {  	s17 =	sadd.s32 $0x2000, s17  }
0x1c2: {  	p0 =	sne.s32 s17, $0x20000  }
.Ltmp7:
0x1c3: {  	_ = 	snop;
	(pc) =	sbr.rel @!p0 .LBB2_9-.Ltmp7, $2  }
0x1c4: {  	_ =	sdelay $0x2  }
0x1c5: {  	s18 =	sadd.s32 $0x10, s18;
	s19 =	sadd.s32 $0x10, s19  }
.LBB2_6:
0x1c6: {  	v0 =	vld [tilespmem:s18+$0x0];
	_ =	sdelay $0x1  }
0x1c7: {  	v2 =	vld [tilespmem:s19+$0x0];
	_ =	sdelay $0x2  }
0x1c8: {  	v1 =	vshll.u32 v0, $0x4  }
0x1c9: {  	(v2sf) =	vpush v1, $0x0  }
0x1ca: {  	v63 =	vshll.u32 v2, $0x4  }
0x1cb: {  	(v2sf) =	vpush v63, $0x0;
	_ =	sdelay $0x1  }
0x1cc: {  	(v2sf) =	vpush v1, $0x1;
	_ =	sdelay $0x2  }
0x1cd: {  	(v2sf) =	vpush v63, $0x1;
	_ =	sdelay $0x7  }
0x1ce: {  	s21 =	spop (v2sf);
	(v2sf) =	vpush v1, $0x2;
	_ =	sdelay $0x1  }
0x1cf: {  	s28 =	spop (v2sf);
	(v2sf) =	vpush v63, $0x2;
	_ =	sdelay $0x1  }
0x1d0: {  	s30 =	spop (v2sf);
	(v2sf) =	vpush v1, $0x3;
	_ =	sdelay $0x2  }
0x1d1: {  	s23 =	spop (v2sf);
	(v2sf) =	vpush v63, $0x3;
	_ =	sdelay $0x4  }
0x1d2: {  	s20 =	sshra.s32 s17, $0x2;
	s21 =	sand.u32 $0x1FFFFFF0, s21  }
0x1d3: {  	s22 =	sadd.s32 $0x400, s20;
	s21 =	sadd.s32 s3, s21  }
0x1d4: {  	[tilespmem:s22], [sflag:$0x1] =	stream.linear.gather [hbm4b:s21+s1], $0x80, $0x38;
	[tilespmem:$0x10400] =	vst v63  }
0x1d5: {  	s25 =	spop (v2sf);
	(v2sf) =	vpush v1, $0x4  }
0x1d6: {  	s21 =	sand.u32 $0x1FFFFFF0, s28  }
0x1d7: {  	s29 =	sadd.s32 $0x8400, s20;
	s21 =	sadd.s32 s4, s21;
	s28 =	spop (v2sf);
	(v2sf) =	vpush v63, $0x4  }
0x1d8: {  	[tilespmem:s29], [sflag:$0x1] =	stream.linear.gather [hbm4b:s21+s1], $0x80, $0x38;
	[tilespmem:$0x10400] =	vst v63  }
0x1d9: {  	s21 =	sand.u32 $0x1FFFFFF0, s30;
	s30 =	spop (v2sf);
	(v2sf) =	vpush v1, $0x5  }
0x1da: {  	s31 =	sadd.s32 $0x480, s20;
	s21 =	sadd.s32 s3, s21  }
0x1db: {  	[tilespmem:s31], [sflag:$0x1] =	stream.linear.gather [hbm4b:s21+s1], $0x80, $0x38;
	[tilespmem:$0x10400] =	vst v63  }
0x1dc: {  	s21 =	sand.u32 $0x1FFFFFF0, s23;
	s23 =	spop (v2sf);
	(v2sf) =	vpush v63, $0x5;
	_ =	sdelay $0x1  }
0x1dd: {  	s24 =	sadd.s32 $0x8480, s20;
	s21 =	sadd.s32 s4, s21  }
0x1de: {  	[tilespmem:s24], [sflag:$0x1] =	stream.linear.gather [hbm4b:s21+s1], $0x80, $0x38;
	[tilespmem:$0x10400] =	vst v63  }
0x1df: {  	s21 =	sand.u32 $0x1FFFFFF0, s25  }
0x1e0: {  	s26 =	sadd.s32 $0x500, s20;
	s21 =	sadd.s32 s3, s21  }
0x1e1: {  	[tilespmem:s26], [sflag:$0x1] =	stream.linear.gather [hbm4b:s21+s1], $0x80, $0x38;
	[tilespmem:$0x10400] =	vst v63  }
0x1e2: {  	s21 =	sand.u32 $0x1FFFFFF0, s28  }
0x1e3: {  	s29 =	sadd.s32 $0x8500, s20;
	s21 =	sadd.s32 s4, s21;
	s25 =	spop (v2sf);
	(v2sf) =	vpush v1, $0x6  }
0x1e4: {  	[tilespmem:s29], [sflag:$0x1] =	stream.linear.gather [hbm4b:s21+s1], $0x80, $0x38;
	[tilespmem:$0x10400] =	vst v63  }
0x1e5: {  	s28 =	spop (v2sf);
	(v2sf) =	vpush v63, $0x6  }
0x1e6: {  	s21 =	sand.u32 $0x1FFFFFF0, s30  }
0x1e7: {  	s31 =	sadd.s32 $0x580, s20;
	s21 =	sadd.s32 s3, s21;
	s30 =	spop (v2sf);
	(v2sf) =	vpush v1, $0x7  }
0x1e8: {  	[tilespmem:s31], [sflag:$0x1] =	stream.linear.gather [hbm4b:s21+s1], $0x80, $0x38;
	[tilespmem:$0x10400] =	vst v63  }
0x1e9: {  	s21 =	sand.u32 $0x1FFFFFF0, s23  }
0x1ea: {  	s24 =	sadd.s32 $0x8580, s20;
	s21 =	sadd.s32 s4, s21;
	s23 =	spop (v2sf);
	(v2sf) =	vpush v63, $0x7  }
0x1eb: {  	[tilespmem:s24], [sflag:$0x1] =	stream.linear.gather [hbm4b:s21+s1], $0x80, $0x38;
	[tilespmem:$0x10400] =	vst v63  }
0x1ec: {  	s21 =	sand.u32 $0x1FFFFFF0, s25  }
0x1ed: {  	s26 =	sadd.s32 $0x600, s20;
	s21 =	sadd.s32 s3, s21  }
0x1ee: {  	[tilespmem:s26], [sflag:$0x1] =	stream.linear.gather [hbm4b:s21+s1], $0x80, $0x38;
	[tilespmem:$0x10400] =	vst v63  }
0x1ef: {  	s21 =	sand.u32 $0x1FFFFFF0, s28  }
0x1f0: {  	s29 =	sadd.s32 $0x8600, s20;
	s21 =	sadd.s32 s4, s21  }
0x1f1: {  	[tilespmem:s29], [sflag:$0x1] =	stream.linear.gather [hbm4b:s21+s1], $0x80, $0x38;
	[tilespmem:$0x10400] =	vst v63  }
0x1f2: {  	s25 =	spop (v2sf);
	(v2sf) =	vpush v1, $0x8  }
0x1f3: {  	s21 =	sand.u32 $0x1FFFFFF0, s30  }
0x1f4: {  	s31 =	sadd.s32 $0x680, s20;
	s21 =	sadd.s32 s3, s21;
	s28 =	spop (v2sf);
	(v2sf) =	vpush v63, $0x8  }
0x1f5: {  	[tilespmem:s31], [sflag:$0x1] =	stream.linear.gather [hbm4b:s21+s1], $0x80, $0x38;
	[tilespmem:$0x10400] =	vst v63  }
0x1f6: {  	s21 =	sand.u32 $0x1FFFFFF0, s23;
	s30 =	spop (v2sf);
	(v2sf) =	vpush v1, $0x9  }
0x1f7: {  	s24 =	sadd.s32 $0x8680, s20;
	s21 =	sadd.s32 s4, s21  }
0x1f8: {  	[tilespmem:s24], [sflag:$0x1] =	stream.linear.gather [hbm4b:s21+s1], $0x80, $0x38;
	[tilespmem:$0x10400] =	vst v63  }
0x1f9: {  	s23 =	spop (v2sf);
	(v2sf) =	vpush v63, $0x9  }
0x1fa: {  	s21 =	sand.u32 $0x1FFFFFF0, s25  }
0x1fb: {  	s26 =	sadd.s32 $0x700, s20;
	s21 =	sadd.s32 s3, s21  }
0x1fc: {  	[tilespmem:s26], [sflag:$0x1] =	stream.linear.gather [hbm4b:s21+s1], $0x80, $0x38;
	[tilespmem:$0x10400] =	vst v63  }
0x1fd: {  	s21 =	sand.u32 $0x1FFFFFF0, s28  }
0x1fe: {  	s29 =	sadd.s32 $0x8700, s20;
	s21 =	sadd.s32 s4, s21  }
0x1ff: {  	[tilespmem:s29], [sflag:$0x1] =	stream.linear.gather [hbm4b:s21+s1], $0x80, $0x38;
	[tilespmem:$0x10400] =	vst v63  }
0x200: {  	s21 =	sand.u32 $0x1FFFFFF0, s30  }
0x201: {  	s31 =	sadd.s32 $0x780, s20;
	s21 =	sadd.s32 s3, s21;
	s25 =	spop (v2sf);
	(v2sf) =	vpush v1, $0xA  }
0x202: {  	[tilespmem:s31], [sflag:$0x1] =	stream.linear.gather [hbm4b:s21+s1], $0x80, $0x38;
	[tilespmem:$0x10400] =	vst v63  }
0x203: {  	s28 =	spop (v2sf);
	(v2sf) =	vpush v63, $0xA  }
0x204: {  	s21 =	sand.u32 $0x1FFFFFF0, s23  }
0x205: {  	s24 =	sadd.s32 $0x8780, s20;
	s21 =	sadd.s32 s4, s21;
	s30 =	spop (v2sf);
	(v2sf) =	vpush v1, $0xB  }
0x206: {  	[tilespmem:s24], [sflag:$0x1] =	stream.linear.gather [hbm4b:s21+s1], $0x80, $0x38;
	[tilespmem:$0x10400] =	vst v63  }
0x207: {  	s21 =	sand.u32 $0x1FFFFFF0, s25  }
0x208: {  	s26 =	sadd.s32 $0x800, s20;
	s21 =	sadd.s32 s3, s21;
	s23 =	spop (v2sf);
	(v2sf) =	vpush v63, $0xB  }
0x209: {  	[tilespmem:s26], [sflag:$0x1] =	stream.linear.gather [hbm4b:s21+s1], $0x80, $0x38;
	[tilespmem:$0x10400] =	vst v63  }
0x20a: {  	s21 =	sand.u32 $0x1FFFFFF0, s28  }
0x20b: {  	s29 =	sadd.s32 $0x8800, s20;
	s21 =	sadd.s32 s4, s21  }
0x20c: {  	[tilespmem:s29], [sflag:$0x1] =	stream.linear.gather [hbm4b:s21+s1], $0x80, $0x38;
	[tilespmem:$0x10400] =	vst v63  }
0x20d: {  	s21 =	sand.u32 $0x1FFFFFF0, s30  }
0x20e: {  	s31 =	sadd.s32 $0x880, s20;
	s21 =	sadd.s32 s3, s21  }
0x20f: {  	[tilespmem:s31], [sflag:$0x1] =	stream.linear.gather [hbm4b:s21+s1], $0x80, $0x38;
	[tilespmem:$0x10400] =	vst v63  }
0x210: {  	s25 =	spop (v2sf);
	(v2sf) =	vpush v1, $0xC  }
0x211: {  	s21 =	sand.u32 $0x1FFFFFF0, s23  }
0x212: {  	s24 =	sadd.s32 $0x8880, s20;
	s21 =	sadd.s32 s4, s21;
	s28 =	spop (v2sf);
	(v2sf) =	vpush v63, $0xC  }
0x213: {  	[tilespmem:s24], [sflag:$0x1] =	stream.linear.gather [hbm4b:s21+s1], $0x80, $0x38;
	[tilespmem:$0x10400] =	vst v63  }
0x214: {  	s21 =	sand.u32 $0x1FFFFFF0, s25;
	s30 =	spop (v2sf);
	(v2sf) =	vpush v1, $0xD  }
0x215: {  	s26 =	sadd.s32 $0x900, s20;
	s21 =	sadd.s32 s3, s21  }
0x216: {  	[tilespmem:s26], [sflag:$0x1] =	stream.linear.gather [hbm4b:s21+s1], $0x80, $0x38;
	[tilespmem:$0x10400] =	vst v63  }
0x217: {  	s23 =	spop (v2sf);
	(v2sf) =	vpush v63, $0xD  }
0x218: {  	s21 =	sand.u32 $0x1FFFFFF0, s28  }
0x219: {  	s29 =	sadd.s32 $0x8900, s20;
	s21 =	sadd.s32 s4, s21  }
0x21a: {  	[tilespmem:s29], [sflag:$0x1] =	stream.linear.gather [hbm4b:s21+s1], $0x80, $0x38;
	[tilespmem:$0x10400] =	vst v63  }
0x21b: {  	s21 =	sand.u32 $0x1FFFFFF0, s30  }
0x21c: {  	s31 =	sadd.s32 $0x980, s20;
	s21 =	sadd.s32 s3, s21  }
0x21d: {  	[tilespmem:s31], [sflag:$0x1] =	stream.linear.gather [hbm4b:s21+s1], $0x80, $0x38;
	[tilespmem:$0x10400] =	vst v63  }
0x21e: {  	s21 =	sand.u32 $0x1FFFFFF0, s23  }
0x21f: {  	s24 =	sadd.s32 $0x8980, s20;
	s21 =	sadd.s32 s4, s21;
	s25 =	spop (v2sf);
	(v2sf) =	vpush v1, $0xE  }
0x220: {  	[tilespmem:s24], [sflag:$0x1] =	stream.linear.gather [hbm4b:s21+s1], $0x80, $0x38;
	[tilespmem:$0x10400] =	vst v63  }
0x221: {  	s28 =	spop (v2sf);
	(v2sf) =	vpush v63, $0xE  }
0x222: {  	s21 =	sand.u32 $0x1FFFFFF0, s25  }
0x223: {  	s26 =	sadd.s32 $0xA00, s20;
	s21 =	sadd.s32 s3, s21;
	s30 =	spop (v2sf)  }
0x224: {  	(v2sf) =	vpush v1, $0xF;
	[tilespmem:s26], [sflag:$0x1] =	stream.linear.gather [hbm4b:s21+s1], $0x80, $0x38;
	[tilespmem:$0x10400] =	vst v63  }
0x225: {  	s21 =	sand.u32 $0x1FFFFFF0, s28  }
0x226: {  	s29 =	sadd.s32 $0x8A00, s20;
	s22 =	spop (v2sf);
	s21 =	sadd.s32 s4, s21  }
0x227: {  	(v2sf) =	vpush v63, $0xF;
	[tilespmem:s29], [sflag:$0x1] =	stream.linear.gather [hbm4b:s21+s1], $0x80, $0x38;
	[tilespmem:$0x10400] =	vst v63  }
0x228: {  	s21 =	sand.u32 $0x1FFFFFF0, s30  }
0x229: {  	s31 =	sadd.s32 $0xA80, s20;
	s21 =	sadd.s32 s3, s21  }
0x22a: {  	[tilespmem:s31], [sflag:$0x1] =	stream.linear.gather [hbm4b:s21+s1], $0x80, $0x38;
	[tilespmem:$0x10400] =	vst v63  }
0x22b: {  	s21 =	sand.u32 $0x1FFFFFF0, s22  }
0x22c: {  	s23 =	sadd.s32 $0x8A80, s20;
	s21 =	sadd.s32 s4, s21  }
0x22d: {  	[tilespmem:s23], [sflag:$0x1] =	stream.linear.gather [hbm4b:s21+s1], $0x80, $0x38;
	[tilespmem:$0x10400] =	vst v63  }
0x22e: {  	s24 =	spop (v2sf)  }
0x22f: {  	s21 =	sand.u32 $0x1FFFFFF0, s24  }
0x230: {  	s25 =	sadd.s32 $0xB00, s20;
	s26 =	spop (v2sf);
	s21 =	sadd.s32 s3, s21  }
0x231: {  	[tilespmem:s25], [sflag:$0x1] =	stream.linear.gather [hbm4b:s21+s1], $0x80, $0x38;
	[tilespmem:$0x10400] =	vst v63  }
0x232: {  	s21 =	sand.u32 $0x1FFFFFF0, s26  }
0x233: {  	s28 =	sadd.s32 $0x8B00, s20;
	s29 =	spop (v2sf);
	s21 =	sadd.s32 s4, s21  }
0x234: {  	[tilespmem:s28], [sflag:$0x1] =	stream.linear.gather [hbm4b:s21+s1], $0x80, $0x38;
	[tilespmem:$0x10400] =	vst v63  }
0x235: {  	p0 =	seq.s32 s17, $0x0;
	s30 =	sadd.s32 $0xB80, s20;
	s21 =	sand.u32 $0x1FFFFFF0, s29  }
.Ltmp8:
0x236: {  	s31 =	spop (v2sf);
	s21 =	sadd.s32 s3, s21;
	(pc) =	sbr.rel @p0 .LBB2_8-.Ltmp8, $4  }
0x237: {  	[tilespmem:s30], [sflag:$0x1] =	stream.linear.gather [hbm4b:s21+s1], $0x80, $0x38;
	[tilespmem:$0x10400] =	vst v63  }
0x238: {  	s21 =	sand.u32 $0x1FFFFFF0, s31  }
0x239: {  	s20 =	sadd.s32 $0x8B80, s20;
	s21 =	sadd.s32 s4, s21  }
0x23a: {  	[tilespmem:s20], [sflag:$0x1] =	stream.linear.gather [hbm4b:s21+s1], $0x80, $0x38;
	[tilespmem:$0x10400] =	vst v63  }
0x23b: {  	_ =	swait.ge [sflag:s13], $0x80  }
0x23c: {  	[sflag:s13] =	ssyncset.done $0x0  }
0x23d: {  	[sflag:s13] =	ssyncadd.s32 $0xFFFFFF80  }
0x23e: {  	_ =	swait.ge [sflag:s13], $0x80  }
0x23f: {  	[sflag:s13] =	ssyncset.done $0x0  }
0x240: {  	[sflag:s13] =	ssyncadd.s32 $0xFFFFFF80  }
0x241: {  	_ =	swait.ge [sflag:s13], $0x80  }
0x242: {  	[sflag:s13] =	ssyncset.done $0x0  }
0x243: {  	[sflag:s13] =	ssyncadd.s32 $0xFFFFFF80  }
0x244: {  	_ =	swait.ge [sflag:s13], $0x80  }
0x245: {  	[sflag:s13] =	ssyncset.done $0x0  }
0x246: {  	[sflag:s13] =	ssyncadd.s32 $0xFFFFFF80  }
0x247: {  	_ =	swait.ge [sflag:s13], $0x80  }
0x248: {  	[sflag:s13] =	ssyncset.done $0x0  }
0x249: {  	[sflag:s13] =	ssyncadd.s32 $0xFFFFFF80  }
0x24a: {  	_ =	swait.ge [sflag:s13], $0x80  }
0x24b: {  	[sflag:s13] =	ssyncset.done $0x0  }
0x24c: {  	[sflag:s13] =	ssyncadd.s32 $0xFFFFFF80  }
0x24d: {  	_ =	swait.ge [sflag:s13], $0x80  }
0x24e: {  	[sflag:s13] =	ssyncset.done $0x0  }
0x24f: {  	[sflag:s13] =	ssyncadd.s32 $0xFFFFFF80  }
0x250: {  	_ =	swait.ge [sflag:s13], $0x80  }
0x251: {  	[sflag:s13] =	ssyncset.done $0x0  }
0x252: {  	[sflag:s13] =	ssyncadd.s32 $0xFFFFFF80  }
0x253: {  	_ =	swait.ge [sflag:s13], $0x80  }
0x254: {  	[sflag:s13] =	ssyncset.done $0x0  }
0x255: {  	[sflag:s13] =	ssyncadd.s32 $0xFFFFFF80  }
0x256: {  	_ =	swait.ge [sflag:s13], $0x80  }
0x257: {  	[sflag:s13] =	ssyncset.done $0x0  }
0x258: {  	[sflag:s13] =	ssyncadd.s32 $0xFFFFFF80  }
0x259: {  	_ =	swait.ge [sflag:s13], $0x80  }
0x25a: {  	[sflag:s13] =	ssyncset.done $0x0  }
0x25b: {  	[sflag:s13] =	ssyncadd.s32 $0xFFFFFF80  }
0x25c: {  	_ =	swait.ge [sflag:s13], $0x80  }
0x25d: {  	[sflag:s13] =	ssyncset.done $0x0  }
0x25e: {  	[sflag:s13] =	ssyncadd.s32 $0xFFFFFF80  }
0x25f: {  	_ =	swait.ge [sflag:s13], $0x80  }
0x260: {  	[sflag:s13] =	ssyncset.done $0x0  }
0x261: {  	[sflag:s13] =	ssyncadd.s32 $0xFFFFFF80  }
0x262: {  	_ =	swait.ge [sflag:s13], $0x80  }
0x263: {  	[sflag:s13] =	ssyncset.done $0x0  }
0x264: {  	[sflag:s13] =	ssyncadd.s32 $0xFFFFFF80  }
0x265: {  	_ =	swait.ge [sflag:s13], $0x80  }
0x266: {  	[sflag:s13] =	ssyncset.done $0x0  }
0x267: {  	[sflag:s13] =	ssyncadd.s32 $0xFFFFFF80  }
0x268: {  	_ =	swait.ge [sflag:s13], $0x80  }
0x269: {  	[sflag:s13] =	ssyncset.done $0x0  }
0x26a: {  	[sflag:s13] =	ssyncadd.s32 $0xFFFFFF80  }
0x26b: {  	_ =	swait.ge [sflag:s13], $0x80  }
0x26c: {  	[sflag:s13] =	ssyncset.done $0x0  }
0x26d: {  	[sflag:s13] =	ssyncadd.s32 $0xFFFFFF80  }
0x26e: {  	_ =	swait.ge [sflag:s13], $0x80  }
0x26f: {  	[sflag:s13] =	ssyncset.done $0x0  }
0x270: {  	[sflag:s13] =	ssyncadd.s32 $0xFFFFFF80  }
0x271: {  	_ =	swait.ge [sflag:s13], $0x80  }
0x272: {  	[sflag:s13] =	ssyncset.done $0x0  }
0x273: {  	[sflag:s13] =	ssyncadd.s32 $0xFFFFFF80  }
0x274: {  	_ =	swait.ge [sflag:s13], $0x80  }
0x275: {  	[sflag:s13] =	ssyncset.done $0x0  }
0x276: {  	[sflag:s13] =	ssyncadd.s32 $0xFFFFFF80  }
0x277: {  	_ =	swait.ge [sflag:s13], $0x80  }
0x278: {  	[sflag:s13] =	ssyncset.done $0x0  }
0x279: {  	[sflag:s13] =	ssyncadd.s32 $0xFFFFFF80  }
0x27a: {  	_ =	swait.ge [sflag:s13], $0x80  }
0x27b: {  	[sflag:s13] =	ssyncset.done $0x0  }
0x27c: {  	[sflag:s13] =	ssyncadd.s32 $0xFFFFFF80  }
0x27d: {  	_ =	swait.ge [sflag:s13], $0x80  }
0x27e: {  	[sflag:s13] =	ssyncset.done $0x0  }
0x27f: {  	[sflag:s13] =	ssyncadd.s32 $0xFFFFFF80  }
0x280: {  	_ =	swait.ge [sflag:s13], $0x80  }
0x281: {  	[sflag:s13] =	ssyncset.done $0x0  }
0x282: {  	[sflag:s13] =	ssyncadd.s32 $0xFFFFFF80  }
0x283: {  	_ =	swait.ge [sflag:s13], $0x80  }
0x284: {  	[sflag:s13] =	ssyncset.done $0x0  }
0x285: {  	[sflag:s13] =	ssyncadd.s32 $0xFFFFFF80  }
0x286: {  	_ =	swait.ge [sflag:s13], $0x80  }
0x287: {  	[sflag:s13] =	ssyncset.done $0x0  }
0x288: {  	[sflag:s13] =	ssyncadd.s32 $0xFFFFFF80  }
0x289: {  	_ =	swait.ge [sflag:s13], $0x80  }
0x28a: {  	[sflag:s13] =	ssyncset.done $0x0  }
0x28b: {  	[sflag:s13] =	ssyncadd.s32 $0xFFFFFF80  }
0x28c: {  	_ =	swait.ge [sflag:s13], $0x80  }
0x28d: {  	[sflag:s13] =	ssyncset.done $0x0  }
0x28e: {  	[sflag:s13] =	ssyncadd.s32 $0xFFFFFF80  }
0x28f: {  	_ =	swait.ge [sflag:s13], $0x80  }
0x290: {  	[sflag:s13] =	ssyncset.done $0x0  }
0x291: {  	[sflag:s13] =	ssyncadd.s32 $0xFFFFFF80  }
0x292: {  	_ =	swait.ge [sflag:s13], $0x80  }
0x293: {  	[sflag:s13] =	ssyncset.done $0x0  }
0x294: {  	[sflag:s13] =	ssyncadd.s32 $0xFFFFFF80  }
0x295: {  	_ =	swait.ge [sflag:s13], $0x80  }
.Ltmp9:
0x296: {  	[sflag:s13] =	ssyncset.done $0x0;
	(pc) =	sbr.rel .LBB2_8-.Ltmp9, $4  }
0x297: {  	[sflag:s13] =	ssyncadd.s32 $0xFFFFFF80  }
0x298: {  	_ =	swait.ge [sflag:s13], $0x80  }
0x299: {  	[sflag:s13] =	ssyncset.done $0x0  }
0x29a: {  	[sflag:s13] =	ssyncadd.s32 $0xFFFFFF80  }
.LBB2_10:
0x29b: {  	_ =	sfence.sel $0x180000  }
0x29c: {  	[bflag:$0x0] =	sbarrier.arrive $0xFFFF  }
0x29d: {  	p0 =	sne.s32 s2, $0x0;
	_ =	strace $0x90000047  }
0x29e: {  	s0 =	sadd.s32 @!p0 $0x100000, s0;
	[bflag:$0x2] =	sbarrier.arrive $0xFFFF  }
0x29f: {  	[sflag:s0] =	ssyncadd.tile.s32 @!p0 $0x1;
	_ =	shalt  }
.Lfunc_end2:
_tile_overlayer_lowered:
.L_overlay_start_2:
0x2a0: {  	(tag) =	ssettag $0x2  }
0x2a1: {  	s0 =	rddreg [dreg:$0x0];
	s2 =	stileid.u32  }
0x2a2: {  	s1 =	rddreg [dreg:$0x1];
	p0 =	sne.s32 s2, $0x0  }
0x2a3: {  	s3 =	rddreg [dreg:$0x2];
	[bflag:$0x3] =	sbarrier.arrive $0xFFFF;
	s2 =	simm.s32 @!p0 $0x1C02  }
0x2a4: {  	[timem:s3], [sflag:s2] =	dma.local @!p0 [hbm:s0], s1  }
0x2a5: {  	s0 =	simm.s32 @!p0 $0x2  }
0x2a6: {  	_ =	swait.ge @!p0 [sflag:s0], s1  }
0x2a7: {  	s1 =	ssub.s32 @!p0 $0x0, s1;
	[sflag:s0] =	ssyncset.done @!p0 $0x0  }
0x2a8: {  	[sflag:s0] =	ssyncadd.s32 @!p0 s1  }
0x2a9: {  	[bflag:$0x3] =	sbarrier.arrive $0xFFFF  }
0x2aa: {  	_ =	shalt  }

</sc_bundles>
